<compile_context>
chip_gen: v7x
topology: tpu7x:2x2x1
jax: 0.10.2.dev20260603
libtpu: 0.0.44.dev20260713+nightly
codegen_flags: <defaults>
</compile_context>

<pallas_src>
import functools

import jax
import jax.numpy as jnp
from jax import lax
from jax.experimental import pallas as pl
from jax.experimental.pallas import tpu as pltpu
from jax.experimental.pallas import tpu_sc as plsc

N = 10000
NP = 10240
E = 320000
CH = 128
K = 2
AGG_F = 148
AGG_S = 12
DEG_F = 128
DEG_S = 32
NCH_TOT = 16 * (AGG_F + AGG_S)
CH_ALLOC = NCH_TOT
EP = CH_ALLOC * CH
IN_F = 128
H = 64
G = 64
C = 2
RPT = NP // 16
BLK = 1024
F32 = jnp.float32

_mesh = plsc.VectorSubcoreMesh(
    core_axis_name="c", subcore_axis_name="s", num_cores=2, num_subcores=16)


def _deg_body(dstr_hbm, out_hbm, dst2d, ones_v, zero_v, acc, ssem):
    c = lax.axis_index("c")
    s = lax.axis_index("s")
    for i in range(CH // 16):
        ones_v[pl.ds(i * 16, 16)] = jnp.ones((16,), F32)
    for i in range(RPT // 16):
        zero_v[pl.ds(i * 16, 16)] = jnp.zeros((16,), F32)
    pltpu.sync_copy(zero_v, acc.at[pl.ds(s * RPT, RPT)])
    base = jnp.where(c == 0, s * DEG_F, 16 * DEG_F + s * DEG_S)
    nbatch = jnp.where(c == 0, DEG_F // 8, DEG_S // 8)

    @pl.when(c == 0)
    def _():
        pltpu.sync_copy(dstr_hbm.at[pl.ds(base, DEG_F)], dst2d)

    @pl.when(c == 1)
    def _():
        pltpu.sync_copy(dstr_hbm.at[pl.ds(base, DEG_S)],
                        dst2d.at[pl.ds(0, DEG_S)])

    plsc.subcore_barrier()

    def body(g, carry):
        for b in range(8):
            pltpu.async_copy(ones_v, acc.at[dst2d.at[g * 8 + b]], ssem, add=True)
        for b in range(8):
            pltpu.make_async_copy(ones_v, acc.at[dst2d.at[0]], ssem).wait()
        return carry

    lax.fori_loop(0, nbatch, body, 0)
    plsc.subcore_barrier()
    pltpu.sync_copy(acc.at[pl.ds(s * RPT, RPT)], out_hbm.at[c, pl.ds(s * RPT, RPT)])


_deg_call = pl.kernel(
    _deg_body,
    out_type=jax.ShapeDtypeStruct((2, NP), F32),
    mesh=_mesh,
    scratch_types=[
        pltpu.VMEM((DEG_F, CH), jnp.int32),
        pltpu.VMEM((CH,), F32),
        pltpu.VMEM((RPT,), F32),
        pltpu.VMEM_SHARED((NP,), F32),
        pltpu.SemaphoreType.DMA,
    ],
    compiler_params=pltpu.CompilerParams(use_tc_tiling_on_sc=False),
    name="sc_degree",
)


def _agg_body(y_hbm, srcr_hbm, dstr_hbm, out_hbm, src2d, dst2d, rows_v, zrow_v,
              acc, gsem0, gsem1, ssem0, ssem1, zsem):
    c = lax.axis_index("c")
    s = lax.axis_index("s")
    gsem = (gsem0, gsem1)
    ssem = (ssem0, ssem1)

    for i in range(16):
        for f in range(H // 16):
            zrow_v[i, pl.ds(f * 16, 16)] = jnp.zeros((16,), F32)

    def zbody(j, carry):
        for b in range(8):
            pltpu.async_copy(
                zrow_v, acc.at[pl.ds(s * RPT + (j * 8 + b) * 16, 16)], zsem)
        for b in range(8):
            pltpu.make_async_copy(zrow_v, acc.at[pl.ds(0, 16)], zsem).wait()
        return carry

    lax.fori_loop(0, RPT // 128, zbody, 0)

    @pl.when(c == 0)
    def _():
        pltpu.sync_copy(srcr_hbm.at[pl.ds(s * AGG_F, AGG_F)], src2d)
        pltpu.sync_copy(dstr_hbm.at[pl.ds(s * AGG_F, AGG_F)], dst2d)

    @pl.when(c == 1)
    def _():
        base = 16 * AGG_F + s * AGG_S
        pltpu.sync_copy(srcr_hbm.at[pl.ds(base, AGG_S)],
                        src2d.at[pl.ds(0, AGG_S)])
        pltpu.sync_copy(dstr_hbm.at[pl.ds(base, AGG_S)],
                        dst2d.at[pl.ds(0, AGG_S)])

    plsc.subcore_barrier()

    def fire(g, m):
        for b in range(K):
            pltpu.async_copy(y_hbm.at[src2d.at[g * K + b]], rows_v.at[m, b],
                             gsem[m])

    def group(g, m, do_fire):
        for b in range(K):
            pltpu.make_async_copy(y_hbm.at[src2d.at[0]], rows_v.at[m, b],
                                  gsem[m]).wait()
        for b in range(K):
            pltpu.async_copy(rows_v.at[m, b], acc.at[dst2d.at[g * K + b]],
                             ssem[m], add=True)
        for b in range(K):
            pltpu.make_async_copy(rows_v.at[m, b], acc.at[dst2d.at[0]],
                                  ssem[m]).wait()
        if do_fire:
            fire(g + 2, m)

    fire(0, 0)
    fire(1, 1)
    ng = jnp.where(c == 0, AGG_F // K, AGG_S // K)

    def body(i, carry):
        group(2 * i, 0, True)
        group(2 * i + 1, 1, True)
        return carry

    lax.fori_loop(0, ng // 2 - 1, body, 0)
    group(ng - 2, 0, False)
    group(ng - 1, 1, False)

    plsc.subcore_barrier()
    pltpu.sync_copy(acc.at[pl.ds(s * RPT, RPT)],
                    out_hbm.at[c, pl.ds(s * RPT, RPT)])


_agg_call = pl.kernel(
    _agg_body,
    out_type=jax.ShapeDtypeStruct((2, NP, H), F32),
    mesh=_mesh,
    scratch_types=[
        pltpu.VMEM((AGG_F, CH), jnp.int32),
        pltpu.VMEM((AGG_F, CH), jnp.int32),
        pltpu.VMEM((2, K, CH, H), F32),
        pltpu.VMEM((16, H), F32),
        pltpu.VMEM_SHARED((NP, H), F32),
        pltpu.SemaphoreType.DMA,
        pltpu.SemaphoreType.DMA,
        pltpu.SemaphoreType.DMA,
        pltpu.SemaphoreType.DMA,
        pltpu.SemaphoreType.DMA,
    ],
    compiler_params=pltpu.CompilerParams(use_tc_tiling_on_sc=False),
    name="sc_aggregate",
)


def _mm1_body(x_ref, w_ref, degT_ref, y_ref, dis_ref):
    d = degT_ref[:, 0:1] + degT_ref[:, 1:2] + 1.0
    dis = lax.rsqrt(d)
    xw = jnp.dot(x_ref[...], w_ref[...], preferred_element_type=F32)
    y_ref[...] = dis * xw
    dis_ref[...] = dis


_mm1 = pl.pallas_call(
    _mm1_body,
    grid=(NP // BLK,),
    in_specs=[
        pl.BlockSpec((BLK, IN_F), lambda i: (i, 0)),
        pl.BlockSpec((IN_F, H), lambda i: (0, 0)),
        pl.BlockSpec((BLK, 2), lambda i: (i, 0)),
    ],
    out_specs=[
        pl.BlockSpec((BLK, H), lambda i: (i, 0)),
        pl.BlockSpec((BLK, 1), lambda i: (i, 0)),
    ],
    out_shape=[
        jax.ShapeDtypeStruct((NP, H), F32),
        jax.ShapeDtypeStruct((NP, 1), F32),
    ],
)


def _mm2_body(agg_ref, y1_ref, dis_ref, b1_ref, w2_ref, y2_ref):
    dis = dis_ref[...]
    h1 = jnp.maximum(
        dis * (agg_ref[0] + agg_ref[1] + y1_ref[...]) + b1_ref[...], 0.0)
    y2_ref[...] = dis * jnp.dot(h1, w2_ref[...], preferred_element_type=F32)


_mm2 = pl.pallas_call(
    _mm2_body,
    grid=(NP // BLK,),
    in_specs=[
        pl.BlockSpec((2, BLK, H), lambda i: (0, i, 0)),
        pl.BlockSpec((BLK, H), lambda i: (i, 0)),
        pl.BlockSpec((BLK, 1), lambda i: (i, 0)),
        pl.BlockSpec((1, H), lambda i: (0, 0)),
        pl.BlockSpec((H, H), lambda i: (0, 0)),
    ],
    out_specs=pl.BlockSpec((BLK, H), lambda i: (i, 0)),
    out_shape=jax.ShapeDtypeStruct((NP, H), F32),
)


def _pool_body(agg_ref, y2_ref, dis_ref, b2_ref, batch_ref, pooled_ref, cnt_ref):
    i = pl.program_id(0)
    dis = dis_ref[...]
    h2 = jnp.maximum(
        dis * (agg_ref[0] + agg_ref[1] + y2_ref[...]) + b2_ref[...], 0.0)
    gids = lax.broadcasted_iota(jnp.int32, (1, G), 1)
    sel = (batch_ref[...] == gids).astype(F32)
    psum = lax.dot_general(sel, h2, (((0,), (0,)), ((), ())),
                           preferred_element_type=F32)
    csum = lax.dot_general(sel, jnp.ones((BLK, 1), F32),
                           (((0,), (0,)), ((), ())),
                           preferred_element_type=F32)

    @pl.when(i == 0)
    def _():
        pooled_ref[...] = jnp.zeros_like(pooled_ref)
        cnt_ref[...] = jnp.zeros_like(cnt_ref)

    pooled_ref[...] += psum
    cnt_ref[...] += csum


_pool = pl.pallas_call(
    _pool_body,
    grid=(NP // BLK,),
    in_specs=[
        pl.BlockSpec((2, BLK, H), lambda i: (0, i, 0)),
        pl.BlockSpec((BLK, H), lambda i: (i, 0)),
        pl.BlockSpec((BLK, 1), lambda i: (i, 0)),
        pl.BlockSpec((1, H), lambda i: (0, 0)),
        pl.BlockSpec((BLK, 1), lambda i: (i, 0)),
    ],
    out_specs=[
        pl.BlockSpec((G, H), lambda i: (0, 0)),
        pl.BlockSpec((G, 1), lambda i: (0, 0)),
    ],
    out_shape=[
        jax.ShapeDtypeStruct((G, H), F32),
        jax.ShapeDtypeStruct((G, 1), F32),
    ],
)


def _head_body(pooled_ref, cnt_ref, wc1_ref, bc1_ref, wc2_ref, bc2_ref, out_ref):
    mean = pooled_ref[...] / jnp.maximum(cnt_ref[...], 1.0)
    hc = jnp.maximum(
        jnp.dot(mean, wc1_ref[...], preferred_element_type=F32) + bc1_ref[...],
        0.0)
    out_ref[...] = (jnp.dot(hc, wc2_ref[...], preferred_element_type=F32)
                    + bc2_ref[...])


_head = pl.pallas_call(
    _head_body,
    out_shape=jax.ShapeDtypeStruct((G, C), F32),
)


def kernel(x, edge_index, batch, W1, b1, W2, b2, Wc1, bc1, Wc2, bc2):
    src = edge_index[0]
    dst = edge_index[1]
    pad_e = EP - E
    src_p = jnp.concatenate([src, jnp.zeros((pad_e,), jnp.int32)])
    src_p = src_p.reshape(CH_ALLOC, CH)
    dst_p = jnp.concatenate([dst, jnp.full((pad_e,), N, jnp.int32)])
    dst_p = dst_p.reshape(CH_ALLOC, CH)
    x_p = jnp.pad(x, ((0, NP - N), (0, 0)))
    batch_p = jnp.concatenate(
        [batch, jnp.full((NP - N,), G, jnp.int32)]).reshape(NP, 1)

    deg = _deg_call(dst_p)
    y1, dis = _mm1(x_p, W1, deg.T)
    agg1 = _agg_call(y1, src_p, dst_p)
    y2 = _mm2(agg1, y1, dis, b1.reshape(1, H), W2)
    agg2 = _agg_call(y2, src_p, dst_p)
    pooled, cnt = _pool(agg2, y2, dis, b2.reshape(1, H), batch_p)
    logits = _head(pooled, cnt, Wc1, bc1.reshape(1, H // 2),
                   Wc2, bc2.reshape(1, C))
    return logits

# --- scband reference (transcript-rebuilt; emitter-appended) ---
"""Pipeline reference for scband-gnnclassifier-85856396247086 (READ-ONLY COPY).

The authoritative reference and input builder live on the scoring server;
editing this copy changes nothing except your own understanding.
"""

import jax, jax.numpy as jnp
import numpy as np

N = 10000
E = 320000
IN = 128
H = 64
G = 64
C = 2


def setup_inputs(seed: int = 0) -> dict:
    key = jax.random.key(seed)
    ks = jax.random.split(key, 12)
    x = jax.random.normal(ks[0], (N, IN), dtype=jnp.float32)
    edge_index = jax.random.randint(ks[1], (2, E), 0, N, dtype=jnp.int32)
    batch = jnp.sort(jax.random.randint(ks[2], (N,), 0, G, dtype=jnp.int32))
    W1 = jax.random.normal(ks[3], (IN, H), dtype=jnp.float32) * (1.0 / np.sqrt(IN))
    b1 = jnp.zeros((H,), dtype=jnp.float32)
    W2 = jax.random.normal(ks[4], (H, H), dtype=jnp.float32) * (1.0 / np.sqrt(H))
    b2 = jnp.zeros((H,), dtype=jnp.float32)
    Wc1 = jax.random.normal(ks[5], (H, H // 2), dtype=jnp.float32) * (1.0 / np.sqrt(H))
    bc1 = jnp.zeros((H // 2,), dtype=jnp.float32)
    Wc2 = jax.random.normal(ks[6], (H // 2, C), dtype=jnp.float32) * (1.0 / np.sqrt(H // 2))
    bc2 = jnp.zeros((C,), dtype=jnp.float32)
    return {"x": x, "edge_index": edge_index, "batch": batch,
            "W1": W1, "b1": b1, "W2": W2, "b2": b2,
            "Wc1": Wc1, "bc1": bc1, "Wc2": Wc2, "bc2": bc2}


def _gcn_conv(x, edge_index, W, b, num_nodes):
    # GCNConv: x' = D^{-1/2} (A + I) D^{-1/2} X W + b
    loop = jnp.arange(num_nodes, dtype=edge_index.dtype)
    src = jnp.concatenate([edge_index[0], loop])
    dst = jnp.concatenate([edge_index[1], loop])
    deg = jnp.zeros((num_nodes,), dtype=x.dtype).at[dst].add(1.0)
    dis = jnp.where(deg > 0, deg ** -0.5, 0.0)
    norm = dis[src] * dis[dst]
    xw = x @ W
    msg = xw[src] * norm[:, None]
    out = jnp.zeros((num_nodes, W.shape[1]), dtype=x.dtype).at[dst].add(msg)
    return out + b


def _global_mean_pool(h, batch, num_graphs):
    sums = jax.ops.segment_sum(h, batch, num_segments=num_graphs)
    cnt = jax.ops.segment_sum(jnp.ones((h.shape[0],), dtype=h.dtype), batch,
                              num_segments=num_graphs)
    return sums / jnp.clip(cnt, 1.0)[:, None]


def reference(x, edge_index, batch, W1, b1, W2, b2, Wc1, bc1, Wc2, bc2):
    num_nodes = x.shape[0]
    h = jax.nn.relu(_gcn_conv(x, edge_index, W1, b1, num_nodes))
    h = jax.nn.relu(_gcn_conv(h, edge_index, W2, b2, num_nodes))
    pooled = _global_mean_pool(h, batch, G)
    hc = jax.nn.relu(pooled @ Wc1 + bc1)
    logits = hc @ Wc2 + bc2
    return logits

if __name__ == "__main__":
    import jax
    _d = setup_inputs()
    print(jax.jit(kernel)(*tuple(_d.values())))

</pallas_src>

<mosaic_0001>
#map = affine_map<(d0, d1) -> (0, 0)>
#map1 = affine_map<(d0, d1) -> (0, 0, 0)>
module attributes {stable_mosaic.version = 14 : i64} {
  func.func @sc_aggregate(%arg0: i32, %arg1: i32, %arg2: memref<10240x64xf32, #tpu.memory_space<hbm>>, %arg3: memref<2560x128xi32, #tpu.memory_space<hbm>>, %arg4: memref<2560x128xi32, #tpu.memory_space<hbm>>, %arg5: memref<2x10240x64xf32, #tpu.memory_space<hbm>>, %arg6: memref<148x128xi32, #tpu.memory_space<vmem>>, %arg7: memref<148x128xi32, #tpu.memory_space<vmem>>, %arg8: memref<2x2x128x64xf32, #tpu.memory_space<vmem>>, %arg9: memref<16x64xf32, #tpu.memory_space<vmem>>, %arg10: memref<10240x64xf32, #tpu.memory_space<vmem_shared>>, %arg11: memref<!tpu.dma_semaphore, #tpu.memory_space<semaphore_mem>>, %arg12: memref<!tpu.dma_semaphore, #tpu.memory_space<semaphore_mem>>, %arg13: memref<!tpu.dma_semaphore, #tpu.memory_space<semaphore_mem>>, %arg14: memref<!tpu.dma_semaphore, #tpu.memory_space<semaphore_mem>>, %arg15: memref<!tpu.dma_semaphore, #tpu.memory_space<semaphore_mem>>) attributes {dimension_semantics = [#tpu.dimension_semantics<core_parallel>, #tpu.dimension_semantics<subcore_parallel>], iteration_bounds = array<i64: 2, 16>, scalar_prefetch = 0 : i64, scratch_operands = 10 : i64, tpu.core_type = #tpu.core_type<sc_vector_subcore>, window_params = [{transform_indices = #map}, {transform_indices = #map}, {transform_indices = #map}, {transform_indices = #map1}]} {
    %broadcast_in_dim3A = arith.constant 0.000000e+00 : f32
    %broadcast_in_dim3A_0 = vector.broadcast %broadcast_in_dim3A : f32 to vector<16xf32>
    %swap3A = arith.constant 0 : i32
    %swap3A_1 = arith.index_cast %swap3A : i32 to index
    %swap3A_2 = arith.constant 0 : index
    %swap3A_3 = tpu.vector_load %arg9[%swap3A_1, %swap3A_2] {strides = array<i32>} : memref<16x64xf32, #tpu.memory_space<vmem>>, vector<1x16xf32>,
    %swap3A_4 = vector.shape_cast %swap3A_3 : vector<1x16xf32> to vector<16xf32>
    %swap3A_5 = vector.shape_cast %broadcast_in_dim3A_0 : vector<16xf32> to vector<1x16xf32>
    tpu.vector_store %arg9[%swap3A_1, %swap3A_2], %swap3A_5 {strides = array<i32>} : memref<16x64xf32, #tpu.memory_space<vmem>>, vector<1x16xf32>,
    %broadcast_in_dim3A_6 = arith.constant 0.000000e+00 : f32
    %broadcast_in_dim3A_7 = vector.broadcast %broadcast_in_dim3A_6 : f32 to vector<16xf32>
    %swap3A_8 = arith.constant 0 : i32
    %swap3A_9 = arith.index_cast %swap3A_8 : i32 to index
    %swap3A_10 = arith.constant 16 : index
    %swap3A_11 = tpu.vector_load %arg9[%swap3A_9, %swap3A_10] {strides = array<i32>} : memref<16x64xf32, #tpu.memory_space<vmem>>, vector<1x16xf32>,
    %swap3A_12 = vector.shape_cast %swap3A_11 : vector<1x16xf32> to vector<16xf32>
    %swap3A_13 = vector.shape_cast %broadcast_in_dim3A_7 : vector<16xf32> to vector<1x16xf32>
    tpu.vector_store %arg9[%swap3A_9, %swap3A_10], %swap3A_13 {strides = array<i32>} : memref<16x64xf32, #tpu.memory_space<vmem>>, vector<1x16xf32>,
    %broadcast_in_dim3A_14 = arith.constant 0.000000e+00 : f32
    %broadcast_in_dim3A_15 = vector.broadcast %broadcast_in_dim3A_14 : f32 to vector<16xf32>
    %swap3A_16 = arith.constant 0 : i32
    %swap3A_17 = arith.index_cast %swap3A_16 : i32 to index
    %swap3A_18 = arith.constant 32 : index
    %swap3A_19 = tpu.vector_load %arg9[%swap3A_17, %swap3A_18] {strides = array<i32>} : memref<16x64xf32, #tpu.memory_space<vmem>>, vector<1x16xf32>,
    %swap3A_20 = vector.shape_cast %swap3A_19 : vector<1x16xf32> to vector<16xf32>
    %swap3A_21 = vector.shape_cast %broadcast_in_dim3A_15 : vector<16xf32> to vector<1x16xf32>
    tpu.vector_store %arg9[%swap3A_17, %swap3A_18], %swap3A_21 {strides = array<i32>} : memref<16x64xf32, #tpu.memory_space<vmem>>, vector<1x16xf32>,
    %broadcast_in_dim3A_22 = arith.constant 0.000000e+00 : f32
    %broadcast_in_dim3A_23 = vector.broadcast %broadcast_in_dim3A_22 : f32 to vector<16xf32>
    %swap3A_24 = arith.constant 0 : i32
    %swap3A_25 = arith.index_cast %swap3A_24 : i32 to index
    %swap3A_26 = arith.constant 48 : index
    %swap3A_27 = tpu.vector_load %arg9[%swap3A_25, %swap3A_26] {strides = array<i32>} : memref<16x64xf32, #tpu.memory_space<vmem>>, vector<1x16xf32>,
    %swap3A_28 = vector.shape_cast %swap3A_27 : vector<1x16xf32> to vector<16xf32>
    %swap3A_29 = vector.shape_cast %broadcast_in_dim3A_23 : vector<16xf32> to vector<1x16xf32>
    tpu.vector_store %arg9[%swap3A_25, %swap3A_26], %swap3A_29 {strides = array<i32>} : memref<16x64xf32, #tpu.memory_space<vmem>>, vector<1x16xf32>,
    %broadcast_in_dim3A_30 = arith.constant 0.000000e+00 : f32
    %broadcast_in_dim3A_31 = vector.broadcast %broadcast_in_dim3A_30 : f32 to vector<16xf32>
    %swap3A_32 = arith.constant 1 : i32
    %swap3A_33 = arith.index_cast %swap3A_32 : i32 to index
    %swap3A_34 = arith.constant 0 : index
    %swap3A_35 = tpu.vector_load %arg9[%swap3A_33, %swap3A_34] {strides = array<i32>} : memref<16x64xf32, #tpu.memory_space<vmem>>, vector<1x16xf32>,
    %swap3A_36 = vector.shape_cast %swap3A_35 : vector<1x16xf32> to vector<16xf32>
    %swap3A_37 = vector.shape_cast %broadcast_in_dim3A_31 : vector<16xf32> to vector<1x16xf32>
    tpu.vector_store %arg9[%swap3A_33, %swap3A_34], %swap3A_37 {strides = array<i32>} : memref<16x64xf32, #tpu.memory_space<vmem>>, vector<1x16xf32>,
    %broadcast_in_dim3A_38 = arith.constant 0.000000e+00 : f32
    %broadcast_in_dim3A_39 = vector.broadcast %broadcast_in_dim3A_38 : f32 to vector<16xf32>
    %swap3A_40 = arith.constant 1 : i32
    %swap3A_41 = arith.index_cast %swap3A_40 : i32 to index
    %swap3A_42 = arith.constant 16 : index
    %swap3A_43 = tpu.vector_load %arg9[%swap3A_41, %swap3A_42] {strides = array<i32>} : memref<16x64xf32, #tpu.memory_space<vmem>>, vector<1x16xf32>,
    %swap3A_44 = vector.shape_cast %swap3A_43 : vector<1x16xf32> to vector<16xf32>
    %swap3A_45 = vector.shape_cast %broadcast_in_dim3A_39 : vector<16xf32> to vector<1x16xf32>
    tpu.vector_store %arg9[%swap3A_41, %swap3A_42], %swap3A_45 {strides = array<i32>} : memref<16x64xf32, #tpu.memory_space<vmem>>, vector<1x16xf32>,
    %broadcast_in_dim3A_46 = arith.constant 0.000000e+00 : f32
    %broadcast_in_dim3A_47 = vector.broadcast %broadcast_in_dim3A_46 : f32 to vector<16xf32>
    %swap3A_48 = arith.constant 1 : i32
    %swap3A_49 = arith.index_cast %swap3A_48 : i32 to index
    %swap3A_50 = arith.constant 32 : index
    %swap3A_51 = tpu.vector_load %arg9[%swap3A_49, %swap3A_50] {strides = array<i32>} : memref<16x64xf32, #tpu.memory_space<vmem>>, vector<1x16xf32>,
    %swap3A_52 = vector.shape_cast %swap3A_51 : vector<1x16xf32> to vector<16xf32>
    %swap3A_53 = vector.shape_cast %broadcast_in_dim3A_47 : vector<16xf32> to vector<1x16xf32>
    tpu.vector_store %arg9[%swap3A_49, %swap3A_50], %swap3A_53 {strides = array<i32>} : memref<16x64xf32, #tpu.memory_space<vmem>>, vector<1x16xf32>,
    %broadcast_in_dim3A_54 = arith.constant 0.000000e+00 : f32
    %broadcast_in_dim3A_55 = vector.broadcast %broadcast_in_dim3A_54 : f32 to vector<16xf32>
    %swap3A_56 = arith.constant 1 : i32
    %swap3A_57 = arith.index_cast %swap3A_56 : i32 to index
    %swap3A_58 = arith.constant 48 : index
    %swap3A_59 = tpu.vector_load %arg9[%swap3A_57, %swap3A_58] {strides = array<i32>} : memref<16x64xf32, #tpu.memory_space<vmem>>, vector<1x16xf32>,
    %swap3A_60 = vector.shape_cast %swap3A_59 : vector<1x16xf32> to vector<16xf32>
    %swap3A_61 = vector.shape_cast %broadcast_in_dim3A_55 : vector<16xf32> to vector<1x16xf32>
    tpu.vector_store %arg9[%swap3A_57, %swap3A_58], %swap3A_61 {strides = array<i32>} : memref<16x64xf32, #tpu.memory_space<vmem>>, vector<1x16xf32>,
    %broadcast_in_dim3A_62 = arith.constant 0.000000e+00 : f32
    %broadcast_in_dim3A_63 = vector.broadcast %broadcast_in_dim3A_62 : f32 to vector<16xf32>
    %swap3A_64 = arith.constant 2 : i32
    %swap3A_65 = arith.index_cast %swap3A_64 : i32 to index
    %swap3A_66 = arith.constant 0 : index
    %swap3A_67 = tpu.vector_load %arg9[%swap3A_65, %swap3A_66] {strides = array<i32>} : memref<16x64xf32, #tpu.memory_space<vmem>>, vector<1x16xf32>,
    %swap3A_68 = vector.shape_cast %swap3A_67 : vector<1x16xf32> to vector<16xf32>
    %swap3A_69 = vector.shape_cast %broadcast_in_dim3A_63 : vector<16xf32> to vector<1x16xf32>
    tpu.vector_store %arg9[%swap3A_65, %swap3A_66], %swap3A_69 {strides = array<i32>} : memref<16x64xf32, #tpu.memory_space<vmem>>, vector<1x16xf32>,
    %broadcast_in_dim3A_70 = arith.constant 0.000000e+00 : f32
    %broadcast_in_dim3A_71 = vector.broadcast %broadcast_in_dim3A_70 : f32 to vector<16xf32>
    %swap3A_72 = arith.constant 2 : i32
    %swap3A_73 = arith.index_cast %swap3A_72 : i32 to index
    %swap3A_74 = arith.constant 16 : index
    %swap3A_75 = tpu.vector_load %arg9[%swap3A_73, %swap3A_74] {strides = array<i32>} : memref<16x64xf32, #tpu.memory_space<vmem>>, vector<1x16xf32>,
    %swap3A_76 = vector.shape_cast %swap3A_75 : vector<1x16xf32> to vector<16xf32>
    %swap3A_77 = vector.shape_cast %broadcast_in_dim3A_71 : vector<16xf32> to vector<1x16xf32>
    tpu.vector_store %arg9[%swap3A_73, %swap3A_74], %swap3A_77 {strides = array<i32>} : memref<16x64xf32, #tpu.memory_space<vmem>>, vector<1x16xf32>,
    %broadcast_in_dim3A_78 = arith.constant 0.000000e+00 : f32
    %broadcast_in_dim3A_79 = vector.broadcast %broadcast_in_dim3A_78 : f32 to vector<16xf32>
    %swap3A_80 = arith.constant 2 : i32
    %swap3A_81 = arith.index_cast %swap3A_80 : i32 to index
    %swap3A_82 = arith.constant 32 : index
    %swap3A_83 = tpu.vector_load %arg9[%swap3A_81, %swap3A_82] {strides = array<i32>} : memref<16x64xf32, #tpu.memory_space<vmem>>, vector<1x16xf32>,
    %swap3A_84 = vector.shape_cast %swap3A_83 : vector<1x16xf32> to vector<16xf32>
    %swap3A_85 = vector.shape_cast %broadcast_in_dim3A_79 : vector<16xf32> to vector<1x16xf32>
    tpu.vector_store %arg9[%swap3A_81, %swap3A_82], %swap3A_85 {strides = array<i32>} : memref<16x64xf32, #tpu.memory_space<vmem>>, vector<1x16xf32>,
    %broadcast_in_dim3A_86 = arith.constant 0.000000e+00 : f32
    %broadcast_in_dim3A_87 = vector.broadcast %broadcast_in_dim3A_86 : f32 to vector<16xf32>
    %swap3A_88 = arith.constant 2 : i32
    %swap3A_89 = arith.index_cast %swap3A_88 : i32 to index
    %swap3A_90 = arith.constant 48 : index
    %swap3A_91 = tpu.vector_load %arg9[%swap3A_89, %swap3A_90] {strides = array<i32>} : memref<16x64xf32, #tpu.memory_space<vmem>>, vector<1x16xf32>,
    %swap3A_92 = vector.shape_cast %swap3A_91 : vector<1x16xf32> to vector<16xf32>
    %swap3A_93 = vector.shape_cast %broadcast_in_dim3A_87 : vector<16xf32> to vector<1x16xf32>
    tpu.vector_store %arg9[%swap3A_89, %swap3A_90], %swap3A_93 {strides = array<i32>} : memref<16x64xf32, #tpu.memory_space<vmem>>, vector<1x16xf32>,
    %broadcast_in_dim3A_94 = arith.constant 0.000000e+00 : f32
    %broadcast_in_dim3A_95 = vector.broadcast %broadcast_in_dim3A_94 : f32 to vector<16xf32>
    %swap3A_96 = arith.constant 3 : i32
    %swap3A_97 = arith.index_cast %swap3A_96 : i32 to index
    %swap3A_98 = arith.constant 0 : index
    %swap3A_99 = tpu.vector_load %arg9[%swap3A_97, %swap3A_98] {strides = array<i32>} : memref<16x64xf32, #tpu.memory_space<vmem>>, vector<1x16xf32>,
    %swap3A_100 = vector.shape_cast %swap3A_99 : vector<1x16xf32> to vector<16xf32>
    %swap3A_101 = vector.shape_cast %broadcast_in_dim3A_95 : vector<16xf32> to vector<1x16xf32>
    tpu.vector_store %arg9[%swap3A_97, %swap3A_98], %swap3A_101 {strides = array<i32>} : memref<16x64xf32, #tpu.memory_space<vmem>>, vector<1x16xf32>,
    %broadcast_in_dim3A_102 = arith.constant 0.000000e+00 : f32
    %broadcast_in_dim3A_103 = vector.broadcast %broadcast_in_dim3A_102 : f32 to vector<16xf32>
    %swap3A_104 = arith.constant 3 : i32
    %swap3A_105 = arith.index_cast %swap3A_104 : i32 to index
    %swap3A_106 = arith.constant 16 : index
    %swap3A_107 = tpu.vector_load %arg9[%swap3A_105, %swap3A_106] {strides = array<i32>} : memref<16x64xf32, #tpu.memory_space<vmem>>, vector<1x16xf32>,
    %swap3A_108 = vector.shape_cast %swap3A_107 : vector<1x16xf32> to vector<16xf32>
    %swap3A_109 = vector.shape_cast %broadcast_in_dim3A_103 : vector<16xf32> to vector<1x16xf32>
    tpu.vector_store %arg9[%swap3A_105, %swap3A_106], %swap3A_109 {strides = array<i32>} : memref<16x64xf32, #tpu.memory_space<vmem>>, vector<1x16xf32>,
    %broadcast_in_dim3A_110 = arith.constant 0.000000e+00 : f32
    %broadcast_in_dim3A_111 = vector.broadcast %broadcast_in_dim3A_110 : f32 to vector<16xf32>
    %swap3A_112 = arith.constant 3 : i32
    %swap3A_113 = arith.index_cast %swap3A_112 : i32 to index
    %swap3A_114 = arith.constant 32 : index
    %swap3A_115 = tpu.vector_load %arg9[%swap3A_113, %swap3A_114] {strides = array<i32>} : memref<16x64xf32, #tpu.memory_space<vmem>>, vector<1x16xf32>,
    %swap3A_116 = vector.shape_cast %swap3A_115 : vector<1x16xf32> to vector<16xf32>
    %swap3A_117 = vector.shape_cast %broadcast_in_dim3A_111 : vector<16xf32> to vector<1x16xf32>
    tpu.vector_store %arg9[%swap3A_113, %swap3A_114], %swap3A_117 {strides = array<i32>} : memref<16x64xf32, #tpu.memory_space<vmem>>, vector<1x16xf32>,
    %broadcast_in_dim3A_118 = arith.constant 0.000000e+00 : f32
    %broadcast_in_dim3A_119 = vector.broadcast %broadcast_in_dim3A_118 : f32 to vector<16xf32>
    %swap3A_120 = arith.constant 3 : i32
    %swap3A_121 = arith.index_cast %swap3A_120 : i32 to index
    %swap3A_122 = arith.constant 48 : index
    %swap3A_123 = tpu.vector_load %arg9[%swap3A_121, %swap3A_122] {strides = array<i32>} : memref<16x64xf32, #tpu.memory_space<vmem>>, vector<1x16xf32>,
    %swap3A_124 = vector.shape_cast %swap3A_123 : vector<1x16xf32> to vector<16xf32>
    %swap3A_125 = vector.shape_cast %broadcast_in_dim3A_119 : vector<16xf32> to vector<1x16xf32>
    tpu.vector_store %arg9[%swap3A_121, %swap3A_122], %swap3A_125 {strides = array<i32>} : memref<16x64xf32, #tpu.memory_space<vmem>>, vector<1x16xf32>,
    %broadcast_in_dim3A_126 = arith.constant 0.000000e+00 : f32
    %broadcast_in_dim3A_127 = vector.broadcast %broadcast_in_dim3A_126 : f32 to vector<16xf32>
    %swap3A_128 = arith.constant 4 : i32
    %swap3A_129 = arith.index_cast %swap3A_128 : i32 to index
    %swap3A_130 = arith.constant 0 : index
    %swap3A_131 = tpu.vector_load %arg9[%swap3A_129, %swap3A_130] {strides = array<i32>} : memref<16x64xf32, #tpu.memory_space<vmem>>, vector<1x16xf32>,
    %swap3A_132 = vector.shape_cast %swap3A_131 : vector<1x16xf32> to vector<16xf32>
    %swap3A_133 = vector.shape_cast %broadcast_in_dim3A_127 : vector<16xf32> to vector<1x16xf32>
    tpu.vector_store %arg9[%swap3A_129, %swap3A_130], %swap3A_133 {strides = array<i32>} : memref<16x64xf32, #tpu.memory_space<vmem>>, vector<1x16xf32>,
    %broadcast_in_dim3A_134 = arith.constant 0.000000e+00 : f32
    %broadcast_in_dim3A_135 = vector.broadcast %broadcast_in_dim3A_134 : f32 to vector<16xf32>
    %swap3A_136 = arith.constant 4 : i32
    %swap3A_137 = arith.index_cast %swap3A_136 : i32 to index
    %swap3A_138 = arith.constant 16 : index
    %swap3A_139 = tpu.vector_load %arg9[%swap3A_137, %swap3A_138] {strides = array<i32>} : memref<16x64xf32, #tpu.memory_space<vmem>>, vector<1x16xf32>,
    %swap3A_140 = vector.shape_cast %swap3A_139 : vector<1x16xf32> to vector<16xf32>
    %swap3A_141 = vector.shape_cast %broadcast_in_dim3A_135 : vector<16xf32> to vector<1x16xf32>
    tpu.vector_store %arg9[%swap3A_137, %swap3A_138], %swap3A_141 {strides = array<i32>} : memref<16x64xf32, #tpu.memory_space<vmem>>, vector<1x16xf32>,
    %broadcast_in_dim3A_142 = arith.constant 0.000000e+00 : f32
    %broadcast_in_dim3A_143 = vector.broadcast %broadcast_in_dim3A_142 : f32 to vector<16xf32>
    %swap3A_144 = arith.constant 4 : i32
    %swap3A_145 = arith.index_cast %swap3A_144 : i32 to index
    %swap3A_146 = arith.constant 32 : index
    %swap3A_147 = tpu.vector_load %arg9[%swap3A_145, %swap3A_146] {strides = array<i32>} : memref<16x64xf32, #tpu.memory_space<vmem>>, vector<1x16xf32>,
    %swap3A_148 = vector.shape_cast %swap3A_147 : vector<1x16xf32> to vector<16xf32>
    %swap3A_149 = vector.shape_cast %broadcast_in_dim3A_143 : vector<16xf32> to vector<1x16xf32>
    tpu.vector_store %arg9[%swap3A_145, %swap3A_146], %swap3A_149 {strides = array<i32>} : memref<16x64xf32, #tpu.memory_space<vmem>>, vector<1x16xf32>,
    %broadcast_in_dim3A_150 = arith.constant 0.000000e+00 : f32
    %broadcast_in_dim3A_151 = vector.broadcast %broadcast_in_dim3A_150 : f32 to vector<16xf32>
    %swap3A_152 = arith.constant 4 : i32
    %swap3A_153 = arith.index_cast %swap3A_152 : i32 to index
    %swap3A_154 = arith.constant 48 : index
    %swap3A_155 = tpu.vector_load %arg9[%swap3A_153, %swap3A_154] {strides = array<i32>} : memref<16x64xf32, #tpu.memory_space<vmem>>, vector<1x16xf32>,
    %swap3A_156 = vector.shape_cast %swap3A_155 : vector<1x16xf32> to vector<16xf32>
    %swap3A_157 = vector.shape_cast %broadcast_in_dim3A_151 : vector<16xf32> to vector<1x16xf32>
    tpu.vector_store %arg9[%swap3A_153, %swap3A_154], %swap3A_157 {strides = array<i32>} : memref<16x64xf32, #tpu.memory_space<vmem>>, vector<1x16xf32>,
    %broadcast_in_dim3A_158 = arith.constant 0.000000e+00 : f32
    %broadcast_in_dim3A_159 = vector.broadcast %broadcast_in_dim3A_158 : f32 to vector<16xf32>
    %swap3A_160 = arith.constant 5 : i32
    %swap3A_161 = arith.index_cast %swap3A_160 : i32 to index
    %swap3A_162 = arith.constant 0 : index
    %swap3A_163 = tpu.vector_load %arg9[%swap3A_161, %swap3A_162] {strides = array<i32>} : memref<16x64xf32, #tpu.memory_space<vmem>>, vector<1x16xf32>,
    %swap3A_164 = vector.shape_cast %swap3A_163 : vector<1x16xf32> to vector<16xf32>
    %swap3A_165 = vector.shape_cast %broadcast_in_dim3A_159 : vector<16xf32> to vector<1x16xf32>
    tpu.vector_store %arg9[%swap3A_161, %swap3A_162], %swap3A_165 {strides = array<i32>} : memref<16x64xf32, #tpu.memory_space<vmem>>, vector<1x16xf32>,
    %broadcast_in_dim3A_166 = arith.constant 0.000000e+00 : f32
    %broadcast_in_dim3A_167 = vector.broadcast %broadcast_in_dim3A_166 : f32 to vector<16xf32>
    %swap3A_168 = arith.constant 5 : i32
    %swap3A_169 = arith.index_cast %swap3A_168 : i32 to index
    %swap3A_170 = arith.constant 16 : index
    %swap3A_171 = tpu.vector_load %arg9[%swap3A_169, %swap3A_170] {strides = array<i32>} : memref<16x64xf32, #tpu.memory_space<vmem>>, vector<1x16xf32>,
    %swap3A_172 = vector.shape_cast %swap3A_171 : vector<1x16xf32> to vector<16xf32>
    %swap3A_173 = vector.shape_cast %broadcast_in_dim3A_167 : vector<16xf32> to vector<1x16xf32>
    tpu.vector_store %arg9[%swap3A_169, %swap3A_170], %swap3A_173 {strides = array<i32>} : memref<16x64xf32, #tpu.memory_space<vmem>>, vector<1x16xf32>,
    %broadcast_in_dim3A_174 = arith.constant 0.000000e+00 : f32
    %broadcast_in_dim3A_175 = vector.broadcast %broadcast_in_dim3A_174 : f32 to vector<16xf32>
    %swap3A_176 = arith.constant 5 : i32
    %swap3A_177 = arith.index_cast %swap3A_176 : i32 to index
    %swap3A_178 = arith.constant 32 : index
    %swap3A_179 = tpu.vector_load %arg9[%swap3A_177, %swap3A_178] {strides = array<i32>} : memref<16x64xf32, #tpu.memory_space<vmem>>, vector<1x16xf32>,
    %swap3A_180 = vector.shape_cast %swap3A_179 : vector<1x16xf32> to vector<16xf32>
    %swap3A_181 = vector.shape_cast %broadcast_in_dim3A_175 : vector<16xf32> to vector<1x16xf32>
    tpu.vector_store %arg9[%swap3A_177, %swap3A_178], %swap3A_181 {strides = array<i32>} : memref<16x64xf32, #tpu.memory_space<vmem>>, vector<1x16xf32>,
    %broadcast_in_dim3A_182 = arith.constant 0.000000e+00 : f32
    %broadcast_in_dim3A_183 = vector.broadcast %broadcast_in_dim3A_182 : f32 to vector<16xf32>
    %swap3A_184 = arith.constant 5 : i32
    %swap3A_185 = arith.index_cast %swap3A_184 : i32 to index
    %swap3A_186 = arith.constant 48 : index
    %swap3A_187 = tpu.vector_load %arg9[%swap3A_185, %swap3A_186] {strides = array<i32>} : memref<16x64xf32, #tpu.memory_space<vmem>>, vector<1x16xf32>,
    %swap3A_188 = vector.shape_cast %swap3A_187 : vector<1x16xf32> to vector<16xf32>
    %swap3A_189 = vector.shape_cast %broadcast_in_dim3A_183 : vector<16xf32> to vector<1x16xf32>
    tpu.vector_store %arg9[%swap3A_185, %swap3A_186], %swap3A_189 {strides = array<i32>} : memref<16x64xf32, #tpu.memory_space<vmem>>, vector<1x16xf32>,
    %broadcast_in_dim3A_190 = arith.constant 0.000000e+00 : f32
    %broadcast_in_dim3A_191 = vector.broadcast %broadcast_in_dim3A_190 : f32 to vector<16xf32>
    %swap3A_192 = arith.constant 6 : i32
    %swap3A_193 = arith.index_cast %swap3A_192 : i32 to index
    %swap3A_194 = arith.constant 0 : index
    %swap3A_195 = tpu.vector_load %arg9[%swap3A_193, %swap3A_194] {strides = array<i32>} : memref<16x64xf32, #tpu.memory_space<vmem>>, vector<1x16xf32>,
    %swap3A_196 = vector.shape_cast %swap3A_195 : vector<1x16xf32> to vector<16xf32>
    %swap3A_197 = vector.shape_cast %broadcast_in_dim3A_191 : vector<16xf32> to vector<1x16xf32>
    tpu.vector_store %arg9[%swap3A_193, %swap3A_194], %swap3A_197 {strides = array<i32>} : memref<16x64xf32, #tpu.memory_space<vmem>>, vector<1x16xf32>,
    %broadcast_in_dim3A_198 = arith.constant 0.000000e+00 : f32
    %broadcast_in_dim3A_199 = vector.broadcast %broadcast_in_dim3A_198 : f32 to vector<16xf32>
    %swap3A_200 = arith.constant 6 : i32
    %swap3A_201 = arith.index_cast %swap3A_200 : i32 to index
    %swap3A_202 = arith.constant 16 : index
    %swap3A_203 = tpu.vector_load %arg9[%swap3A_201, %swap3A_202] {strides = array<i32>} : memref<16x64xf32, #tpu.memory_space<vmem>>, vector<1x16xf32>,
    %swap3A_204 = vector.shape_cast %swap3A_203 : vector<1x16xf32> to vector<16xf32>
    %swap3A_205 = vector.shape_cast %broadcast_in_dim3A_199 : vector<16xf32> to vector<1x16xf32>
    tpu.vector_store %arg9[%swap3A_201, %swap3A_202], %swap3A_205 {strides = array<i32>} : memref<16x64xf32, #tpu.memory_space<vmem>>, vector<1x16xf32>,
    %broadcast_in_dim3A_206 = arith.constant 0.000000e+00 : f32
    %broadcast_in_dim3A_207 = vector.broadcast %broadcast_in_dim3A_206 : f32 to vector<16xf32>
    %swap3A_208 = arith.constant 6 : i32
    %swap3A_209 = arith.index_cast %swap3A_208 : i32 to index
    %swap3A_210 = arith.constant 32 : index
    %swap3A_211 = tpu.vector_load %arg9[%swap3A_209, %swap3A_210] {strides = array<i32>} : memref<16x64xf32, #tpu.memory_space<vmem>>, vector<1x16xf32>,
    %swap3A_212 = vector.shape_cast %swap3A_211 : vector<1x16xf32> to vector<16xf32>
    %swap3A_213 = vector.shape_cast %broadcast_in_dim3A_207 : vector<16xf32> to vector<1x16xf32>
    tpu.vector_store %arg9[%swap3A_209, %swap3A_210], %swap3A_213 {strides = array<i32>} : memref<16x64xf32, #tpu.memory_space<vmem>>, vector<1x16xf32>,
    %broadcast_in_dim3A_214 = arith.constant 0.000000e+00 : f32
    %broadcast_in_dim3A_215 = vector.broadcast %broadcast_in_dim3A_214 : f32 to vector<16xf32>
    %swap3A_216 = arith.constant 6 : i32
    %swap3A_217 = arith.index_cast %swap3A_216 : i32 to index
    %swap3A_218 = arith.constant 48 : index
    %swap3A_219 = tpu.vector_load %arg9[%swap3A_217, %swap3A_218] {strides = array<i32>} : memref<16x64xf32, #tpu.memory_space<vmem>>, vector<1x16xf32>,
    %swap3A_220 = vector.shape_cast %swap3A_219 : vector<1x16xf32> to vector<16xf32>
    %swap3A_221 = vector.shape_cast %broadcast_in_dim3A_215 : vector<16xf32> to vector<1x16xf32>
    tpu.vector_store %arg9[%swap3A_217, %swap3A_218], %swap3A_221 {strides = array<i32>} : memref<16x64xf32, #tpu.memory_space<vmem>>, vector<1x16xf32>,
    %broadcast_in_dim3A_222 = arith.constant 0.000000e+00 : f32
    %broadcast_in_dim3A_223 = vector.broadcast %broadcast_in_dim3A_222 : f32 to vector<16xf32>
    %swap3A_224 = arith.constant 7 : i32
    %swap3A_225 = arith.index_cast %swap3A_224 : i32 to index
    %swap3A_226 = arith.constant 0 : index
    %swap3A_227 = tpu.vector_load %arg9[%swap3A_225, %swap3A_226] {strides = array<i32>} : memref<16x64xf32, #tpu.memory_space<vmem>>, vector<1x16xf32>,
    %swap3A_228 = vector.shape_cast %swap3A_227 : vector<1x16xf32> to vector<16xf32>
    %swap3A_229 = vector.shape_cast %broadcast_in_dim3A_223 : vector<16xf32> to vector<1x16xf32>
    tpu.vector_store %arg9[%swap3A_225, %swap3A_226], %swap3A_229 {strides = array<i32>} : memref<16x64xf32, #tpu.memory_space<vmem>>, vector<1x16xf32>,
    %broadcast_in_dim3A_230 = arith.constant 0.000000e+00 : f32
    %broadcast_in_dim3A_231 = vector.broadcast %broadcast_in_dim3A_230 : f32 to vector<16xf32>
    %swap3A_232 = arith.constant 7 : i32
    %swap3A_233 = arith.index_cast %swap3A_232 : i32 to index
    %swap3A_234 = arith.constant 16 : index
    %swap3A_235 = tpu.vector_load %arg9[%swap3A_233, %swap3A_234] {strides = array<i32>} : memref<16x64xf32, #tpu.memory_space<vmem>>, vector<1x16xf32>,
    %swap3A_236 = vector.shape_cast %swap3A_235 : vector<1x16xf32> to vector<16xf32>
    %swap3A_237 = vector.shape_cast %broadcast_in_dim3A_231 : vector<16xf32> to vector<1x16xf32>
    tpu.vector_store %arg9[%swap3A_233, %swap3A_234], %swap3A_237 {strides = array<i32>} : memref<16x64xf32, #tpu.memory_space<vmem>>, vector<1x16xf32>,
    %broadcast_in_dim3A_238 = arith.constant 0.000000e+00 : f32
    %broadcast_in_dim3A_239 = vector.broadcast %broadcast_in_dim3A_238 : f32 to vector<16xf32>
    %swap3A_240 = arith.constant 7 : i32
    %swap3A_241 = arith.index_cast %swap3A_240 : i32 to index
    %swap3A_242 = arith.constant 32 : index
    %swap3A_243 = tpu.vector_load %arg9[%swap3A_241, %swap3A_242] {strides = array<i32>} : memref<16x64xf32, #tpu.memory_space<vmem>>, vector<1x16xf32>,
    %swap3A_244 = vector.shape_cast %swap3A_243 : vector<1x16xf32> to vector<16xf32>
    %swap3A_245 = vector.shape_cast %broadcast_in_dim3A_239 : vector<16xf32> to vector<1x16xf32>
    tpu.vector_store %arg9[%swap3A_241, %swap3A_242], %swap3A_245 {strides = array<i32>} : memref<16x64xf32, #tpu.memory_space<vmem>>, vector<1x16xf32>,
    %broadcast_in_dim3A_246 = arith.constant 0.000000e+00 : f32
    %broadcast_in_dim3A_247 = vector.broadcast %broadcast_in_dim3A_246 : f32 to vector<16xf32>
    %swap3A_248 = arith.constant 7 : i32
    %swap3A_249 = arith.index_cast %swap3A_248 : i32 to index
    %swap3A_250 = arith.constant 48 : index
    %swap3A_251 = tpu.vector_load %arg9[%swap3A_249, %swap3A_250] {strides = array<i32>} : memref<16x64xf32, #tpu.memory_space<vmem>>, vector<1x16xf32>,
    %swap3A_252 = vector.shape_cast %swap3A_251 : vector<1x16xf32> to vector<16xf32>
    %swap3A_253 = vector.shape_cast %broadcast_in_dim3A_247 : vector<16xf32> to vector<1x16xf32>
    tpu.vector_store %arg9[%swap3A_249, %swap3A_250], %swap3A_253 {strides = array<i32>} : memref<16x64xf32, #tpu.memory_space<vmem>>, vector<1x16xf32>,
    %broadcast_in_dim3A_254 = arith.constant 0.000000e+00 : f32
    %broadcast_in_dim3A_255 = vector.broadcast %broadcast_in_dim3A_254 : f32 to vector<16xf32>
    %swap3A_256 = arith.constant 8 : i32
    %swap3A_257 = arith.index_cast %swap3A_256 : i32 to index
    %swap3A_258 = arith.constant 0 : index
    %swap3A_259 = tpu.vector_load %arg9[%swap3A_257, %swap3A_258] {strides = array<i32>} : memref<16x64xf32, #tpu.memory_space<vmem>>, vector<1x16xf32>,
    %swap3A_260 = vector.shape_cast %swap3A_259 : vector<1x16xf32> to vector<16xf32>
    %swap3A_261 = vector.shape_cast %broadcast_in_dim3A_255 : vector<16xf32> to vector<1x16xf32>
    tpu.vector_store %arg9[%swap3A_257, %swap3A_258], %swap3A_261 {strides = array<i32>} : memref<16x64xf32, #tpu.memory_space<vmem>>, vector<1x16xf32>,
    %broadcast_in_dim3A_262 = arith.constant 0.000000e+00 : f32
    %broadcast_in_dim3A_263 = vector.broadcast %broadcast_in_dim3A_262 : f32 to vector<16xf32>
    %swap3A_264 = arith.constant 8 : i32
    %swap3A_265 = arith.index_cast %swap3A_264 : i32 to index
    %swap3A_266 = arith.constant 16 : index
    %swap3A_267 = tpu.vector_load %arg9[%swap3A_265, %swap3A_266] {strides = array<i32>} : memref<16x64xf32, #tpu.memory_space<vmem>>, vector<1x16xf32>,
    %swap3A_268 = vector.shape_cast %swap3A_267 : vector<1x16xf32> to vector<16xf32>
    %swap3A_269 = vector.shape_cast %broadcast_in_dim3A_263 : vector<16xf32> to vector<1x16xf32>
    tpu.vector_store %arg9[%swap3A_265, %swap3A_266], %swap3A_269 {strides = array<i32>} : memref<16x64xf32, #tpu.memory_space<vmem>>, vector<1x16xf32>,
    %broadcast_in_dim3A_270 = arith.constant 0.000000e+00 : f32
    %broadcast_in_dim3A_271 = vector.broadcast %broadcast_in_dim3A_270 : f32 to vector<16xf32>
    %swap3A_272 = arith.constant 8 : i32
    %swap3A_273 = arith.index_cast %swap3A_272 : i32 to index
    %swap3A_274 = arith.constant 32 : index
    %swap3A_275 = tpu.vector_load %arg9[%swap3A_273, %swap3A_274] {strides = array<i32>} : memref<16x64xf32, #tpu.memory_space<vmem>>, vector<1x16xf32>,
    %swap3A_276 = vector.shape_cast %swap3A_275 : vector<1x16xf32> to vector<16xf32>
    %swap3A_277 = vector.shape_cast %broadcast_in_dim3A_271 : vector<16xf32> to vector<1x16xf32>
    tpu.vector_store %arg9[%swap3A_273, %swap3A_274], %swap3A_277 {strides = array<i32>} : memref<16x64xf32, #tpu.memory_space<vmem>>, vector<1x16xf32>,
    %broadcast_in_dim3A_278 = arith.constant 0.000000e+00 : f32
    %broadcast_in_dim3A_279 = vector.broadcast %broadcast_in_dim3A_278 : f32 to vector<16xf32>
    %swap3A_280 = arith.constant 8 : i32
    %swap3A_281 = arith.index_cast %swap3A_280 : i32 to index
    %swap3A_282 = arith.constant 48 : index
    %swap3A_283 = tpu.vector_load %arg9[%swap3A_281, %swap3A_282] {strides = array<i32>} : memref<16x64xf32, #tpu.memory_space<vmem>>, vector<1x16xf32>,
    %swap3A_284 = vector.shape_cast %swap3A_283 : vector<1x16xf32> to vector<16xf32>
    %swap3A_285 = vector.shape_cast %broadcast_in_dim3A_279 : vector<16xf32> to vector<1x16xf32>
    tpu.vector_store %arg9[%swap3A_281, %swap3A_282], %swap3A_285 {strides = array<i32>} : memref<16x64xf32, #tpu.memory_space<vmem>>, vector<1x16xf32>,
    %broadcast_in_dim3A_286 = arith.constant 0.000000e+00 : f32
    %broadcast_in_dim3A_287 = vector.broadcast %broadcast_in_dim3A_286 : f32 to vector<16xf32>
    %swap3A_288 = arith.constant 9 : i32
    %swap3A_289 = arith.index_cast %swap3A_288 : i32 to index
    %swap3A_290 = arith.constant 0 : index
    %swap3A_291 = tpu.vector_load %arg9[%swap3A_289, %swap3A_290] {strides = array<i32>} : memref<16x64xf32, #tpu.memory_space<vmem>>, vector<1x16xf32>,
    %swap3A_292 = vector.shape_cast %swap3A_291 : vector<1x16xf32> to vector<16xf32>
    %swap3A_293 = vector.shape_cast %broadcast_in_dim3A_287 : vector<16xf32> to vector<1x16xf32>
    tpu.vector_store %arg9[%swap3A_289, %swap3A_290], %swap3A_293 {strides = array<i32>} : memref<16x64xf32, #tpu.memory_space<vmem>>, vector<1x16xf32>,
    %broadcast_in_dim3A_294 = arith.constant 0.000000e+00 : f32
    %broadcast_in_dim3A_295 = vector.broadcast %broadcast_in_dim3A_294 : f32 to vector<16xf32>
    %swap3A_296 = arith.constant 9 : i32
    %swap3A_297 = arith.index_cast %swap3A_296 : i32 to index
    %swap3A_298 = arith.constant 16 : index
    %swap3A_299 = tpu.vector_load %arg9[%swap3A_297, %swap3A_298] {strides = array<i32>} : memref<16x64xf32, #tpu.memory_space<vmem>>, vector<1x16xf32>,
    %swap3A_300 = vector.shape_cast %swap3A_299 : vector<1x16xf32> to vector<16xf32>
    %swap3A_301 = vector.shape_cast %broadcast_in_dim3A_295 : vector<16xf32> to vector<1x16xf32>
    tpu.vector_store %arg9[%swap3A_297, %swap3A_298], %swap3A_301 {strides = array<i32>} : memref<16x64xf32, #tpu.memory_space<vmem>>, vector<1x16xf32>,
    %broadcast_in_dim3A_302 = arith.constant 0.000000e+00 : f32
    %broadcast_in_dim3A_303 = vector.broadcast %broadcast_in_dim3A_302 : f32 to vector<16xf32>
    %swap3A_304 = arith.constant 9 : i32
    %swap3A_305 = arith.index_cast %swap3A_304 : i32 to index
    %swap3A_306 = arith.constant 32 : index
    %swap3A_307 = tpu.vector_load %arg9[%swap3A_305, %swap3A_306] {strides = array<i32>} : memref<16x64xf32, #tpu.memory_space<vmem>>, vector<1x16xf32>,
    %swap3A_308 = vector.shape_cast %swap3A_307 : vector<1x16xf32> to vector<16xf32>
    %swap3A_309 = vector.shape_cast %broadcast_in_dim3A_303 : vector<16xf32> to vector<1x16xf32>
    tpu.vector_store %arg9[%swap3A_305, %swap3A_306], %swap3A_309 {strides = array<i32>} : memref<16x64xf32, #tpu.memory_space<vmem>>, vector<1x16xf32>,
    %broadcast_in_dim3A_310 = arith.constant 0.000000e+00 : f32
    %broadcast_in_dim3A_311 = vector.broadcast %broadcast_in_dim3A_310 : f32 to vector<16xf32>
    %swap3A_312 = arith.constant 9 : i32
    %swap3A_313 = arith.index_cast %swap3A_312 : i32 to index
    %swap3A_314 = arith.constant 48 : index
    %swap3A_315 = tpu.vector_load %arg9[%swap3A_313, %swap3A_314] {strides = array<i32>} : memref<16x64xf32, #tpu.memory_space<vmem>>, vector<1x16xf32>,
    %swap3A_316 = vector.shape_cast %swap3A_315 : vector<1x16xf32> to vector<16xf32>
    %swap3A_317 = vector.shape_cast %broadcast_in_dim3A_311 : vector<16xf32> to vector<1x16xf32>
    tpu.vector_store %arg9[%swap3A_313, %swap3A_314], %swap3A_317 {strides = array<i32>} : memref<16x64xf32, #tpu.memory_space<vmem>>, vector<1x16xf32>,
    %broadcast_in_dim3A_318 = arith.constant 0.000000e+00 : f32
    %broadcast_in_dim3A_319 = vector.broadcast %broadcast_in_dim3A_318 : f32 to vector<16xf32>
    %swap3A_320 = arith.constant 10 : i32
    %swap3A_321 = arith.index_cast %swap3A_320 : i32 to index
    %swap3A_322 = arith.constant 0 : index
    %swap3A_323 = tpu.vector_load %arg9[%swap3A_321, %swap3A_322] {strides = array<i32>} : memref<16x64xf32, #tpu.memory_space<vmem>>, vector<1x16xf32>,
    %swap3A_324 = vector.shape_cast %swap3A_323 : vector<1x16xf32> to vector<16xf32>
    %swap3A_325 = vector.shape_cast %broadcast_in_dim3A_319 : vector<16xf32> to vector<1x16xf32>
    tpu.vector_store %arg9[%swap3A_321, %swap3A_322], %swap3A_325 {strides = array<i32>} : memref<16x64xf32, #tpu.memory_space<vmem>>, vector<1x16xf32>,
    %broadcast_in_dim3A_326 = arith.constant 0.000000e+00 : f32
    %broadcast_in_dim3A_327 = vector.broadcast %broadcast_in_dim3A_326 : f32 to vector<16xf32>
    %swap3A_328 = arith.constant 10 : i32
    %swap3A_329 = arith.index_cast %swap3A_328 : i32 to index
    %swap3A_330 = arith.constant 16 : index
    %swap3A_331 = tpu.vector_load %arg9[%swap3A_329, %swap3A_330] {strides = array<i32>} : memref<16x64xf32, #tpu.memory_space<vmem>>, vector<1x16xf32>,
    %swap3A_332 = vector.shape_cast %swap3A_331 : vector<1x16xf32> to vector<16xf32>
    %swap3A_333 = vector.shape_cast %broadcast_in_dim3A_327 : vector<16xf32> to vector<1x16xf32>
    tpu.vector_store %arg9[%swap3A_329, %swap3A_330], %swap3A_333 {strides = array<i32>} : memref<16x64xf32, #tpu.memory_space<vmem>>, vector<1x16xf32>,
    %broadcast_in_dim3A_334 = arith.constant 0.000000e+00 : f32
    %broadcast_in_dim3A_335 = vector.broadcast %broadcast_in_dim3A_334 : f32 to vector<16xf32>
    %swap3A_336 = arith.constant 10 : i32
    %swap3A_337 = arith.index_cast %swap3A_336 : i32 to index
    %swap3A_338 = arith.constant 32 : index
    %swap3A_339 = tpu.vector_load %arg9[%swap3A_337, %swap3A_338] {strides = array<i32>} : memref<16x64xf32, #tpu.memory_space<vmem>>, vector<1x16xf32>,
    %swap3A_340 = vector.shape_cast %swap3A_339 : vector<1x16xf32> to vector<16xf32>
    %swap3A_341 = vector.shape_cast %broadcast_in_dim3A_335 : vector<16xf32> to vector<1x16xf32>
    tpu.vector_store %arg9[%swap3A_337, %swap3A_338], %swap3A_341 {strides = array<i32>} : memref<16x64xf32, #tpu.memory_space<vmem>>, vector<1x16xf32>,
    %broadcast_in_dim3A_342 = arith.constant 0.000000e+00 : f32
    %broadcast_in_dim3A_343 = vector.broadcast %broadcast_in_dim3A_342 : f32 to vector<16xf32>
    %swap3A_344 = arith.constant 10 : i32
    %swap3A_345 = arith.index_cast %swap3A_344 : i32 to index
    %swap3A_346 = arith.constant 48 : index
    %swap3A_347 = tpu.vector_load %arg9[%swap3A_345, %swap3A_346] {strides = array<i32>} : memref<16x64xf32, #tpu.memory_space<vmem>>, vector<1x16xf32>,
    %swap3A_348 = vector.shape_cast %swap3A_347 : vector<1x16xf32> to vector<16xf32>
    %swap3A_349 = vector.shape_cast %broadcast_in_dim3A_343 : vector<16xf32> to vector<1x16xf32>
    tpu.vector_store %arg9[%swap3A_345, %swap3A_346], %swap3A_349 {strides = array<i32>} : memref<16x64xf32, #tpu.memory_space<vmem>>, vector<1x16xf32>,
    %broadcast_in_dim3A_350 = arith.constant 0.000000e+00 : f32
    %broadcast_in_dim3A_351 = vector.broadcast %broadcast_in_dim3A_350 : f32 to vector<16xf32>
    %swap3A_352 = arith.constant 11 : i32
    %swap3A_353 = arith.index_cast %swap3A_352 : i32 to index
    %swap3A_354 = arith.constant 0 : index
    %swap3A_355 = tpu.vector_load %arg9[%swap3A_353, %swap3A_354] {strides = array<i32>} : memref<16x64xf32, #tpu.memory_space<vmem>>, vector<1x16xf32>,
    %swap3A_356 = vector.shape_cast %swap3A_355 : vector<1x16xf32> to vector<16xf32>
    %swap3A_357 = vector.shape_cast %broadcast_in_dim3A_351 : vector<16xf32> to vector<1x16xf32>
    tpu.vector_store %arg9[%swap3A_353, %swap3A_354], %swap3A_357 {strides = array<i32>} : memref<16x64xf32, #tpu.memory_space<vmem>>, vector<1x16xf32>,
    %broadcast_in_dim3A_358 = arith.constant 0.000000e+00 : f32
    %broadcast_in_dim3A_359 = vector.broadcast %broadcast_in_dim3A_358 : f32 to vector<16xf32>
    %swap3A_360 = arith.constant 11 : i32
    %swap3A_361 = arith.index_cast %swap3A_360 : i32 to index
    %swap3A_362 = arith.constant 16 : index
    %swap3A_363 = tpu.vector_load %arg9[%swap3A_361, %swap3A_362] {strides = array<i32>} : memref<16x64xf32, #tpu.memory_space<vmem>>, vector<1x16xf32>,
    %swap3A_364 = vector.shape_cast %swap3A_363 : vector<1x16xf32> to vector<16xf32>
    %swap3A_365 = vector.shape_cast %broadcast_in_dim3A_359 : vector<16xf32> to vector<1x16xf32>
    tpu.vector_store %arg9[%swap3A_361, %swap3A_362], %swap3A_365 {strides = array<i32>} : memref<16x64xf32, #tpu.memory_space<vmem>>, vector<1x16xf32>,
    %broadcast_in_dim3A_366 = arith.constant 0.000000e+00 : f32
    %broadcast_in_dim3A_367 = vector.broadcast %broadcast_in_dim3A_366 : f32 to vector<16xf32>
    %swap3A_368 = arith.constant 11 : i32
    %swap3A_369 = arith.index_cast %swap3A_368 : i32 to index
    %swap3A_370 = arith.constant 32 : index
    %swap3A_371 = tpu.vector_load %arg9[%swap3A_369, %swap3A_370] {strides = array<i32>} : memref<16x64xf32, #tpu.memory_space<vmem>>, vector<1x16xf32>,
    %swap3A_372 = vector.shape_cast %swap3A_371 : vector<1x16xf32> to vector<16xf32>
    %swap3A_373 = vector.shape_cast %broadcast_in_dim3A_367 : vector<16xf32> to vector<1x16xf32>
    tpu.vector_store %arg9[%swap3A_369, %swap3A_370], %swap3A_373 {strides = array<i32>} : memref<16x64xf32, #tpu.memory_space<vmem>>, vector<1x16xf32>,
    %broadcast_in_dim3A_374 = arith.constant 0.000000e+00 : f32
    %broadcast_in_dim3A_375 = vector.broadcast %broadcast_in_dim3A_374 : f32 to vector<16xf32>
    %swap3A_376 = arith.constant 11 : i32
    %swap3A_377 = arith.index_cast %swap3A_376 : i32 to index
    %swap3A_378 = arith.constant 48 : index
    %swap3A_379 = tpu.vector_load %arg9[%swap3A_377, %swap3A_378] {strides = array<i32>} : memref<16x64xf32, #tpu.memory_space<vmem>>, vector<1x16xf32>,
    %swap3A_380 = vector.shape_cast %swap3A_379 : vector<1x16xf32> to vector<16xf32>
    %swap3A_381 = vector.shape_cast %broadcast_in_dim3A_375 : vector<16xf32> to vector<1x16xf32>
    tpu.vector_store %arg9[%swap3A_377, %swap3A_378], %swap3A_381 {strides = array<i32>} : memref<16x64xf32, #tpu.memory_space<vmem>>, vector<1x16xf32>,
    %broadcast_in_dim3A_382 = arith.constant 0.000000e+00 : f32
    %broadcast_in_dim3A_383 = vector.broadcast %broadcast_in_dim3A_382 : f32 to vector<16xf32>
    %swap3A_384 = arith.constant 12 : i32
    %swap3A_385 = arith.index_cast %swap3A_384 : i32 to index
    %swap3A_386 = arith.constant 0 : index
    %swap3A_387 = tpu.vector_load %arg9[%swap3A_385, %swap3A_386] {strides = array<i32>} : memref<16x64xf32, #tpu.memory_space<vmem>>, vector<1x16xf32>,
    %swap3A_388 = vector.shape_cast %swap3A_387 : vector<1x16xf32> to vector<16xf32>
    %swap3A_389 = vector.shape_cast %broadcast_in_dim3A_383 : vector<16xf32> to vector<1x16xf32>
    tpu.vector_store %arg9[%swap3A_385, %swap3A_386], %swap3A_389 {strides = array<i32>} : memref<16x64xf32, #tpu.memory_space<vmem>>, vector<1x16xf32>,
    %broadcast_in_dim3A_390 = arith.constant 0.000000e+00 : f32
    %broadcast_in_dim3A_391 = vector.broadcast %broadcast_in_dim3A_390 : f32 to vector<16xf32>
    %swap3A_392 = arith.constant 12 : i32
    %swap3A_393 = arith.index_cast %swap3A_392 : i32 to index
    %swap3A_394 = arith.constant 16 : index
    %swap3A_395 = tpu.vector_load %arg9[%swap3A_393, %swap3A_394] {strides = array<i32>} : memref<16x64xf32, #tpu.memory_space<vmem>>, vector<1x16xf32>,
    %swap3A_396 = vector.shape_cast %swap3A_395 : vector<1x16xf32> to vector<16xf32>
    %swap3A_397 = vector.shape_cast %broadcast_in_dim3A_391 : vector<16xf32> to vector<1x16xf32>
    tpu.vector_store %arg9[%swap3A_393, %swap3A_394], %swap3A_397 {strides = array<i32>} : memref<16x64xf32, #tpu.memory_space<vmem>>, vector<1x16xf32>,
    %broadcast_in_dim3A_398 = arith.constant 0.000000e+00 : f32
    %broadcast_in_dim3A_399 = vector.broadcast %broadcast_in_dim3A_398 : f32 to vector<16xf32>
    %swap3A_400 = arith.constant 12 : i32
    %swap3A_401 = arith.index_cast %swap3A_400 : i32 to index
    %swap3A_402 = arith.constant 32 : index
    %swap3A_403 = tpu.vector_load %arg9[%swap3A_401, %swap3A_402] {strides = array<i32>} : memref<16x64xf32, #tpu.memory_space<vmem>>, vector<1x16xf32>,
    %swap3A_404 = vector.shape_cast %swap3A_403 : vector<1x16xf32> to vector<16xf32>
    %swap3A_405 = vector.shape_cast %broadcast_in_dim3A_399 : vector<16xf32> to vector<1x16xf32>
    tpu.vector_store %arg9[%swap3A_401, %swap3A_402], %swap3A_405 {strides = array<i32>} : memref<16x64xf32, #tpu.memory_space<vmem>>, vector<1x16xf32>,
    %broadcast_in_dim3A_406 = arith.constant 0.000000e+00 : f32
    %broadcast_in_dim3A_407 = vector.broadcast %broadcast_in_dim3A_406 : f32 to vector<16xf32>
    %swap3A_408 = arith.constant 12 : i32
    %swap3A_409 = arith.index_cast %swap3A_408 : i32 to index
    %swap3A_410 = arith.constant 48 : index
    %swap3A_411 = tpu.vector_load %arg9[%swap3A_409, %swap3A_410] {strides = array<i32>} : memref<16x64xf32, #tpu.memory_space<vmem>>, vector<1x16xf32>,
    %swap3A_412 = vector.shape_cast %swap3A_411 : vector<1x16xf32> to vector<16xf32>
    %swap3A_413 = vector.shape_cast %broadcast_in_dim3A_407 : vector<16xf32> to vector<1x16xf32>
    tpu.vector_store %arg9[%swap3A_409, %swap3A_410], %swap3A_413 {strides = array<i32>} : memref<16x64xf32, #tpu.memory_space<vmem>>, vector<1x16xf32>,
    %broadcast_in_dim3A_414 = arith.constant 0.000000e+00 : f32
    %broadcast_in_dim3A_415 = vector.broadcast %broadcast_in_dim3A_414 : f32 to vector<16xf32>
    %swap3A_416 = arith.constant 13 : i32
    %swap3A_417 = arith.index_cast %swap3A_416 : i32 to index
    %swap3A_418 = arith.constant 0 : index
    %swap3A_419 = tpu.vector_load %arg9[%swap3A_417, %swap3A_418] {strides = array<i32>} : memref<16x64xf32, #tpu.memory_space<vmem>>, vector<1x16xf32>,
    %swap3A_420 = vector.shape_cast %swap3A_419 : vector<1x16xf32> to vector<16xf32>
    %swap3A_421 = vector.shape_cast %broadcast_in_dim3A_415 : vector<16xf32> to vector<1x16xf32>
    tpu.vector_store %arg9[%swap3A_417, %swap3A_418], %swap3A_421 {strides = array<i32>} : memref<16x64xf32, #tpu.memory_space<vmem>>, vector<1x16xf32>,
    %broadcast_in_dim3A_422 = arith.constant 0.000000e+00 : f32
    %broadcast_in_dim3A_423 = vector.broadcast %broadcast_in_dim3A_422 : f32 to vector<16xf32>
    %swap3A_424 = arith.constant 13 : i32
    %swap3A_425 = arith.index_cast %swap3A_424 : i32 to index
    %swap3A_426 = arith.constant 16 : index
    %swap3A_427 = tpu.vector_load %arg9[%swap3A_425, %swap3A_426] {strides = array<i32>} : memref<16x64xf32, #tpu.memory_space<vmem>>, vector<1x16xf32>,
    %swap3A_428 = vector.shape_cast %swap3A_427 : vector<1x16xf32> to vector<16xf32>
    %swap3A_429 = vector.shape_cast %broadcast_in_dim3A_423 : vector<16xf32> to vector<1x16xf32>
    tpu.vector_store %arg9[%swap3A_425, %swap3A_426], %swap3A_429 {strides = array<i32>} : memref<16x64xf32, #tpu.memory_space<vmem>>, vector<1x16xf32>,
    %broadcast_in_dim3A_430 = arith.constant 0.000000e+00 : f32
    %broadcast_in_dim3A_431 = vector.broadcast %broadcast_in_dim3A_430 : f32 to vector<16xf32>
    %swap3A_432 = arith.constant 13 : i32
    %swap3A_433 = arith.index_cast %swap3A_432 : i32 to index
    %swap3A_434 = arith.constant 32 : index
    %swap3A_435 = tpu.vector_load %arg9[%swap3A_433, %swap3A_434] {strides = array<i32>} : memref<16x64xf32, #tpu.memory_space<vmem>>, vector<1x16xf32>,
    %swap3A_436 = vector.shape_cast %swap3A_435 : vector<1x16xf32> to vector<16xf32>
    %swap3A_437 = vector.shape_cast %broadcast_in_dim3A_431 : vector<16xf32> to vector<1x16xf32>
    tpu.vector_store %arg9[%swap3A_433, %swap3A_434], %swap3A_437 {strides = array<i32>} : memref<16x64xf32, #tpu.memory_space<vmem>>, vector<1x16xf32>,
    %broadcast_in_dim3A_438 = arith.constant 0.000000e+00 : f32
    %broadcast_in_dim3A_439 = vector.broadcast %broadcast_in_dim3A_438 : f32 to vector<16xf32>
    %swap3A_440 = arith.constant 13 : i32
    %swap3A_441 = arith.index_cast %swap3A_440 : i32 to index
    %swap3A_442 = arith.constant 48 : index
    %swap3A_443 = tpu.vector_load %arg9[%swap3A_441, %swap3A_442] {strides = array<i32>} : memref<16x64xf32, #tpu.memory_space<vmem>>, vector<1x16xf32>,
    %swap3A_444 = vector.shape_cast %swap3A_443 : vector<1x16xf32> to vector<16xf32>
    %swap3A_445 = vector.shape_cast %broadcast_in_dim3A_439 : vector<16xf32> to vector<1x16xf32>
    tpu.vector_store %arg9[%swap3A_441, %swap3A_442], %swap3A_445 {strides = array<i32>} : memref<16x64xf32, #tpu.memory_space<vmem>>, vector<1x16xf32>,
    %broadcast_in_dim3A_446 = arith.constant 0.000000e+00 : f32
    %broadcast_in_dim3A_447 = vector.broadcast %broadcast_in_dim3A_446 : f32 to vector<16xf32>
    %swap3A_448 = arith.constant 14 : i32
    %swap3A_449 = arith.index_cast %swap3A_448 : i32 to index
    %swap3A_450 = arith.constant 0 : index
    %swap3A_451 = tpu.vector_load %arg9[%swap3A_449, %swap3A_450] {strides = array<i32>} : memref<16x64xf32, #tpu.memory_space<vmem>>, vector<1x16xf32>,
    %swap3A_452 = vector.shape_cast %swap3A_451 : vector<1x16xf32> to vector<16xf32>
    %swap3A_453 = vector.shape_cast %broadcast_in_dim3A_447 : vector<16xf32> to vector<1x16xf32>
    tpu.vector_store %arg9[%swap3A_449, %swap3A_450], %swap3A_453 {strides = array<i32>} : memref<16x64xf32, #tpu.memory_space<vmem>>, vector<1x16xf32>,
    %broadcast_in_dim3A_454 = arith.constant 0.000000e+00 : f32
    %broadcast_in_dim3A_455 = vector.broadcast %broadcast_in_dim3A_454 : f32 to vector<16xf32>
    %swap3A_456 = arith.constant 14 : i32
    %swap3A_457 = arith.index_cast %swap3A_456 : i32 to index
    %swap3A_458 = arith.constant 16 : index
    %swap3A_459 = tpu.vector_load %arg9[%swap3A_457, %swap3A_458] {strides = array<i32>} : memref<16x64xf32, #tpu.memory_space<vmem>>, vector<1x16xf32>,
    %swap3A_460 = vector.shape_cast %swap3A_459 : vector<1x16xf32> to vector<16xf32>
    %swap3A_461 = vector.shape_cast %broadcast_in_dim3A_455 : vector<16xf32> to vector<1x16xf32>
    tpu.vector_store %arg9[%swap3A_457, %swap3A_458], %swap3A_461 {strides = array<i32>} : memref<16x64xf32, #tpu.memory_space<vmem>>, vector<1x16xf32>,
    %broadcast_in_dim3A_462 = arith.constant 0.000000e+00 : f32
    %broadcast_in_dim3A_463 = vector.broadcast %broadcast_in_dim3A_462 : f32 to vector<16xf32>
    %swap3A_464 = arith.constant 14 : i32
    %swap3A_465 = arith.index_cast %swap3A_464 : i32 to index
    %swap3A_466 = arith.constant 32 : index
    %swap3A_467 = tpu.vector_load %arg9[%swap3A_465, %swap3A_466] {strides = array<i32>} : memref<16x64xf32, #tpu.memory_space<vmem>>, vector<1x16xf32>,
    %swap3A_468 = vector.shape_cast %swap3A_467 : vector<1x16xf32> to vector<16xf32>
    %swap3A_469 = vector.shape_cast %broadcast_in_dim3A_463 : vector<16xf32> to vector<1x16xf32>
    tpu.vector_store %arg9[%swap3A_465, %swap3A_466], %swap3A_469 {strides = array<i32>} : memref<16x64xf32, #tpu.memory_space<vmem>>, vector<1x16xf32>,
    %broadcast_in_dim3A_470 = arith.constant 0.000000e+00 : f32
    %broadcast_in_dim3A_471 = vector.broadcast %broadcast_in_dim3A_470 : f32 to vector<16xf32>
    %swap3A_472 = arith.constant 14 : i32
    %swap3A_473 = arith.index_cast %swap3A_472 : i32 to index
    %swap3A_474 = arith.constant 48 : index
    %swap3A_475 = tpu.vector_load %arg9[%swap3A_473, %swap3A_474] {strides = array<i32>} : memref<16x64xf32, #tpu.memory_space<vmem>>, vector<1x16xf32>,
    %swap3A_476 = vector.shape_cast %swap3A_475 : vector<1x16xf32> to vector<16xf32>
    %swap3A_477 = vector.shape_cast %broadcast_in_dim3A_471 : vector<16xf32> to vector<1x16xf32>
    tpu.vector_store %arg9[%swap3A_473, %swap3A_474], %swap3A_477 {strides = array<i32>} : memref<16x64xf32, #tpu.memory_space<vmem>>, vector<1x16xf32>,
    %broadcast_in_dim3A_478 = arith.constant 0.000000e+00 : f32
    %broadcast_in_dim3A_479 = vector.broadcast %broadcast_in_dim3A_478 : f32 to vector<16xf32>
    %swap3A_480 = arith.constant 15 : i32
    %swap3A_481 = arith.index_cast %swap3A_480 : i32 to index
    %swap3A_482 = arith.constant 0 : index
    %swap3A_483 = tpu.vector_load %arg9[%swap3A_481, %swap3A_482] {strides = array<i32>} : memref<16x64xf32, #tpu.memory_space<vmem>>, vector<1x16xf32>,
    %swap3A_484 = vector.shape_cast %swap3A_483 : vector<1x16xf32> to vector<16xf32>
    %swap3A_485 = vector.shape_cast %broadcast_in_dim3A_479 : vector<16xf32> to vector<1x16xf32>
    tpu.vector_store %arg9[%swap3A_481, %swap3A_482], %swap3A_485 {strides = array<i32>} : memref<16x64xf32, #tpu.memory_space<vmem>>, vector<1x16xf32>,
    %broadcast_in_dim3A_486 = arith.constant 0.000000e+00 : f32
    %broadcast_in_dim3A_487 = vector.broadcast %broadcast_in_dim3A_486 : f32 to vector<16xf32>
    %swap3A_488 = arith.constant 15 : i32
    %swap3A_489 = arith.index_cast %swap3A_488 : i32 to index
    %swap3A_490 = arith.constant 16 : index
    %swap3A_491 = tpu.vector_load %arg9[%swap3A_489, %swap3A_490] {strides = array<i32>} : memref<16x64xf32, #tpu.memory_space<vmem>>, vector<1x16xf32>,
    %swap3A_492 = vector.shape_cast %swap3A_491 : vector<1x16xf32> to vector<16xf32>
    %swap3A_493 = vector.shape_cast %broadcast_in_dim3A_487 : vector<16xf32> to vector<1x16xf32>
    tpu.vector_store %arg9[%swap3A_489, %swap3A_490], %swap3A_493 {strides = array<i32>} : memref<16x64xf32, #tpu.memory_space<vmem>>, vector<1x16xf32>,
    %broadcast_in_dim3A_494 = arith.constant 0.000000e+00 : f32
    %broadcast_in_dim3A_495 = vector.broadcast %broadcast_in_dim3A_494 : f32 to vector<16xf32>
    %swap3A_496 = arith.constant 15 : i32
    %swap3A_497 = arith.index_cast %swap3A_496 : i32 to index
    %swap3A_498 = arith.constant 32 : index
    %swap3A_499 = tpu.vector_load %arg9[%swap3A_497, %swap3A_498] {strides = array<i32>} : memref<16x64xf32, #tpu.memory_space<vmem>>, vector<1x16xf32>,
    %swap3A_500 = vector.shape_cast %swap3A_499 : vector<1x16xf32> to vector<16xf32>
    %swap3A_501 = vector.shape_cast %broadcast_in_dim3A_495 : vector<16xf32> to vector<1x16xf32>
    tpu.vector_store %arg9[%swap3A_497, %swap3A_498], %swap3A_501 {strides = array<i32>} : memref<16x64xf32, #tpu.memory_space<vmem>>, vector<1x16xf32>,
    %broadcast_in_dim3A_502 = arith.constant 0.000000e+00 : f32
    %broadcast_in_dim3A_503 = vector.broadcast %broadcast_in_dim3A_502 : f32 to vector<16xf32>
    %swap3A_504 = arith.constant 15 : i32
    %swap3A_505 = arith.index_cast %swap3A_504 : i32 to index
    %swap3A_506 = arith.constant 48 : index
    %swap3A_507 = tpu.vector_load %arg9[%swap3A_505, %swap3A_506] {strides = array<i32>} : memref<16x64xf32, #tpu.memory_space<vmem>>, vector<1x16xf32>,
    %swap3A_508 = vector.shape_cast %swap3A_507 : vector<1x16xf32> to vector<16xf32>
    %swap3A_509 = vector.shape_cast %broadcast_in_dim3A_503 : vector<16xf32> to vector<1x16xf32>
    tpu.vector_store %arg9[%swap3A_505, %swap3A_506], %swap3A_509 {strides = array<i32>} : memref<16x64xf32, #tpu.memory_space<vmem>>, vector<1x16xf32>,
    %scan3A = arith.constant 0 : i32
    %scan3A_510 = arith.constant 0 : i32
    %scan3A_511 = arith.constant 5 : i32
    %scan3A_512 = arith.addi %scan3A_510, %scan3A_511 : i32
    %scan3A_513 = arith.constant 1 : i32
    scf.for %scan3A_779 = %scan3A_510 to %scan3A_512 step %scan3A_513  : i32 {
      %mul3A_780 = arith.constant 640 : i32
      %mul3A_781 = arith.muli %arg1, %mul3A_780 : i32
      %mul3A_782 = arith.constant 8 : i32
      %mul3A_783 = arith.muli %scan3A_779, %mul3A_782 : i32
      %add3A_784 = arith.constant 0 : i32
      %add3A_785 = arith.addi %mul3A_783, %add3A_784 : i32
      %mul3A_786 = arith.constant 16 : i32
      %mul3A_787 = arith.muli %add3A_785, %mul3A_786 : i32
      %add3A_788 = arith.addi %mul3A_781, %mul3A_787 : i32
      %dma_start3A_789 = arith.constant 0 : i32
      %dma_start3A_790 = tpu.memref_slice %arg10[%add3A_788, %dma_start3A_789] : memref<10240x64xf32, #tpu.memory_space<vmem_shared>> -> memref<16x64xf32, #tpu.memory_space<vmem_shared>>
      %dma_start3A_791 = arith.constant 0 : i32
      %dma_start3A_792 = tpu.memref_slice %arg10[%add3A_788, %dma_start3A_791] : memref<10240x64xf32, #tpu.memory_space<vmem_shared>> -> memref<16x64xf32, #tpu.memory_space<vmem_shared>>
      tpu.enqueue_dma source(%arg9 : memref<16x64xf32, #tpu.memory_space<vmem>>) target(%dma_start3A_792 : memref<16x64xf32, #tpu.memory_space<vmem_shared>>) target_semaphore(%arg15 : memref<!tpu.dma_semaphore, #tpu.memory_space<semaphore_mem>>)
      %mul3A_793 = arith.constant 640 : i32
      %mul3A_794 = arith.muli %arg1, %mul3A_793 : i32
      %mul3A_795 = arith.constant 8 : i32
      %mul3A_796 = arith.muli %scan3A_779, %mul3A_795 : i32
      %add3A_797 = arith.constant 1 : i32
      %add3A_798 = arith.addi %mul3A_796, %add3A_797 : i32
      %mul3A_799 = arith.constant 16 : i32
      %mul3A_800 = arith.muli %add3A_798, %mul3A_799 : i32
      %add3A_801 = arith.addi %mul3A_794, %mul3A_800 : i32
      %dma_start3A_802 = arith.constant 0 : i32
      %dma_start3A_803 = tpu.memref_slice %arg10[%add3A_801, %dma_start3A_802] : memref<10240x64xf32, #tpu.memory_space<vmem_shared>> -> memref<16x64xf32, #tpu.memory_space<vmem_shared>>
      %dma_start3A_804 = arith.constant 0 : i32
      %dma_start3A_805 = tpu.memref_slice %arg10[%add3A_801, %dma_start3A_804] : memref<10240x64xf32, #tpu.memory_space<vmem_shared>> -> memref<16x64xf32, #tpu.memory_space<vmem_shared>>
      tpu.enqueue_dma source(%arg9 : memref<16x64xf32, #tpu.memory_space<vmem>>) target(%dma_start3A_805 : memref<16x64xf32, #tpu.memory_space<vmem_shared>>) target_semaphore(%arg15 : memref<!tpu.dma_semaphore, #tpu.memory_space<semaphore_mem>>)
      %mul3A_806 = arith.constant 640 : i32
      %mul3A_807 = arith.muli %arg1, %mul3A_806 : i32
      %mul3A_808 = arith.constant 8 : i32
      %mul3A_809 = arith.muli %scan3A_779, %mul3A_808 : i32
      %add3A_810 = arith.constant 2 : i32
      %add3A_811 = arith.addi %mul3A_809, %add3A_810 : i32
      %mul3A_812 = arith.constant 16 : i32
      %mul3A_813 = arith.muli %add3A_811, %mul3A_812 : i32
      %add3A_814 = arith.addi %mul3A_807, %mul3A_813 : i32
      %dma_start3A_815 = arith.constant 0 : i32
      %dma_start3A_816 = tpu.memref_slice %arg10[%add3A_814, %dma_start3A_815] : memref<10240x64xf32, #tpu.memory_space<vmem_shared>> -> memref<16x64xf32, #tpu.memory_space<vmem_shared>>
      %dma_start3A_817 = arith.constant 0 : i32
      %dma_start3A_818 = tpu.memref_slice %arg10[%add3A_814, %dma_start3A_817] : memref<10240x64xf32, #tpu.memory_space<vmem_shared>> -> memref<16x64xf32, #tpu.memory_space<vmem_shared>>
      tpu.enqueue_dma source(%arg9 : memref<16x64xf32, #tpu.memory_space<vmem>>) target(%dma_start3A_818 : memref<16x64xf32, #tpu.memory_space<vmem_shared>>) target_semaphore(%arg15 : memref<!tpu.dma_semaphore, #tpu.memory_space<semaphore_mem>>)
      %mul3A_819 = arith.constant 640 : i32
      %mul3A_820 = arith.muli %arg1, %mul3A_819 : i32
      %mul3A_821 = arith.constant 8 : i32
      %mul3A_822 = arith.muli %scan3A_779, %mul3A_821 : i32
      %add3A_823 = arith.constant 3 : i32
      %add3A_824 = arith.addi %mul3A_822, %add3A_823 : i32
      %mul3A_825 = arith.constant 16 : i32
      %mul3A_826 = arith.muli %add3A_824, %mul3A_825 : i32
      %add3A_827 = arith.addi %mul3A_820, %mul3A_826 : i32
      %dma_start3A_828 = arith.constant 0 : i32
      %dma_start3A_829 = tpu.memref_slice %arg10[%add3A_827, %dma_start3A_828] : memref<10240x64xf32, #tpu.memory_space<vmem_shared>> -> memref<16x64xf32, #tpu.memory_space<vmem_shared>>
      %dma_start3A_830 = arith.constant 0 : i32
      %dma_start3A_831 = tpu.memref_slice %arg10[%add3A_827, %dma_start3A_830] : memref<10240x64xf32, #tpu.memory_space<vmem_shared>> -> memref<16x64xf32, #tpu.memory_space<vmem_shared>>
      tpu.enqueue_dma source(%arg9 : memref<16x64xf32, #tpu.memory_space<vmem>>) target(%dma_start3A_831 : memref<16x64xf32, #tpu.memory_space<vmem_shared>>) target_semaphore(%arg15 : memref<!tpu.dma_semaphore, #tpu.memory_space<semaphore_mem>>)
      %mul3A_832 = arith.constant 640 : i32
      %mul3A_833 = arith.muli %arg1, %mul3A_832 : i32
      %mul3A_834 = arith.constant 8 : i32
      %mul3A_835 = arith.muli %scan3A_779, %mul3A_834 : i32
      %add3A_836 = arith.constant 4 : i32
      %add3A_837 = arith.addi %mul3A_835, %add3A_836 : i32
      %mul3A_838 = arith.constant 16 : i32
      %mul3A_839 = arith.muli %add3A_837, %mul3A_838 : i32
      %add3A_840 = arith.addi %mul3A_833, %mul3A_839 : i32
      %dma_start3A_841 = arith.constant 0 : i32
      %dma_start3A_842 = tpu.memref_slice %arg10[%add3A_840, %dma_start3A_841] : memref<10240x64xf32, #tpu.memory_space<vmem_shared>> -> memref<16x64xf32, #tpu.memory_space<vmem_shared>>
      %dma_start3A_843 = arith.constant 0 : i32
      %dma_start3A_844 = tpu.memref_slice %arg10[%add3A_840, %dma_start3A_843] : memref<10240x64xf32, #tpu.memory_space<vmem_shared>> -> memref<16x64xf32, #tpu.memory_space<vmem_shared>>
      tpu.enqueue_dma source(%arg9 : memref<16x64xf32, #tpu.memory_space<vmem>>) target(%dma_start3A_844 : memref<16x64xf32, #tpu.memory_space<vmem_shared>>) target_semaphore(%arg15 : memref<!tpu.dma_semaphore, #tpu.memory_space<semaphore_mem>>)
      %mul3A_845 = arith.constant 640 : i32
      %mul3A_846 = arith.muli %arg1, %mul3A_845 : i32
      %mul3A_847 = arith.constant 8 : i32
      %mul3A_848 = arith.muli %scan3A_779, %mul3A_847 : i32
      %add3A_849 = arith.constant 5 : i32
      %add3A_850 = arith.addi %mul3A_848, %add3A_849 : i32
      %mul3A_851 = arith.constant 16 : i32
      %mul3A_852 = arith.muli %add3A_850, %mul3A_851 : i32
      %add3A_853 = arith.addi %mul3A_846, %mul3A_852 : i32
      %dma_start3A_854 = arith.constant 0 : i32
      %dma_start3A_855 = tpu.memref_slice %arg10[%add3A_853, %dma_start3A_854] : memref<10240x64xf32, #tpu.memory_space<vmem_shared>> -> memref<16x64xf32, #tpu.memory_space<vmem_shared>>
      %dma_start3A_856 = arith.constant 0 : i32
      %dma_start3A_857 = tpu.memref_slice %arg10[%add3A_853, %dma_start3A_856] : memref<10240x64xf32, #tpu.memory_space<vmem_shared>> -> memref<16x64xf32, #tpu.memory_space<vmem_shared>>
      tpu.enqueue_dma source(%arg9 : memref<16x64xf32, #tpu.memory_space<vmem>>) target(%dma_start3A_857 : memref<16x64xf32, #tpu.memory_space<vmem_shared>>) target_semaphore(%arg15 : memref<!tpu.dma_semaphore, #tpu.memory_space<semaphore_mem>>)
      %mul3A_858 = arith.constant 640 : i32
      %mul3A_859 = arith.muli %arg1, %mul3A_858 : i32
      %mul3A_860 = arith.constant 8 : i32
      %mul3A_861 = arith.muli %scan3A_779, %mul3A_860 : i32
      %add3A_862 = arith.constant 6 : i32
      %add3A_863 = arith.addi %mul3A_861, %add3A_862 : i32
      %mul3A_864 = arith.constant 16 : i32
      %mul3A_865 = arith.muli %add3A_863, %mul3A_864 : i32
      %add3A_866 = arith.addi %mul3A_859, %mul3A_865 : i32
      %dma_start3A_867 = arith.constant 0 : i32
      %dma_start3A_868 = tpu.memref_slice %arg10[%add3A_866, %dma_start3A_867] : memref<10240x64xf32, #tpu.memory_space<vmem_shared>> -> memref<16x64xf32, #tpu.memory_space<vmem_shared>>
      %dma_start3A_869 = arith.constant 0 : i32
      %dma_start3A_870 = tpu.memref_slice %arg10[%add3A_866, %dma_start3A_869] : memref<10240x64xf32, #tpu.memory_space<vmem_shared>> -> memref<16x64xf32, #tpu.memory_space<vmem_shared>>
      tpu.enqueue_dma source(%arg9 : memref<16x64xf32, #tpu.memory_space<vmem>>) target(%dma_start3A_870 : memref<16x64xf32, #tpu.memory_space<vmem_shared>>) target_semaphore(%arg15 : memref<!tpu.dma_semaphore, #tpu.memory_space<semaphore_mem>>)
      %mul3A_871 = arith.constant 640 : i32
      %mul3A_872 = arith.muli %arg1, %mul3A_871 : i32
      %mul3A_873 = arith.constant 8 : i32
      %mul3A_874 = arith.muli %scan3A_779, %mul3A_873 : i32
      %add3A_875 = arith.constant 7 : i32
      %add3A_876 = arith.addi %mul3A_874, %add3A_875 : i32
      %mul3A_877 = arith.constant 16 : i32
      %mul3A_878 = arith.muli %add3A_876, %mul3A_877 : i32
      %add3A_879 = arith.addi %mul3A_872, %mul3A_878 : i32
      %dma_start3A_880 = arith.constant 0 : i32
      %dma_start3A_881 = tpu.memref_slice %arg10[%add3A_879, %dma_start3A_880] : memref<10240x64xf32, #tpu.memory_space<vmem_shared>> -> memref<16x64xf32, #tpu.memory_space<vmem_shared>>
      %dma_start3A_882 = arith.constant 0 : i32
      %dma_start3A_883 = tpu.memref_slice %arg10[%add3A_879, %dma_start3A_882] : memref<10240x64xf32, #tpu.memory_space<vmem_shared>> -> memref<16x64xf32, #tpu.memory_space<vmem_shared>>
      tpu.enqueue_dma source(%arg9 : memref<16x64xf32, #tpu.memory_space<vmem>>) target(%dma_start3A_883 : memref<16x64xf32, #tpu.memory_space<vmem_shared>>) target_semaphore(%arg15 : memref<!tpu.dma_semaphore, #tpu.memory_space<semaphore_mem>>)
      %dma_wait3A_884 = arith.constant 0 : i32
      %dma_wait3A_885 = arith.constant 0 : i32
      %dma_wait3A_886 = tpu.memref_slice %arg10[%dma_wait3A_884, %dma_wait3A_885] : memref<10240x64xf32, #tpu.memory_space<vmem_shared>> -> memref<16x64xf32, #tpu.memory_space<vmem_shared>>
      %dma_wait3A_887 = arith.constant 0 : i32
      %dma_wait3A_888 = arith.constant 0 : i32
      %dma_wait3A_889 = tpu.memref_slice %arg10[%dma_wait3A_887, %dma_wait3A_888] : memref<10240x64xf32, #tpu.memory_space<vmem_shared>> -> memref<16x64xf32, #tpu.memory_space<vmem_shared>>
      tpu.wait_dma2 semaphore(%arg15 : memref<!tpu.dma_semaphore, #tpu.memory_space<semaphore_mem>>) src(%arg9 : memref<16x64xf32, #tpu.memory_space<vmem>>) dst(%dma_wait3A_889 : memref<16x64xf32, #tpu.memory_space<vmem_shared>>)
      %dma_wait3A_890 = arith.constant 0 : i32
      %dma_wait3A_891 = arith.constant 0 : i32
      %dma_wait3A_892 = tpu.memref_slice %arg10[%dma_wait3A_890, %dma_wait3A_891] : memref<10240x64xf32, #tpu.memory_space<vmem_shared>> -> memref<16x64xf32, #tpu.memory_space<vmem_shared>>
      %dma_wait3A_893 = arith.constant 0 : i32
      %dma_wait3A_894 = arith.constant 0 : i32
      %dma_wait3A_895 = tpu.memref_slice %arg10[%dma_wait3A_893, %dma_wait3A_894] : memref<10240x64xf32, #tpu.memory_space<vmem_shared>> -> memref<16x64xf32, #tpu.memory_space<vmem_shared>>
      tpu.wait_dma2 semaphore(%arg15 : memref<!tpu.dma_semaphore, #tpu.memory_space<semaphore_mem>>) src(%arg9 : memref<16x64xf32, #tpu.memory_space<vmem>>) dst(%dma_wait3A_895 : memref<16x64xf32, #tpu.memory_space<vmem_shared>>)
      %dma_wait3A_896 = arith.constant 0 : i32
      %dma_wait3A_897 = arith.constant 0 : i32
      %dma_wait3A_898 = tpu.memref_slice %arg10[%dma_wait3A_896, %dma_wait3A_897] : memref<10240x64xf32, #tpu.memory_space<vmem_shared>> -> memref<16x64xf32, #tpu.memory_space<vmem_shared>>
      %dma_wait3A_899 = arith.constant 0 : i32
      %dma_wait3A_900 = arith.constant 0 : i32
      %dma_wait3A_901 = tpu.memref_slice %arg10[%dma_wait3A_899, %dma_wait3A_900] : memref<10240x64xf32, #tpu.memory_space<vmem_shared>> -> memref<16x64xf32, #tpu.memory_space<vmem_shared>>
      tpu.wait_dma2 semaphore(%arg15 : memref<!tpu.dma_semaphore, #tpu.memory_space<semaphore_mem>>) src(%arg9 : memref<16x64xf32, #tpu.memory_space<vmem>>) dst(%dma_wait3A_901 : memref<16x64xf32, #tpu.memory_space<vmem_shared>>)
      %dma_wait3A_902 = arith.constant 0 : i32
      %dma_wait3A_903 = arith.constant 0 : i32
      %dma_wait3A_904 = tpu.memref_slice %arg10[%dma_wait3A_902, %dma_wait3A_903] : memref<10240x64xf32, #tpu.memory_space<vmem_shared>> -> memref<16x64xf32, #tpu.memory_space<vmem_shared>>
      %dma_wait3A_905 = arith.constant 0 : i32
      %dma_wait3A_906 = arith.constant 0 : i32
      %dma_wait3A_907 = tpu.memref_slice %arg10[%dma_wait3A_905, %dma_wait3A_906] : memref<10240x64xf32, #tpu.memory_space<vmem_shared>> -> memref<16x64xf32, #tpu.memory_space<vmem_shared>>
      tpu.wait_dma2 semaphore(%arg15 : memref<!tpu.dma_semaphore, #tpu.memory_space<semaphore_mem>>) src(%arg9 : memref<16x64xf32, #tpu.memory_space<vmem>>) dst(%dma_wait3A_907 : memref<16x64xf32, #tpu.memory_space<vmem_shared>>)
      %dma_wait3A_908 = arith.constant 0 : i32
      %dma_wait3A_909 = arith.constant 0 : i32
      %dma_wait3A_910 = tpu.memref_slice %arg10[%dma_wait3A_908, %dma_wait3A_909] : memref<10240x64xf32, #tpu.memory_space<vmem_shared>> -> memref<16x64xf32, #tpu.memory_space<vmem_shared>>
      %dma_wait3A_911 = arith.constant 0 : i32
      %dma_wait3A_912 = arith.constant 0 : i32
      %dma_wait3A_913 = tpu.memref_slice %arg10[%dma_wait3A_911, %dma_wait3A_912] : memref<10240x64xf32, #tpu.memory_space<vmem_shared>> -> memref<16x64xf32, #tpu.memory_space<vmem_shared>>
      tpu.wait_dma2 semaphore(%arg15 : memref<!tpu.dma_semaphore, #tpu.memory_space<semaphore_mem>>) src(%arg9 : memref<16x64xf32, #tpu.memory_space<vmem>>) dst(%dma_wait3A_913 : memref<16x64xf32, #tpu.memory_space<vmem_shared>>)
      %dma_wait3A_914 = arith.constant 0 : i32
      %dma_wait3A_915 = arith.constant 0 : i32
      %dma_wait3A_916 = tpu.memref_slice %arg10[%dma_wait3A_914, %dma_wait3A_915] : memref<10240x64xf32, #tpu.memory_space<vmem_shared>> -> memref<16x64xf32, #tpu.memory_space<vmem_shared>>
      %dma_wait3A_917 = arith.constant 0 : i32
      %dma_wait3A_918 = arith.constant 0 : i32
      %dma_wait3A_919 = tpu.memref_slice %arg10[%dma_wait3A_917, %dma_wait3A_918] : memref<10240x64xf32, #tpu.memory_space<vmem_shared>> -> memref<16x64xf32, #tpu.memory_space<vmem_shared>>
      tpu.wait_dma2 semaphore(%arg15 : memref<!tpu.dma_semaphore, #tpu.memory_space<semaphore_mem>>) src(%arg9 : memref<16x64xf32, #tpu.memory_space<vmem>>) dst(%dma_wait3A_919 : memref<16x64xf32, #tpu.memory_space<vmem_shared>>)
      %dma_wait3A_920 = arith.constant 0 : i32
      %dma_wait3A_921 = arith.constant 0 : i32
      %dma_wait3A_922 = tpu.memref_slice %arg10[%dma_wait3A_920, %dma_wait3A_921] : memref<10240x64xf32, #tpu.memory_space<vmem_shared>> -> memref<16x64xf32, #tpu.memory_space<vmem_shared>>
      %dma_wait3A_923 = arith.constant 0 : i32
      %dma_wait3A_924 = arith.constant 0 : i32
      %dma_wait3A_925 = tpu.memref_slice %arg10[%dma_wait3A_923, %dma_wait3A_924] : memref<10240x64xf32, #tpu.memory_space<vmem_shared>> -> memref<16x64xf32, #tpu.memory_space<vmem_shared>>
      tpu.wait_dma2 semaphore(%arg15 : memref<!tpu.dma_semaphore, #tpu.memory_space<semaphore_mem>>) src(%arg9 : memref<16x64xf32, #tpu.memory_space<vmem>>) dst(%dma_wait3A_925 : memref<16x64xf32, #tpu.memory_space<vmem_shared>>)
      %dma_wait3A_926 = arith.constant 0 : i32
      %dma_wait3A_927 = arith.constant 0 : i32
      %dma_wait3A_928 = tpu.memref_slice %arg10[%dma_wait3A_926, %dma_wait3A_927] : memref<10240x64xf32, #tpu.memory_space<vmem_shared>> -> memref<16x64xf32, #tpu.memory_space<vmem_shared>>
      %dma_wait3A_929 = arith.constant 0 : i32
      %dma_wait3A_930 = arith.constant 0 : i32
      %dma_wait3A_931 = tpu.memref_slice %arg10[%dma_wait3A_929, %dma_wait3A_930] : memref<10240x64xf32, #tpu.memory_space<vmem_shared>> -> memref<16x64xf32, #tpu.memory_space<vmem_shared>>
      tpu.wait_dma2 semaphore(%arg15 : memref<!tpu.dma_semaphore, #tpu.memory_space<semaphore_mem>>) src(%arg9 : memref<16x64xf32, #tpu.memory_space<vmem>>) dst(%dma_wait3A_931 : memref<16x64xf32, #tpu.memory_space<vmem_shared>>)
    }
    %scan3A_514 = arith.constant 5 : i32
    %eq3A = arith.constant 0 : i32
    %eq3A_515 = arith.cmpi eq, %arg0, %eq3A : i32
    %convert_element_type3A = arith.extui %eq3A_515 : i1 to i32
    %cond3A = arith.constant 0 : i32
    %cond3A_516 = arith.cmpi ne, %convert_element_type3A, %cond3A : i32
    scf.if %cond3A_516 {
      %mul3A_779 = arith.constant 148 : i32
      %mul3A_780 = arith.muli %arg1, %mul3A_779 : i32
      "tpu.region"() ({
        %run_scoped3A = tpu.sem_alloc : memref<!tpu.dma_semaphore, #tpu.memory_space<semaphore_mem>>
        %dma_start3A_783 = arith.constant 0 : i32
        %dma_start3A_784 = tpu.memref_slice %arg3[%mul3A_780, %dma_start3A_783] : memref<2560x128xi32, #tpu.memory_space<hbm>> -> memref<148x128xi32, #tpu.memory_space<hbm>>
        %dma_start3A_785 = arith.constant 0 : i32
        %dma_start3A_786 = tpu.memref_slice %arg3[%mul3A_780, %dma_start3A_785] : memref<2560x128xi32, #tpu.memory_space<hbm>> -> memref<148x128xi32, #tpu.memory_space<hbm>>
        tpu.enqueue_dma source(%dma_start3A_786 : memref<148x128xi32, #tpu.memory_space<hbm>>) target(%arg6 : memref<148x128xi32, #tpu.memory_space<vmem>>) target_semaphore(%run_scoped3A : memref<!tpu.dma_semaphore, #tpu.memory_space<semaphore_mem>>)
        %dma_wait3A_787 = arith.constant 0 : i32
        %dma_wait3A_788 = tpu.memref_slice %arg3[%mul3A_780, %dma_wait3A_787] : memref<2560x128xi32, #tpu.memory_space<hbm>> -> memref<148x128xi32, #tpu.memory_space<hbm>>
        %dma_wait3A_789 = arith.constant 0 : i32
        %dma_wait3A_790 = tpu.memref_slice %arg3[%mul3A_780, %dma_wait3A_789] : memref<2560x128xi32, #tpu.memory_space<hbm>> -> memref<148x128xi32, #tpu.memory_space<hbm>>
        tpu.wait_dma2 semaphore(%run_scoped3A : memref<!tpu.dma_semaphore, #tpu.memory_space<semaphore_mem>>) src(%dma_wait3A_790 : memref<148x128xi32, #tpu.memory_space<hbm>>) dst(%arg6 : memref<148x128xi32, #tpu.memory_space<vmem>>)
        tpu.yield
      }) : () -> ()
      %mul3A_781 = arith.constant 148 : i32
      %mul3A_782 = arith.muli %arg1, %mul3A_781 : i32
      "tpu.region"() ({
        %run_scoped3A = tpu.sem_alloc : memref<!tpu.dma_semaphore, #tpu.memory_space<semaphore_mem>>
        %dma_start3A_783 = arith.constant 0 : i32
        %dma_start3A_784 = tpu.memref_slice %arg4[%mul3A_782, %dma_start3A_783] : memref<2560x128xi32, #tpu.memory_space<hbm>> -> memref<148x128xi32, #tpu.memory_space<hbm>>
        %dma_start3A_785 = arith.constant 0 : i32
        %dma_start3A_786 = tpu.memref_slice %arg4[%mul3A_782, %dma_start3A_785] : memref<2560x128xi32, #tpu.memory_space<hbm>> -> memref<148x128xi32, #tpu.memory_space<hbm>>
        tpu.enqueue_dma source(%dma_start3A_786 : memref<148x128xi32, #tpu.memory_space<hbm>>) target(%arg7 : memref<148x128xi32, #tpu.memory_space<vmem>>) target_semaphore(%run_scoped3A : memref<!tpu.dma_semaphore, #tpu.memory_space<semaphore_mem>>)
        %dma_wait3A_787 = arith.constant 0 : i32
        %dma_wait3A_788 = tpu.memref_slice %arg4[%mul3A_782, %dma_wait3A_787] : memref<2560x128xi32, #tpu.memory_space<hbm>> -> memref<148x128xi32, #tpu.memory_space<hbm>>
        %dma_wait3A_789 = arith.constant 0 : i32
        %dma_wait3A_790 = tpu.memref_slice %arg4[%mul3A_782, %dma_wait3A_789] : memref<2560x128xi32, #tpu.memory_space<hbm>> -> memref<148x128xi32, #tpu.memory_space<hbm>>
        tpu.wait_dma2 semaphore(%run_scoped3A : memref<!tpu.dma_semaphore, #tpu.memory_space<semaphore_mem>>) src(%dma_wait3A_790 : memref<148x128xi32, #tpu.memory_space<hbm>>) dst(%arg7 : memref<148x128xi32, #tpu.memory_space<vmem>>)
        tpu.yield
      }) : () -> ()
    } else {
    }
    %eq3A_517 = arith.constant 1 : i32
    %eq3A_518 = arith.cmpi eq, %arg0, %eq3A_517 : i32
    %convert_element_type3A_519 = arith.extui %eq3A_518 : i1 to i32
    %cond3A_520 = arith.constant 0 : i32
    %cond3A_521 = arith.cmpi ne, %convert_element_type3A_519, %cond3A_520 : i32
    scf.if %cond3A_521 {
      %mul3A_779 = arith.constant 12 : i32
      %mul3A_780 = arith.muli %arg1, %mul3A_779 : i32
      %add3A_781 = arith.constant 2368 : i32
      %add3A_782 = arith.addi %add3A_781, %mul3A_780 : i32
      "tpu.region"() ({
        %run_scoped3A = tpu.sem_alloc : memref<!tpu.dma_semaphore, #tpu.memory_space<semaphore_mem>>
        %dma_start3A_783 = arith.constant 0 : i32
        %dma_start3A_784 = arith.constant 0 : i32
        %dma_start3A_785 = tpu.memref_slice %arg6[%dma_start3A_783, %dma_start3A_784] : memref<148x128xi32, #tpu.memory_space<vmem>> -> memref<12x128xi32, #tpu.memory_space<vmem>>
        %dma_start3A_786 = arith.constant 0 : i32
        %dma_start3A_787 = tpu.memref_slice %arg3[%add3A_782, %dma_start3A_786] : memref<2560x128xi32, #tpu.memory_space<hbm>> -> memref<12x128xi32, #tpu.memory_space<hbm>>
        %dma_start3A_788 = arith.constant 0 : i32
        %dma_start3A_789 = arith.constant 0 : i32
        %dma_start3A_790 = tpu.memref_slice %arg6[%dma_start3A_788, %dma_start3A_789] : memref<148x128xi32, #tpu.memory_space<vmem>> -> memref<12x128xi32, #tpu.memory_space<vmem>>
        %dma_start3A_791 = arith.constant 0 : i32
        %dma_start3A_792 = tpu.memref_slice %arg3[%add3A_782, %dma_start3A_791] : memref<2560x128xi32, #tpu.memory_space<hbm>> -> memref<12x128xi32, #tpu.memory_space<hbm>>
        tpu.enqueue_dma source(%dma_start3A_792 : memref<12x128xi32, #tpu.memory_space<hbm>>) target(%dma_start3A_790 : memref<12x128xi32, #tpu.memory_space<vmem>>) target_semaphore(%run_scoped3A : memref<!tpu.dma_semaphore, #tpu.memory_space<semaphore_mem>>)
        %dma_wait3A_793 = arith.constant 0 : i32
        %dma_wait3A_794 = arith.constant 0 : i32
        %dma_wait3A_795 = tpu.memref_slice %arg6[%dma_wait3A_793, %dma_wait3A_794] : memref<148x128xi32, #tpu.memory_space<vmem>> -> memref<12x128xi32, #tpu.memory_space<vmem>>
        %dma_wait3A_796 = arith.constant 0 : i32
        %dma_wait3A_797 = tpu.memref_slice %arg3[%add3A_782, %dma_wait3A_796] : memref<2560x128xi32, #tpu.memory_space<hbm>> -> memref<12x128xi32, #tpu.memory_space<hbm>>
        %dma_wait3A_798 = arith.constant 0 : i32
        %dma_wait3A_799 = arith.constant 0 : i32
        %dma_wait3A_800 = tpu.memref_slice %arg6[%dma_wait3A_798, %dma_wait3A_799] : memref<148x128xi32, #tpu.memory_space<vmem>> -> memref<12x128xi32, #tpu.memory_space<vmem>>
        %dma_wait3A_801 = arith.constant 0 : i32
        %dma_wait3A_802 = tpu.memref_slice %arg3[%add3A_782, %dma_wait3A_801] : memref<2560x128xi32, #tpu.memory_space<hbm>> -> memref<12x128xi32, #tpu.memory_space<hbm>>
        tpu.wait_dma2 semaphore(%run_scoped3A : memref<!tpu.dma_semaphore, #tpu.memory_space<semaphore_mem>>) src(%dma_wait3A_802 : memref<12x128xi32, #tpu.memory_space<hbm>>) dst(%dma_wait3A_800 : memref<12x128xi32, #tpu.memory_space<vmem>>)
        tpu.yield
      }) : () -> ()
      "tpu.region"() ({
        %run_scoped3A = tpu.sem_alloc : memref<!tpu.dma_semaphore, #tpu.memory_space<semaphore_mem>>
        %dma_start3A_783 = arith.constant 0 : i32
        %dma_start3A_784 = arith.constant 0 : i32
        %dma_start3A_785 = tpu.memref_slice %arg7[%dma_start3A_783, %dma_start3A_784] : memref<148x128xi32, #tpu.memory_space<vmem>> -> memref<12x128xi32, #tpu.memory_space<vmem>>
        %dma_start3A_786 = arith.constant 0 : i32
        %dma_start3A_787 = tpu.memref_slice %arg4[%add3A_782, %dma_start3A_786] : memref<2560x128xi32, #tpu.memory_space<hbm>> -> memref<12x128xi32, #tpu.memory_space<hbm>>
        %dma_start3A_788 = arith.constant 0 : i32
        %dma_start3A_789 = arith.constant 0 : i32
        %dma_start3A_790 = tpu.memref_slice %arg7[%dma_start3A_788, %dma_start3A_789] : memref<148x128xi32, #tpu.memory_space<vmem>> -> memref<12x128xi32, #tpu.memory_space<vmem>>
        %dma_start3A_791 = arith.constant 0 : i32
        %dma_start3A_792 = tpu.memref_slice %arg4[%add3A_782, %dma_start3A_791] : memref<2560x128xi32, #tpu.memory_space<hbm>> -> memref<12x128xi32, #tpu.memory_space<hbm>>
        tpu.enqueue_dma source(%dma_start3A_792 : memref<12x128xi32, #tpu.memory_space<hbm>>) target(%dma_start3A_790 : memref<12x128xi32, #tpu.memory_space<vmem>>) target_semaphore(%run_scoped3A : memref<!tpu.dma_semaphore, #tpu.memory_space<semaphore_mem>>)
        %dma_wait3A_793 = arith.constant 0 : i32
        %dma_wait3A_794 = arith.constant 0 : i32
        %dma_wait3A_795 = tpu.memref_slice %arg7[%dma_wait3A_793, %dma_wait3A_794] : memref<148x128xi32, #tpu.memory_space<vmem>> -> memref<12x128xi32, #tpu.memory_space<vmem>>
        %dma_wait3A_796 = arith.constant 0 : i32
        %dma_wait3A_797 = tpu.memref_slice %arg4[%add3A_782, %dma_wait3A_796] : memref<2560x128xi32, #tpu.memory_space<hbm>> -> memref<12x128xi32, #tpu.memory_space<hbm>>
        %dma_wait3A_798 = arith.constant 0 : i32
        %dma_wait3A_799 = arith.constant 0 : i32
        %dma_wait3A_800 = tpu.memref_slice %arg7[%dma_wait3A_798, %dma_wait3A_799] : memref<148x128xi32, #tpu.memory_space<vmem>> -> memref<12x128xi32, #tpu.memory_space<vmem>>
        %dma_wait3A_801 = arith.constant 0 : i32
        %dma_wait3A_802 = tpu.memref_slice %arg4[%add3A_782, %dma_wait3A_801] : memref<2560x128xi32, #tpu.memory_space<hbm>> -> memref<12x128xi32, #tpu.memory_space<hbm>>
        tpu.wait_dma2 semaphore(%run_scoped3A : memref<!tpu.dma_semaphore, #tpu.memory_space<semaphore_mem>>) src(%dma_wait3A_802 : memref<12x128xi32, #tpu.memory_space<hbm>>) dst(%dma_wait3A_800 : memref<12x128xi32, #tpu.memory_space<vmem>>)
        tpu.yield
      }) : () -> ()
    } else {
    }
    %barrier3A = arith.constant 0 : index
    tpu.barrier barrier_id(%barrier3A)
    %dma_start3A = arith.constant 0 : i32
    %dma_start3A_522 = arith.constant 0 : i32
    %dma_start3A_523 = arith.constant 0 : i32
    %dma_start3A_524 = arith.constant 0 : i32
    %dma_start3A_525 = arith.constant 0 : i32
    %dma_start3A_526 = tpu.memref_slice %arg8[%dma_start3A_522, %dma_start3A_523, %dma_start3A_524, %dma_start3A_525] : memref<2x2x128x64xf32, #tpu.memory_space<vmem>> -> memref<1x1x128x64xf32, #tpu.memory_space<vmem>>
    %dma_start3A_527 = tpu.memref_squeeze %dma_start3A_526 : memref<1x1x128x64xf32, #tpu.memory_space<vmem>> -> memref<128x64xf32, #tpu.memory_space<vmem>>
    %dma_start3A_528 = arith.constant 0 : i32
    %dma_start3A_529 = tpu.memref_slice %arg6[%dma_start3A, %dma_start3A_528] : memref<148x128xi32, #tpu.memory_space<vmem>> -> memref<1x128xi32, #tpu.memory_space<vmem>>
    %dma_start3A_530 = tpu.memref_squeeze %dma_start3A_529 : memref<1x128xi32, #tpu.memory_space<vmem>> -> memref<128xi32, #tpu.memory_space<vmem>>
    %dma_start3A_531 = arith.constant 0 : i32
    %dma_start3A_532 = arith.constant 0 : i32
    %dma_start3A_533 = tpu.memref_slice %arg2[%dma_start3A_531, %dma_start3A_532] : memref<10240x64xf32, #tpu.memory_space<hbm>> -> memref<10240x64xf32, #tpu.memory_space<hbm>>
    tpu.enqueue_indirect_dma source(%dma_start3A_533 : memref<10240x64xf32, #tpu.memory_space<hbm>>) target(%dma_start3A_527 : memref<128x64xf32, #tpu.memory_space<vmem>>) offsets(%dma_start3A_530 : memref<128xi32, #tpu.memory_space<vmem>>) semaphore(%arg11 : memref<!tpu.dma_semaphore, #tpu.memory_space<semaphore_mem>>)
    %dma_start3A_534 = arith.constant 1 : i32
    %dma_start3A_535 = arith.constant 0 : i32
    %dma_start3A_536 = arith.constant 1 : i32
    %dma_start3A_537 = arith.constant 0 : i32
    %dma_start3A_538 = arith.constant 0 : i32
    %dma_start3A_539 = tpu.memref_slice %arg8[%dma_start3A_535, %dma_start3A_536, %dma_start3A_537, %dma_start3A_538] : memref<2x2x128x64xf32, #tpu.memory_space<vmem>> -> memref<1x1x128x64xf32, #tpu.memory_space<vmem>>
    %dma_start3A_540 = tpu.memref_squeeze %dma_start3A_539 : memref<1x1x128x64xf32, #tpu.memory_space<vmem>> -> memref<128x64xf32, #tpu.memory_space<vmem>>
    %dma_start3A_541 = arith.constant 0 : i32
    %dma_start3A_542 = tpu.memref_slice %arg6[%dma_start3A_534, %dma_start3A_541] : memref<148x128xi32, #tpu.memory_space<vmem>> -> memref<1x128xi32, #tpu.memory_space<vmem>>
    %dma_start3A_543 = tpu.memref_squeeze %dma_start3A_542 : memref<1x128xi32, #tpu.memory_space<vmem>> -> memref<128xi32, #tpu.memory_space<vmem>>
    %dma_start3A_544 = arith.constant 0 : i32
    %dma_start3A_545 = arith.constant 0 : i32
    %dma_start3A_546 = tpu.memref_slice %arg2[%dma_start3A_544, %dma_start3A_545] : memref<10240x64xf32, #tpu.memory_space<hbm>> -> memref<10240x64xf32, #tpu.memory_space<hbm>>
    tpu.enqueue_indirect_dma source(%dma_start3A_546 : memref<10240x64xf32, #tpu.memory_space<hbm>>) target(%dma_start3A_540 : memref<128x64xf32, #tpu.memory_space<vmem>>) offsets(%dma_start3A_543 : memref<128xi32, #tpu.memory_space<vmem>>) semaphore(%arg11 : memref<!tpu.dma_semaphore, #tpu.memory_space<semaphore_mem>>)
    %dma_start3A_547 = arith.constant 2 : i32
    %dma_start3A_548 = arith.constant 1 : i32
    %dma_start3A_549 = arith.constant 0 : i32
    %dma_start3A_550 = arith.constant 0 : i32
    %dma_start3A_551 = arith.constant 0 : i32
    %dma_start3A_552 = tpu.memref_slice %arg8[%dma_start3A_548, %dma_start3A_549, %dma_start3A_550, %dma_start3A_551] : memref<2x2x128x64xf32, #tpu.memory_space<vmem>> -> memref<1x1x128x64xf32, #tpu.memory_space<vmem>>
    %dma_start3A_553 = tpu.memref_squeeze %dma_start3A_552 : memref<1x1x128x64xf32, #tpu.memory_space<vmem>> -> memref<128x64xf32, #tpu.memory_space<vmem>>
    %dma_start3A_554 = arith.constant 0 : i32
    %dma_start3A_555 = tpu.memref_slice %arg6[%dma_start3A_547, %dma_start3A_554] : memref<148x128xi32, #tpu.memory_space<vmem>> -> memref<1x128xi32, #tpu.memory_space<vmem>>
    %dma_start3A_556 = tpu.memref_squeeze %dma_start3A_555 : memref<1x128xi32, #tpu.memory_space<vmem>> -> memref<128xi32, #tpu.memory_space<vmem>>
    %dma_start3A_557 = arith.constant 0 : i32
    %dma_start3A_558 = arith.constant 0 : i32
    %dma_start3A_559 = tpu.memref_slice %arg2[%dma_start3A_557, %dma_start3A_558] : memref<10240x64xf32, #tpu.memory_space<hbm>> -> memref<10240x64xf32, #tpu.memory_space<hbm>>
    tpu.enqueue_indirect_dma source(%dma_start3A_559 : memref<10240x64xf32, #tpu.memory_space<hbm>>) target(%dma_start3A_553 : memref<128x64xf32, #tpu.memory_space<vmem>>) offsets(%dma_start3A_556 : memref<128xi32, #tpu.memory_space<vmem>>) semaphore(%arg12 : memref<!tpu.dma_semaphore, #tpu.memory_space<semaphore_mem>>)
    %dma_start3A_560 = arith.constant 3 : i32
    %dma_start3A_561 = arith.constant 1 : i32
    %dma_start3A_562 = arith.constant 1 : i32
    %dma_start3A_563 = arith.constant 0 : i32
    %dma_start3A_564 = arith.constant 0 : i32
    %dma_start3A_565 = tpu.memref_slice %arg8[%dma_start3A_561, %dma_start3A_562, %dma_start3A_563, %dma_start3A_564] : memref<2x2x128x64xf32, #tpu.memory_space<vmem>> -> memref<1x1x128x64xf32, #tpu.memory_space<vmem>>
    %dma_start3A_566 = tpu.memref_squeeze %dma_start3A_565 : memref<1x1x128x64xf32, #tpu.memory_space<vmem>> -> memref<128x64xf32, #tpu.memory_space<vmem>>
    %dma_start3A_567 = arith.constant 0 : i32
    %dma_start3A_568 = tpu.memref_slice %arg6[%dma_start3A_560, %dma_start3A_567] : memref<148x128xi32, #tpu.memory_space<vmem>> -> memref<1x128xi32, #tpu.memory_space<vmem>>
    %dma_start3A_569 = tpu.memref_squeeze %dma_start3A_568 : memref<1x128xi32, #tpu.memory_space<vmem>> -> memref<128xi32, #tpu.memory_space<vmem>>
    %dma_start3A_570 = arith.constant 0 : i32
    %dma_start3A_571 = arith.constant 0 : i32
    %dma_start3A_572 = tpu.memref_slice %arg2[%dma_start3A_570, %dma_start3A_571] : memref<10240x64xf32, #tpu.memory_space<hbm>> -> memref<10240x64xf32, #tpu.memory_space<hbm>>
    tpu.enqueue_indirect_dma source(%dma_start3A_572 : memref<10240x64xf32, #tpu.memory_space<hbm>>) target(%dma_start3A_566 : memref<128x64xf32, #tpu.memory_space<vmem>>) offsets(%dma_start3A_569 : memref<128xi32, #tpu.memory_space<vmem>>) semaphore(%arg12 : memref<!tpu.dma_semaphore, #tpu.memory_space<semaphore_mem>>)
    %eq3A_573 = arith.constant 0 : i32
    %eq3A_574 = arith.cmpi eq, %arg0, %eq3A_573 : i32
    %jit3A = arith.constant 74 : i32
    %jit3A_575 = arith.constant 6 : i32
    %select_n3A = arith.select %eq3A_574, %jit3A, %jit3A_575 : i32
    %jit3A_576 = arith.constant 2 : i32
    %div3A = arith.divsi %select_n3A, %jit3A_576 : i32
    %sign3A = arith.constant 0 : i32
    %sign3A_577 = arith.cmpi sgt, %select_n3A, %sign3A : i32
    %sign3A_578 = arith.extui %sign3A_577 : i1 to i32
    %sign3A_579 = arith.constant 0 : i32
    %sign3A_580 = arith.cmpi slt, %select_n3A, %sign3A_579 : i32
    %sign3A_581 = arith.extui %sign3A_580 : i1 to i32
    %sign3A_582 = arith.subi %sign3A_578, %sign3A_581 : i32
    %sign3A_583 = arith.constant 0 : i32
    %sign3A_584 = arith.cmpi sgt, %jit3A_576, %sign3A_583 : i32
    %sign3A_585 = arith.extui %sign3A_584 : i1 to i32
    %sign3A_586 = arith.constant 0 : i32
    %sign3A_587 = arith.cmpi slt, %jit3A_576, %sign3A_586 : i32
    %sign3A_588 = arith.extui %sign3A_587 : i1 to i32
    %sign3A_589 = arith.subi %sign3A_585, %sign3A_588 : i32
    %ne3A = arith.cmpi ne, %sign3A_582, %sign3A_589 : i32
    %rem3A = arith.remsi %select_n3A, %jit3A_576 : i32
    %ne3A_590 = arith.constant 0 : i32
    %ne3A_591 = arith.cmpi ne, %rem3A, %ne3A_590 : i32
    %and3A = arith.andi %ne3A, %ne3A_591 : i1
    %sub3A = arith.constant 1 : i32
    %sub3A_592 = arith.subi %div3A, %sub3A : i32
    %select_n3A_593 = arith.select %and3A, %sub3A_592, %div3A : i32
    %sub3A_594 = arith.constant 1 : i32
    %sub3A_595 = arith.subi %select_n3A_593, %sub3A_594 : i32
    %while3A = arith.constant 0 : i32
    %while3A_596 = arith.constant 0 : i32
    %while3A_597 = arith.subi %sub3A_595, %while3A_596 : i32
    %while3A_598 = arith.addi %while3A_596, %while3A_597 : i32
    %while3A_599 = arith.constant 1 : i32
    %while3A_600 = arith.divsi %while3A_597, %while3A_599 : i32
    %while3A_601 = arith.muli %while3A_600, %while3A_599 : i32
    %while3A_602 = arith.addi %while3A_596, %while3A_601 : i32
    %while3A_603 = arith.constant 1 : i32
    scf.for %while3A_779 = %while3A_596 to %while3A_602 step %while3A_603  : i32 {
      %mul3A_780 = arith.constant 2 : i32
      %mul3A_781 = arith.muli %mul3A_780, %while3A_779 : i32
      %dma_wait3A_782 = arith.constant 0 : i32
      %dma_wait3A_783 = arith.constant 0 : i32
      %dma_wait3A_784 = arith.constant 0 : i32
      %dma_wait3A_785 = arith.constant 0 : i32
      %dma_wait3A_786 = arith.constant 0 : i32
      %dma_wait3A_787 = tpu.memref_slice %arg8[%dma_wait3A_783, %dma_wait3A_784, %dma_wait3A_785, %dma_wait3A_786] : memref<2x2x128x64xf32, #tpu.memory_space<vmem>> -> memref<1x1x128x64xf32, #tpu.memory_space<vmem>>
      %dma_wait3A_788 = tpu.memref_squeeze %dma_wait3A_787 : memref<1x1x128x64xf32, #tpu.memory_space<vmem>> -> memref<128x64xf32, #tpu.memory_space<vmem>>
      %dma_wait3A_789 = arith.constant 0 : i32
      %dma_wait3A_790 = tpu.memref_slice %arg6[%dma_wait3A_782, %dma_wait3A_789] : memref<148x128xi32, #tpu.memory_space<vmem>> -> memref<1x128xi32, #tpu.memory_space<vmem>>
      %dma_wait3A_791 = tpu.memref_squeeze %dma_wait3A_790 : memref<1x128xi32, #tpu.memory_space<vmem>> -> memref<128xi32, #tpu.memory_space<vmem>>
      %dma_wait3A_792 = arith.constant 0 : i32
      %dma_wait3A_793 = arith.constant 0 : i32
      %dma_wait3A_794 = tpu.memref_slice %arg2[%dma_wait3A_792, %dma_wait3A_793] : memref<10240x64xf32, #tpu.memory_space<hbm>> -> memref<10240x64xf32, #tpu.memory_space<hbm>>
      tpu.wait_indirect_dma semaphore(%arg11 : memref<!tpu.dma_semaphore, #tpu.memory_space<semaphore_mem>>) src(%dma_wait3A_794 : memref<10240x64xf32, #tpu.memory_space<hbm>>) dst(%dma_wait3A_788 : memref<128x64xf32, #tpu.memory_space<vmem>>)
      %dma_wait3A_795 = arith.constant 0 : i32
      %dma_wait3A_796 = arith.constant 0 : i32
      %dma_wait3A_797 = arith.constant 1 : i32
      %dma_wait3A_798 = arith.constant 0 : i32
      %dma_wait3A_799 = arith.constant 0 : i32
      %dma_wait3A_800 = tpu.memref_slice %arg8[%dma_wait3A_796, %dma_wait3A_797, %dma_wait3A_798, %dma_wait3A_799] : memref<2x2x128x64xf32, #tpu.memory_space<vmem>> -> memref<1x1x128x64xf32, #tpu.memory_space<vmem>>
      %dma_wait3A_801 = tpu.memref_squeeze %dma_wait3A_800 : memref<1x1x128x64xf32, #tpu.memory_space<vmem>> -> memref<128x64xf32, #tpu.memory_space<vmem>>
      %dma_wait3A_802 = arith.constant 0 : i32
      %dma_wait3A_803 = tpu.memref_slice %arg6[%dma_wait3A_795, %dma_wait3A_802] : memref<148x128xi32, #tpu.memory_space<vmem>> -> memref<1x128xi32, #tpu.memory_space<vmem>>
      %dma_wait3A_804 = tpu.memref_squeeze %dma_wait3A_803 : memref<1x128xi32, #tpu.memory_space<vmem>> -> memref<128xi32, #tpu.memory_space<vmem>>
      %dma_wait3A_805 = arith.constant 0 : i32
      %dma_wait3A_806 = arith.constant 0 : i32
      %dma_wait3A_807 = tpu.memref_slice %arg2[%dma_wait3A_805, %dma_wait3A_806] : memref<10240x64xf32, #tpu.memory_space<hbm>> -> memref<10240x64xf32, #tpu.memory_space<hbm>>
      tpu.wait_indirect_dma semaphore(%arg11 : memref<!tpu.dma_semaphore, #tpu.memory_space<semaphore_mem>>) src(%dma_wait3A_807 : memref<10240x64xf32, #tpu.memory_space<hbm>>) dst(%dma_wait3A_801 : memref<128x64xf32, #tpu.memory_space<vmem>>)
      %mul3A_808 = arith.constant 2 : i32
      %mul3A_809 = arith.muli %mul3A_781, %mul3A_808 : i32
      %add3A_810 = arith.constant 0 : i32
      %add3A_811 = arith.addi %mul3A_809, %add3A_810 : i32
      %dma_start3A_812 = arith.constant 0 : i32
      %dma_start3A_813 = arith.constant 0 : i32
      %dma_start3A_814 = arith.constant 0 : i32
      %dma_start3A_815 = arith.constant 0 : i32
      %dma_start3A_816 = tpu.memref_slice %arg8[%dma_start3A_812, %dma_start3A_813, %dma_start3A_814, %dma_start3A_815] : memref<2x2x128x64xf32, #tpu.memory_space<vmem>> -> memref<1x1x128x64xf32, #tpu.memory_space<vmem>>
      %dma_start3A_817 = tpu.memref_squeeze %dma_start3A_816 : memref<1x1x128x64xf32, #tpu.memory_space<vmem>> -> memref<128x64xf32, #tpu.memory_space<vmem>>
      %dma_start3A_818 = arith.constant 0 : i32
      %dma_start3A_819 = tpu.memref_slice %arg7[%add3A_811, %dma_start3A_818] : memref<148x128xi32, #tpu.memory_space<vmem>> -> memref<1x128xi32, #tpu.memory_space<vmem>>
      %dma_start3A_820 = tpu.memref_squeeze %dma_start3A_819 : memref<1x128xi32, #tpu.memory_space<vmem>> -> memref<128xi32, #tpu.memory_space<vmem>>
      %dma_start3A_821 = arith.constant 0 : i32
      %dma_start3A_822 = arith.constant 0 : i32
      %dma_start3A_823 = tpu.memref_slice %arg10[%dma_start3A_821, %dma_start3A_822] : memref<10240x64xf32, #tpu.memory_space<vmem_shared>> -> memref<10240x64xf32, #tpu.memory_space<vmem_shared>>
      tpu.enqueue_indirect_dma source(%dma_start3A_817 : memref<128x64xf32, #tpu.memory_space<vmem>>) target(%dma_start3A_823 : memref<10240x64xf32, #tpu.memory_space<vmem_shared>>) offsets(%dma_start3A_820 : memref<128xi32, #tpu.memory_space<vmem>>) semaphore(%arg13 : memref<!tpu.dma_semaphore, #tpu.memory_space<semaphore_mem>>) {add = true}
      %mul3A_824 = arith.constant 2 : i32
      %mul3A_825 = arith.muli %mul3A_781, %mul3A_824 : i32
      %add3A_826 = arith.constant 1 : i32
      %add3A_827 = arith.addi %mul3A_825, %add3A_826 : i32
      %dma_start3A_828 = arith.constant 0 : i32
      %dma_start3A_829 = arith.constant 1 : i32
      %dma_start3A_830 = arith.constant 0 : i32
      %dma_start3A_831 = arith.constant 0 : i32
      %dma_start3A_832 = tpu.memref_slice %arg8[%dma_start3A_828, %dma_start3A_829, %dma_start3A_830, %dma_start3A_831] : memref<2x2x128x64xf32, #tpu.memory_space<vmem>> -> memref<1x1x128x64xf32, #tpu.memory_space<vmem>>
      %dma_start3A_833 = tpu.memref_squeeze %dma_start3A_832 : memref<1x1x128x64xf32, #tpu.memory_space<vmem>> -> memref<128x64xf32, #tpu.memory_space<vmem>>
      %dma_start3A_834 = arith.constant 0 : i32
      %dma_start3A_835 = tpu.memref_slice %arg7[%add3A_827, %dma_start3A_834] : memref<148x128xi32, #tpu.memory_space<vmem>> -> memref<1x128xi32, #tpu.memory_space<vmem>>
      %dma_start3A_836 = tpu.memref_squeeze %dma_start3A_835 : memref<1x128xi32, #tpu.memory_space<vmem>> -> memref<128xi32, #tpu.memory_space<vmem>>
      %dma_start3A_837 = arith.constant 0 : i32
      %dma_start3A_838 = arith.constant 0 : i32
      %dma_start3A_839 = tpu.memref_slice %arg10[%dma_start3A_837, %dma_start3A_838] : memref<10240x64xf32, #tpu.memory_space<vmem_shared>> -> memref<10240x64xf32, #tpu.memory_space<vmem_shared>>
      tpu.enqueue_indirect_dma source(%dma_start3A_833 : memref<128x64xf32, #tpu.memory_space<vmem>>) target(%dma_start3A_839 : memref<10240x64xf32, #tpu.memory_space<vmem_shared>>) offsets(%dma_start3A_836 : memref<128xi32, #tpu.memory_space<vmem>>) semaphore(%arg13 : memref<!tpu.dma_semaphore, #tpu.memory_space<semaphore_mem>>) {add = true}
      %dma_wait3A_840 = arith.constant 0 : i32
      %dma_wait3A_841 = arith.constant 0 : i32
      %dma_wait3A_842 = arith.constant 0 : i32
      %dma_wait3A_843 = arith.constant 0 : i32
      %dma_wait3A_844 = arith.constant 0 : i32
      %dma_wait3A_845 = tpu.memref_slice %arg8[%dma_wait3A_840, %dma_wait3A_841, %dma_wait3A_843, %dma_wait3A_844] : memref<2x2x128x64xf32, #tpu.memory_space<vmem>> -> memref<1x1x128x64xf32, #tpu.memory_space<vmem>>
      %dma_wait3A_846 = tpu.memref_squeeze %dma_wait3A_845 : memref<1x1x128x64xf32, #tpu.memory_space<vmem>> -> memref<128x64xf32, #tpu.memory_space<vmem>>
      %dma_wait3A_847 = arith.constant 0 : i32
      %dma_wait3A_848 = tpu.memref_slice %arg7[%dma_wait3A_842, %dma_wait3A_847] : memref<148x128xi32, #tpu.memory_space<vmem>> -> memref<1x128xi32, #tpu.memory_space<vmem>>
      %dma_wait3A_849 = tpu.memref_squeeze %dma_wait3A_848 : memref<1x128xi32, #tpu.memory_space<vmem>> -> memref<128xi32, #tpu.memory_space<vmem>>
      %dma_wait3A_850 = arith.constant 0 : i32
      %dma_wait3A_851 = arith.constant 0 : i32
      %dma_wait3A_852 = tpu.memref_slice %arg10[%dma_wait3A_850, %dma_wait3A_851] : memref<10240x64xf32, #tpu.memory_space<vmem_shared>> -> memref<10240x64xf32, #tpu.memory_space<vmem_shared>>
      tpu.wait_indirect_dma semaphore(%arg13 : memref<!tpu.dma_semaphore, #tpu.memory_space<semaphore_mem>>) src(%dma_wait3A_846 : memref<128x64xf32, #tpu.memory_space<vmem>>) dst(%dma_wait3A_852 : memref<10240x64xf32, #tpu.memory_space<vmem_shared>>)
      %dma_wait3A_853 = arith.constant 0 : i32
      %dma_wait3A_854 = arith.constant 1 : i32
      %dma_wait3A_855 = arith.constant 0 : i32
      %dma_wait3A_856 = arith.constant 0 : i32
      %dma_wait3A_857 = arith.constant 0 : i32
      %dma_wait3A_858 = tpu.memref_slice %arg8[%dma_wait3A_853, %dma_wait3A_854, %dma_wait3A_856, %dma_wait3A_857] : memref<2x2x128x64xf32, #tpu.memory_space<vmem>> -> memref<1x1x128x64xf32, #tpu.memory_space<vmem>>
      %dma_wait3A_859 = tpu.memref_squeeze %dma_wait3A_858 : memref<1x1x128x64xf32, #tpu.memory_space<vmem>> -> memref<128x64xf32, #tpu.memory_space<vmem>>
      %dma_wait3A_860 = arith.constant 0 : i32
      %dma_wait3A_861 = tpu.memref_slice %arg7[%dma_wait3A_855, %dma_wait3A_860] : memref<148x128xi32, #tpu.memory_space<vmem>> -> memref<1x128xi32, #tpu.memory_space<vmem>>
      %dma_wait3A_862 = tpu.memref_squeeze %dma_wait3A_861 : memref<1x128xi32, #tpu.memory_space<vmem>> -> memref<128xi32, #tpu.memory_space<vmem>>
      %dma_wait3A_863 = arith.constant 0 : i32
      %dma_wait3A_864 = arith.constant 0 : i32
      %dma_wait3A_865 = tpu.memref_slice %arg10[%dma_wait3A_863, %dma_wait3A_864] : memref<10240x64xf32, #tpu.memory_space<vmem_shared>> -> memref<10240x64xf32, #tpu.memory_space<vmem_shared>>
      tpu.wait_indirect_dma semaphore(%arg13 : memref<!tpu.dma_semaphore, #tpu.memory_space<semaphore_mem>>) src(%dma_wait3A_859 : memref<128x64xf32, #tpu.memory_space<vmem>>) dst(%dma_wait3A_865 : memref<10240x64xf32, #tpu.memory_space<vmem_shared>>)
      %add3A_866 = arith.constant 2 : i32
      %add3A_867 = arith.addi %mul3A_781, %add3A_866 : i32
      %mul3A_868 = arith.constant 2 : i32
      %mul3A_869 = arith.muli %add3A_867, %mul3A_868 : i32
      %add3A_870 = arith.constant 0 : i32
      %add3A_871 = arith.addi %mul3A_869, %add3A_870 : i32
      %dma_start3A_872 = arith.constant 0 : i32
      %dma_start3A_873 = arith.constant 0 : i32
      %dma_start3A_874 = arith.constant 0 : i32
      %dma_start3A_875 = arith.constant 0 : i32
      %dma_start3A_876 = tpu.memref_slice %arg8[%dma_start3A_872, %dma_start3A_873, %dma_start3A_874, %dma_start3A_875] : memref<2x2x128x64xf32, #tpu.memory_space<vmem>> -> memref<1x1x128x64xf32, #tpu.memory_space<vmem>>
      %dma_start3A_877 = tpu.memref_squeeze %dma_start3A_876 : memref<1x1x128x64xf32, #tpu.memory_space<vmem>> -> memref<128x64xf32, #tpu.memory_space<vmem>>
      %dma_start3A_878 = arith.constant 0 : i32
      %dma_start3A_879 = tpu.memref_slice %arg6[%add3A_871, %dma_start3A_878] : memref<148x128xi32, #tpu.memory_space<vmem>> -> memref<1x128xi32, #tpu.memory_space<vmem>>
      %dma_start3A_880 = tpu.memref_squeeze %dma_start3A_879 : memref<1x128xi32, #tpu.memory_space<vmem>> -> memref<128xi32, #tpu.memory_space<vmem>>
      %dma_start3A_881 = arith.constant 0 : i32
      %dma_start3A_882 = arith.constant 0 : i32
      %dma_start3A_883 = tpu.memref_slice %arg2[%dma_start3A_881, %dma_start3A_882] : memref<10240x64xf32, #tpu.memory_space<hbm>> -> memref<10240x64xf32, #tpu.memory_space<hbm>>
      tpu.enqueue_indirect_dma source(%dma_start3A_883 : memref<10240x64xf32, #tpu.memory_space<hbm>>) target(%dma_start3A_877 : memref<128x64xf32, #tpu.memory_space<vmem>>) offsets(%dma_start3A_880 : memref<128xi32, #tpu.memory_space<vmem>>) semaphore(%arg11 : memref<!tpu.dma_semaphore, #tpu.memory_space<semaphore_mem>>)
      %mul3A_884 = arith.constant 2 : i32
      %mul3A_885 = arith.muli %add3A_867, %mul3A_884 : i32
      %add3A_886 = arith.constant 1 : i32
      %add3A_887 = arith.addi %mul3A_885, %add3A_886 : i32
      %dma_start3A_888 = arith.constant 0 : i32
      %dma_start3A_889 = arith.constant 1 : i32
      %dma_start3A_890 = arith.constant 0 : i32
      %dma_start3A_891 = arith.constant 0 : i32
      %dma_start3A_892 = tpu.memref_slice %arg8[%dma_start3A_888, %dma_start3A_889, %dma_start3A_890, %dma_start3A_891] : memref<2x2x128x64xf32, #tpu.memory_space<vmem>> -> memref<1x1x128x64xf32, #tpu.memory_space<vmem>>
      %dma_start3A_893 = tpu.memref_squeeze %dma_start3A_892 : memref<1x1x128x64xf32, #tpu.memory_space<vmem>> -> memref<128x64xf32, #tpu.memory_space<vmem>>
      %dma_start3A_894 = arith.constant 0 : i32
      %dma_start3A_895 = tpu.memref_slice %arg6[%add3A_887, %dma_start3A_894] : memref<148x128xi32, #tpu.memory_space<vmem>> -> memref<1x128xi32, #tpu.memory_space<vmem>>
      %dma_start3A_896 = tpu.memref_squeeze %dma_start3A_895 : memref<1x128xi32, #tpu.memory_space<vmem>> -> memref<128xi32, #tpu.memory_space<vmem>>
      %dma_start3A_897 = arith.constant 0 : i32
      %dma_start3A_898 = arith.constant 0 : i32
      %dma_start3A_899 = tpu.memref_slice %arg2[%dma_start3A_897, %dma_start3A_898] : memref<10240x64xf32, #tpu.memory_space<hbm>> -> memref<10240x64xf32, #tpu.memory_space<hbm>>
      tpu.enqueue_indirect_dma source(%dma_start3A_899 : memref<10240x64xf32, #tpu.memory_space<hbm>>) target(%dma_start3A_893 : memref<128x64xf32, #tpu.memory_space<vmem>>) offsets(%dma_start3A_896 : memref<128xi32, #tpu.memory_space<vmem>>) semaphore(%arg11 : memref<!tpu.dma_semaphore, #tpu.memory_space<semaphore_mem>>)
      %mul3A_900 = arith.constant 2 : i32
      %mul3A_901 = arith.muli %mul3A_900, %while3A_779 : i32
      %add3A_902 = arith.constant 1 : i32
      %add3A_903 = arith.addi %mul3A_901, %add3A_902 : i32
      %dma_wait3A_904 = arith.constant 0 : i32
      %dma_wait3A_905 = arith.constant 1 : i32
      %dma_wait3A_906 = arith.constant 0 : i32
      %dma_wait3A_907 = arith.constant 0 : i32
      %dma_wait3A_908 = arith.constant 0 : i32
      %dma_wait3A_909 = tpu.memref_slice %arg8[%dma_wait3A_905, %dma_wait3A_906, %dma_wait3A_907, %dma_wait3A_908] : memref<2x2x128x64xf32, #tpu.memory_space<vmem>> -> memref<1x1x128x64xf32, #tpu.memory_space<vmem>>
      %dma_wait3A_910 = tpu.memref_squeeze %dma_wait3A_909 : memref<1x1x128x64xf32, #tpu.memory_space<vmem>> -> memref<128x64xf32, #tpu.memory_space<vmem>>
      %dma_wait3A_911 = arith.constant 0 : i32
      %dma_wait3A_912 = tpu.memref_slice %arg6[%dma_wait3A_904, %dma_wait3A_911] : memref<148x128xi32, #tpu.memory_space<vmem>> -> memref<1x128xi32, #tpu.memory_space<vmem>>
      %dma_wait3A_913 = tpu.memref_squeeze %dma_wait3A_912 : memref<1x128xi32, #tpu.memory_space<vmem>> -> memref<128xi32, #tpu.memory_space<vmem>>
      %dma_wait3A_914 = arith.constant 0 : i32
      %dma_wait3A_915 = arith.constant 0 : i32
      %dma_wait3A_916 = tpu.memref_slice %arg2[%dma_wait3A_914, %dma_wait3A_915] : memref<10240x64xf32, #tpu.memory_space<hbm>> -> memref<10240x64xf32, #tpu.memory_space<hbm>>
      tpu.wait_indirect_dma semaphore(%arg12 : memref<!tpu.dma_semaphore, #tpu.memory_space<semaphore_mem>>) src(%dma_wait3A_916 : memref<10240x64xf32, #tpu.memory_space<hbm>>) dst(%dma_wait3A_910 : memref<128x64xf32, #tpu.memory_space<vmem>>)
      %dma_wait3A_917 = arith.constant 0 : i32
      %dma_wait3A_918 = arith.constant 1 : i32
      %dma_wait3A_919 = arith.constant 1 : i32
      %dma_wait3A_920 = arith.constant 0 : i32
      %dma_wait3A_921 = arith.constant 0 : i32
      %dma_wait3A_922 = tpu.memref_slice %arg8[%dma_wait3A_918, %dma_wait3A_919, %dma_wait3A_920, %dma_wait3A_921] : memref<2x2x128x64xf32, #tpu.memory_space<vmem>> -> memref<1x1x128x64xf32, #tpu.memory_space<vmem>>
      %dma_wait3A_923 = tpu.memref_squeeze %dma_wait3A_922 : memref<1x1x128x64xf32, #tpu.memory_space<vmem>> -> memref<128x64xf32, #tpu.memory_space<vmem>>
      %dma_wait3A_924 = arith.constant 0 : i32
      %dma_wait3A_925 = tpu.memref_slice %arg6[%dma_wait3A_917, %dma_wait3A_924] : memref<148x128xi32, #tpu.memory_space<vmem>> -> memref<1x128xi32, #tpu.memory_space<vmem>>
      %dma_wait3A_926 = tpu.memref_squeeze %dma_wait3A_925 : memref<1x128xi32, #tpu.memory_space<vmem>> -> memref<128xi32, #tpu.memory_space<vmem>>
      %dma_wait3A_927 = arith.constant 0 : i32
      %dma_wait3A_928 = arith.constant 0 : i32
      %dma_wait3A_929 = tpu.memref_slice %arg2[%dma_wait3A_927, %dma_wait3A_928] : memref<10240x64xf32, #tpu.memory_space<hbm>> -> memref<10240x64xf32, #tpu.memory_space<hbm>>
      tpu.wait_indirect_dma semaphore(%arg12 : memref<!tpu.dma_semaphore, #tpu.memory_space<semaphore_mem>>) src(%dma_wait3A_929 : memref<10240x64xf32, #tpu.memory_space<hbm>>) dst(%dma_wait3A_923 : memref<128x64xf32, #tpu.memory_space<vmem>>)
      %mul3A_930 = arith.constant 2 : i32
      %mul3A_931 = arith.muli %add3A_903, %mul3A_930 : i32
      %add3A_932 = arith.constant 0 : i32
      %add3A_933 = arith.addi %mul3A_931, %add3A_932 : i32
      %dma_start3A_934 = arith.constant 1 : i32
      %dma_start3A_935 = arith.constant 0 : i32
      %dma_start3A_936 = arith.constant 0 : i32
      %dma_start3A_937 = arith.constant 0 : i32
      %dma_start3A_938 = tpu.memref_slice %arg8[%dma_start3A_934, %dma_start3A_935, %dma_start3A_936, %dma_start3A_937] : memref<2x2x128x64xf32, #tpu.memory_space<vmem>> -> memref<1x1x128x64xf32, #tpu.memory_space<vmem>>
      %dma_start3A_939 = tpu.memref_squeeze %dma_start3A_938 : memref<1x1x128x64xf32, #tpu.memory_space<vmem>> -> memref<128x64xf32, #tpu.memory_space<vmem>>
      %dma_start3A_940 = arith.constant 0 : i32
      %dma_start3A_941 = tpu.memref_slice %arg7[%add3A_933, %dma_start3A_940] : memref<148x128xi32, #tpu.memory_space<vmem>> -> memref<1x128xi32, #tpu.memory_space<vmem>>
      %dma_start3A_942 = tpu.memref_squeeze %dma_start3A_941 : memref<1x128xi32, #tpu.memory_space<vmem>> -> memref<128xi32, #tpu.memory_space<vmem>>
      %dma_start3A_943 = arith.constant 0 : i32
      %dma_start3A_944 = arith.constant 0 : i32
      %dma_start3A_945 = tpu.memref_slice %arg10[%dma_start3A_943, %dma_start3A_944] : memref<10240x64xf32, #tpu.memory_space<vmem_shared>> -> memref<10240x64xf32, #tpu.memory_space<vmem_shared>>
      tpu.enqueue_indirect_dma source(%dma_start3A_939 : memref<128x64xf32, #tpu.memory_space<vmem>>) target(%dma_start3A_945 : memref<10240x64xf32, #tpu.memory_space<vmem_shared>>) offsets(%dma_start3A_942 : memref<128xi32, #tpu.memory_space<vmem>>) semaphore(%arg14 : memref<!tpu.dma_semaphore, #tpu.memory_space<semaphore_mem>>) {add = true}
      %mul3A_946 = arith.constant 2 : i32
      %mul3A_947 = arith.muli %add3A_903, %mul3A_946 : i32
      %add3A_948 = arith.constant 1 : i32
      %add3A_949 = arith.addi %mul3A_947, %add3A_948 : i32
      %dma_start3A_950 = arith.constant 1 : i32
      %dma_start3A_951 = arith.constant 1 : i32
      %dma_start3A_952 = arith.constant 0 : i32
      %dma_start3A_953 = arith.constant 0 : i32
      %dma_start3A_954 = tpu.memref_slice %arg8[%dma_start3A_950, %dma_start3A_951, %dma_start3A_952, %dma_start3A_953] : memref<2x2x128x64xf32, #tpu.memory_space<vmem>> -> memref<1x1x128x64xf32, #tpu.memory_space<vmem>>
      %dma_start3A_955 = tpu.memref_squeeze %dma_start3A_954 : memref<1x1x128x64xf32, #tpu.memory_space<vmem>> -> memref<128x64xf32, #tpu.memory_space<vmem>>
      %dma_start3A_956 = arith.constant 0 : i32
      %dma_start3A_957 = tpu.memref_slice %arg7[%add3A_949, %dma_start3A_956] : memref<148x128xi32, #tpu.memory_space<vmem>> -> memref<1x128xi32, #tpu.memory_space<vmem>>
      %dma_start3A_958 = tpu.memref_squeeze %dma_start3A_957 : memref<1x128xi32, #tpu.memory_space<vmem>> -> memref<128xi32, #tpu.memory_space<vmem>>
      %dma_start3A_959 = arith.constant 0 : i32
      %dma_start3A_960 = arith.constant 0 : i32
      %dma_start3A_961 = tpu.memref_slice %arg10[%dma_start3A_959, %dma_start3A_960] : memref<10240x64xf32, #tpu.memory_space<vmem_shared>> -> memref<10240x64xf32, #tpu.memory_space<vmem_shared>>
      tpu.enqueue_indirect_dma source(%dma_start3A_955 : memref<128x64xf32, #tpu.memory_space<vmem>>) target(%dma_start3A_961 : memref<10240x64xf32, #tpu.memory_space<vmem_shared>>) offsets(%dma_start3A_958 : memref<128xi32, #tpu.memory_space<vmem>>) semaphore(%arg14 : memref<!tpu.dma_semaphore, #tpu.memory_space<semaphore_mem>>) {add = true}
      %dma_wait3A_962 = arith.constant 1 : i32
      %dma_wait3A_963 = arith.constant 0 : i32
      %dma_wait3A_964 = arith.constant 0 : i32
      %dma_wait3A_965 = arith.constant 0 : i32
      %dma_wait3A_966 = arith.constant 0 : i32
      %dma_wait3A_967 = tpu.memref_slice %arg8[%dma_wait3A_962, %dma_wait3A_963, %dma_wait3A_965, %dma_wait3A_966] : memref<2x2x128x64xf32, #tpu.memory_space<vmem>> -> memref<1x1x128x64xf32, #tpu.memory_space<vmem>>
      %dma_wait3A_968 = tpu.memref_squeeze %dma_wait3A_967 : memref<1x1x128x64xf32, #tpu.memory_space<vmem>> -> memref<128x64xf32, #tpu.memory_space<vmem>>
      %dma_wait3A_969 = arith.constant 0 : i32
      %dma_wait3A_970 = tpu.memref_slice %arg7[%dma_wait3A_964, %dma_wait3A_969] : memref<148x128xi32, #tpu.memory_space<vmem>> -> memref<1x128xi32, #tpu.memory_space<vmem>>
      %dma_wait3A_971 = tpu.memref_squeeze %dma_wait3A_970 : memref<1x128xi32, #tpu.memory_space<vmem>> -> memref<128xi32, #tpu.memory_space<vmem>>
      %dma_wait3A_972 = arith.constant 0 : i32
      %dma_wait3A_973 = arith.constant 0 : i32
      %dma_wait3A_974 = tpu.memref_slice %arg10[%dma_wait3A_972, %dma_wait3A_973] : memref<10240x64xf32, #tpu.memory_space<vmem_shared>> -> memref<10240x64xf32, #tpu.memory_space<vmem_shared>>
      tpu.wait_indirect_dma semaphore(%arg14 : memref<!tpu.dma_semaphore, #tpu.memory_space<semaphore_mem>>) src(%dma_wait3A_968 : memref<128x64xf32, #tpu.memory_space<vmem>>) dst(%dma_wait3A_974 : memref<10240x64xf32, #tpu.memory_space<vmem_shared>>)
      %dma_wait3A_975 = arith.constant 1 : i32
      %dma_wait3A_976 = arith.constant 1 : i32
      %dma_wait3A_977 = arith.constant 0 : i32
      %dma_wait3A_978 = arith.constant 0 : i32
      %dma_wait3A_979 = arith.constant 0 : i32
      %dma_wait3A_980 = tpu.memref_slice %arg8[%dma_wait3A_975, %dma_wait3A_976, %dma_wait3A_978, %dma_wait3A_979] : memref<2x2x128x64xf32, #tpu.memory_space<vmem>> -> memref<1x1x128x64xf32, #tpu.memory_space<vmem>>
      %dma_wait3A_981 = tpu.memref_squeeze %dma_wait3A_980 : memref<1x1x128x64xf32, #tpu.memory_space<vmem>> -> memref<128x64xf32, #tpu.memory_space<vmem>>
      %dma_wait3A_982 = arith.constant 0 : i32
      %dma_wait3A_983 = tpu.memref_slice %arg7[%dma_wait3A_977, %dma_wait3A_982] : memref<148x128xi32, #tpu.memory_space<vmem>> -> memref<1x128xi32, #tpu.memory_space<vmem>>
      %dma_wait3A_984 = tpu.memref_squeeze %dma_wait3A_983 : memref<1x128xi32, #tpu.memory_space<vmem>> -> memref<128xi32, #tpu.memory_space<vmem>>
      %dma_wait3A_985 = arith.constant 0 : i32
      %dma_wait3A_986 = arith.constant 0 : i32
      %dma_wait3A_987 = tpu.memref_slice %arg10[%dma_wait3A_985, %dma_wait3A_986] : memref<10240x64xf32, #tpu.memory_space<vmem_shared>> -> memref<10240x64xf32, #tpu.memory_space<vmem_shared>>
      tpu.wait_indirect_dma semaphore(%arg14 : memref<!tpu.dma_semaphore, #tpu.memory_space<semaphore_mem>>) src(%dma_wait3A_981 : memref<128x64xf32, #tpu.memory_space<vmem>>) dst(%dma_wait3A_987 : memref<10240x64xf32, #tpu.memory_space<vmem_shared>>)
      %add3A_988 = arith.constant 2 : i32
      %add3A_989 = arith.addi %add3A_903, %add3A_988 : i32
      %mul3A_990 = arith.constant 2 : i32
      %mul3A_991 = arith.muli %add3A_989, %mul3A_990 : i32
      %add3A_992 = arith.constant 0 : i32
      %add3A_993 = arith.addi %mul3A_991, %add3A_992 : i32
      %dma_start3A_994 = arith.constant 1 : i32
      %dma_start3A_995 = arith.constant 0 : i32
      %dma_start3A_996 = arith.constant 0 : i32
      %dma_start3A_997 = arith.constant 0 : i32
      %dma_start3A_998 = tpu.memref_slice %arg8[%dma_start3A_994, %dma_start3A_995, %dma_start3A_996, %dma_start3A_997] : memref<2x2x128x64xf32, #tpu.memory_space<vmem>> -> memref<1x1x128x64xf32, #tpu.memory_space<vmem>>
      %dma_start3A_999 = tpu.memref_squeeze %dma_start3A_998 : memref<1x1x128x64xf32, #tpu.memory_space<vmem>> -> memref<128x64xf32, #tpu.memory_space<vmem>>
      %dma_start3A_1000 = arith.constant 0 : i32
      %dma_start3A_1001 = tpu.memref_slice %arg6[%add3A_993, %dma_start3A_1000] : memref<148x128xi32, #tpu.memory_space<vmem>> -> memref<1x128xi32, #tpu.memory_space<vmem>>
      %dma_start3A_1002 = tpu.memref_squeeze %dma_start3A_1001 : memref<1x128xi32, #tpu.memory_space<vmem>> -> memref<128xi32, #tpu.memory_space<vmem>>
      %dma_start3A_1003 = arith.constant 0 : i32
      %dma_start3A_1004 = arith.constant 0 : i32
      %dma_start3A_1005 = tpu.memref_slice %arg2[%dma_start3A_1003, %dma_start3A_1004] : memref<10240x64xf32, #tpu.memory_space<hbm>> -> memref<10240x64xf32, #tpu.memory_space<hbm>>
      tpu.enqueue_indirect_dma source(%dma_start3A_1005 : memref<10240x64xf32, #tpu.memory_space<hbm>>) target(%dma_start3A_999 : memref<128x64xf32, #tpu.memory_space<vmem>>) offsets(%dma_start3A_1002 : memref<128xi32, #tpu.memory_space<vmem>>) semaphore(%arg12 : memref<!tpu.dma_semaphore, #tpu.memory_space<semaphore_mem>>)
      %mul3A_1006 = arith.constant 2 : i32
      %mul3A_1007 = arith.muli %add3A_989, %mul3A_1006 : i32
      %add3A_1008 = arith.constant 1 : i32
      %add3A_1009 = arith.addi %mul3A_1007, %add3A_1008 : i32
      %dma_start3A_1010 = arith.constant 1 : i32
      %dma_start3A_1011 = arith.constant 1 : i32
      %dma_start3A_1012 = arith.constant 0 : i32
      %dma_start3A_1013 = arith.constant 0 : i32
      %dma_start3A_1014 = tpu.memref_slice %arg8[%dma_start3A_1010, %dma_start3A_1011, %dma_start3A_1012, %dma_start3A_1013] : memref<2x2x128x64xf32, #tpu.memory_space<vmem>> -> memref<1x1x128x64xf32, #tpu.memory_space<vmem>>
      %dma_start3A_1015 = tpu.memref_squeeze %dma_start3A_1014 : memref<1x1x128x64xf32, #tpu.memory_space<vmem>> -> memref<128x64xf32, #tpu.memory_space<vmem>>
      %dma_start3A_1016 = arith.constant 0 : i32
      %dma_start3A_1017 = tpu.memref_slice %arg6[%add3A_1009, %dma_start3A_1016] : memref<148x128xi32, #tpu.memory_space<vmem>> -> memref<1x128xi32, #tpu.memory_space<vmem>>
      %dma_start3A_1018 = tpu.memref_squeeze %dma_start3A_1017 : memref<1x128xi32, #tpu.memory_space<vmem>> -> memref<128xi32, #tpu.memory_space<vmem>>
      %dma_start3A_1019 = arith.constant 0 : i32
      %dma_start3A_1020 = arith.constant 0 : i32
      %dma_start3A_1021 = tpu.memref_slice %arg2[%dma_start3A_1019, %dma_start3A_1020] : memref<10240x64xf32, #tpu.memory_space<hbm>> -> memref<10240x64xf32, #tpu.memory_space<hbm>>
      tpu.enqueue_indirect_dma source(%dma_start3A_1021 : memref<10240x64xf32, #tpu.memory_space<hbm>>) target(%dma_start3A_1015 : memref<128x64xf32, #tpu.memory_space<vmem>>) offsets(%dma_start3A_1018 : memref<128xi32, #tpu.memory_space<vmem>>) semaphore(%arg12 : memref<!tpu.dma_semaphore, #tpu.memory_space<semaphore_mem>>)
    }
    %while3A_604 = arith.constant 1 : i32
    scf.for %while3A_779 = %while3A_602 to %while3A_598 step %while3A_604  : i32 {
      %mul3A_780 = arith.constant 2 : i32
      %mul3A_781 = arith.muli %mul3A_780, %while3A_779 : i32
      %dma_wait3A_782 = arith.constant 0 : i32
      %dma_wait3A_783 = arith.constant 0 : i32
      %dma_wait3A_784 = arith.constant 0 : i32
      %dma_wait3A_785 = arith.constant 0 : i32
      %dma_wait3A_786 = arith.constant 0 : i32
      %dma_wait3A_787 = tpu.memref_slice %arg8[%dma_wait3A_783, %dma_wait3A_784, %dma_wait3A_785, %dma_wait3A_786] : memref<2x2x128x64xf32, #tpu.memory_space<vmem>> -> memref<1x1x128x64xf32, #tpu.memory_space<vmem>>
      %dma_wait3A_788 = tpu.memref_squeeze %dma_wait3A_787 : memref<1x1x128x64xf32, #tpu.memory_space<vmem>> -> memref<128x64xf32, #tpu.memory_space<vmem>>
      %dma_wait3A_789 = arith.constant 0 : i32
      %dma_wait3A_790 = tpu.memref_slice %arg6[%dma_wait3A_782, %dma_wait3A_789] : memref<148x128xi32, #tpu.memory_space<vmem>> -> memref<1x128xi32, #tpu.memory_space<vmem>>
      %dma_wait3A_791 = tpu.memref_squeeze %dma_wait3A_790 : memref<1x128xi32, #tpu.memory_space<vmem>> -> memref<128xi32, #tpu.memory_space<vmem>>
      %dma_wait3A_792 = arith.constant 0 : i32
      %dma_wait3A_793 = arith.constant 0 : i32
      %dma_wait3A_794 = tpu.memref_slice %arg2[%dma_wait3A_792, %dma_wait3A_793] : memref<10240x64xf32, #tpu.memory_space<hbm>> -> memref<10240x64xf32, #tpu.memory_space<hbm>>
      tpu.wait_indirect_dma semaphore(%arg11 : memref<!tpu.dma_semaphore, #tpu.memory_space<semaphore_mem>>) src(%dma_wait3A_794 : memref<10240x64xf32, #tpu.memory_space<hbm>>) dst(%dma_wait3A_788 : memref<128x64xf32, #tpu.memory_space<vmem>>)
      %dma_wait3A_795 = arith.constant 0 : i32
      %dma_wait3A_796 = arith.constant 0 : i32
      %dma_wait3A_797 = arith.constant 1 : i32
      %dma_wait3A_798 = arith.constant 0 : i32
      %dma_wait3A_799 = arith.constant 0 : i32
      %dma_wait3A_800 = tpu.memref_slice %arg8[%dma_wait3A_796, %dma_wait3A_797, %dma_wait3A_798, %dma_wait3A_799] : memref<2x2x128x64xf32, #tpu.memory_space<vmem>> -> memref<1x1x128x64xf32, #tpu.memory_space<vmem>>
      %dma_wait3A_801 = tpu.memref_squeeze %dma_wait3A_800 : memref<1x1x128x64xf32, #tpu.memory_space<vmem>> -> memref<128x64xf32, #tpu.memory_space<vmem>>
      %dma_wait3A_802 = arith.constant 0 : i32
      %dma_wait3A_803 = tpu.memref_slice %arg6[%dma_wait3A_795, %dma_wait3A_802] : memref<148x128xi32, #tpu.memory_space<vmem>> -> memref<1x128xi32, #tpu.memory_space<vmem>>
      %dma_wait3A_804 = tpu.memref_squeeze %dma_wait3A_803 : memref<1x128xi32, #tpu.memory_space<vmem>> -> memref<128xi32, #tpu.memory_space<vmem>>
      %dma_wait3A_805 = arith.constant 0 : i32
      %dma_wait3A_806 = arith.constant 0 : i32
      %dma_wait3A_807 = tpu.memref_slice %arg2[%dma_wait3A_805, %dma_wait3A_806] : memref<10240x64xf32, #tpu.memory_space<hbm>> -> memref<10240x64xf32, #tpu.memory_space<hbm>>
      tpu.wait_indirect_dma semaphore(%arg11 : memref<!tpu.dma_semaphore, #tpu.memory_space<semaphore_mem>>) src(%dma_wait3A_807 : memref<10240x64xf32, #tpu.memory_space<hbm>>) dst(%dma_wait3A_801 : memref<128x64xf32, #tpu.memory_space<vmem>>)
      %mul3A_808 = arith.constant 2 : i32
      %mul3A_809 = arith.muli %mul3A_781, %mul3A_808 : i32
      %add3A_810 = arith.constant 0 : i32
      %add3A_811 = arith.addi %mul3A_809, %add3A_810 : i32
      %dma_start3A_812 = arith.constant 0 : i32
      %dma_start3A_813 = arith.constant 0 : i32
      %dma_start3A_814 = arith.constant 0 : i32
      %dma_start3A_815 = arith.constant 0 : i32
      %dma_start3A_816 = tpu.memref_slice %arg8[%dma_start3A_812, %dma_start3A_813, %dma_start3A_814, %dma_start3A_815] : memref<2x2x128x64xf32, #tpu.memory_space<vmem>> -> memref<1x1x128x64xf32, #tpu.memory_space<vmem>>
      %dma_start3A_817 = tpu.memref_squeeze %dma_start3A_816 : memref<1x1x128x64xf32, #tpu.memory_space<vmem>> -> memref<128x64xf32, #tpu.memory_space<vmem>>
      %dma_start3A_818 = arith.constant 0 : i32
      %dma_start3A_819 = tpu.memref_slice %arg7[%add3A_811, %dma_start3A_818] : memref<148x128xi32, #tpu.memory_space<vmem>> -> memref<1x128xi32, #tpu.memory_space<vmem>>
      %dma_start3A_820 = tpu.memref_squeeze %dma_start3A_819 : memref<1x128xi32, #tpu.memory_space<vmem>> -> memref<128xi32, #tpu.memory_space<vmem>>
      %dma_start3A_821 = arith.constant 0 : i32
      %dma_start3A_822 = arith.constant 0 : i32
      %dma_start3A_823 = tpu.memref_slice %arg10[%dma_start3A_821, %dma_start3A_822] : memref<10240x64xf32, #tpu.memory_space<vmem_shared>> -> memref<10240x64xf32, #tpu.memory_space<vmem_shared>>
      tpu.enqueue_indirect_dma source(%dma_start3A_817 : memref<128x64xf32, #tpu.memory_space<vmem>>) target(%dma_start3A_823 : memref<10240x64xf32, #tpu.memory_space<vmem_shared>>) offsets(%dma_start3A_820 : memref<128xi32, #tpu.memory_space<vmem>>) semaphore(%arg13 : memref<!tpu.dma_semaphore, #tpu.memory_space<semaphore_mem>>) {add = true}
      %mul3A_824 = arith.constant 2 : i32
      %mul3A_825 = arith.muli %mul3A_781, %mul3A_824 : i32
      %add3A_826 = arith.constant 1 : i32
      %add3A_827 = arith.addi %mul3A_825, %add3A_826 : i32
      %dma_start3A_828 = arith.constant 0 : i32
      %dma_start3A_829 = arith.constant 1 : i32
      %dma_start3A_830 = arith.constant 0 : i32
      %dma_start3A_831 = arith.constant 0 : i32
      %dma_start3A_832 = tpu.memref_slice %arg8[%dma_start3A_828, %dma_start3A_829, %dma_start3A_830, %dma_start3A_831] : memref<2x2x128x64xf32, #tpu.memory_space<vmem>> -> memref<1x1x128x64xf32, #tpu.memory_space<vmem>>
      %dma_start3A_833 = tpu.memref_squeeze %dma_start3A_832 : memref<1x1x128x64xf32, #tpu.memory_space<vmem>> -> memref<128x64xf32, #tpu.memory_space<vmem>>
      %dma_start3A_834 = arith.constant 0 : i32
      %dma_start3A_835 = tpu.memref_slice %arg7[%add3A_827, %dma_start3A_834] : memref<148x128xi32, #tpu.memory_space<vmem>> -> memref<1x128xi32, #tpu.memory_space<vmem>>
      %dma_start3A_836 = tpu.memref_squeeze %dma_start3A_835 : memref<1x128xi32, #tpu.memory_space<vmem>> -> memref<128xi32, #tpu.memory_space<vmem>>
      %dma_start3A_837 = arith.constant 0 : i32
      %dma_start3A_838 = arith.constant 0 : i32
      %dma_start3A_839 = tpu.memref_slice %arg10[%dma_start3A_837, %dma_start3A_838] : memref<10240x64xf32, #tpu.memory_space<vmem_shared>> -> memref<10240x64xf32, #tpu.memory_space<vmem_shared>>
      tpu.enqueue_indirect_dma source(%dma_start3A_833 : memref<128x64xf32, #tpu.memory_space<vmem>>) target(%dma_start3A_839 : memref<10240x64xf32, #tpu.memory_space<vmem_shared>>) offsets(%dma_start3A_836 : memref<128xi32, #tpu.memory_space<vmem>>) semaphore(%arg13 : memref<!tpu.dma_semaphore, #tpu.memory_space<semaphore_mem>>) {add = true}
      %dma_wait3A_840 = arith.constant 0 : i32
      %dma_wait3A_841 = arith.constant 0 : i32
      %dma_wait3A_842 = arith.constant 0 : i32
      %dma_wait3A_843 = arith.constant 0 : i32
      %dma_wait3A_844 = arith.constant 0 : i32
      %dma_wait3A_845 = tpu.memref_slice %arg8[%dma_wait3A_840, %dma_wait3A_841, %dma_wait3A_843, %dma_wait3A_844] : memref<2x2x128x64xf32, #tpu.memory_space<vmem>> -> memref<1x1x128x64xf32, #tpu.memory_space<vmem>>
      %dma_wait3A_846 = tpu.memref_squeeze %dma_wait3A_845 : memref<1x1x128x64xf32, #tpu.memory_space<vmem>> -> memref<128x64xf32, #tpu.memory_space<vmem>>
      %dma_wait3A_847 = arith.constant 0 : i32
      %dma_wait3A_848 = tpu.memref_slice %arg7[%dma_wait3A_842, %dma_wait3A_847] : memref<148x128xi32, #tpu.memory_space<vmem>> -> memref<1x128xi32, #tpu.memory_space<vmem>>
      %dma_wait3A_849 = tpu.memref_squeeze %dma_wait3A_848 : memref<1x128xi32, #tpu.memory_space<vmem>> -> memref<128xi32, #tpu.memory_space<vmem>>
      %dma_wait3A_850 = arith.constant 0 : i32
      %dma_wait3A_851 = arith.constant 0 : i32
      %dma_wait3A_852 = tpu.memref_slice %arg10[%dma_wait3A_850, %dma_wait3A_851] : memref<10240x64xf32, #tpu.memory_space<vmem_shared>> -> memref<10240x64xf32, #tpu.memory_space<vmem_shared>>
      tpu.wait_indirect_dma semaphore(%arg13 : memref<!tpu.dma_semaphore, #tpu.memory_space<semaphore_mem>>) src(%dma_wait3A_846 : memref<128x64xf32, #tpu.memory_space<vmem>>) dst(%dma_wait3A_852 : memref<10240x64xf32, #tpu.memory_space<vmem_shared>>)
      %dma_wait3A_853 = arith.constant 0 : i32
      %dma_wait3A_854 = arith.constant 1 : i32
      %dma_wait3A_855 = arith.constant 0 : i32
      %dma_wait3A_856 = arith.constant 0 : i32
      %dma_wait3A_857 = arith.constant 0 : i32
      %dma_wait3A_858 = tpu.memref_slice %arg8[%dma_wait3A_853, %dma_wait3A_854, %dma_wait3A_856, %dma_wait3A_857] : memref<2x2x128x64xf32, #tpu.memory_space<vmem>> -> memref<1x1x128x64xf32, #tpu.memory_space<vmem>>
      %dma_wait3A_859 = tpu.memref_squeeze %dma_wait3A_858 : memref<1x1x128x64xf32, #tpu.memory_space<vmem>> -> memref<128x64xf32, #tpu.memory_space<vmem>>
      %dma_wait3A_860 = arith.constant 0 : i32
      %dma_wait3A_861 = tpu.memref_slice %arg7[%dma_wait3A_855, %dma_wait3A_860] : memref<148x128xi32, #tpu.memory_space<vmem>> -> memref<1x128xi32, #tpu.memory_space<vmem>>
      %dma_wait3A_862 = tpu.memref_squeeze %dma_wait3A_861 : memref<1x128xi32, #tpu.memory_space<vmem>> -> memref<128xi32, #tpu.memory_space<vmem>>
      %dma_wait3A_863 = arith.constant 0 : i32
      %dma_wait3A_864 = arith.constant 0 : i32
      %dma_wait3A_865 = tpu.memref_slice %arg10[%dma_wait3A_863, %dma_wait3A_864] : memref<10240x64xf32, #tpu.memory_space<vmem_shared>> -> memref<10240x64xf32, #tpu.memory_space<vmem_shared>>
      tpu.wait_indirect_dma semaphore(%arg13 : memref<!tpu.dma_semaphore, #tpu.memory_space<semaphore_mem>>) src(%dma_wait3A_859 : memref<128x64xf32, #tpu.memory_space<vmem>>) dst(%dma_wait3A_865 : memref<10240x64xf32, #tpu.memory_space<vmem_shared>>)
      %add3A_866 = arith.constant 2 : i32
      %add3A_867 = arith.addi %mul3A_781, %add3A_866 : i32
      %mul3A_868 = arith.constant 2 : i32
      %mul3A_869 = arith.muli %add3A_867, %mul3A_868 : i32
      %add3A_870 = arith.constant 0 : i32
      %add3A_871 = arith.addi %mul3A_869, %add3A_870 : i32
      %dma_start3A_872 = arith.constant 0 : i32
      %dma_start3A_873 = arith.constant 0 : i32
      %dma_start3A_874 = arith.constant 0 : i32
      %dma_start3A_875 = arith.constant 0 : i32
      %dma_start3A_876 = tpu.memref_slice %arg8[%dma_start3A_872, %dma_start3A_873, %dma_start3A_874, %dma_start3A_875] : memref<2x2x128x64xf32, #tpu.memory_space<vmem>> -> memref<1x1x128x64xf32, #tpu.memory_space<vmem>>
      %dma_start3A_877 = tpu.memref_squeeze %dma_start3A_876 : memref<1x1x128x64xf32, #tpu.memory_space<vmem>> -> memref<128x64xf32, #tpu.memory_space<vmem>>
      %dma_start3A_878 = arith.constant 0 : i32
      %dma_start3A_879 = tpu.memref_slice %arg6[%add3A_871, %dma_start3A_878] : memref<148x128xi32, #tpu.memory_space<vmem>> -> memref<1x128xi32, #tpu.memory_space<vmem>>
      %dma_start3A_880 = tpu.memref_squeeze %dma_start3A_879 : memref<1x128xi32, #tpu.memory_space<vmem>> -> memref<128xi32, #tpu.memory_space<vmem>>
      %dma_start3A_881 = arith.constant 0 : i32
      %dma_start3A_882 = arith.constant 0 : i32
      %dma_start3A_883 = tpu.memref_slice %arg2[%dma_start3A_881, %dma_start3A_882] : memref<10240x64xf32, #tpu.memory_space<hbm>> -> memref<10240x64xf32, #tpu.memory_space<hbm>>
      tpu.enqueue_indirect_dma source(%dma_start3A_883 : memref<10240x64xf32, #tpu.memory_space<hbm>>) target(%dma_start3A_877 : memref<128x64xf32, #tpu.memory_space<vmem>>) offsets(%dma_start3A_880 : memref<128xi32, #tpu.memory_space<vmem>>) semaphore(%arg11 : memref<!tpu.dma_semaphore, #tpu.memory_space<semaphore_mem>>)
      %mul3A_884 = arith.constant 2 : i32
      %mul3A_885 = arith.muli %add3A_867, %mul3A_884 : i32
      %add3A_886 = arith.constant 1 : i32
      %add3A_887 = arith.addi %mul3A_885, %add3A_886 : i32
      %dma_start3A_888 = arith.constant 0 : i32
      %dma_start3A_889 = arith.constant 1 : i32
      %dma_start3A_890 = arith.constant 0 : i32
      %dma_start3A_891 = arith.constant 0 : i32
      %dma_start3A_892 = tpu.memref_slice %arg8[%dma_start3A_888, %dma_start3A_889, %dma_start3A_890, %dma_start3A_891] : memref<2x2x128x64xf32, #tpu.memory_space<vmem>> -> memref<1x1x128x64xf32, #tpu.memory_space<vmem>>
      %dma_start3A_893 = tpu.memref_squeeze %dma_start3A_892 : memref<1x1x128x64xf32, #tpu.memory_space<vmem>> -> memref<128x64xf32, #tpu.memory_space<vmem>>
      %dma_start3A_894 = arith.constant 0 : i32
      %dma_start3A_895 = tpu.memref_slice %arg6[%add3A_887, %dma_start3A_894] : memref<148x128xi32, #tpu.memory_space<vmem>> -> memref<1x128xi32, #tpu.memory_space<vmem>>
      %dma_start3A_896 = tpu.memref_squeeze %dma_start3A_895 : memref<1x128xi32, #tpu.memory_space<vmem>> -> memref<128xi32, #tpu.memory_space<vmem>>
      %dma_start3A_897 = arith.constant 0 : i32
      %dma_start3A_898 = arith.constant 0 : i32
      %dma_start3A_899 = tpu.memref_slice %arg2[%dma_start3A_897, %dma_start3A_898] : memref<10240x64xf32, #tpu.memory_space<hbm>> -> memref<10240x64xf32, #tpu.memory_space<hbm>>
      tpu.enqueue_indirect_dma source(%dma_start3A_899 : memref<10240x64xf32, #tpu.memory_space<hbm>>) target(%dma_start3A_893 : memref<128x64xf32, #tpu.memory_space<vmem>>) offsets(%dma_start3A_896 : memref<128xi32, #tpu.memory_space<vmem>>) semaphore(%arg11 : memref<!tpu.dma_semaphore, #tpu.memory_space<semaphore_mem>>)
      %mul3A_900 = arith.constant 2 : i32
      %mul3A_901 = arith.muli %mul3A_900, %while3A_779 : i32
      %add3A_902 = arith.constant 1 : i32
      %add3A_903 = arith.addi %mul3A_901, %add3A_902 : i32
      %dma_wait3A_904 = arith.constant 0 : i32
      %dma_wait3A_905 = arith.constant 1 : i32
      %dma_wait3A_906 = arith.constant 0 : i32
      %dma_wait3A_907 = arith.constant 0 : i32
      %dma_wait3A_908 = arith.constant 0 : i32
      %dma_wait3A_909 = tpu.memref_slice %arg8[%dma_wait3A_905, %dma_wait3A_906, %dma_wait3A_907, %dma_wait3A_908] : memref<2x2x128x64xf32, #tpu.memory_space<vmem>> -> memref<1x1x128x64xf32, #tpu.memory_space<vmem>>
      %dma_wait3A_910 = tpu.memref_squeeze %dma_wait3A_909 : memref<1x1x128x64xf32, #tpu.memory_space<vmem>> -> memref<128x64xf32, #tpu.memory_space<vmem>>
      %dma_wait3A_911 = arith.constant 0 : i32
      %dma_wait3A_912 = tpu.memref_slice %arg6[%dma_wait3A_904, %dma_wait3A_911] : memref<148x128xi32, #tpu.memory_space<vmem>> -> memref<1x128xi32, #tpu.memory_space<vmem>>
      %dma_wait3A_913 = tpu.memref_squeeze %dma_wait3A_912 : memref<1x128xi32, #tpu.memory_space<vmem>> -> memref<128xi32, #tpu.memory_space<vmem>>
      %dma_wait3A_914 = arith.constant 0 : i32
      %dma_wait3A_915 = arith.constant 0 : i32
      %dma_wait3A_916 = tpu.memref_slice %arg2[%dma_wait3A_914, %dma_wait3A_915] : memref<10240x64xf32, #tpu.memory_space<hbm>> -> memref<10240x64xf32, #tpu.memory_space<hbm>>
      tpu.wait_indirect_dma semaphore(%arg12 : memref<!tpu.dma_semaphore, #tpu.memory_space<semaphore_mem>>) src(%dma_wait3A_916 : memref<10240x64xf32, #tpu.memory_space<hbm>>) dst(%dma_wait3A_910 : memref<128x64xf32, #tpu.memory_space<vmem>>)
      %dma_wait3A_917 = arith.constant 0 : i32
      %dma_wait3A_918 = arith.constant 1 : i32
      %dma_wait3A_919 = arith.constant 1 : i32
      %dma_wait3A_920 = arith.constant 0 : i32
      %dma_wait3A_921 = arith.constant 0 : i32
      %dma_wait3A_922 = tpu.memref_slice %arg8[%dma_wait3A_918, %dma_wait3A_919, %dma_wait3A_920, %dma_wait3A_921] : memref<2x2x128x64xf32, #tpu.memory_space<vmem>> -> memref<1x1x128x64xf32, #tpu.memory_space<vmem>>
      %dma_wait3A_923 = tpu.memref_squeeze %dma_wait3A_922 : memref<1x1x128x64xf32, #tpu.memory_space<vmem>> -> memref<128x64xf32, #tpu.memory_space<vmem>>
      %dma_wait3A_924 = arith.constant 0 : i32
      %dma_wait3A_925 = tpu.memref_slice %arg6[%dma_wait3A_917, %dma_wait3A_924] : memref<148x128xi32, #tpu.memory_space<vmem>> -> memref<1x128xi32, #tpu.memory_space<vmem>>
      %dma_wait3A_926 = tpu.memref_squeeze %dma_wait3A_925 : memref<1x128xi32, #tpu.memory_space<vmem>> -> memref<128xi32, #tpu.memory_space<vmem>>
      %dma_wait3A_927 = arith.constant 0 : i32
      %dma_wait3A_928 = arith.constant 0 : i32
      %dma_wait3A_929 = tpu.memref_slice %arg2[%dma_wait3A_927, %dma_wait3A_928] : memref<10240x64xf32, #tpu.memory_space<hbm>> -> memref<10240x64xf32, #tpu.memory_space<hbm>>
      tpu.wait_indirect_dma semaphore(%arg12 : memref<!tpu.dma_semaphore, #tpu.memory_space<semaphore_mem>>) src(%dma_wait3A_929 : memref<10240x64xf32, #tpu.memory_space<hbm>>) dst(%dma_wait3A_923 : memref<128x64xf32, #tpu.memory_space<vmem>>)
      %mul3A_930 = arith.constant 2 : i32
      %mul3A_931 = arith.muli %add3A_903, %mul3A_930 : i32
      %add3A_932 = arith.constant 0 : i32
      %add3A_933 = arith.addi %mul3A_931, %add3A_932 : i32
      %dma_start3A_934 = arith.constant 1 : i32
      %dma_start3A_935 = arith.constant 0 : i32
      %dma_start3A_936 = arith.constant 0 : i32
      %dma_start3A_937 = arith.constant 0 : i32
      %dma_start3A_938 = tpu.memref_slice %arg8[%dma_start3A_934, %dma_start3A_935, %dma_start3A_936, %dma_start3A_937] : memref<2x2x128x64xf32, #tpu.memory_space<vmem>> -> memref<1x1x128x64xf32, #tpu.memory_space<vmem>>
      %dma_start3A_939 = tpu.memref_squeeze %dma_start3A_938 : memref<1x1x128x64xf32, #tpu.memory_space<vmem>> -> memref<128x64xf32, #tpu.memory_space<vmem>>
      %dma_start3A_940 = arith.constant 0 : i32
      %dma_start3A_941 = tpu.memref_slice %arg7[%add3A_933, %dma_start3A_940] : memref<148x128xi32, #tpu.memory_space<vmem>> -> memref<1x128xi32, #tpu.memory_space<vmem>>
      %dma_start3A_942 = tpu.memref_squeeze %dma_start3A_941 : memref<1x128xi32, #tpu.memory_space<vmem>> -> memref<128xi32, #tpu.memory_space<vmem>>
      %dma_start3A_943 = arith.constant 0 : i32
      %dma_start3A_944 = arith.constant 0 : i32
      %dma_start3A_945 = tpu.memref_slice %arg10[%dma_start3A_943, %dma_start3A_944] : memref<10240x64xf32, #tpu.memory_space<vmem_shared>> -> memref<10240x64xf32, #tpu.memory_space<vmem_shared>>
      tpu.enqueue_indirect_dma source(%dma_start3A_939 : memref<128x64xf32, #tpu.memory_space<vmem>>) target(%dma_start3A_945 : memref<10240x64xf32, #tpu.memory_space<vmem_shared>>) offsets(%dma_start3A_942 : memref<128xi32, #tpu.memory_space<vmem>>) semaphore(%arg14 : memref<!tpu.dma_semaphore, #tpu.memory_space<semaphore_mem>>) {add = true}
      %mul3A_946 = arith.constant 2 : i32
      %mul3A_947 = arith.muli %add3A_903, %mul3A_946 : i32
      %add3A_948 = arith.constant 1 : i32
      %add3A_949 = arith.addi %mul3A_947, %add3A_948 : i32
      %dma_start3A_950 = arith.constant 1 : i32
      %dma_start3A_951 = arith.constant 1 : i32
      %dma_start3A_952 = arith.constant 0 : i32
      %dma_start3A_953 = arith.constant 0 : i32
      %dma_start3A_954 = tpu.memref_slice %arg8[%dma_start3A_950, %dma_start3A_951, %dma_start3A_952, %dma_start3A_953] : memref<2x2x128x64xf32, #tpu.memory_space<vmem>> -> memref<1x1x128x64xf32, #tpu.memory_space<vmem>>
      %dma_start3A_955 = tpu.memref_squeeze %dma_start3A_954 : memref<1x1x128x64xf32, #tpu.memory_space<vmem>> -> memref<128x64xf32, #tpu.memory_space<vmem>>
      %dma_start3A_956 = arith.constant 0 : i32
      %dma_start3A_957 = tpu.memref_slice %arg7[%add3A_949, %dma_start3A_956] : memref<148x128xi32, #tpu.memory_space<vmem>> -> memref<1x128xi32, #tpu.memory_space<vmem>>
      %dma_start3A_958 = tpu.memref_squeeze %dma_start3A_957 : memref<1x128xi32, #tpu.memory_space<vmem>> -> memref<128xi32, #tpu.memory_space<vmem>>
      %dma_start3A_959 = arith.constant 0 : i32
      %dma_start3A_960 = arith.constant 0 : i32
      %dma_start3A_961 = tpu.memref_slice %arg10[%dma_start3A_959, %dma_start3A_960] : memref<10240x64xf32, #tpu.memory_space<vmem_shared>> -> memref<10240x64xf32, #tpu.memory_space<vmem_shared>>
      tpu.enqueue_indirect_dma source(%dma_start3A_955 : memref<128x64xf32, #tpu.memory_space<vmem>>) target(%dma_start3A_961 : memref<10240x64xf32, #tpu.memory_space<vmem_shared>>) offsets(%dma_start3A_958 : memref<128xi32, #tpu.memory_space<vmem>>) semaphore(%arg14 : memref<!tpu.dma_semaphore, #tpu.memory_space<semaphore_mem>>) {add = true}
      %dma_wait3A_962 = arith.constant 1 : i32
      %dma_wait3A_963 = arith.constant 0 : i32
      %dma_wait3A_964 = arith.constant 0 : i32
      %dma_wait3A_965 = arith.constant 0 : i32
      %dma_wait3A_966 = arith.constant 0 : i32
      %dma_wait3A_967 = tpu.memref_slice %arg8[%dma_wait3A_962, %dma_wait3A_963, %dma_wait3A_965, %dma_wait3A_966] : memref<2x2x128x64xf32, #tpu.memory_space<vmem>> -> memref<1x1x128x64xf32, #tpu.memory_space<vmem>>
      %dma_wait3A_968 = tpu.memref_squeeze %dma_wait3A_967 : memref<1x1x128x64xf32, #tpu.memory_space<vmem>> -> memref<128x64xf32, #tpu.memory_space<vmem>>
      %dma_wait3A_969 = arith.constant 0 : i32
      %dma_wait3A_970 = tpu.memref_slice %arg7[%dma_wait3A_964, %dma_wait3A_969] : memref<148x128xi32, #tpu.memory_space<vmem>> -> memref<1x128xi32, #tpu.memory_space<vmem>>
      %dma_wait3A_971 = tpu.memref_squeeze %dma_wait3A_970 : memref<1x128xi32, #tpu.memory_space<vmem>> -> memref<128xi32, #tpu.memory_space<vmem>>
      %dma_wait3A_972 = arith.constant 0 : i32
      %dma_wait3A_973 = arith.constant 0 : i32
      %dma_wait3A_974 = tpu.memref_slice %arg10[%dma_wait3A_972, %dma_wait3A_973] : memref<10240x64xf32, #tpu.memory_space<vmem_shared>> -> memref<10240x64xf32, #tpu.memory_space<vmem_shared>>
      tpu.wait_indirect_dma semaphore(%arg14 : memref<!tpu.dma_semaphore, #tpu.memory_space<semaphore_mem>>) src(%dma_wait3A_968 : memref<128x64xf32, #tpu.memory_space<vmem>>) dst(%dma_wait3A_974 : memref<10240x64xf32, #tpu.memory_space<vmem_shared>>)
      %dma_wait3A_975 = arith.constant 1 : i32
      %dma_wait3A_976 = arith.constant 1 : i32
      %dma_wait3A_977 = arith.constant 0 : i32
      %dma_wait3A_978 = arith.constant 0 : i32
      %dma_wait3A_979 = arith.constant 0 : i32
      %dma_wait3A_980 = tpu.memref_slice %arg8[%dma_wait3A_975, %dma_wait3A_976, %dma_wait3A_978, %dma_wait3A_979] : memref<2x2x128x64xf32, #tpu.memory_space<vmem>> -> memref<1x1x128x64xf32, #tpu.memory_space<vmem>>
      %dma_wait3A_981 = tpu.memref_squeeze %dma_wait3A_980 : memref<1x1x128x64xf32, #tpu.memory_space<vmem>> -> memref<128x64xf32, #tpu.memory_space<vmem>>
      %dma_wait3A_982 = arith.constant 0 : i32
      %dma_wait3A_983 = tpu.memref_slice %arg7[%dma_wait3A_977, %dma_wait3A_982] : memref<148x128xi32, #tpu.memory_space<vmem>> -> memref<1x128xi32, #tpu.memory_space<vmem>>
      %dma_wait3A_984 = tpu.memref_squeeze %dma_wait3A_983 : memref<1x128xi32, #tpu.memory_space<vmem>> -> memref<128xi32, #tpu.memory_space<vmem>>
      %dma_wait3A_985 = arith.constant 0 : i32
      %dma_wait3A_986 = arith.constant 0 : i32
      %dma_wait3A_987 = tpu.memref_slice %arg10[%dma_wait3A_985, %dma_wait3A_986] : memref<10240x64xf32, #tpu.memory_space<vmem_shared>> -> memref<10240x64xf32, #tpu.memory_space<vmem_shared>>
      tpu.wait_indirect_dma semaphore(%arg14 : memref<!tpu.dma_semaphore, #tpu.memory_space<semaphore_mem>>) src(%dma_wait3A_981 : memref<128x64xf32, #tpu.memory_space<vmem>>) dst(%dma_wait3A_987 : memref<10240x64xf32, #tpu.memory_space<vmem_shared>>)
      %add3A_988 = arith.constant 2 : i32
      %add3A_989 = arith.addi %add3A_903, %add3A_988 : i32
      %mul3A_990 = arith.constant 2 : i32
      %mul3A_991 = arith.muli %add3A_989, %mul3A_990 : i32
      %add3A_992 = arith.constant 0 : i32
      %add3A_993 = arith.addi %mul3A_991, %add3A_992 : i32
      %dma_start3A_994 = arith.constant 1 : i32
      %dma_start3A_995 = arith.constant 0 : i32
      %dma_start3A_996 = arith.constant 0 : i32
      %dma_start3A_997 = arith.constant 0 : i32
      %dma_start3A_998 = tpu.memref_slice %arg8[%dma_start3A_994, %dma_start3A_995, %dma_start3A_996, %dma_start3A_997] : memref<2x2x128x64xf32, #tpu.memory_space<vmem>> -> memref<1x1x128x64xf32, #tpu.memory_space<vmem>>
      %dma_start3A_999 = tpu.memref_squeeze %dma_start3A_998 : memref<1x1x128x64xf32, #tpu.memory_space<vmem>> -> memref<128x64xf32, #tpu.memory_space<vmem>>
      %dma_start3A_1000 = arith.constant 0 : i32
      %dma_start3A_1001 = tpu.memref_slice %arg6[%add3A_993, %dma_start3A_1000] : memref<148x128xi32, #tpu.memory_space<vmem>> -> memref<1x128xi32, #tpu.memory_space<vmem>>
      %dma_start3A_1002 = tpu.memref_squeeze %dma_start3A_1001 : memref<1x128xi32, #tpu.memory_space<vmem>> -> memref<128xi32, #tpu.memory_space<vmem>>
      %dma_start3A_1003 = arith.constant 0 : i32
      %dma_start3A_1004 = arith.constant 0 : i32
      %dma_start3A_1005 = tpu.memref_slice %arg2[%dma_start3A_1003, %dma_start3A_1004] : memref<10240x64xf32, #tpu.memory_space<hbm>> -> memref<10240x64xf32, #tpu.memory_space<hbm>>
      tpu.enqueue_indirect_dma source(%dma_start3A_1005 : memref<10240x64xf32, #tpu.memory_space<hbm>>) target(%dma_start3A_999 : memref<128x64xf32, #tpu.memory_space<vmem>>) offsets(%dma_start3A_1002 : memref<128xi32, #tpu.memory_space<vmem>>) semaphore(%arg12 : memref<!tpu.dma_semaphore, #tpu.memory_space<semaphore_mem>>)
      %mul3A_1006 = arith.constant 2 : i32
      %mul3A_1007 = arith.muli %add3A_989, %mul3A_1006 : i32
      %add3A_1008 = arith.constant 1 : i32
      %add3A_1009 = arith.addi %mul3A_1007, %add3A_1008 : i32
      %dma_start3A_1010 = arith.constant 1 : i32
      %dma_start3A_1011 = arith.constant 1 : i32
      %dma_start3A_1012 = arith.constant 0 : i32
      %dma_start3A_1013 = arith.constant 0 : i32
      %dma_start3A_1014 = tpu.memref_slice %arg8[%dma_start3A_1010, %dma_start3A_1011, %dma_start3A_1012, %dma_start3A_1013] : memref<2x2x128x64xf32, #tpu.memory_space<vmem>> -> memref<1x1x128x64xf32, #tpu.memory_space<vmem>>
      %dma_start3A_1015 = tpu.memref_squeeze %dma_start3A_1014 : memref<1x1x128x64xf32, #tpu.memory_space<vmem>> -> memref<128x64xf32, #tpu.memory_space<vmem>>
      %dma_start3A_1016 = arith.constant 0 : i32
      %dma_start3A_1017 = tpu.memref_slice %arg6[%add3A_1009, %dma_start3A_1016] : memref<148x128xi32, #tpu.memory_space<vmem>> -> memref<1x128xi32, #tpu.memory_space<vmem>>
      %dma_start3A_1018 = tpu.memref_squeeze %dma_start3A_1017 : memref<1x128xi32, #tpu.memory_space<vmem>> -> memref<128xi32, #tpu.memory_space<vmem>>
      %dma_start3A_1019 = arith.constant 0 : i32
      %dma_start3A_1020 = arith.constant 0 : i32
      %dma_start3A_1021 = tpu.memref_slice %arg2[%dma_start3A_1019, %dma_start3A_1020] : memref<10240x64xf32, #tpu.memory_space<hbm>> -> memref<10240x64xf32, #tpu.memory_space<hbm>>
      tpu.enqueue_indirect_dma source(%dma_start3A_1021 : memref<10240x64xf32, #tpu.memory_space<hbm>>) target(%dma_start3A_1015 : memref<128x64xf32, #tpu.memory_space<vmem>>) offsets(%dma_start3A_1018 : memref<128xi32, #tpu.memory_space<vmem>>) semaphore(%arg12 : memref<!tpu.dma_semaphore, #tpu.memory_space<semaphore_mem>>)
    }
    %sub3A_605 = arith.constant 2 : i32
    %sub3A_606 = arith.subi %select_n3A, %sub3A_605 : i32
    %dma_wait3A = arith.constant 0 : i32
    %dma_wait3A_607 = arith.constant 0 : i32
    %dma_wait3A_608 = arith.constant 0 : i32
    %dma_wait3A_609 = arith.constant 0 : i32
    %dma_wait3A_610 = arith.constant 0 : i32
    %dma_wait3A_611 = tpu.memref_slice %arg8[%dma_wait3A_607, %dma_wait3A_608, %dma_wait3A_609, %dma_wait3A_610] : memref<2x2x128x64xf32, #tpu.memory_space<vmem>> -> memref<1x1x128x64xf32, #tpu.memory_space<vmem>>
    %dma_wait3A_612 = tpu.memref_squeeze %dma_wait3A_611 : memref<1x1x128x64xf32, #tpu.memory_space<vmem>> -> memref<128x64xf32, #tpu.memory_space<vmem>>
    %dma_wait3A_613 = arith.constant 0 : i32
    %dma_wait3A_614 = tpu.memref_slice %arg6[%dma_wait3A, %dma_wait3A_613] : memref<148x128xi32, #tpu.memory_space<vmem>> -> memref<1x128xi32, #tpu.memory_space<vmem>>
    %dma_wait3A_615 = tpu.memref_squeeze %dma_wait3A_614 : memref<1x128xi32, #tpu.memory_space<vmem>> -> memref<128xi32, #tpu.memory_space<vmem>>
    %dma_wait3A_616 = arith.constant 0 : i32
    %dma_wait3A_617 = arith.constant 0 : i32
    %dma_wait3A_618 = tpu.memref_slice %arg2[%dma_wait3A_616, %dma_wait3A_617] : memref<10240x64xf32, #tpu.memory_space<hbm>> -> memref<10240x64xf32, #tpu.memory_space<hbm>>
    tpu.wait_indirect_dma semaphore(%arg11 : memref<!tpu.dma_semaphore, #tpu.memory_space<semaphore_mem>>) src(%dma_wait3A_618 : memref<10240x64xf32, #tpu.memory_space<hbm>>) dst(%dma_wait3A_612 : memref<128x64xf32, #tpu.memory_space<vmem>>)
    %dma_wait3A_619 = arith.constant 0 : i32
    %dma_wait3A_620 = arith.constant 0 : i32
    %dma_wait3A_621 = arith.constant 1 : i32
    %dma_wait3A_622 = arith.constant 0 : i32
    %dma_wait3A_623 = arith.constant 0 : i32
    %dma_wait3A_624 = tpu.memref_slice %arg8[%dma_wait3A_620, %dma_wait3A_621, %dma_wait3A_622, %dma_wait3A_623] : memref<2x2x128x64xf32, #tpu.memory_space<vmem>> -> memref<1x1x128x64xf32, #tpu.memory_space<vmem>>
    %dma_wait3A_625 = tpu.memref_squeeze %dma_wait3A_624 : memref<1x1x128x64xf32, #tpu.memory_space<vmem>> -> memref<128x64xf32, #tpu.memory_space<vmem>>
    %dma_wait3A_626 = arith.constant 0 : i32
    %dma_wait3A_627 = tpu.memref_slice %arg6[%dma_wait3A_619, %dma_wait3A_626] : memref<148x128xi32, #tpu.memory_space<vmem>> -> memref<1x128xi32, #tpu.memory_space<vmem>>
    %dma_wait3A_628 = tpu.memref_squeeze %dma_wait3A_627 : memref<1x128xi32, #tpu.memory_space<vmem>> -> memref<128xi32, #tpu.memory_space<vmem>>
    %dma_wait3A_629 = arith.constant 0 : i32
    %dma_wait3A_630 = arith.constant 0 : i32
    %dma_wait3A_631 = tpu.memref_slice %arg2[%dma_wait3A_629, %dma_wait3A_630] : memref<10240x64xf32, #tpu.memory_space<hbm>> -> memref<10240x64xf32, #tpu.memory_space<hbm>>
    tpu.wait_indirect_dma semaphore(%arg11 : memref<!tpu.dma_semaphore, #tpu.memory_space<semaphore_mem>>) src(%dma_wait3A_631 : memref<10240x64xf32, #tpu.memory_space<hbm>>) dst(%dma_wait3A_625 : memref<128x64xf32, #tpu.memory_space<vmem>>)
    %mul3A = arith.constant 2 : i32
    %mul3A_632 = arith.muli %sub3A_606, %mul3A : i32
    %add3A = arith.constant 0 : i32
    %add3A_633 = arith.addi %mul3A_632, %add3A : i32
    %dma_start3A_634 = arith.constant 0 : i32
    %dma_start3A_635 = arith.constant 0 : i32
    %dma_start3A_636 = arith.constant 0 : i32
    %dma_start3A_637 = arith.constant 0 : i32
    %dma_start3A_638 = tpu.memref_slice %arg8[%dma_start3A_634, %dma_start3A_635, %dma_start3A_636, %dma_start3A_637] : memref<2x2x128x64xf32, #tpu.memory_space<vmem>> -> memref<1x1x128x64xf32, #tpu.memory_space<vmem>>
    %dma_start3A_639 = tpu.memref_squeeze %dma_start3A_638 : memref<1x1x128x64xf32, #tpu.memory_space<vmem>> -> memref<128x64xf32, #tpu.memory_space<vmem>>
    %dma_start3A_640 = arith.constant 0 : i32
    %dma_start3A_641 = tpu.memref_slice %arg7[%add3A_633, %dma_start3A_640] : memref<148x128xi32, #tpu.memory_space<vmem>> -> memref<1x128xi32, #tpu.memory_space<vmem>>
    %dma_start3A_642 = tpu.memref_squeeze %dma_start3A_641 : memref<1x128xi32, #tpu.memory_space<vmem>> -> memref<128xi32, #tpu.memory_space<vmem>>
    %dma_start3A_643 = arith.constant 0 : i32
    %dma_start3A_644 = arith.constant 0 : i32
    %dma_start3A_645 = tpu.memref_slice %arg10[%dma_start3A_643, %dma_start3A_644] : memref<10240x64xf32, #tpu.memory_space<vmem_shared>> -> memref<10240x64xf32, #tpu.memory_space<vmem_shared>>
    tpu.enqueue_indirect_dma source(%dma_start3A_639 : memref<128x64xf32, #tpu.memory_space<vmem>>) target(%dma_start3A_645 : memref<10240x64xf32, #tpu.memory_space<vmem_shared>>) offsets(%dma_start3A_642 : memref<128xi32, #tpu.memory_space<vmem>>) semaphore(%arg13 : memref<!tpu.dma_semaphore, #tpu.memory_space<semaphore_mem>>) {add = true}
    %mul3A_646 = arith.constant 2 : i32
    %mul3A_647 = arith.muli %sub3A_606, %mul3A_646 : i32
    %add3A_648 = arith.constant 1 : i32
    %add3A_649 = arith.addi %mul3A_647, %add3A_648 : i32
    %dma_start3A_650 = arith.constant 0 : i32
    %dma_start3A_651 = arith.constant 1 : i32
    %dma_start3A_652 = arith.constant 0 : i32
    %dma_start3A_653 = arith.constant 0 : i32
    %dma_start3A_654 = tpu.memref_slice %arg8[%dma_start3A_650, %dma_start3A_651, %dma_start3A_652, %dma_start3A_653] : memref<2x2x128x64xf32, #tpu.memory_space<vmem>> -> memref<1x1x128x64xf32, #tpu.memory_space<vmem>>
    %dma_start3A_655 = tpu.memref_squeeze %dma_start3A_654 : memref<1x1x128x64xf32, #tpu.memory_space<vmem>> -> memref<128x64xf32, #tpu.memory_space<vmem>>
    %dma_start3A_656 = arith.constant 0 : i32
    %dma_start3A_657 = tpu.memref_slice %arg7[%add3A_649, %dma_start3A_656] : memref<148x128xi32, #tpu.memory_space<vmem>> -> memref<1x128xi32, #tpu.memory_space<vmem>>
    %dma_start3A_658 = tpu.memref_squeeze %dma_start3A_657 : memref<1x128xi32, #tpu.memory_space<vmem>> -> memref<128xi32, #tpu.memory_space<vmem>>
    %dma_start3A_659 = arith.constant 0 : i32
    %dma_start3A_660 = arith.constant 0 : i32
    %dma_start3A_661 = tpu.memref_slice %arg10[%dma_start3A_659, %dma_start3A_660] : memref<10240x64xf32, #tpu.memory_space<vmem_shared>> -> memref<10240x64xf32, #tpu.memory_space<vmem_shared>>
    tpu.enqueue_indirect_dma source(%dma_start3A_655 : memref<128x64xf32, #tpu.memory_space<vmem>>) target(%dma_start3A_661 : memref<10240x64xf32, #tpu.memory_space<vmem_shared>>) offsets(%dma_start3A_658 : memref<128xi32, #tpu.memory_space<vmem>>) semaphore(%arg13 : memref<!tpu.dma_semaphore, #tpu.memory_space<semaphore_mem>>) {add = true}
    %dma_wait3A_662 = arith.constant 0 : i32
    %dma_wait3A_663 = arith.constant 0 : i32
    %dma_wait3A_664 = arith.constant 0 : i32
    %dma_wait3A_665 = arith.constant 0 : i32
    %dma_wait3A_666 = arith.constant 0 : i32
    %dma_wait3A_667 = tpu.memref_slice %arg8[%dma_wait3A_662, %dma_wait3A_663, %dma_wait3A_665, %dma_wait3A_666] : memref<2x2x128x64xf32, #tpu.memory_space<vmem>> -> memref<1x1x128x64xf32, #tpu.memory_space<vmem>>
    %dma_wait3A_668 = tpu.memref_squeeze %dma_wait3A_667 : memref<1x1x128x64xf32, #tpu.memory_space<vmem>> -> memref<128x64xf32, #tpu.memory_space<vmem>>
    %dma_wait3A_669 = arith.constant 0 : i32
    %dma_wait3A_670 = tpu.memref_slice %arg7[%dma_wait3A_664, %dma_wait3A_669] : memref<148x128xi32, #tpu.memory_space<vmem>> -> memref<1x128xi32, #tpu.memory_space<vmem>>
    %dma_wait3A_671 = tpu.memref_squeeze %dma_wait3A_670 : memref<1x128xi32, #tpu.memory_space<vmem>> -> memref<128xi32, #tpu.memory_space<vmem>>
    %dma_wait3A_672 = arith.constant 0 : i32
    %dma_wait3A_673 = arith.constant 0 : i32
    %dma_wait3A_674 = tpu.memref_slice %arg10[%dma_wait3A_672, %dma_wait3A_673] : memref<10240x64xf32, #tpu.memory_space<vmem_shared>> -> memref<10240x64xf32, #tpu.memory_space<vmem_shared>>
    tpu.wait_indirect_dma semaphore(%arg13 : memref<!tpu.dma_semaphore, #tpu.memory_space<semaphore_mem>>) src(%dma_wait3A_668 : memref<128x64xf32, #tpu.memory_space<vmem>>) dst(%dma_wait3A_674 : memref<10240x64xf32, #tpu.memory_space<vmem_shared>>)
    %dma_wait3A_675 = arith.constant 0 : i32
    %dma_wait3A_676 = arith.constant 1 : i32
    %dma_wait3A_677 = arith.constant 0 : i32
    %dma_wait3A_678 = arith.constant 0 : i32
    %dma_wait3A_679 = arith.constant 0 : i32
    %dma_wait3A_680 = tpu.memref_slice %arg8[%dma_wait3A_675, %dma_wait3A_676, %dma_wait3A_678, %dma_wait3A_679] : memref<2x2x128x64xf32, #tpu.memory_space<vmem>> -> memref<1x1x128x64xf32, #tpu.memory_space<vmem>>
    %dma_wait3A_681 = tpu.memref_squeeze %dma_wait3A_680 : memref<1x1x128x64xf32, #tpu.memory_space<vmem>> -> memref<128x64xf32, #tpu.memory_space<vmem>>
    %dma_wait3A_682 = arith.constant 0 : i32
    %dma_wait3A_683 = tpu.memref_slice %arg7[%dma_wait3A_677, %dma_wait3A_682] : memref<148x128xi32, #tpu.memory_space<vmem>> -> memref<1x128xi32, #tpu.memory_space<vmem>>
    %dma_wait3A_684 = tpu.memref_squeeze %dma_wait3A_683 : memref<1x128xi32, #tpu.memory_space<vmem>> -> memref<128xi32, #tpu.memory_space<vmem>>
    %dma_wait3A_685 = arith.constant 0 : i32
    %dma_wait3A_686 = arith.constant 0 : i32
    %dma_wait3A_687 = tpu.memref_slice %arg10[%dma_wait3A_685, %dma_wait3A_686] : memref<10240x64xf32, #tpu.memory_space<vmem_shared>> -> memref<10240x64xf32, #tpu.memory_space<vmem_shared>>
    tpu.wait_indirect_dma semaphore(%arg13 : memref<!tpu.dma_semaphore, #tpu.memory_space<semaphore_mem>>) src(%dma_wait3A_681 : memref<128x64xf32, #tpu.memory_space<vmem>>) dst(%dma_wait3A_687 : memref<10240x64xf32, #tpu.memory_space<vmem_shared>>)
    %sub3A_688 = arith.constant 1 : i32
    %sub3A_689 = arith.subi %select_n3A, %sub3A_688 : i32
    %dma_wait3A_690 = arith.constant 0 : i32
    %dma_wait3A_691 = arith.constant 1 : i32
    %dma_wait3A_692 = arith.constant 0 : i32
    %dma_wait3A_693 = arith.constant 0 : i32
    %dma_wait3A_694 = arith.constant 0 : i32
    %dma_wait3A_695 = tpu.memref_slice %arg8[%dma_wait3A_691, %dma_wait3A_692, %dma_wait3A_693, %dma_wait3A_694] : memref<2x2x128x64xf32, #tpu.memory_space<vmem>> -> memref<1x1x128x64xf32, #tpu.memory_space<vmem>>
    %dma_wait3A_696 = tpu.memref_squeeze %dma_wait3A_695 : memref<1x1x128x64xf32, #tpu.memory_space<vmem>> -> memref<128x64xf32, #tpu.memory_space<vmem>>
    %dma_wait3A_697 = arith.constant 0 : i32
    %dma_wait3A_698 = tpu.memref_slice %arg6[%dma_wait3A_690, %dma_wait3A_697] : memref<148x128xi32, #tpu.memory_space<vmem>> -> memref<1x128xi32, #tpu.memory_space<vmem>>
    %dma_wait3A_699 = tpu.memref_squeeze %dma_wait3A_698 : memref<1x128xi32, #tpu.memory_space<vmem>> -> memref<128xi32, #tpu.memory_space<vmem>>
    %dma_wait3A_700 = arith.constant 0 : i32
    %dma_wait3A_701 = arith.constant 0 : i32
    %dma_wait3A_702 = tpu.memref_slice %arg2[%dma_wait3A_700, %dma_wait3A_701] : memref<10240x64xf32, #tpu.memory_space<hbm>> -> memref<10240x64xf32, #tpu.memory_space<hbm>>
    tpu.wait_indirect_dma semaphore(%arg12 : memref<!tpu.dma_semaphore, #tpu.memory_space<semaphore_mem>>) src(%dma_wait3A_702 : memref<10240x64xf32, #tpu.memory_space<hbm>>) dst(%dma_wait3A_696 : memref<128x64xf32, #tpu.memory_space<vmem>>)
    %dma_wait3A_703 = arith.constant 0 : i32
    %dma_wait3A_704 = arith.constant 1 : i32
    %dma_wait3A_705 = arith.constant 1 : i32
    %dma_wait3A_706 = arith.constant 0 : i32
    %dma_wait3A_707 = arith.constant 0 : i32
    %dma_wait3A_708 = tpu.memref_slice %arg8[%dma_wait3A_704, %dma_wait3A_705, %dma_wait3A_706, %dma_wait3A_707] : memref<2x2x128x64xf32, #tpu.memory_space<vmem>> -> memref<1x1x128x64xf32, #tpu.memory_space<vmem>>
    %dma_wait3A_709 = tpu.memref_squeeze %dma_wait3A_708 : memref<1x1x128x64xf32, #tpu.memory_space<vmem>> -> memref<128x64xf32, #tpu.memory_space<vmem>>
    %dma_wait3A_710 = arith.constant 0 : i32
    %dma_wait3A_711 = tpu.memref_slice %arg6[%dma_wait3A_703, %dma_wait3A_710] : memref<148x128xi32, #tpu.memory_space<vmem>> -> memref<1x128xi32, #tpu.memory_space<vmem>>
    %dma_wait3A_712 = tpu.memref_squeeze %dma_wait3A_711 : memref<1x128xi32, #tpu.memory_space<vmem>> -> memref<128xi32, #tpu.memory_space<vmem>>
    %dma_wait3A_713 = arith.constant 0 : i32
    %dma_wait3A_714 = arith.constant 0 : i32
    %dma_wait3A_715 = tpu.memref_slice %arg2[%dma_wait3A_713, %dma_wait3A_714] : memref<10240x64xf32, #tpu.memory_space<hbm>> -> memref<10240x64xf32, #tpu.memory_space<hbm>>
    tpu.wait_indirect_dma semaphore(%arg12 : memref<!tpu.dma_semaphore, #tpu.memory_space<semaphore_mem>>) src(%dma_wait3A_715 : memref<10240x64xf32, #tpu.memory_space<hbm>>) dst(%dma_wait3A_709 : memref<128x64xf32, #tpu.memory_space<vmem>>)
    %mul3A_716 = arith.constant 2 : i32
    %mul3A_717 = arith.muli %sub3A_689, %mul3A_716 : i32
    %add3A_718 = arith.constant 0 : i32
    %add3A_719 = arith.addi %mul3A_717, %add3A_718 : i32
    %dma_start3A_720 = arith.constant 1 : i32
    %dma_start3A_721 = arith.constant 0 : i32
    %dma_start3A_722 = arith.constant 0 : i32
    %dma_start3A_723 = arith.constant 0 : i32
    %dma_start3A_724 = tpu.memref_slice %arg8[%dma_start3A_720, %dma_start3A_721, %dma_start3A_722, %dma_start3A_723] : memref<2x2x128x64xf32, #tpu.memory_space<vmem>> -> memref<1x1x128x64xf32, #tpu.memory_space<vmem>>
    %dma_start3A_725 = tpu.memref_squeeze %dma_start3A_724 : memref<1x1x128x64xf32, #tpu.memory_space<vmem>> -> memref<128x64xf32, #tpu.memory_space<vmem>>
    %dma_start3A_726 = arith.constant 0 : i32
    %dma_start3A_727 = tpu.memref_slice %arg7[%add3A_719, %dma_start3A_726] : memref<148x128xi32, #tpu.memory_space<vmem>> -> memref<1x128xi32, #tpu.memory_space<vmem>>
    %dma_start3A_728 = tpu.memref_squeeze %dma_start3A_727 : memref<1x128xi32, #tpu.memory_space<vmem>> -> memref<128xi32, #tpu.memory_space<vmem>>
    %dma_start3A_729 = arith.constant 0 : i32
    %dma_start3A_730 = arith.constant 0 : i32
    %dma_start3A_731 = tpu.memref_slice %arg10[%dma_start3A_729, %dma_start3A_730] : memref<10240x64xf32, #tpu.memory_space<vmem_shared>> -> memref<10240x64xf32, #tpu.memory_space<vmem_shared>>
    tpu.enqueue_indirect_dma source(%dma_start3A_725 : memref<128x64xf32, #tpu.memory_space<vmem>>) target(%dma_start3A_731 : memref<10240x64xf32, #tpu.memory_space<vmem_shared>>) offsets(%dma_start3A_728 : memref<128xi32, #tpu.memory_space<vmem>>) semaphore(%arg14 : memref<!tpu.dma_semaphore, #tpu.memory_space<semaphore_mem>>) {add = true}
    %mul3A_732 = arith.constant 2 : i32
    %mul3A_733 = arith.muli %sub3A_689, %mul3A_732 : i32
    %add3A_734 = arith.constant 1 : i32
    %add3A_735 = arith.addi %mul3A_733, %add3A_734 : i32
    %dma_start3A_736 = arith.constant 1 : i32
    %dma_start3A_737 = arith.constant 1 : i32
    %dma_start3A_738 = arith.constant 0 : i32
    %dma_start3A_739 = arith.constant 0 : i32
    %dma_start3A_740 = tpu.memref_slice %arg8[%dma_start3A_736, %dma_start3A_737, %dma_start3A_738, %dma_start3A_739] : memref<2x2x128x64xf32, #tpu.memory_space<vmem>> -> memref<1x1x128x64xf32, #tpu.memory_space<vmem>>
    %dma_start3A_741 = tpu.memref_squeeze %dma_start3A_740 : memref<1x1x128x64xf32, #tpu.memory_space<vmem>> -> memref<128x64xf32, #tpu.memory_space<vmem>>
    %dma_start3A_742 = arith.constant 0 : i32
    %dma_start3A_743 = tpu.memref_slice %arg7[%add3A_735, %dma_start3A_742] : memref<148x128xi32, #tpu.memory_space<vmem>> -> memref<1x128xi32, #tpu.memory_space<vmem>>
    %dma_start3A_744 = tpu.memref_squeeze %dma_start3A_743 : memref<1x128xi32, #tpu.memory_space<vmem>> -> memref<128xi32, #tpu.memory_space<vmem>>
    %dma_start3A_745 = arith.constant 0 : i32
    %dma_start3A_746 = arith.constant 0 : i32
    %dma_start3A_747 = tpu.memref_slice %arg10[%dma_start3A_745, %dma_start3A_746] : memref<10240x64xf32, #tpu.memory_space<vmem_shared>> -> memref<10240x64xf32, #tpu.memory_space<vmem_shared>>
    tpu.enqueue_indirect_dma source(%dma_start3A_741 : memref<128x64xf32, #tpu.memory_space<vmem>>) target(%dma_start3A_747 : memref<10240x64xf32, #tpu.memory_space<vmem_shared>>) offsets(%dma_start3A_744 : memref<128xi32, #tpu.memory_space<vmem>>) semaphore(%arg14 : memref<!tpu.dma_semaphore, #tpu.memory_space<semaphore_mem>>) {add = true}
    %dma_wait3A_748 = arith.constant 1 : i32
    %dma_wait3A_749 = arith.constant 0 : i32
    %dma_wait3A_750 = arith.constant 0 : i32
    %dma_wait3A_751 = arith.constant 0 : i32
    %dma_wait3A_752 = arith.constant 0 : i32
    %dma_wait3A_753 = tpu.memref_slice %arg8[%dma_wait3A_748, %dma_wait3A_749, %dma_wait3A_751, %dma_wait3A_752] : memref<2x2x128x64xf32, #tpu.memory_space<vmem>> -> memref<1x1x128x64xf32, #tpu.memory_space<vmem>>
    %dma_wait3A_754 = tpu.memref_squeeze %dma_wait3A_753 : memref<1x1x128x64xf32, #tpu.memory_space<vmem>> -> memref<128x64xf32, #tpu.memory_space<vmem>>
    %dma_wait3A_755 = arith.constant 0 : i32
    %dma_wait3A_756 = tpu.memref_slice %arg7[%dma_wait3A_750, %dma_wait3A_755] : memref<148x128xi32, #tpu.memory_space<vmem>> -> memref<1x128xi32, #tpu.memory_space<vmem>>
    %dma_wait3A_757 = tpu.memref_squeeze %dma_wait3A_756 : memref<1x128xi32, #tpu.memory_space<vmem>> -> memref<128xi32, #tpu.memory_space<vmem>>
    %dma_wait3A_758 = arith.constant 0 : i32
    %dma_wait3A_759 = arith.constant 0 : i32
    %dma_wait3A_760 = tpu.memref_slice %arg10[%dma_wait3A_758, %dma_wait3A_759] : memref<10240x64xf32, #tpu.memory_space<vmem_shared>> -> memref<10240x64xf32, #tpu.memory_space<vmem_shared>>
    tpu.wait_indirect_dma semaphore(%arg14 : memref<!tpu.dma_semaphore, #tpu.memory_space<semaphore_mem>>) src(%dma_wait3A_754 : memref<128x64xf32, #tpu.memory_space<vmem>>) dst(%dma_wait3A_760 : memref<10240x64xf32, #tpu.memory_space<vmem_shared>>)
    %dma_wait3A_761 = arith.constant 1 : i32
    %dma_wait3A_762 = arith.constant 1 : i32
    %dma_wait3A_763 = arith.constant 0 : i32
    %dma_wait3A_764 = arith.constant 0 : i32
    %dma_wait3A_765 = arith.constant 0 : i32
    %dma_wait3A_766 = tpu.memref_slice %arg8[%dma_wait3A_761, %dma_wait3A_762, %dma_wait3A_764, %dma_wait3A_765] : memref<2x2x128x64xf32, #tpu.memory_space<vmem>> -> memref<1x1x128x64xf32, #tpu.memory_space<vmem>>
    %dma_wait3A_767 = tpu.memref_squeeze %dma_wait3A_766 : memref<1x1x128x64xf32, #tpu.memory_space<vmem>> -> memref<128x64xf32, #tpu.memory_space<vmem>>
    %dma_wait3A_768 = arith.constant 0 : i32
    %dma_wait3A_769 = tpu.memref_slice %arg7[%dma_wait3A_763, %dma_wait3A_768] : memref<148x128xi32, #tpu.memory_space<vmem>> -> memref<1x128xi32, #tpu.memory_space<vmem>>
    %dma_wait3A_770 = tpu.memref_squeeze %dma_wait3A_769 : memref<1x128xi32, #tpu.memory_space<vmem>> -> memref<128xi32, #tpu.memory_space<vmem>>
    %dma_wait3A_771 = arith.constant 0 : i32
    %dma_wait3A_772 = arith.constant 0 : i32
    %dma_wait3A_773 = tpu.memref_slice %arg10[%dma_wait3A_771, %dma_wait3A_772] : memref<10240x64xf32, #tpu.memory_space<vmem_shared>> -> memref<10240x64xf32, #tpu.memory_space<vmem_shared>>
    tpu.wait_indirect_dma semaphore(%arg14 : memref<!tpu.dma_semaphore, #tpu.memory_space<semaphore_mem>>) src(%dma_wait3A_767 : memref<128x64xf32, #tpu.memory_space<vmem>>) dst(%dma_wait3A_773 : memref<10240x64xf32, #tpu.memory_space<vmem_shared>>)
    %barrier3A_774 = arith.constant 0 : index
    tpu.barrier barrier_id(%barrier3A_774)
    %mul3A_775 = arith.constant 640 : i32
    %mul3A_776 = arith.muli %arg1, %mul3A_775 : i32
    %mul3A_777 = arith.constant 640 : i32
    %mul3A_778 = arith.muli %arg1, %mul3A_777 : i32
    "tpu.region"() ({
      %run_scoped3A = tpu.sem_alloc : memref<!tpu.dma_semaphore, #tpu.memory_space<semaphore_mem>>
      %dma_start3A_779 = arith.constant 0 : i32
      %dma_start3A_780 = tpu.memref_slice %arg5[%arg0, %mul3A_778, %dma_start3A_779] : memref<2x10240x64xf32, #tpu.memory_space<hbm>> -> memref<1x640x64xf32, #tpu.memory_space<hbm>>
      %dma_start3A_781 = tpu.memref_squeeze %dma_start3A_780 : memref<1x640x64xf32, #tpu.memory_space<hbm>> -> memref<640x64xf32, #tpu.memory_space<hbm>>
      %dma_start3A_782 = arith.constant 0 : i32
      %dma_start3A_783 = tpu.memref_slice %arg10[%mul3A_776, %dma_start3A_782] : memref<10240x64xf32, #tpu.memory_space<vmem_shared>> -> memref<640x64xf32, #tpu.memory_space<vmem_shared>>
      tpu.enqueue_dma source(%dma_start3A_783 : memref<640x64xf32, #tpu.memory_space<vmem_shared>>) target(%dma_start3A_781 : memref<640x64xf32, #tpu.memory_space<hbm>>) target_semaphore(%run_scoped3A : memref<!tpu.dma_semaphore, #tpu.memory_space<semaphore_mem>>)
      %dma_wait3A_784 = arith.constant 0 : i32
      %dma_wait3A_785 = tpu.memref_slice %arg5[%arg0, %mul3A_778, %dma_wait3A_784] : memref<2x10240x64xf32, #tpu.memory_space<hbm>> -> memref<1x640x64xf32, #tpu.memory_space<hbm>>
      %dma_wait3A_786 = tpu.memref_squeeze %dma_wait3A_785 : memref<1x640x64xf32, #tpu.memory_space<hbm>> -> memref<640x64xf32, #tpu.memory_space<hbm>>
      %dma_wait3A_787 = arith.constant 0 : i32
      %dma_wait3A_788 = tpu.memref_slice %arg10[%mul3A_776, %dma_wait3A_787] : memref<10240x64xf32, #tpu.memory_space<vmem_shared>> -> memref<640x64xf32, #tpu.memory_space<vmem_shared>>
      tpu.wait_dma2 semaphore(%run_scoped3A : memref<!tpu.dma_semaphore, #tpu.memory_space<semaphore_mem>>) src(%dma_wait3A_788 : memref<640x64xf32, #tpu.memory_space<vmem_shared>>) dst(%dma_wait3A_786 : memref<640x64xf32, #tpu.memory_space<hbm>>)
      tpu.yield
    }) : () -> ()
    return
  }
}

#map = affine_map<(d0, d1) -> (0, 0)>
module attributes {stable_mosaic.version = 14 : i64} {
  func.func @sc_degree(%arg0: i32, %arg1: i32, %arg2: memref<2560x128xi32, #tpu.memory_space<hbm>>, %arg3: memref<2x10240xf32, #tpu.memory_space<hbm>>, %arg4: memref<128x128xi32, #tpu.memory_space<vmem>>, %arg5: memref<128xf32, #tpu.memory_space<vmem>>, %arg6: memref<640xf32, #tpu.memory_space<vmem>>, %arg7: memref<10240xf32, #tpu.memory_space<vmem_shared>>, %arg8: memref<!tpu.dma_semaphore, #tpu.memory_space<semaphore_mem>>) attributes {dimension_semantics = [#tpu.dimension_semantics<core_parallel>, #tpu.dimension_semantics<subcore_parallel>], iteration_bounds = array<i64: 2, 16>, scalar_prefetch = 0 : i64, scratch_operands = 5 : i64, tpu.core_type = #tpu.core_type<sc_vector_subcore>, window_params = [{transform_indices = #map}, {transform_indices = #map}]} {
    %broadcast_in_dim3A = arith.constant 1.000000e+00 : f32
    %broadcast_in_dim3A_0 = vector.broadcast %broadcast_in_dim3A : f32 to vector<16xf32>
    %swap3A = arith.constant 0 : index
    %swap3A_1 = tpu.vector_load %arg5[%swap3A] {strides = array<i32>} : memref<128xf32, #tpu.memory_space<vmem>>, vector<16xf32>,
    %swap3A_2 = vector.shape_cast %swap3A_1 : vector<16xf32> to vector<16xf32>
    %swap3A_3 = vector.shape_cast %broadcast_in_dim3A_0 : vector<16xf32> to vector<16xf32>
    tpu.vector_store %arg5[%swap3A], %swap3A_3 {strides = array<i32>} : memref<128xf32, #tpu.memory_space<vmem>>, vector<16xf32>,
    %broadcast_in_dim3A_4 = arith.constant 1.000000e+00 : f32
    %broadcast_in_dim3A_5 = vector.broadcast %broadcast_in_dim3A_4 : f32 to vector<16xf32>
    %swap3A_6 = arith.constant 16 : index
    %swap3A_7 = tpu.vector_load %arg5[%swap3A_6] {strides = array<i32>} : memref<128xf32, #tpu.memory_space<vmem>>, vector<16xf32>,
    %swap3A_8 = vector.shape_cast %swap3A_7 : vector<16xf32> to vector<16xf32>
    %swap3A_9 = vector.shape_cast %broadcast_in_dim3A_5 : vector<16xf32> to vector<16xf32>
    tpu.vector_store %arg5[%swap3A_6], %swap3A_9 {strides = array<i32>} : memref<128xf32, #tpu.memory_space<vmem>>, vector<16xf32>,
    %broadcast_in_dim3A_10 = arith.constant 1.000000e+00 : f32
    %broadcast_in_dim3A_11 = vector.broadcast %broadcast_in_dim3A_10 : f32 to vector<16xf32>
    %swap3A_12 = arith.constant 32 : index
    %swap3A_13 = tpu.vector_load %arg5[%swap3A_12] {strides = array<i32>} : memref<128xf32, #tpu.memory_space<vmem>>, vector<16xf32>,
    %swap3A_14 = vector.shape_cast %swap3A_13 : vector<16xf32> to vector<16xf32>
    %swap3A_15 = vector.shape_cast %broadcast_in_dim3A_11 : vector<16xf32> to vector<16xf32>
    tpu.vector_store %arg5[%swap3A_12], %swap3A_15 {strides = array<i32>} : memref<128xf32, #tpu.memory_space<vmem>>, vector<16xf32>,
    %broadcast_in_dim3A_16 = arith.constant 1.000000e+00 : f32
    %broadcast_in_dim3A_17 = vector.broadcast %broadcast_in_dim3A_16 : f32 to vector<16xf32>
    %swap3A_18 = arith.constant 48 : index
    %swap3A_19 = tpu.vector_load %arg5[%swap3A_18] {strides = array<i32>} : memref<128xf32, #tpu.memory_space<vmem>>, vector<16xf32>,
    %swap3A_20 = vector.shape_cast %swap3A_19 : vector<16xf32> to vector<16xf32>
    %swap3A_21 = vector.shape_cast %broadcast_in_dim3A_17 : vector<16xf32> to vector<16xf32>
    tpu.vector_store %arg5[%swap3A_18], %swap3A_21 {strides = array<i32>} : memref<128xf32, #tpu.memory_space<vmem>>, vector<16xf32>,
    %broadcast_in_dim3A_22 = arith.constant 1.000000e+00 : f32
    %broadcast_in_dim3A_23 = vector.broadcast %broadcast_in_dim3A_22 : f32 to vector<16xf32>
    %swap3A_24 = arith.constant 64 : index
    %swap3A_25 = tpu.vector_load %arg5[%swap3A_24] {strides = array<i32>} : memref<128xf32, #tpu.memory_space<vmem>>, vector<16xf32>,
    %swap3A_26 = vector.shape_cast %swap3A_25 : vector<16xf32> to vector<16xf32>
    %swap3A_27 = vector.shape_cast %broadcast_in_dim3A_23 : vector<16xf32> to vector<16xf32>
    tpu.vector_store %arg5[%swap3A_24], %swap3A_27 {strides = array<i32>} : memref<128xf32, #tpu.memory_space<vmem>>, vector<16xf32>,
    %broadcast_in_dim3A_28 = arith.constant 1.000000e+00 : f32
    %broadcast_in_dim3A_29 = vector.broadcast %broadcast_in_dim3A_28 : f32 to vector<16xf32>
    %swap3A_30 = arith.constant 80 : index
    %swap3A_31 = tpu.vector_load %arg5[%swap3A_30] {strides = array<i32>} : memref<128xf32, #tpu.memory_space<vmem>>, vector<16xf32>,
    %swap3A_32 = vector.shape_cast %swap3A_31 : vector<16xf32> to vector<16xf32>
    %swap3A_33 = vector.shape_cast %broadcast_in_dim3A_29 : vector<16xf32> to vector<16xf32>
    tpu.vector_store %arg5[%swap3A_30], %swap3A_33 {strides = array<i32>} : memref<128xf32, #tpu.memory_space<vmem>>, vector<16xf32>,
    %broadcast_in_dim3A_34 = arith.constant 1.000000e+00 : f32
    %broadcast_in_dim3A_35 = vector.broadcast %broadcast_in_dim3A_34 : f32 to vector<16xf32>
    %swap3A_36 = arith.constant 96 : index
    %swap3A_37 = tpu.vector_load %arg5[%swap3A_36] {strides = array<i32>} : memref<128xf32, #tpu.memory_space<vmem>>, vector<16xf32>,
    %swap3A_38 = vector.shape_cast %swap3A_37 : vector<16xf32> to vector<16xf32>
    %swap3A_39 = vector.shape_cast %broadcast_in_dim3A_35 : vector<16xf32> to vector<16xf32>
    tpu.vector_store %arg5[%swap3A_36], %swap3A_39 {strides = array<i32>} : memref<128xf32, #tpu.memory_space<vmem>>, vector<16xf32>,
    %broadcast_in_dim3A_40 = arith.constant 1.000000e+00 : f32
    %broadcast_in_dim3A_41 = vector.broadcast %broadcast_in_dim3A_40 : f32 to vector<16xf32>
    %swap3A_42 = arith.constant 112 : index
    %swap3A_43 = tpu.vector_load %arg5[%swap3A_42] {strides = array<i32>} : memref<128xf32, #tpu.memory_space<vmem>>, vector<16xf32>,
    %swap3A_44 = vector.shape_cast %swap3A_43 : vector<16xf32> to vector<16xf32>
    %swap3A_45 = vector.shape_cast %broadcast_in_dim3A_41 : vector<16xf32> to vector<16xf32>
    tpu.vector_store %arg5[%swap3A_42], %swap3A_45 {strides = array<i32>} : memref<128xf32, #tpu.memory_space<vmem>>, vector<16xf32>,
    %broadcast_in_dim3A_46 = arith.constant 0.000000e+00 : f32
    %broadcast_in_dim3A_47 = vector.broadcast %broadcast_in_dim3A_46 : f32 to vector<16xf32>
    %swap3A_48 = arith.constant 0 : index
    %swap3A_49 = tpu.vector_load %arg6[%swap3A_48] {strides = array<i32>} : memref<640xf32, #tpu.memory_space<vmem>>, vector<16xf32>,
    %swap3A_50 = vector.shape_cast %swap3A_49 : vector<16xf32> to vector<16xf32>
    %swap3A_51 = vector.shape_cast %broadcast_in_dim3A_47 : vector<16xf32> to vector<16xf32>
    tpu.vector_store %arg6[%swap3A_48], %swap3A_51 {strides = array<i32>} : memref<640xf32, #tpu.memory_space<vmem>>, vector<16xf32>,
    %broadcast_in_dim3A_52 = arith.constant 0.000000e+00 : f32
    %broadcast_in_dim3A_53 = vector.broadcast %broadcast_in_dim3A_52 : f32 to vector<16xf32>
    %swap3A_54 = arith.constant 16 : index
    %swap3A_55 = tpu.vector_load %arg6[%swap3A_54] {strides = array<i32>} : memref<640xf32, #tpu.memory_space<vmem>>, vector<16xf32>,
    %swap3A_56 = vector.shape_cast %swap3A_55 : vector<16xf32> to vector<16xf32>
    %swap3A_57 = vector.shape_cast %broadcast_in_dim3A_53 : vector<16xf32> to vector<16xf32>
    tpu.vector_store %arg6[%swap3A_54], %swap3A_57 {strides = array<i32>} : memref<640xf32, #tpu.memory_space<vmem>>, vector<16xf32>,
    %broadcast_in_dim3A_58 = arith.constant 0.000000e+00 : f32
    %broadcast_in_dim3A_59 = vector.broadcast %broadcast_in_dim3A_58 : f32 to vector<16xf32>
    %swap3A_60 = arith.constant 32 : index
    %swap3A_61 = tpu.vector_load %arg6[%swap3A_60] {strides = array<i32>} : memref<640xf32, #tpu.memory_space<vmem>>, vector<16xf32>,
    %swap3A_62 = vector.shape_cast %swap3A_61 : vector<16xf32> to vector<16xf32>
    %swap3A_63 = vector.shape_cast %broadcast_in_dim3A_59 : vector<16xf32> to vector<16xf32>
    tpu.vector_store %arg6[%swap3A_60], %swap3A_63 {strides = array<i32>} : memref<640xf32, #tpu.memory_space<vmem>>, vector<16xf32>,
    %broadcast_in_dim3A_64 = arith.constant 0.000000e+00 : f32
    %broadcast_in_dim3A_65 = vector.broadcast %broadcast_in_dim3A_64 : f32 to vector<16xf32>
    %swap3A_66 = arith.constant 48 : index
    %swap3A_67 = tpu.vector_load %arg6[%swap3A_66] {strides = array<i32>} : memref<640xf32, #tpu.memory_space<vmem>>, vector<16xf32>,
    %swap3A_68 = vector.shape_cast %swap3A_67 : vector<16xf32> to vector<16xf32>
    %swap3A_69 = vector.shape_cast %broadcast_in_dim3A_65 : vector<16xf32> to vector<16xf32>
    tpu.vector_store %arg6[%swap3A_66], %swap3A_69 {strides = array<i32>} : memref<640xf32, #tpu.memory_space<vmem>>, vector<16xf32>,
    %broadcast_in_dim3A_70 = arith.constant 0.000000e+00 : f32
    %broadcast_in_dim3A_71 = vector.broadcast %broadcast_in_dim3A_70 : f32 to vector<16xf32>
    %swap3A_72 = arith.constant 64 : index
    %swap3A_73 = tpu.vector_load %arg6[%swap3A_72] {strides = array<i32>} : memref<640xf32, #tpu.memory_space<vmem>>, vector<16xf32>,
    %swap3A_74 = vector.shape_cast %swap3A_73 : vector<16xf32> to vector<16xf32>
    %swap3A_75 = vector.shape_cast %broadcast_in_dim3A_71 : vector<16xf32> to vector<16xf32>
    tpu.vector_store %arg6[%swap3A_72], %swap3A_75 {strides = array<i32>} : memref<640xf32, #tpu.memory_space<vmem>>, vector<16xf32>,
    %broadcast_in_dim3A_76 = arith.constant 0.000000e+00 : f32
    %broadcast_in_dim3A_77 = vector.broadcast %broadcast_in_dim3A_76 : f32 to vector<16xf32>
    %swap3A_78 = arith.constant 80 : index
    %swap3A_79 = tpu.vector_load %arg6[%swap3A_78] {strides = array<i32>} : memref<640xf32, #tpu.memory_space<vmem>>, vector<16xf32>,
    %swap3A_80 = vector.shape_cast %swap3A_79 : vector<16xf32> to vector<16xf32>
    %swap3A_81 = vector.shape_cast %broadcast_in_dim3A_77 : vector<16xf32> to vector<16xf32>
    tpu.vector_store %arg6[%swap3A_78], %swap3A_81 {strides = array<i32>} : memref<640xf32, #tpu.memory_space<vmem>>, vector<16xf32>,
    %broadcast_in_dim3A_82 = arith.constant 0.000000e+00 : f32
    %broadcast_in_dim3A_83 = vector.broadcast %broadcast_in_dim3A_82 : f32 to vector<16xf32>
    %swap3A_84 = arith.constant 96 : index
    %swap3A_85 = tpu.vector_load %arg6[%swap3A_84] {strides = array<i32>} : memref<640xf32, #tpu.memory_space<vmem>>, vector<16xf32>,
    %swap3A_86 = vector.shape_cast %swap3A_85 : vector<16xf32> to vector<16xf32>
    %swap3A_87 = vector.shape_cast %broadcast_in_dim3A_83 : vector<16xf32> to vector<16xf32>
    tpu.vector_store %arg6[%swap3A_84], %swap3A_87 {strides = array<i32>} : memref<640xf32, #tpu.memory_space<vmem>>, vector<16xf32>,
    %broadcast_in_dim3A_88 = arith.constant 0.000000e+00 : f32
    %broadcast_in_dim3A_89 = vector.broadcast %broadcast_in_dim3A_88 : f32 to vector<16xf32>
    %swap3A_90 = arith.constant 112 : index
    %swap3A_91 = tpu.vector_load %arg6[%swap3A_90] {strides = array<i32>} : memref<640xf32, #tpu.memory_space<vmem>>, vector<16xf32>,
    %swap3A_92 = vector.shape_cast %swap3A_91 : vector<16xf32> to vector<16xf32>
    %swap3A_93 = vector.shape_cast %broadcast_in_dim3A_89 : vector<16xf32> to vector<16xf32>
    tpu.vector_store %arg6[%swap3A_90], %swap3A_93 {strides = array<i32>} : memref<640xf32, #tpu.memory_space<vmem>>, vector<16xf32>,
    %broadcast_in_dim3A_94 = arith.constant 0.000000e+00 : f32
    %broadcast_in_dim3A_95 = vector.broadcast %broadcast_in_dim3A_94 : f32 to vector<16xf32>
    %swap3A_96 = arith.constant 128 : index
    %swap3A_97 = tpu.vector_load %arg6[%swap3A_96] {strides = array<i32>} : memref<640xf32, #tpu.memory_space<vmem>>, vector<16xf32>,
    %swap3A_98 = vector.shape_cast %swap3A_97 : vector<16xf32> to vector<16xf32>
    %swap3A_99 = vector.shape_cast %broadcast_in_dim3A_95 : vector<16xf32> to vector<16xf32>
    tpu.vector_store %arg6[%swap3A_96], %swap3A_99 {strides = array<i32>} : memref<640xf32, #tpu.memory_space<vmem>>, vector<16xf32>,
    %broadcast_in_dim3A_100 = arith.constant 0.000000e+00 : f32
    %broadcast_in_dim3A_101 = vector.broadcast %broadcast_in_dim3A_100 : f32 to vector<16xf32>
    %swap3A_102 = arith.constant 144 : index
    %swap3A_103 = tpu.vector_load %arg6[%swap3A_102] {strides = array<i32>} : memref<640xf32, #tpu.memory_space<vmem>>, vector<16xf32>,
    %swap3A_104 = vector.shape_cast %swap3A_103 : vector<16xf32> to vector<16xf32>
    %swap3A_105 = vector.shape_cast %broadcast_in_dim3A_101 : vector<16xf32> to vector<16xf32>
    tpu.vector_store %arg6[%swap3A_102], %swap3A_105 {strides = array<i32>} : memref<640xf32, #tpu.memory_space<vmem>>, vector<16xf32>,
    %broadcast_in_dim3A_106 = arith.constant 0.000000e+00 : f32
    %broadcast_in_dim3A_107 = vector.broadcast %broadcast_in_dim3A_106 : f32 to vector<16xf32>
    %swap3A_108 = arith.constant 160 : index
    %swap3A_109 = tpu.vector_load %arg6[%swap3A_108] {strides = array<i32>} : memref<640xf32, #tpu.memory_space<vmem>>, vector<16xf32>,
    %swap3A_110 = vector.shape_cast %swap3A_109 : vector<16xf32> to vector<16xf32>
    %swap3A_111 = vector.shape_cast %broadcast_in_dim3A_107 : vector<16xf32> to vector<16xf32>
    tpu.vector_store %arg6[%swap3A_108], %swap3A_111 {strides = array<i32>} : memref<640xf32, #tpu.memory_space<vmem>>, vector<16xf32>,
    %broadcast_in_dim3A_112 = arith.constant 0.000000e+00 : f32
    %broadcast_in_dim3A_113 = vector.broadcast %broadcast_in_dim3A_112 : f32 to vector<16xf32>
    %swap3A_114 = arith.constant 176 : index
    %swap3A_115 = tpu.vector_load %arg6[%swap3A_114] {strides = array<i32>} : memref<640xf32, #tpu.memory_space<vmem>>, vector<16xf32>,
    %swap3A_116 = vector.shape_cast %swap3A_115 : vector<16xf32> to vector<16xf32>
    %swap3A_117 = vector.shape_cast %broadcast_in_dim3A_113 : vector<16xf32> to vector<16xf32>
    tpu.vector_store %arg6[%swap3A_114], %swap3A_117 {strides = array<i32>} : memref<640xf32, #tpu.memory_space<vmem>>, vector<16xf32>,
    %broadcast_in_dim3A_118 = arith.constant 0.000000e+00 : f32
    %broadcast_in_dim3A_119 = vector.broadcast %broadcast_in_dim3A_118 : f32 to vector<16xf32>
    %swap3A_120 = arith.constant 192 : index
    %swap3A_121 = tpu.vector_load %arg6[%swap3A_120] {strides = array<i32>} : memref<640xf32, #tpu.memory_space<vmem>>, vector<16xf32>,
    %swap3A_122 = vector.shape_cast %swap3A_121 : vector<16xf32> to vector<16xf32>
    %swap3A_123 = vector.shape_cast %broadcast_in_dim3A_119 : vector<16xf32> to vector<16xf32>
    tpu.vector_store %arg6[%swap3A_120], %swap3A_123 {strides = array<i32>} : memref<640xf32, #tpu.memory_space<vmem>>, vector<16xf32>,
    %broadcast_in_dim3A_124 = arith.constant 0.000000e+00 : f32
    %broadcast_in_dim3A_125 = vector.broadcast %broadcast_in_dim3A_124 : f32 to vector<16xf32>
    %swap3A_126 = arith.constant 208 : index
    %swap3A_127 = tpu.vector_load %arg6[%swap3A_126] {strides = array<i32>} : memref<640xf32, #tpu.memory_space<vmem>>, vector<16xf32>,
    %swap3A_128 = vector.shape_cast %swap3A_127 : vector<16xf32> to vector<16xf32>
    %swap3A_129 = vector.shape_cast %broadcast_in_dim3A_125 : vector<16xf32> to vector<16xf32>
    tpu.vector_store %arg6[%swap3A_126], %swap3A_129 {strides = array<i32>} : memref<640xf32, #tpu.memory_space<vmem>>, vector<16xf32>,
    %broadcast_in_dim3A_130 = arith.constant 0.000000e+00 : f32
    %broadcast_in_dim3A_131 = vector.broadcast %broadcast_in_dim3A_130 : f32 to vector<16xf32>
    %swap3A_132 = arith.constant 224 : index
    %swap3A_133 = tpu.vector_load %arg6[%swap3A_132] {strides = array<i32>} : memref<640xf32, #tpu.memory_space<vmem>>, vector<16xf32>,
    %swap3A_134 = vector.shape_cast %swap3A_133 : vector<16xf32> to vector<16xf32>
    %swap3A_135 = vector.shape_cast %broadcast_in_dim3A_131 : vector<16xf32> to vector<16xf32>
    tpu.vector_store %arg6[%swap3A_132], %swap3A_135 {strides = array<i32>} : memref<640xf32, #tpu.memory_space<vmem>>, vector<16xf32>,
    %broadcast_in_dim3A_136 = arith.constant 0.000000e+00 : f32
    %broadcast_in_dim3A_137 = vector.broadcast %broadcast_in_dim3A_136 : f32 to vector<16xf32>
    %swap3A_138 = arith.constant 240 : index
    %swap3A_139 = tpu.vector_load %arg6[%swap3A_138] {strides = array<i32>} : memref<640xf32, #tpu.memory_space<vmem>>, vector<16xf32>,
    %swap3A_140 = vector.shape_cast %swap3A_139 : vector<16xf32> to vector<16xf32>
    %swap3A_141 = vector.shape_cast %broadcast_in_dim3A_137 : vector<16xf32> to vector<16xf32>
    tpu.vector_store %arg6[%swap3A_138], %swap3A_141 {strides = array<i32>} : memref<640xf32, #tpu.memory_space<vmem>>, vector<16xf32>,
    %broadcast_in_dim3A_142 = arith.constant 0.000000e+00 : f32
    %broadcast_in_dim3A_143 = vector.broadcast %broadcast_in_dim3A_142 : f32 to vector<16xf32>
    %swap3A_144 = arith.constant 256 : index
    %swap3A_145 = tpu.vector_load %arg6[%swap3A_144] {strides = array<i32>} : memref<640xf32, #tpu.memory_space<vmem>>, vector<16xf32>,
    %swap3A_146 = vector.shape_cast %swap3A_145 : vector<16xf32> to vector<16xf32>
    %swap3A_147 = vector.shape_cast %broadcast_in_dim3A_143 : vector<16xf32> to vector<16xf32>
    tpu.vector_store %arg6[%swap3A_144], %swap3A_147 {strides = array<i32>} : memref<640xf32, #tpu.memory_space<vmem>>, vector<16xf32>,
    %broadcast_in_dim3A_148 = arith.constant 0.000000e+00 : f32
    %broadcast_in_dim3A_149 = vector.broadcast %broadcast_in_dim3A_148 : f32 to vector<16xf32>
    %swap3A_150 = arith.constant 272 : index
    %swap3A_151 = tpu.vector_load %arg6[%swap3A_150] {strides = array<i32>} : memref<640xf32, #tpu.memory_space<vmem>>, vector<16xf32>,
    %swap3A_152 = vector.shape_cast %swap3A_151 : vector<16xf32> to vector<16xf32>
    %swap3A_153 = vector.shape_cast %broadcast_in_dim3A_149 : vector<16xf32> to vector<16xf32>
    tpu.vector_store %arg6[%swap3A_150], %swap3A_153 {strides = array<i32>} : memref<640xf32, #tpu.memory_space<vmem>>, vector<16xf32>,
    %broadcast_in_dim3A_154 = arith.constant 0.000000e+00 : f32
    %broadcast_in_dim3A_155 = vector.broadcast %broadcast_in_dim3A_154 : f32 to vector<16xf32>
    %swap3A_156 = arith.constant 288 : index
    %swap3A_157 = tpu.vector_load %arg6[%swap3A_156] {strides = array<i32>} : memref<640xf32, #tpu.memory_space<vmem>>, vector<16xf32>,
    %swap3A_158 = vector.shape_cast %swap3A_157 : vector<16xf32> to vector<16xf32>
    %swap3A_159 = vector.shape_cast %broadcast_in_dim3A_155 : vector<16xf32> to vector<16xf32>
    tpu.vector_store %arg6[%swap3A_156], %swap3A_159 {strides = array<i32>} : memref<640xf32, #tpu.memory_space<vmem>>, vector<16xf32>,
    %broadcast_in_dim3A_160 = arith.constant 0.000000e+00 : f32
    %broadcast_in_dim3A_161 = vector.broadcast %broadcast_in_dim3A_160 : f32 to vector<16xf32>
    %swap3A_162 = arith.constant 304 : index
    %swap3A_163 = tpu.vector_load %arg6[%swap3A_162] {strides = array<i32>} : memref<640xf32, #tpu.memory_space<vmem>>, vector<16xf32>,
    %swap3A_164 = vector.shape_cast %swap3A_163 : vector<16xf32> to vector<16xf32>
    %swap3A_165 = vector.shape_cast %broadcast_in_dim3A_161 : vector<16xf32> to vector<16xf32>
    tpu.vector_store %arg6[%swap3A_162], %swap3A_165 {strides = array<i32>} : memref<640xf32, #tpu.memory_space<vmem>>, vector<16xf32>,
    %broadcast_in_dim3A_166 = arith.constant 0.000000e+00 : f32
    %broadcast_in_dim3A_167 = vector.broadcast %broadcast_in_dim3A_166 : f32 to vector<16xf32>
    %swap3A_168 = arith.constant 320 : index
    %swap3A_169 = tpu.vector_load %arg6[%swap3A_168] {strides = array<i32>} : memref<640xf32, #tpu.memory_space<vmem>>, vector<16xf32>,
    %swap3A_170 = vector.shape_cast %swap3A_169 : vector<16xf32> to vector<16xf32>
    %swap3A_171 = vector.shape_cast %broadcast_in_dim3A_167 : vector<16xf32> to vector<16xf32>
    tpu.vector_store %arg6[%swap3A_168], %swap3A_171 {strides = array<i32>} : memref<640xf32, #tpu.memory_space<vmem>>, vector<16xf32>,
    %broadcast_in_dim3A_172 = arith.constant 0.000000e+00 : f32
    %broadcast_in_dim3A_173 = vector.broadcast %broadcast_in_dim3A_172 : f32 to vector<16xf32>
    %swap3A_174 = arith.constant 336 : index
    %swap3A_175 = tpu.vector_load %arg6[%swap3A_174] {strides = array<i32>} : memref<640xf32, #tpu.memory_space<vmem>>, vector<16xf32>,
    %swap3A_176 = vector.shape_cast %swap3A_175 : vector<16xf32> to vector<16xf32>
    %swap3A_177 = vector.shape_cast %broadcast_in_dim3A_173 : vector<16xf32> to vector<16xf32>
    tpu.vector_store %arg6[%swap3A_174], %swap3A_177 {strides = array<i32>} : memref<640xf32, #tpu.memory_space<vmem>>, vector<16xf32>,
    %broadcast_in_dim3A_178 = arith.constant 0.000000e+00 : f32
    %broadcast_in_dim3A_179 = vector.broadcast %broadcast_in_dim3A_178 : f32 to vector<16xf32>
    %swap3A_180 = arith.constant 352 : index
    %swap3A_181 = tpu.vector_load %arg6[%swap3A_180] {strides = array<i32>} : memref<640xf32, #tpu.memory_space<vmem>>, vector<16xf32>,
    %swap3A_182 = vector.shape_cast %swap3A_181 : vector<16xf32> to vector<16xf32>
    %swap3A_183 = vector.shape_cast %broadcast_in_dim3A_179 : vector<16xf32> to vector<16xf32>
    tpu.vector_store %arg6[%swap3A_180], %swap3A_183 {strides = array<i32>} : memref<640xf32, #tpu.memory_space<vmem>>, vector<16xf32>,
    %broadcast_in_dim3A_184 = arith.constant 0.000000e+00 : f32
    %broadcast_in_dim3A_185 = vector.broadcast %broadcast_in_dim3A_184 : f32 to vector<16xf32>
    %swap3A_186 = arith.constant 368 : index
    %swap3A_187 = tpu.vector_load %arg6[%swap3A_186] {strides = array<i32>} : memref<640xf32, #tpu.memory_space<vmem>>, vector<16xf32>,
    %swap3A_188 = vector.shape_cast %swap3A_187 : vector<16xf32> to vector<16xf32>
    %swap3A_189 = vector.shape_cast %broadcast_in_dim3A_185 : vector<16xf32> to vector<16xf32>
    tpu.vector_store %arg6[%swap3A_186], %swap3A_189 {strides = array<i32>} : memref<640xf32, #tpu.memory_space<vmem>>, vector<16xf32>,
    %broadcast_in_dim3A_190 = arith.constant 0.000000e+00 : f32
    %broadcast_in_dim3A_191 = vector.broadcast %broadcast_in_dim3A_190 : f32 to vector<16xf32>
    %swap3A_192 = arith.constant 384 : index
    %swap3A_193 = tpu.vector_load %arg6[%swap3A_192] {strides = array<i32>} : memref<640xf32, #tpu.memory_space<vmem>>, vector<16xf32>,
    %swap3A_194 = vector.shape_cast %swap3A_193 : vector<16xf32> to vector<16xf32>
    %swap3A_195 = vector.shape_cast %broadcast_in_dim3A_191 : vector<16xf32> to vector<16xf32>
    tpu.vector_store %arg6[%swap3A_192], %swap3A_195 {strides = array<i32>} : memref<640xf32, #tpu.memory_space<vmem>>, vector<16xf32>,
    %broadcast_in_dim3A_196 = arith.constant 0.000000e+00 : f32
    %broadcast_in_dim3A_197 = vector.broadcast %broadcast_in_dim3A_196 : f32 to vector<16xf32>
    %swap3A_198 = arith.constant 400 : index
    %swap3A_199 = tpu.vector_load %arg6[%swap3A_198] {strides = array<i32>} : memref<640xf32, #tpu.memory_space<vmem>>, vector<16xf32>,
    %swap3A_200 = vector.shape_cast %swap3A_199 : vector<16xf32> to vector<16xf32>
    %swap3A_201 = vector.shape_cast %broadcast_in_dim3A_197 : vector<16xf32> to vector<16xf32>
    tpu.vector_store %arg6[%swap3A_198], %swap3A_201 {strides = array<i32>} : memref<640xf32, #tpu.memory_space<vmem>>, vector<16xf32>,
    %broadcast_in_dim3A_202 = arith.constant 0.000000e+00 : f32
    %broadcast_in_dim3A_203 = vector.broadcast %broadcast_in_dim3A_202 : f32 to vector<16xf32>
    %swap3A_204 = arith.constant 416 : index
    %swap3A_205 = tpu.vector_load %arg6[%swap3A_204] {strides = array<i32>} : memref<640xf32, #tpu.memory_space<vmem>>, vector<16xf32>,
    %swap3A_206 = vector.shape_cast %swap3A_205 : vector<16xf32> to vector<16xf32>
    %swap3A_207 = vector.shape_cast %broadcast_in_dim3A_203 : vector<16xf32> to vector<16xf32>
    tpu.vector_store %arg6[%swap3A_204], %swap3A_207 {strides = array<i32>} : memref<640xf32, #tpu.memory_space<vmem>>, vector<16xf32>,
    %broadcast_in_dim3A_208 = arith.constant 0.000000e+00 : f32
    %broadcast_in_dim3A_209 = vector.broadcast %broadcast_in_dim3A_208 : f32 to vector<16xf32>
    %swap3A_210 = arith.constant 432 : index
    %swap3A_211 = tpu.vector_load %arg6[%swap3A_210] {strides = array<i32>} : memref<640xf32, #tpu.memory_space<vmem>>, vector<16xf32>,
    %swap3A_212 = vector.shape_cast %swap3A_211 : vector<16xf32> to vector<16xf32>
    %swap3A_213 = vector.shape_cast %broadcast_in_dim3A_209 : vector<16xf32> to vector<16xf32>
    tpu.vector_store %arg6[%swap3A_210], %swap3A_213 {strides = array<i32>} : memref<640xf32, #tpu.memory_space<vmem>>, vector<16xf32>,
    %broadcast_in_dim3A_214 = arith.constant 0.000000e+00 : f32
    %broadcast_in_dim3A_215 = vector.broadcast %broadcast_in_dim3A_214 : f32 to vector<16xf32>
    %swap3A_216 = arith.constant 448 : index
    %swap3A_217 = tpu.vector_load %arg6[%swap3A_216] {strides = array<i32>} : memref<640xf32, #tpu.memory_space<vmem>>, vector<16xf32>,
    %swap3A_218 = vector.shape_cast %swap3A_217 : vector<16xf32> to vector<16xf32>
    %swap3A_219 = vector.shape_cast %broadcast_in_dim3A_215 : vector<16xf32> to vector<16xf32>
    tpu.vector_store %arg6[%swap3A_216], %swap3A_219 {strides = array<i32>} : memref<640xf32, #tpu.memory_space<vmem>>, vector<16xf32>,
    %broadcast_in_dim3A_220 = arith.constant 0.000000e+00 : f32
    %broadcast_in_dim3A_221 = vector.broadcast %broadcast_in_dim3A_220 : f32 to vector<16xf32>
    %swap3A_222 = arith.constant 464 : index
    %swap3A_223 = tpu.vector_load %arg6[%swap3A_222] {strides = array<i32>} : memref<640xf32, #tpu.memory_space<vmem>>, vector<16xf32>,
    %swap3A_224 = vector.shape_cast %swap3A_223 : vector<16xf32> to vector<16xf32>
    %swap3A_225 = vector.shape_cast %broadcast_in_dim3A_221 : vector<16xf32> to vector<16xf32>
    tpu.vector_store %arg6[%swap3A_222], %swap3A_225 {strides = array<i32>} : memref<640xf32, #tpu.memory_space<vmem>>, vector<16xf32>,
    %broadcast_in_dim3A_226 = arith.constant 0.000000e+00 : f32
    %broadcast_in_dim3A_227 = vector.broadcast %broadcast_in_dim3A_226 : f32 to vector<16xf32>
    %swap3A_228 = arith.constant 480 : index
    %swap3A_229 = tpu.vector_load %arg6[%swap3A_228] {strides = array<i32>} : memref<640xf32, #tpu.memory_space<vmem>>, vector<16xf32>,
    %swap3A_230 = vector.shape_cast %swap3A_229 : vector<16xf32> to vector<16xf32>
    %swap3A_231 = vector.shape_cast %broadcast_in_dim3A_227 : vector<16xf32> to vector<16xf32>
    tpu.vector_store %arg6[%swap3A_228], %swap3A_231 {strides = array<i32>} : memref<640xf32, #tpu.memory_space<vmem>>, vector<16xf32>,
    %broadcast_in_dim3A_232 = arith.constant 0.000000e+00 : f32
    %broadcast_in_dim3A_233 = vector.broadcast %broadcast_in_dim3A_232 : f32 to vector<16xf32>
    %swap3A_234 = arith.constant 496 : index
    %swap3A_235 = tpu.vector_load %arg6[%swap3A_234] {strides = array<i32>} : memref<640xf32, #tpu.memory_space<vmem>>, vector<16xf32>,
    %swap3A_236 = vector.shape_cast %swap3A_235 : vector<16xf32> to vector<16xf32>
    %swap3A_237 = vector.shape_cast %broadcast_in_dim3A_233 : vector<16xf32> to vector<16xf32>
    tpu.vector_store %arg6[%swap3A_234], %swap3A_237 {strides = array<i32>} : memref<640xf32, #tpu.memory_space<vmem>>, vector<16xf32>,
    %broadcast_in_dim3A_238 = arith.constant 0.000000e+00 : f32
    %broadcast_in_dim3A_239 = vector.broadcast %broadcast_in_dim3A_238 : f32 to vector<16xf32>
    %swap3A_240 = arith.constant 512 : index
    %swap3A_241 = tpu.vector_load %arg6[%swap3A_240] {strides = array<i32>} : memref<640xf32, #tpu.memory_space<vmem>>, vector<16xf32>,
    %swap3A_242 = vector.shape_cast %swap3A_241 : vector<16xf32> to vector<16xf32>
    %swap3A_243 = vector.shape_cast %broadcast_in_dim3A_239 : vector<16xf32> to vector<16xf32>
    tpu.vector_store %arg6[%swap3A_240], %swap3A_243 {strides = array<i32>} : memref<640xf32, #tpu.memory_space<vmem>>, vector<16xf32>,
    %broadcast_in_dim3A_244 = arith.constant 0.000000e+00 : f32
    %broadcast_in_dim3A_245 = vector.broadcast %broadcast_in_dim3A_244 : f32 to vector<16xf32>
    %swap3A_246 = arith.constant 528 : index
    %swap3A_247 = tpu.vector_load %arg6[%swap3A_246] {strides = array<i32>} : memref<640xf32, #tpu.memory_space<vmem>>, vector<16xf32>,
    %swap3A_248 = vector.shape_cast %swap3A_247 : vector<16xf32> to vector<16xf32>
    %swap3A_249 = vector.shape_cast %broadcast_in_dim3A_245 : vector<16xf32> to vector<16xf32>
    tpu.vector_store %arg6[%swap3A_246], %swap3A_249 {strides = array<i32>} : memref<640xf32, #tpu.memory_space<vmem>>, vector<16xf32>,
    %broadcast_in_dim3A_250 = arith.constant 0.000000e+00 : f32
    %broadcast_in_dim3A_251 = vector.broadcast %broadcast_in_dim3A_250 : f32 to vector<16xf32>
    %swap3A_252 = arith.constant 544 : index
    %swap3A_253 = tpu.vector_load %arg6[%swap3A_252] {strides = array<i32>} : memref<640xf32, #tpu.memory_space<vmem>>, vector<16xf32>,
    %swap3A_254 = vector.shape_cast %swap3A_253 : vector<16xf32> to vector<16xf32>
    %swap3A_255 = vector.shape_cast %broadcast_in_dim3A_251 : vector<16xf32> to vector<16xf32>
    tpu.vector_store %arg6[%swap3A_252], %swap3A_255 {strides = array<i32>} : memref<640xf32, #tpu.memory_space<vmem>>, vector<16xf32>,
    %broadcast_in_dim3A_256 = arith.constant 0.000000e+00 : f32
    %broadcast_in_dim3A_257 = vector.broadcast %broadcast_in_dim3A_256 : f32 to vector<16xf32>
    %swap3A_258 = arith.constant 560 : index
    %swap3A_259 = tpu.vector_load %arg6[%swap3A_258] {strides = array<i32>} : memref<640xf32, #tpu.memory_space<vmem>>, vector<16xf32>,
    %swap3A_260 = vector.shape_cast %swap3A_259 : vector<16xf32> to vector<16xf32>
    %swap3A_261 = vector.shape_cast %broadcast_in_dim3A_257 : vector<16xf32> to vector<16xf32>
    tpu.vector_store %arg6[%swap3A_258], %swap3A_261 {strides = array<i32>} : memref<640xf32, #tpu.memory_space<vmem>>, vector<16xf32>,
    %broadcast_in_dim3A_262 = arith.constant 0.000000e+00 : f32
    %broadcast_in_dim3A_263 = vector.broadcast %broadcast_in_dim3A_262 : f32 to vector<16xf32>
    %swap3A_264 = arith.constant 576 : index
    %swap3A_265 = tpu.vector_load %arg6[%swap3A_264] {strides = array<i32>} : memref<640xf32, #tpu.memory_space<vmem>>, vector<16xf32>,
    %swap3A_266 = vector.shape_cast %swap3A_265 : vector<16xf32> to vector<16xf32>
    %swap3A_267 = vector.shape_cast %broadcast_in_dim3A_263 : vector<16xf32> to vector<16xf32>
    tpu.vector_store %arg6[%swap3A_264], %swap3A_267 {strides = array<i32>} : memref<640xf32, #tpu.memory_space<vmem>>, vector<16xf32>,
    %broadcast_in_dim3A_268 = arith.constant 0.000000e+00 : f32
    %broadcast_in_dim3A_269 = vector.broadcast %broadcast_in_dim3A_268 : f32 to vector<16xf32>
    %swap3A_270 = arith.constant 592 : index
    %swap3A_271 = tpu.vector_load %arg6[%swap3A_270] {strides = array<i32>} : memref<640xf32, #tpu.memory_space<vmem>>, vector<16xf32>,
    %swap3A_272 = vector.shape_cast %swap3A_271 : vector<16xf32> to vector<16xf32>
    %swap3A_273 = vector.shape_cast %broadcast_in_dim3A_269 : vector<16xf32> to vector<16xf32>
    tpu.vector_store %arg6[%swap3A_270], %swap3A_273 {strides = array<i32>} : memref<640xf32, #tpu.memory_space<vmem>>, vector<16xf32>,
    %broadcast_in_dim3A_274 = arith.constant 0.000000e+00 : f32
    %broadcast_in_dim3A_275 = vector.broadcast %broadcast_in_dim3A_274 : f32 to vector<16xf32>
    %swap3A_276 = arith.constant 608 : index
    %swap3A_277 = tpu.vector_load %arg6[%swap3A_276] {strides = array<i32>} : memref<640xf32, #tpu.memory_space<vmem>>, vector<16xf32>,
    %swap3A_278 = vector.shape_cast %swap3A_277 : vector<16xf32> to vector<16xf32>
    %swap3A_279 = vector.shape_cast %broadcast_in_dim3A_275 : vector<16xf32> to vector<16xf32>
    tpu.vector_store %arg6[%swap3A_276], %swap3A_279 {strides = array<i32>} : memref<640xf32, #tpu.memory_space<vmem>>, vector<16xf32>,
    %broadcast_in_dim3A_280 = arith.constant 0.000000e+00 : f32
    %broadcast_in_dim3A_281 = vector.broadcast %broadcast_in_dim3A_280 : f32 to vector<16xf32>
    %swap3A_282 = arith.constant 624 : index
    %swap3A_283 = tpu.vector_load %arg6[%swap3A_282] {strides = array<i32>} : memref<640xf32, #tpu.memory_space<vmem>>, vector<16xf32>,
    %swap3A_284 = vector.shape_cast %swap3A_283 : vector<16xf32> to vector<16xf32>
    %swap3A_285 = vector.shape_cast %broadcast_in_dim3A_281 : vector<16xf32> to vector<16xf32>
    tpu.vector_store %arg6[%swap3A_282], %swap3A_285 {strides = array<i32>} : memref<640xf32, #tpu.memory_space<vmem>>, vector<16xf32>,
    %mul3A = arith.constant 640 : i32
    %mul3A_286 = arith.muli %arg1, %mul3A : i32
    "tpu.region"() ({
      %run_scoped3A = tpu.sem_alloc : memref<!tpu.dma_semaphore, #tpu.memory_space<semaphore_mem>>
      %dma_start3A = tpu.memref_slice %arg7[%mul3A_286] : memref<10240xf32, #tpu.memory_space<vmem_shared>> -> memref<640xf32, #tpu.memory_space<vmem_shared>>
      %dma_start3A_319 = tpu.memref_slice %arg7[%mul3A_286] : memref<10240xf32, #tpu.memory_space<vmem_shared>> -> memref<640xf32, #tpu.memory_space<vmem_shared>>
      tpu.enqueue_dma source(%arg6 : memref<640xf32, #tpu.memory_space<vmem>>) target(%dma_start3A_319 : memref<640xf32, #tpu.memory_space<vmem_shared>>) target_semaphore(%run_scoped3A : memref<!tpu.dma_semaphore, #tpu.memory_space<semaphore_mem>>)
      %dma_wait3A = tpu.memref_slice %arg7[%mul3A_286] : memref<10240xf32, #tpu.memory_space<vmem_shared>> -> memref<640xf32, #tpu.memory_space<vmem_shared>>
      %dma_wait3A_320 = tpu.memref_slice %arg7[%mul3A_286] : memref<10240xf32, #tpu.memory_space<vmem_shared>> -> memref<640xf32, #tpu.memory_space<vmem_shared>>
      tpu.wait_dma2 semaphore(%run_scoped3A : memref<!tpu.dma_semaphore, #tpu.memory_space<semaphore_mem>>) src(%arg6 : memref<640xf32, #tpu.memory_space<vmem>>) dst(%dma_wait3A_320 : memref<640xf32, #tpu.memory_space<vmem_shared>>)
      tpu.yield
    }) : () -> ()
    %eq3A = arith.constant 0 : i32
    %eq3A_287 = arith.cmpi eq, %arg0, %eq3A : i32
    %mul3A_288 = arith.constant 128 : i32
    %mul3A_289 = arith.muli %arg1, %mul3A_288 : i32
    %mul3A_290 = arith.constant 32 : i32
    %mul3A_291 = arith.muli %arg1, %mul3A_290 : i32
    %add3A = arith.constant 2048 : i32
    %add3A_292 = arith.addi %add3A, %mul3A_291 : i32
    %select_n3A = arith.select %eq3A_287, %mul3A_289, %add3A_292 : i32
    %eq3A_293 = arith.constant 0 : i32
    %eq3A_294 = arith.cmpi eq, %arg0, %eq3A_293 : i32
    %jit3A = arith.constant 16 : i32
    %jit3A_295 = arith.constant 4 : i32
    %select_n3A_296 = arith.select %eq3A_294, %jit3A, %jit3A_295 : i32
    %eq3A_297 = arith.constant 0 : i32
    %eq3A_298 = arith.cmpi eq, %arg0, %eq3A_297 : i32
    %convert_element_type3A = arith.extui %eq3A_298 : i1 to i32
    %cond3A = arith.constant 0 : i32
    %cond3A_299 = arith.cmpi ne, %convert_element_type3A, %cond3A : i32
    scf.if %cond3A_299 {
      "tpu.region"() ({
        %run_scoped3A = tpu.sem_alloc : memref<!tpu.dma_semaphore, #tpu.memory_space<semaphore_mem>>
        %dma_start3A = arith.constant 0 : i32
        %dma_start3A_319 = tpu.memref_slice %arg2[%select_n3A, %dma_start3A] : memref<2560x128xi32, #tpu.memory_space<hbm>> -> memref<128x128xi32, #tpu.memory_space<hbm>>
        %dma_start3A_320 = arith.constant 0 : i32
        %dma_start3A_321 = tpu.memref_slice %arg2[%select_n3A, %dma_start3A_320] : memref<2560x128xi32, #tpu.memory_space<hbm>> -> memref<128x128xi32, #tpu.memory_space<hbm>>
        tpu.enqueue_dma source(%dma_start3A_321 : memref<128x128xi32, #tpu.memory_space<hbm>>) target(%arg4 : memref<128x128xi32, #tpu.memory_space<vmem>>) target_semaphore(%run_scoped3A : memref<!tpu.dma_semaphore, #tpu.memory_space<semaphore_mem>>)
        %dma_wait3A = arith.constant 0 : i32
        %dma_wait3A_322 = tpu.memref_slice %arg2[%select_n3A, %dma_wait3A] : memref<2560x128xi32, #tpu.memory_space<hbm>> -> memref<128x128xi32, #tpu.memory_space<hbm>>
        %dma_wait3A_323 = arith.constant 0 : i32
        %dma_wait3A_324 = tpu.memref_slice %arg2[%select_n3A, %dma_wait3A_323] : memref<2560x128xi32, #tpu.memory_space<hbm>> -> memref<128x128xi32, #tpu.memory_space<hbm>>
        tpu.wait_dma2 semaphore(%run_scoped3A : memref<!tpu.dma_semaphore, #tpu.memory_space<semaphore_mem>>) src(%dma_wait3A_324 : memref<128x128xi32, #tpu.memory_space<hbm>>) dst(%arg4 : memref<128x128xi32, #tpu.memory_space<vmem>>)
        tpu.yield
      }) : () -> ()
    } else {
    }
    %eq3A_300 = arith.constant 1 : i32
    %eq3A_301 = arith.cmpi eq, %arg0, %eq3A_300 : i32
    %convert_element_type3A_302 = arith.extui %eq3A_301 : i1 to i32
    %cond3A_303 = arith.constant 0 : i32
    %cond3A_304 = arith.cmpi ne, %convert_element_type3A_302, %cond3A_303 : i32
    scf.if %cond3A_304 {
      "tpu.region"() ({
        %run_scoped3A = tpu.sem_alloc : memref<!tpu.dma_semaphore, #tpu.memory_space<semaphore_mem>>
        %dma_start3A = arith.constant 0 : i32
        %dma_start3A_319 = arith.constant 0 : i32
        %dma_start3A_320 = tpu.memref_slice %arg4[%dma_start3A, %dma_start3A_319] : memref<128x128xi32, #tpu.memory_space<vmem>> -> memref<32x128xi32, #tpu.memory_space<vmem>>
        %dma_start3A_321 = arith.constant 0 : i32
        %dma_start3A_322 = tpu.memref_slice %arg2[%select_n3A, %dma_start3A_321] : memref<2560x128xi32, #tpu.memory_space<hbm>> -> memref<32x128xi32, #tpu.memory_space<hbm>>
        %dma_start3A_323 = arith.constant 0 : i32
        %dma_start3A_324 = arith.constant 0 : i32
        %dma_start3A_325 = tpu.memref_slice %arg4[%dma_start3A_323, %dma_start3A_324] : memref<128x128xi32, #tpu.memory_space<vmem>> -> memref<32x128xi32, #tpu.memory_space<vmem>>
        %dma_start3A_326 = arith.constant 0 : i32
        %dma_start3A_327 = tpu.memref_slice %arg2[%select_n3A, %dma_start3A_326] : memref<2560x128xi32, #tpu.memory_space<hbm>> -> memref<32x128xi32, #tpu.memory_space<hbm>>
        tpu.enqueue_dma source(%dma_start3A_327 : memref<32x128xi32, #tpu.memory_space<hbm>>) target(%dma_start3A_325 : memref<32x128xi32, #tpu.memory_space<vmem>>) target_semaphore(%run_scoped3A : memref<!tpu.dma_semaphore, #tpu.memory_space<semaphore_mem>>)
        %dma_wait3A = arith.constant 0 : i32
        %dma_wait3A_328 = arith.constant 0 : i32
        %dma_wait3A_329 = tpu.memref_slice %arg4[%dma_wait3A, %dma_wait3A_328] : memref<128x128xi32, #tpu.memory_space<vmem>> -> memref<32x128xi32, #tpu.memory_space<vmem>>
        %dma_wait3A_330 = arith.constant 0 : i32
        %dma_wait3A_331 = tpu.memref_slice %arg2[%select_n3A, %dma_wait3A_330] : memref<2560x128xi32, #tpu.memory_space<hbm>> -> memref<32x128xi32, #tpu.memory_space<hbm>>
        %dma_wait3A_332 = arith.constant 0 : i32
        %dma_wait3A_333 = arith.constant 0 : i32
        %dma_wait3A_334 = tpu.memref_slice %arg4[%dma_wait3A_332, %dma_wait3A_333] : memref<128x128xi32, #tpu.memory_space<vmem>> -> memref<32x128xi32, #tpu.memory_space<vmem>>
        %dma_wait3A_335 = arith.constant 0 : i32
        %dma_wait3A_336 = tpu.memref_slice %arg2[%select_n3A, %dma_wait3A_335] : memref<2560x128xi32, #tpu.memory_space<hbm>> -> memref<32x128xi32, #tpu.memory_space<hbm>>
        tpu.wait_dma2 semaphore(%run_scoped3A : memref<!tpu.dma_semaphore, #tpu.memory_space<semaphore_mem>>) src(%dma_wait3A_336 : memref<32x128xi32, #tpu.memory_space<hbm>>) dst(%dma_wait3A_334 : memref<32x128xi32, #tpu.memory_space<vmem>>)
        tpu.yield
      }) : () -> ()
    } else {
    }
    %barrier3A = arith.constant 0 : index
    tpu.barrier barrier_id(%barrier3A)
    %while3A = arith.constant 0 : i32
    %while3A_305 = arith.constant 0 : i32
    %while3A_306 = arith.subi %select_n3A_296, %while3A_305 : i32
    %while3A_307 = arith.addi %while3A_305, %while3A_306 : i32
    %while3A_308 = arith.constant 1 : i32
    %while3A_309 = arith.divsi %while3A_306, %while3A_308 : i32
    %while3A_310 = arith.muli %while3A_309, %while3A_308 : i32
    %while3A_311 = arith.addi %while3A_305, %while3A_310 : i32
    %while3A_312 = arith.constant 1 : i32
    scf.for %while3A_319 = %while3A_305 to %while3A_311 step %while3A_312  : i32 {
      %mul3A_320 = arith.constant 8 : i32
      %mul3A_321 = arith.muli %while3A_319, %mul3A_320 : i32
      %add3A_322 = arith.constant 0 : i32
      %add3A_323 = arith.addi %mul3A_321, %add3A_322 : i32
      %dma_start3A = arith.constant 0 : i32
      %dma_start3A_324 = tpu.memref_slice %arg4[%add3A_323, %dma_start3A] : memref<128x128xi32, #tpu.memory_space<vmem>> -> memref<1x128xi32, #tpu.memory_space<vmem>>
      %dma_start3A_325 = tpu.memref_squeeze %dma_start3A_324 : memref<1x128xi32, #tpu.memory_space<vmem>> -> memref<128xi32, #tpu.memory_space<vmem>>
      %dma_start3A_326 = arith.constant 0 : i32
      %dma_start3A_327 = tpu.memref_slice %arg7[%dma_start3A_326] : memref<10240xf32, #tpu.memory_space<vmem_shared>> -> memref<10240xf32, #tpu.memory_space<vmem_shared>>
      tpu.enqueue_indirect_dma source(%arg5 : memref<128xf32, #tpu.memory_space<vmem>>) target(%dma_start3A_327 : memref<10240xf32, #tpu.memory_space<vmem_shared>>) offsets(%dma_start3A_325 : memref<128xi32, #tpu.memory_space<vmem>>) semaphore(%arg8 : memref<!tpu.dma_semaphore, #tpu.memory_space<semaphore_mem>>) {add = true}
      %mul3A_328 = arith.constant 8 : i32
      %mul3A_329 = arith.muli %while3A_319, %mul3A_328 : i32
      %add3A_330 = arith.constant 1 : i32
      %add3A_331 = arith.addi %mul3A_329, %add3A_330 : i32
      %dma_start3A_332 = arith.constant 0 : i32
      %dma_start3A_333 = tpu.memref_slice %arg4[%add3A_331, %dma_start3A_332] : memref<128x128xi32, #tpu.memory_space<vmem>> -> memref<1x128xi32, #tpu.memory_space<vmem>>
      %dma_start3A_334 = tpu.memref_squeeze %dma_start3A_333 : memref<1x128xi32, #tpu.memory_space<vmem>> -> memref<128xi32, #tpu.memory_space<vmem>>
      %dma_start3A_335 = arith.constant 0 : i32
      %dma_start3A_336 = tpu.memref_slice %arg7[%dma_start3A_335] : memref<10240xf32, #tpu.memory_space<vmem_shared>> -> memref<10240xf32, #tpu.memory_space<vmem_shared>>
      tpu.enqueue_indirect_dma source(%arg5 : memref<128xf32, #tpu.memory_space<vmem>>) target(%dma_start3A_336 : memref<10240xf32, #tpu.memory_space<vmem_shared>>) offsets(%dma_start3A_334 : memref<128xi32, #tpu.memory_space<vmem>>) semaphore(%arg8 : memref<!tpu.dma_semaphore, #tpu.memory_space<semaphore_mem>>) {add = true}
      %mul3A_337 = arith.constant 8 : i32
      %mul3A_338 = arith.muli %while3A_319, %mul3A_337 : i32
      %add3A_339 = arith.constant 2 : i32
      %add3A_340 = arith.addi %mul3A_338, %add3A_339 : i32
      %dma_start3A_341 = arith.constant 0 : i32
      %dma_start3A_342 = tpu.memref_slice %arg4[%add3A_340, %dma_start3A_341] : memref<128x128xi32, #tpu.memory_space<vmem>> -> memref<1x128xi32, #tpu.memory_space<vmem>>
      %dma_start3A_343 = tpu.memref_squeeze %dma_start3A_342 : memref<1x128xi32, #tpu.memory_space<vmem>> -> memref<128xi32, #tpu.memory_space<vmem>>
      %dma_start3A_344 = arith.constant 0 : i32
      %dma_start3A_345 = tpu.memref_slice %arg7[%dma_start3A_344] : memref<10240xf32, #tpu.memory_space<vmem_shared>> -> memref<10240xf32, #tpu.memory_space<vmem_shared>>
      tpu.enqueue_indirect_dma source(%arg5 : memref<128xf32, #tpu.memory_space<vmem>>) target(%dma_start3A_345 : memref<10240xf32, #tpu.memory_space<vmem_shared>>) offsets(%dma_start3A_343 : memref<128xi32, #tpu.memory_space<vmem>>) semaphore(%arg8 : memref<!tpu.dma_semaphore, #tpu.memory_space<semaphore_mem>>) {add = true}
      %mul3A_346 = arith.constant 8 : i32
      %mul3A_347 = arith.muli %while3A_319, %mul3A_346 : i32
      %add3A_348 = arith.constant 3 : i32
      %add3A_349 = arith.addi %mul3A_347, %add3A_348 : i32
      %dma_start3A_350 = arith.constant 0 : i32
      %dma_start3A_351 = tpu.memref_slice %arg4[%add3A_349, %dma_start3A_350] : memref<128x128xi32, #tpu.memory_space<vmem>> -> memref<1x128xi32, #tpu.memory_space<vmem>>
      %dma_start3A_352 = tpu.memref_squeeze %dma_start3A_351 : memref<1x128xi32, #tpu.memory_space<vmem>> -> memref<128xi32, #tpu.memory_space<vmem>>
      %dma_start3A_353 = arith.constant 0 : i32
      %dma_start3A_354 = tpu.memref_slice %arg7[%dma_start3A_353] : memref<10240xf32, #tpu.memory_space<vmem_shared>> -> memref<10240xf32, #tpu.memory_space<vmem_shared>>
      tpu.enqueue_indirect_dma source(%arg5 : memref<128xf32, #tpu.memory_space<vmem>>) target(%dma_start3A_354 : memref<10240xf32, #tpu.memory_space<vmem_shared>>) offsets(%dma_start3A_352 : memref<128xi32, #tpu.memory_space<vmem>>) semaphore(%arg8 : memref<!tpu.dma_semaphore, #tpu.memory_space<semaphore_mem>>) {add = true}
      %mul3A_355 = arith.constant 8 : i32
      %mul3A_356 = arith.muli %while3A_319, %mul3A_355 : i32
      %add3A_357 = arith.constant 4 : i32
      %add3A_358 = arith.addi %mul3A_356, %add3A_357 : i32
      %dma_start3A_359 = arith.constant 0 : i32
      %dma_start3A_360 = tpu.memref_slice %arg4[%add3A_358, %dma_start3A_359] : memref<128x128xi32, #tpu.memory_space<vmem>> -> memref<1x128xi32, #tpu.memory_space<vmem>>
      %dma_start3A_361 = tpu.memref_squeeze %dma_start3A_360 : memref<1x128xi32, #tpu.memory_space<vmem>> -> memref<128xi32, #tpu.memory_space<vmem>>
      %dma_start3A_362 = arith.constant 0 : i32
      %dma_start3A_363 = tpu.memref_slice %arg7[%dma_start3A_362] : memref<10240xf32, #tpu.memory_space<vmem_shared>> -> memref<10240xf32, #tpu.memory_space<vmem_shared>>
      tpu.enqueue_indirect_dma source(%arg5 : memref<128xf32, #tpu.memory_space<vmem>>) target(%dma_start3A_363 : memref<10240xf32, #tpu.memory_space<vmem_shared>>) offsets(%dma_start3A_361 : memref<128xi32, #tpu.memory_space<vmem>>) semaphore(%arg8 : memref<!tpu.dma_semaphore, #tpu.memory_space<semaphore_mem>>) {add = true}
      %mul3A_364 = arith.constant 8 : i32
      %mul3A_365 = arith.muli %while3A_319, %mul3A_364 : i32
      %add3A_366 = arith.constant 5 : i32
      %add3A_367 = arith.addi %mul3A_365, %add3A_366 : i32
      %dma_start3A_368 = arith.constant 0 : i32
      %dma_start3A_369 = tpu.memref_slice %arg4[%add3A_367, %dma_start3A_368] : memref<128x128xi32, #tpu.memory_space<vmem>> -> memref<1x128xi32, #tpu.memory_space<vmem>>
      %dma_start3A_370 = tpu.memref_squeeze %dma_start3A_369 : memref<1x128xi32, #tpu.memory_space<vmem>> -> memref<128xi32, #tpu.memory_space<vmem>>
      %dma_start3A_371 = arith.constant 0 : i32
      %dma_start3A_372 = tpu.memref_slice %arg7[%dma_start3A_371] : memref<10240xf32, #tpu.memory_space<vmem_shared>> -> memref<10240xf32, #tpu.memory_space<vmem_shared>>
      tpu.enqueue_indirect_dma source(%arg5 : memref<128xf32, #tpu.memory_space<vmem>>) target(%dma_start3A_372 : memref<10240xf32, #tpu.memory_space<vmem_shared>>) offsets(%dma_start3A_370 : memref<128xi32, #tpu.memory_space<vmem>>) semaphore(%arg8 : memref<!tpu.dma_semaphore, #tpu.memory_space<semaphore_mem>>) {add = true}
      %mul3A_373 = arith.constant 8 : i32
      %mul3A_374 = arith.muli %while3A_319, %mul3A_373 : i32
      %add3A_375 = arith.constant 6 : i32
      %add3A_376 = arith.addi %mul3A_374, %add3A_375 : i32
      %dma_start3A_377 = arith.constant 0 : i32
      %dma_start3A_378 = tpu.memref_slice %arg4[%add3A_376, %dma_start3A_377] : memref<128x128xi32, #tpu.memory_space<vmem>> -> memref<1x128xi32, #tpu.memory_space<vmem>>
      %dma_start3A_379 = tpu.memref_squeeze %dma_start3A_378 : memref<1x128xi32, #tpu.memory_space<vmem>> -> memref<128xi32, #tpu.memory_space<vmem>>
      %dma_start3A_380 = arith.constant 0 : i32
      %dma_start3A_381 = tpu.memref_slice %arg7[%dma_start3A_380] : memref<10240xf32, #tpu.memory_space<vmem_shared>> -> memref<10240xf32, #tpu.memory_space<vmem_shared>>
      tpu.enqueue_indirect_dma source(%arg5 : memref<128xf32, #tpu.memory_space<vmem>>) target(%dma_start3A_381 : memref<10240xf32, #tpu.memory_space<vmem_shared>>) offsets(%dma_start3A_379 : memref<128xi32, #tpu.memory_space<vmem>>) semaphore(%arg8 : memref<!tpu.dma_semaphore, #tpu.memory_space<semaphore_mem>>) {add = true}
      %mul3A_382 = arith.constant 8 : i32
      %mul3A_383 = arith.muli %while3A_319, %mul3A_382 : i32
      %add3A_384 = arith.constant 7 : i32
      %add3A_385 = arith.addi %mul3A_383, %add3A_384 : i32
      %dma_start3A_386 = arith.constant 0 : i32
      %dma_start3A_387 = tpu.memref_slice %arg4[%add3A_385, %dma_start3A_386] : memref<128x128xi32, #tpu.memory_space<vmem>> -> memref<1x128xi32, #tpu.memory_space<vmem>>
      %dma_start3A_388 = tpu.memref_squeeze %dma_start3A_387 : memref<1x128xi32, #tpu.memory_space<vmem>> -> memref<128xi32, #tpu.memory_space<vmem>>
      %dma_start3A_389 = arith.constant 0 : i32
      %dma_start3A_390 = tpu.memref_slice %arg7[%dma_start3A_389] : memref<10240xf32, #tpu.memory_space<vmem_shared>> -> memref<10240xf32, #tpu.memory_space<vmem_shared>>
      tpu.enqueue_indirect_dma source(%arg5 : memref<128xf32, #tpu.memory_space<vmem>>) target(%dma_start3A_390 : memref<10240xf32, #tpu.memory_space<vmem_shared>>) offsets(%dma_start3A_388 : memref<128xi32, #tpu.memory_space<vmem>>) semaphore(%arg8 : memref<!tpu.dma_semaphore, #tpu.memory_space<semaphore_mem>>) {add = true}
      %dma_wait3A = arith.constant 0 : i32
      %dma_wait3A_391 = arith.constant 0 : i32
      %dma_wait3A_392 = tpu.memref_slice %arg4[%dma_wait3A, %dma_wait3A_391] : memref<128x128xi32, #tpu.memory_space<vmem>> -> memref<1x128xi32, #tpu.memory_space<vmem>>
      %dma_wait3A_393 = tpu.memref_squeeze %dma_wait3A_392 : memref<1x128xi32, #tpu.memory_space<vmem>> -> memref<128xi32, #tpu.memory_space<vmem>>
      %dma_wait3A_394 = arith.constant 0 : i32
      %dma_wait3A_395 = tpu.memref_slice %arg7[%dma_wait3A_394] : memref<10240xf32, #tpu.memory_space<vmem_shared>> -> memref<10240xf32, #tpu.memory_space<vmem_shared>>
      tpu.wait_indirect_dma semaphore(%arg8 : memref<!tpu.dma_semaphore, #tpu.memory_space<semaphore_mem>>) src(%arg5 : memref<128xf32, #tpu.memory_space<vmem>>) dst(%dma_wait3A_395 : memref<10240xf32, #tpu.memory_space<vmem_shared>>)
      %dma_wait3A_396 = arith.constant 0 : i32
      %dma_wait3A_397 = arith.constant 0 : i32
      %dma_wait3A_398 = tpu.memref_slice %arg4[%dma_wait3A_396, %dma_wait3A_397] : memref<128x128xi32, #tpu.memory_space<vmem>> -> memref<1x128xi32, #tpu.memory_space<vmem>>
      %dma_wait3A_399 = tpu.memref_squeeze %dma_wait3A_398 : memref<1x128xi32, #tpu.memory_space<vmem>> -> memref<128xi32, #tpu.memory_space<vmem>>
      %dma_wait3A_400 = arith.constant 0 : i32
      %dma_wait3A_401 = tpu.memref_slice %arg7[%dma_wait3A_400] : memref<10240xf32, #tpu.memory_space<vmem_shared>> -> memref<10240xf32, #tpu.memory_space<vmem_shared>>
      tpu.wait_indirect_dma semaphore(%arg8 : memref<!tpu.dma_semaphore, #tpu.memory_space<semaphore_mem>>) src(%arg5 : memref<128xf32, #tpu.memory_space<vmem>>) dst(%dma_wait3A_401 : memref<10240xf32, #tpu.memory_space<vmem_shared>>)
      %dma_wait3A_402 = arith.constant 0 : i32
      %dma_wait3A_403 = arith.constant 0 : i32
      %dma_wait3A_404 = tpu.memref_slice %arg4[%dma_wait3A_402, %dma_wait3A_403] : memref<128x128xi32, #tpu.memory_space<vmem>> -> memref<1x128xi32, #tpu.memory_space<vmem>>
      %dma_wait3A_405 = tpu.memref_squeeze %dma_wait3A_404 : memref<1x128xi32, #tpu.memory_space<vmem>> -> memref<128xi32, #tpu.memory_space<vmem>>
      %dma_wait3A_406 = arith.constant 0 : i32
      %dma_wait3A_407 = tpu.memref_slice %arg7[%dma_wait3A_406] : memref<10240xf32, #tpu.memory_space<vmem_shared>> -> memref<10240xf32, #tpu.memory_space<vmem_shared>>
      tpu.wait_indirect_dma semaphore(%arg8 : memref<!tpu.dma_semaphore, #tpu.memory_space<semaphore_mem>>) src(%arg5 : memref<128xf32, #tpu.memory_space<vmem>>) dst(%dma_wait3A_407 : memref<10240xf32, #tpu.memory_space<vmem_shared>>)
      %dma_wait3A_408 = arith.constant 0 : i32
      %dma_wait3A_409 = arith.constant 0 : i32
      %dma_wait3A_410 = tpu.memref_slice %arg4[%dma_wait3A_408, %dma_wait3A_409] : memref<128x128xi32, #tpu.memory_space<vmem>> -> memref<1x128xi32, #tpu.memory_space<vmem>>
      %dma_wait3A_411 = tpu.memref_squeeze %dma_wait3A_410 : memref<1x128xi32, #tpu.memory_space<vmem>> -> memref<128xi32, #tpu.memory_space<vmem>>
      %dma_wait3A_412 = arith.constant 0 : i32
      %dma_wait3A_413 = tpu.memref_slice %arg7[%dma_wait3A_412] : memref<10240xf32, #tpu.memory_space<vmem_shared>> -> memref<10240xf32, #tpu.memory_space<vmem_shared>>
      tpu.wait_indirect_dma semaphore(%arg8 : memref<!tpu.dma_semaphore, #tpu.memory_space<semaphore_mem>>) src(%arg5 : memref<128xf32, #tpu.memory_space<vmem>>) dst(%dma_wait3A_413 : memref<10240xf32, #tpu.memory_space<vmem_shared>>)
      %dma_wait3A_414 = arith.constant 0 : i32
      %dma_wait3A_415 = arith.constant 0 : i32
      %dma_wait3A_416 = tpu.memref_slice %arg4[%dma_wait3A_414, %dma_wait3A_415] : memref<128x128xi32, #tpu.memory_space<vmem>> -> memref<1x128xi32, #tpu.memory_space<vmem>>
      %dma_wait3A_417 = tpu.memref_squeeze %dma_wait3A_416 : memref<1x128xi32, #tpu.memory_space<vmem>> -> memref<128xi32, #tpu.memory_space<vmem>>
      %dma_wait3A_418 = arith.constant 0 : i32
      %dma_wait3A_419 = tpu.memref_slice %arg7[%dma_wait3A_418] : memref<10240xf32, #tpu.memory_space<vmem_shared>> -> memref<10240xf32, #tpu.memory_space<vmem_shared>>
      tpu.wait_indirect_dma semaphore(%arg8 : memref<!tpu.dma_semaphore, #tpu.memory_space<semaphore_mem>>) src(%arg5 : memref<128xf32, #tpu.memory_space<vmem>>) dst(%dma_wait3A_419 : memref<10240xf32, #tpu.memory_space<vmem_shared>>)
      %dma_wait3A_420 = arith.constant 0 : i32
      %dma_wait3A_421 = arith.constant 0 : i32
      %dma_wait3A_422 = tpu.memref_slice %arg4[%dma_wait3A_420, %dma_wait3A_421] : memref<128x128xi32, #tpu.memory_space<vmem>> -> memref<1x128xi32, #tpu.memory_space<vmem>>
      %dma_wait3A_423 = tpu.memref_squeeze %dma_wait3A_422 : memref<1x128xi32, #tpu.memory_space<vmem>> -> memref<128xi32, #tpu.memory_space<vmem>>
      %dma_wait3A_424 = arith.constant 0 : i32
      %dma_wait3A_425 = tpu.memref_slice %arg7[%dma_wait3A_424] : memref<10240xf32, #tpu.memory_space<vmem_shared>> -> memref<10240xf32, #tpu.memory_space<vmem_shared>>
      tpu.wait_indirect_dma semaphore(%arg8 : memref<!tpu.dma_semaphore, #tpu.memory_space<semaphore_mem>>) src(%arg5 : memref<128xf32, #tpu.memory_space<vmem>>) dst(%dma_wait3A_425 : memref<10240xf32, #tpu.memory_space<vmem_shared>>)
      %dma_wait3A_426 = arith.constant 0 : i32
      %dma_wait3A_427 = arith.constant 0 : i32
      %dma_wait3A_428 = tpu.memref_slice %arg4[%dma_wait3A_426, %dma_wait3A_427] : memref<128x128xi32, #tpu.memory_space<vmem>> -> memref<1x128xi32, #tpu.memory_space<vmem>>
      %dma_wait3A_429 = tpu.memref_squeeze %dma_wait3A_428 : memref<1x128xi32, #tpu.memory_space<vmem>> -> memref<128xi32, #tpu.memory_space<vmem>>
      %dma_wait3A_430 = arith.constant 0 : i32
      %dma_wait3A_431 = tpu.memref_slice %arg7[%dma_wait3A_430] : memref<10240xf32, #tpu.memory_space<vmem_shared>> -> memref<10240xf32, #tpu.memory_space<vmem_shared>>
      tpu.wait_indirect_dma semaphore(%arg8 : memref<!tpu.dma_semaphore, #tpu.memory_space<semaphore_mem>>) src(%arg5 : memref<128xf32, #tpu.memory_space<vmem>>) dst(%dma_wait3A_431 : memref<10240xf32, #tpu.memory_space<vmem_shared>>)
      %dma_wait3A_432 = arith.constant 0 : i32
      %dma_wait3A_433 = arith.constant 0 : i32
      %dma_wait3A_434 = tpu.memref_slice %arg4[%dma_wait3A_432, %dma_wait3A_433] : memref<128x128xi32, #tpu.memory_space<vmem>> -> memref<1x128xi32, #tpu.memory_space<vmem>>
      %dma_wait3A_435 = tpu.memref_squeeze %dma_wait3A_434 : memref<1x128xi32, #tpu.memory_space<vmem>> -> memref<128xi32, #tpu.memory_space<vmem>>
      %dma_wait3A_436 = arith.constant 0 : i32
      %dma_wait3A_437 = tpu.memref_slice %arg7[%dma_wait3A_436] : memref<10240xf32, #tpu.memory_space<vmem_shared>> -> memref<10240xf32, #tpu.memory_space<vmem_shared>>
      tpu.wait_indirect_dma semaphore(%arg8 : memref<!tpu.dma_semaphore, #tpu.memory_space<semaphore_mem>>) src(%arg5 : memref<128xf32, #tpu.memory_space<vmem>>) dst(%dma_wait3A_437 : memref<10240xf32, #tpu.memory_space<vmem_shared>>)
    }
    %while3A_313 = arith.constant 1 : i32
    scf.for %while3A_319 = %while3A_311 to %while3A_307 step %while3A_313  : i32 {
      %mul3A_320 = arith.constant 8 : i32
      %mul3A_321 = arith.muli %while3A_319, %mul3A_320 : i32
      %add3A_322 = arith.constant 0 : i32
      %add3A_323 = arith.addi %mul3A_321, %add3A_322 : i32
      %dma_start3A = arith.constant 0 : i32
      %dma_start3A_324 = tpu.memref_slice %arg4[%add3A_323, %dma_start3A] : memref<128x128xi32, #tpu.memory_space<vmem>> -> memref<1x128xi32, #tpu.memory_space<vmem>>
      %dma_start3A_325 = tpu.memref_squeeze %dma_start3A_324 : memref<1x128xi32, #tpu.memory_space<vmem>> -> memref<128xi32, #tpu.memory_space<vmem>>
      %dma_start3A_326 = arith.constant 0 : i32
      %dma_start3A_327 = tpu.memref_slice %arg7[%dma_start3A_326] : memref<10240xf32, #tpu.memory_space<vmem_shared>> -> memref<10240xf32, #tpu.memory_space<vmem_shared>>
      tpu.enqueue_indirect_dma source(%arg5 : memref<128xf32, #tpu.memory_space<vmem>>) target(%dma_start3A_327 : memref<10240xf32, #tpu.memory_space<vmem_shared>>) offsets(%dma_start3A_325 : memref<128xi32, #tpu.memory_space<vmem>>) semaphore(%arg8 : memref<!tpu.dma_semaphore, #tpu.memory_space<semaphore_mem>>) {add = true}
      %mul3A_328 = arith.constant 8 : i32
      %mul3A_329 = arith.muli %while3A_319, %mul3A_328 : i32
      %add3A_330 = arith.constant 1 : i32
      %add3A_331 = arith.addi %mul3A_329, %add3A_330 : i32
      %dma_start3A_332 = arith.constant 0 : i32
      %dma_start3A_333 = tpu.memref_slice %arg4[%add3A_331, %dma_start3A_332] : memref<128x128xi32, #tpu.memory_space<vmem>> -> memref<1x128xi32, #tpu.memory_space<vmem>>
      %dma_start3A_334 = tpu.memref_squeeze %dma_start3A_333 : memref<1x128xi32, #tpu.memory_space<vmem>> -> memref<128xi32, #tpu.memory_space<vmem>>
      %dma_start3A_335 = arith.constant 0 : i32
      %dma_start3A_336 = tpu.memref_slice %arg7[%dma_start3A_335] : memref<10240xf32, #tpu.memory_space<vmem_shared>> -> memref<10240xf32, #tpu.memory_space<vmem_shared>>
      tpu.enqueue_indirect_dma source(%arg5 : memref<128xf32, #tpu.memory_space<vmem>>) target(%dma_start3A_336 : memref<10240xf32, #tpu.memory_space<vmem_shared>>) offsets(%dma_start3A_334 : memref<128xi32, #tpu.memory_space<vmem>>) semaphore(%arg8 : memref<!tpu.dma_semaphore, #tpu.memory_space<semaphore_mem>>) {add = true}
      %mul3A_337 = arith.constant 8 : i32
      %mul3A_338 = arith.muli %while3A_319, %mul3A_337 : i32
      %add3A_339 = arith.constant 2 : i32
      %add3A_340 = arith.addi %mul3A_338, %add3A_339 : i32
      %dma_start3A_341 = arith.constant 0 : i32
      %dma_start3A_342 = tpu.memref_slice %arg4[%add3A_340, %dma_start3A_341] : memref<128x128xi32, #tpu.memory_space<vmem>> -> memref<1x128xi32, #tpu.memory_space<vmem>>
      %dma_start3A_343 = tpu.memref_squeeze %dma_start3A_342 : memref<1x128xi32, #tpu.memory_space<vmem>> -> memref<128xi32, #tpu.memory_space<vmem>>
      %dma_start3A_344 = arith.constant 0 : i32
      %dma_start3A_345 = tpu.memref_slice %arg7[%dma_start3A_344] : memref<10240xf32, #tpu.memory_space<vmem_shared>> -> memref<10240xf32, #tpu.memory_space<vmem_shared>>
      tpu.enqueue_indirect_dma source(%arg5 : memref<128xf32, #tpu.memory_space<vmem>>) target(%dma_start3A_345 : memref<10240xf32, #tpu.memory_space<vmem_shared>>) offsets(%dma_start3A_343 : memref<128xi32, #tpu.memory_space<vmem>>) semaphore(%arg8 : memref<!tpu.dma_semaphore, #tpu.memory_space<semaphore_mem>>) {add = true}
      %mul3A_346 = arith.constant 8 : i32
      %mul3A_347 = arith.muli %while3A_319, %mul3A_346 : i32
      %add3A_348 = arith.constant 3 : i32
      %add3A_349 = arith.addi %mul3A_347, %add3A_348 : i32
      %dma_start3A_350 = arith.constant 0 : i32
      %dma_start3A_351 = tpu.memref_slice %arg4[%add3A_349, %dma_start3A_350] : memref<128x128xi32, #tpu.memory_space<vmem>> -> memref<1x128xi32, #tpu.memory_space<vmem>>
      %dma_start3A_352 = tpu.memref_squeeze %dma_start3A_351 : memref<1x128xi32, #tpu.memory_space<vmem>> -> memref<128xi32, #tpu.memory_space<vmem>>
      %dma_start3A_353 = arith.constant 0 : i32
      %dma_start3A_354 = tpu.memref_slice %arg7[%dma_start3A_353] : memref<10240xf32, #tpu.memory_space<vmem_shared>> -> memref<10240xf32, #tpu.memory_space<vmem_shared>>
      tpu.enqueue_indirect_dma source(%arg5 : memref<128xf32, #tpu.memory_space<vmem>>) target(%dma_start3A_354 : memref<10240xf32, #tpu.memory_space<vmem_shared>>) offsets(%dma_start3A_352 : memref<128xi32, #tpu.memory_space<vmem>>) semaphore(%arg8 : memref<!tpu.dma_semaphore, #tpu.memory_space<semaphore_mem>>) {add = true}
      %mul3A_355 = arith.constant 8 : i32
      %mul3A_356 = arith.muli %while3A_319, %mul3A_355 : i32
      %add3A_357 = arith.constant 4 : i32
      %add3A_358 = arith.addi %mul3A_356, %add3A_357 : i32
      %dma_start3A_359 = arith.constant 0 : i32
      %dma_start3A_360 = tpu.memref_slice %arg4[%add3A_358, %dma_start3A_359] : memref<128x128xi32, #tpu.memory_space<vmem>> -> memref<1x128xi32, #tpu.memory_space<vmem>>
      %dma_start3A_361 = tpu.memref_squeeze %dma_start3A_360 : memref<1x128xi32, #tpu.memory_space<vmem>> -> memref<128xi32, #tpu.memory_space<vmem>>
      %dma_start3A_362 = arith.constant 0 : i32
      %dma_start3A_363 = tpu.memref_slice %arg7[%dma_start3A_362] : memref<10240xf32, #tpu.memory_space<vmem_shared>> -> memref<10240xf32, #tpu.memory_space<vmem_shared>>
      tpu.enqueue_indirect_dma source(%arg5 : memref<128xf32, #tpu.memory_space<vmem>>) target(%dma_start3A_363 : memref<10240xf32, #tpu.memory_space<vmem_shared>>) offsets(%dma_start3A_361 : memref<128xi32, #tpu.memory_space<vmem>>) semaphore(%arg8 : memref<!tpu.dma_semaphore, #tpu.memory_space<semaphore_mem>>) {add = true}
      %mul3A_364 = arith.constant 8 : i32
      %mul3A_365 = arith.muli %while3A_319, %mul3A_364 : i32
      %add3A_366 = arith.constant 5 : i32
      %add3A_367 = arith.addi %mul3A_365, %add3A_366 : i32
      %dma_start3A_368 = arith.constant 0 : i32
      %dma_start3A_369 = tpu.memref_slice %arg4[%add3A_367, %dma_start3A_368] : memref<128x128xi32, #tpu.memory_space<vmem>> -> memref<1x128xi32, #tpu.memory_space<vmem>>
      %dma_start3A_370 = tpu.memref_squeeze %dma_start3A_369 : memref<1x128xi32, #tpu.memory_space<vmem>> -> memref<128xi32, #tpu.memory_space<vmem>>
      %dma_start3A_371 = arith.constant 0 : i32
      %dma_start3A_372 = tpu.memref_slice %arg7[%dma_start3A_371] : memref<10240xf32, #tpu.memory_space<vmem_shared>> -> memref<10240xf32, #tpu.memory_space<vmem_shared>>
      tpu.enqueue_indirect_dma source(%arg5 : memref<128xf32, #tpu.memory_space<vmem>>) target(%dma_start3A_372 : memref<10240xf32, #tpu.memory_space<vmem_shared>>) offsets(%dma_start3A_370 : memref<128xi32, #tpu.memory_space<vmem>>) semaphore(%arg8 : memref<!tpu.dma_semaphore, #tpu.memory_space<semaphore_mem>>) {add = true}
      %mul3A_373 = arith.constant 8 : i32
      %mul3A_374 = arith.muli %while3A_319, %mul3A_373 : i32
      %add3A_375 = arith.constant 6 : i32
      %add3A_376 = arith.addi %mul3A_374, %add3A_375 : i32
      %dma_start3A_377 = arith.constant 0 : i32
      %dma_start3A_378 = tpu.memref_slice %arg4[%add3A_376, %dma_start3A_377] : memref<128x128xi32, #tpu.memory_space<vmem>> -> memref<1x128xi32, #tpu.memory_space<vmem>>
      %dma_start3A_379 = tpu.memref_squeeze %dma_start3A_378 : memref<1x128xi32, #tpu.memory_space<vmem>> -> memref<128xi32, #tpu.memory_space<vmem>>
      %dma_start3A_380 = arith.constant 0 : i32
      %dma_start3A_381 = tpu.memref_slice %arg7[%dma_start3A_380] : memref<10240xf32, #tpu.memory_space<vmem_shared>> -> memref<10240xf32, #tpu.memory_space<vmem_shared>>
      tpu.enqueue_indirect_dma source(%arg5 : memref<128xf32, #tpu.memory_space<vmem>>) target(%dma_start3A_381 : memref<10240xf32, #tpu.memory_space<vmem_shared>>) offsets(%dma_start3A_379 : memref<128xi32, #tpu.memory_space<vmem>>) semaphore(%arg8 : memref<!tpu.dma_semaphore, #tpu.memory_space<semaphore_mem>>) {add = true}
      %mul3A_382 = arith.constant 8 : i32
      %mul3A_383 = arith.muli %while3A_319, %mul3A_382 : i32
      %add3A_384 = arith.constant 7 : i32
      %add3A_385 = arith.addi %mul3A_383, %add3A_384 : i32
      %dma_start3A_386 = arith.constant 0 : i32
      %dma_start3A_387 = tpu.memref_slice %arg4[%add3A_385, %dma_start3A_386] : memref<128x128xi32, #tpu.memory_space<vmem>> -> memref<1x128xi32, #tpu.memory_space<vmem>>
      %dma_start3A_388 = tpu.memref_squeeze %dma_start3A_387 : memref<1x128xi32, #tpu.memory_space<vmem>> -> memref<128xi32, #tpu.memory_space<vmem>>
      %dma_start3A_389 = arith.constant 0 : i32
      %dma_start3A_390 = tpu.memref_slice %arg7[%dma_start3A_389] : memref<10240xf32, #tpu.memory_space<vmem_shared>> -> memref<10240xf32, #tpu.memory_space<vmem_shared>>
      tpu.enqueue_indirect_dma source(%arg5 : memref<128xf32, #tpu.memory_space<vmem>>) target(%dma_start3A_390 : memref<10240xf32, #tpu.memory_space<vmem_shared>>) offsets(%dma_start3A_388 : memref<128xi32, #tpu.memory_space<vmem>>) semaphore(%arg8 : memref<!tpu.dma_semaphore, #tpu.memory_space<semaphore_mem>>) {add = true}
      %dma_wait3A = arith.constant 0 : i32
      %dma_wait3A_391 = arith.constant 0 : i32
      %dma_wait3A_392 = tpu.memref_slice %arg4[%dma_wait3A, %dma_wait3A_391] : memref<128x128xi32, #tpu.memory_space<vmem>> -> memref<1x128xi32, #tpu.memory_space<vmem>>
      %dma_wait3A_393 = tpu.memref_squeeze %dma_wait3A_392 : memref<1x128xi32, #tpu.memory_space<vmem>> -> memref<128xi32, #tpu.memory_space<vmem>>
      %dma_wait3A_394 = arith.constant 0 : i32
      %dma_wait3A_395 = tpu.memref_slice %arg7[%dma_wait3A_394] : memref<10240xf32, #tpu.memory_space<vmem_shared>> -> memref<10240xf32, #tpu.memory_space<vmem_shared>>
      tpu.wait_indirect_dma semaphore(%arg8 : memref<!tpu.dma_semaphore, #tpu.memory_space<semaphore_mem>>) src(%arg5 : memref<128xf32, #tpu.memory_space<vmem>>) dst(%dma_wait3A_395 : memref<10240xf32, #tpu.memory_space<vmem_shared>>)
      %dma_wait3A_396 = arith.constant 0 : i32
      %dma_wait3A_397 = arith.constant 0 : i32
      %dma_wait3A_398 = tpu.memref_slice %arg4[%dma_wait3A_396, %dma_wait3A_397] : memref<128x128xi32, #tpu.memory_space<vmem>> -> memref<1x128xi32, #tpu.memory_space<vmem>>
      %dma_wait3A_399 = tpu.memref_squeeze %dma_wait3A_398 : memref<1x128xi32, #tpu.memory_space<vmem>> -> memref<128xi32, #tpu.memory_space<vmem>>
      %dma_wait3A_400 = arith.constant 0 : i32
      %dma_wait3A_401 = tpu.memref_slice %arg7[%dma_wait3A_400] : memref<10240xf32, #tpu.memory_space<vmem_shared>> -> memref<10240xf32, #tpu.memory_space<vmem_shared>>
      tpu.wait_indirect_dma semaphore(%arg8 : memref<!tpu.dma_semaphore, #tpu.memory_space<semaphore_mem>>) src(%arg5 : memref<128xf32, #tpu.memory_space<vmem>>) dst(%dma_wait3A_401 : memref<10240xf32, #tpu.memory_space<vmem_shared>>)
      %dma_wait3A_402 = arith.constant 0 : i32
      %dma_wait3A_403 = arith.constant 0 : i32
      %dma_wait3A_404 = tpu.memref_slice %arg4[%dma_wait3A_402, %dma_wait3A_403] : memref<128x128xi32, #tpu.memory_space<vmem>> -> memref<1x128xi32, #tpu.memory_space<vmem>>
      %dma_wait3A_405 = tpu.memref_squeeze %dma_wait3A_404 : memref<1x128xi32, #tpu.memory_space<vmem>> -> memref<128xi32, #tpu.memory_space<vmem>>
      %dma_wait3A_406 = arith.constant 0 : i32
      %dma_wait3A_407 = tpu.memref_slice %arg7[%dma_wait3A_406] : memref<10240xf32, #tpu.memory_space<vmem_shared>> -> memref<10240xf32, #tpu.memory_space<vmem_shared>>
      tpu.wait_indirect_dma semaphore(%arg8 : memref<!tpu.dma_semaphore, #tpu.memory_space<semaphore_mem>>) src(%arg5 : memref<128xf32, #tpu.memory_space<vmem>>) dst(%dma_wait3A_407 : memref<10240xf32, #tpu.memory_space<vmem_shared>>)
      %dma_wait3A_408 = arith.constant 0 : i32
      %dma_wait3A_409 = arith.constant 0 : i32
      %dma_wait3A_410 = tpu.memref_slice %arg4[%dma_wait3A_408, %dma_wait3A_409] : memref<128x128xi32, #tpu.memory_space<vmem>> -> memref<1x128xi32, #tpu.memory_space<vmem>>
      %dma_wait3A_411 = tpu.memref_squeeze %dma_wait3A_410 : memref<1x128xi32, #tpu.memory_space<vmem>> -> memref<128xi32, #tpu.memory_space<vmem>>
      %dma_wait3A_412 = arith.constant 0 : i32
      %dma_wait3A_413 = tpu.memref_slice %arg7[%dma_wait3A_412] : memref<10240xf32, #tpu.memory_space<vmem_shared>> -> memref<10240xf32, #tpu.memory_space<vmem_shared>>
      tpu.wait_indirect_dma semaphore(%arg8 : memref<!tpu.dma_semaphore, #tpu.memory_space<semaphore_mem>>) src(%arg5 : memref<128xf32, #tpu.memory_space<vmem>>) dst(%dma_wait3A_413 : memref<10240xf32, #tpu.memory_space<vmem_shared>>)
      %dma_wait3A_414 = arith.constant 0 : i32
      %dma_wait3A_415 = arith.constant 0 : i32
      %dma_wait3A_416 = tpu.memref_slice %arg4[%dma_wait3A_414, %dma_wait3A_415] : memref<128x128xi32, #tpu.memory_space<vmem>> -> memref<1x128xi32, #tpu.memory_space<vmem>>
      %dma_wait3A_417 = tpu.memref_squeeze %dma_wait3A_416 : memref<1x128xi32, #tpu.memory_space<vmem>> -> memref<128xi32, #tpu.memory_space<vmem>>
      %dma_wait3A_418 = arith.constant 0 : i32
      %dma_wait3A_419 = tpu.memref_slice %arg7[%dma_wait3A_418] : memref<10240xf32, #tpu.memory_space<vmem_shared>> -> memref<10240xf32, #tpu.memory_space<vmem_shared>>
      tpu.wait_indirect_dma semaphore(%arg8 : memref<!tpu.dma_semaphore, #tpu.memory_space<semaphore_mem>>) src(%arg5 : memref<128xf32, #tpu.memory_space<vmem>>) dst(%dma_wait3A_419 : memref<10240xf32, #tpu.memory_space<vmem_shared>>)
      %dma_wait3A_420 = arith.constant 0 : i32
      %dma_wait3A_421 = arith.constant 0 : i32
      %dma_wait3A_422 = tpu.memref_slice %arg4[%dma_wait3A_420, %dma_wait3A_421] : memref<128x128xi32, #tpu.memory_space<vmem>> -> memref<1x128xi32, #tpu.memory_space<vmem>>
      %dma_wait3A_423 = tpu.memref_squeeze %dma_wait3A_422 : memref<1x128xi32, #tpu.memory_space<vmem>> -> memref<128xi32, #tpu.memory_space<vmem>>
      %dma_wait3A_424 = arith.constant 0 : i32
      %dma_wait3A_425 = tpu.memref_slice %arg7[%dma_wait3A_424] : memref<10240xf32, #tpu.memory_space<vmem_shared>> -> memref<10240xf32, #tpu.memory_space<vmem_shared>>
      tpu.wait_indirect_dma semaphore(%arg8 : memref<!tpu.dma_semaphore, #tpu.memory_space<semaphore_mem>>) src(%arg5 : memref<128xf32, #tpu.memory_space<vmem>>) dst(%dma_wait3A_425 : memref<10240xf32, #tpu.memory_space<vmem_shared>>)
      %dma_wait3A_426 = arith.constant 0 : i32
      %dma_wait3A_427 = arith.constant 0 : i32
      %dma_wait3A_428 = tpu.memref_slice %arg4[%dma_wait3A_426, %dma_wait3A_427] : memref<128x128xi32, #tpu.memory_space<vmem>> -> memref<1x128xi32, #tpu.memory_space<vmem>>
      %dma_wait3A_429 = tpu.memref_squeeze %dma_wait3A_428 : memref<1x128xi32, #tpu.memory_space<vmem>> -> memref<128xi32, #tpu.memory_space<vmem>>
      %dma_wait3A_430 = arith.constant 0 : i32
      %dma_wait3A_431 = tpu.memref_slice %arg7[%dma_wait3A_430] : memref<10240xf32, #tpu.memory_space<vmem_shared>> -> memref<10240xf32, #tpu.memory_space<vmem_shared>>
      tpu.wait_indirect_dma semaphore(%arg8 : memref<!tpu.dma_semaphore, #tpu.memory_space<semaphore_mem>>) src(%arg5 : memref<128xf32, #tpu.memory_space<vmem>>) dst(%dma_wait3A_431 : memref<10240xf32, #tpu.memory_space<vmem_shared>>)
      %dma_wait3A_432 = arith.constant 0 : i32
      %dma_wait3A_433 = arith.constant 0 : i32
      %dma_wait3A_434 = tpu.memref_slice %arg4[%dma_wait3A_432, %dma_wait3A_433] : memref<128x128xi32, #tpu.memory_space<vmem>> -> memref<1x128xi32, #tpu.memory_space<vmem>>
      %dma_wait3A_435 = tpu.memref_squeeze %dma_wait3A_434 : memref<1x128xi32, #tpu.memory_space<vmem>> -> memref<128xi32, #tpu.memory_space<vmem>>
      %dma_wait3A_436 = arith.constant 0 : i32
      %dma_wait3A_437 = tpu.memref_slice %arg7[%dma_wait3A_436] : memref<10240xf32, #tpu.memory_space<vmem_shared>> -> memref<10240xf32, #tpu.memory_space<vmem_shared>>
      tpu.wait_indirect_dma semaphore(%arg8 : memref<!tpu.dma_semaphore, #tpu.memory_space<semaphore_mem>>) src(%arg5 : memref<128xf32, #tpu.memory_space<vmem>>) dst(%dma_wait3A_437 : memref<10240xf32, #tpu.memory_space<vmem_shared>>)
    }
    %barrier3A_314 = arith.constant 0 : index
    tpu.barrier barrier_id(%barrier3A_314)
    %mul3A_315 = arith.constant 640 : i32
    %mul3A_316 = arith.muli %arg1, %mul3A_315 : i32
    %mul3A_317 = arith.constant 640 : i32
    %mul3A_318 = arith.muli %arg1, %mul3A_317 : i32
    "tpu.region"() ({
      %run_scoped3A = tpu.sem_alloc : memref<!tpu.dma_semaphore, #tpu.memory_space<semaphore_mem>>
      %dma_start3A = tpu.memref_slice %arg3[%arg0, %mul3A_318] : memref<2x10240xf32, #tpu.memory_space<hbm>> -> memref<1x640xf32, #tpu.memory_space<hbm>>
      %dma_start3A_319 = tpu.memref_squeeze %dma_start3A : memref<1x640xf32, #tpu.memory_space<hbm>> -> memref<640xf32, #tpu.memory_space<hbm>>
      %dma_start3A_320 = tpu.memref_slice %arg7[%mul3A_316] : memref<10240xf32, #tpu.memory_space<vmem_shared>> -> memref<640xf32, #tpu.memory_space<vmem_shared>>
      tpu.enqueue_dma source(%dma_start3A_320 : memref<640xf32, #tpu.memory_space<vmem_shared>>) target(%dma_start3A_319 : memref<640xf32, #tpu.memory_space<hbm>>) target_semaphore(%run_scoped3A : memref<!tpu.dma_semaphore, #tpu.memory_space<semaphore_mem>>)
      %dma_wait3A = tpu.memref_slice %arg3[%arg0, %mul3A_318] : memref<2x10240xf32, #tpu.memory_space<hbm>> -> memref<1x640xf32, #tpu.memory_space<hbm>>
      %dma_wait3A_321 = tpu.memref_squeeze %dma_wait3A : memref<1x640xf32, #tpu.memory_space<hbm>> -> memref<640xf32, #tpu.memory_space<hbm>>
      %dma_wait3A_322 = tpu.memref_slice %arg7[%mul3A_316] : memref<10240xf32, #tpu.memory_space<vmem_shared>> -> memref<640xf32, #tpu.memory_space<vmem_shared>>
      tpu.wait_dma2 semaphore(%run_scoped3A : memref<!tpu.dma_semaphore, #tpu.memory_space<semaphore_mem>>) src(%dma_wait3A_322 : memref<640xf32, #tpu.memory_space<vmem_shared>>) dst(%dma_wait3A_321 : memref<640xf32, #tpu.memory_space<hbm>>)
      tpu.yield
    }) : () -> ()
    return
  }
}

#map = affine_map<(d0, d1) -> (0, 0)>
#map1 = affine_map<(d0, d1) -> (0, 0, 0)>
module attributes {stable_mosaic.version = 14 : i64} {
  func.func @sc_aggregate(%arg0: i32, %arg1: i32, %arg2: memref<10240x64xf32, #tpu.memory_space<hbm>>, %arg3: memref<2560x128xi32, #tpu.memory_space<hbm>>, %arg4: memref<2560x128xi32, #tpu.memory_space<hbm>>, %arg5: memref<2x10240x64xf32, #tpu.memory_space<hbm>>, %arg6: memref<148x128xi32, #tpu.memory_space<vmem>>, %arg7: memref<148x128xi32, #tpu.memory_space<vmem>>, %arg8: memref<2x2x128x64xf32, #tpu.memory_space<vmem>>, %arg9: memref<16x64xf32, #tpu.memory_space<vmem>>, %arg10: memref<10240x64xf32, #tpu.memory_space<vmem_shared>>, %arg11: memref<!tpu.dma_semaphore, #tpu.memory_space<semaphore_mem>>, %arg12: memref<!tpu.dma_semaphore, #tpu.memory_space<semaphore_mem>>, %arg13: memref<!tpu.dma_semaphore, #tpu.memory_space<semaphore_mem>>, %arg14: memref<!tpu.dma_semaphore, #tpu.memory_space<semaphore_mem>>, %arg15: memref<!tpu.dma_semaphore, #tpu.memory_space<semaphore_mem>>) attributes {dimension_semantics = [#tpu.dimension_semantics<core_parallel>, #tpu.dimension_semantics<subcore_parallel>], iteration_bounds = array<i64: 2, 16>, scalar_prefetch = 0 : i64, scratch_operands = 10 : i64, tpu.core_type = #tpu.core_type<sc_vector_subcore>, window_params = [{transform_indices = #map}, {transform_indices = #map}, {transform_indices = #map}, {transform_indices = #map1}]} {
    %broadcast_in_dim3A = arith.constant 0.000000e+00 : f32
    %broadcast_in_dim3A_0 = vector.broadcast %broadcast_in_dim3A : f32 to vector<16xf32>
    %swap3A = arith.constant 0 : i32
    %swap3A_1 = arith.index_cast %swap3A : i32 to index
    %swap3A_2 = arith.constant 0 : index
    %swap3A_3 = tpu.vector_load %arg9[%swap3A_1, %swap3A_2] {strides = array<i32>} : memref<16x64xf32, #tpu.memory_space<vmem>>, vector<1x16xf32>,
    %swap3A_4 = vector.shape_cast %swap3A_3 : vector<1x16xf32> to vector<16xf32>
    %swap3A_5 = vector.shape_cast %broadcast_in_dim3A_0 : vector<16xf32> to vector<1x16xf32>
    tpu.vector_store %arg9[%swap3A_1, %swap3A_2], %swap3A_5 {strides = array<i32>} : memref<16x64xf32, #tpu.memory_space<vmem>>, vector<1x16xf32>,
    %broadcast_in_dim3A_6 = arith.constant 0.000000e+00 : f32
    %broadcast_in_dim3A_7 = vector.broadcast %broadcast_in_dim3A_6 : f32 to vector<16xf32>
    %swap3A_8 = arith.constant 0 : i32
    %swap3A_9 = arith.index_cast %swap3A_8 : i32 to index
    %swap3A_10 = arith.constant 16 : index
    %swap3A_11 = tpu.vector_load %arg9[%swap3A_9, %swap3A_10] {strides = array<i32>} : memref<16x64xf32, #tpu.memory_space<vmem>>, vector<1x16xf32>,
    %swap3A_12 = vector.shape_cast %swap3A_11 : vector<1x16xf32> to vector<16xf32>
    %swap3A_13 = vector.shape_cast %broadcast_in_dim3A_7 : vector<16xf32> to vector<1x16xf32>
    tpu.vector_store %arg9[%swap3A_9, %swap3A_10], %swap3A_13 {strides = array<i32>} : memref<16x64xf32, #tpu.memory_space<vmem>>, vector<1x16xf32>,
    %broadcast_in_dim3A_14 = arith.constant 0.000000e+00 : f32
    %broadcast_in_dim3A_15 = vector.broadcast %broadcast_in_dim3A_14 : f32 to vector<16xf32>
    %swap3A_16 = arith.constant 0 : i32
    %swap3A_17 = arith.index_cast %swap3A_16 : i32 to index
    %swap3A_18 = arith.constant 32 : index
    %swap3A_19 = tpu.vector_load %arg9[%swap3A_17, %swap3A_18] {strides = array<i32>} : memref<16x64xf32, #tpu.memory_space<vmem>>, vector<1x16xf32>,
    %swap3A_20 = vector.shape_cast %swap3A_19 : vector<1x16xf32> to vector<16xf32>
    %swap3A_21 = vector.shape_cast %broadcast_in_dim3A_15 : vector<16xf32> to vector<1x16xf32>
    tpu.vector_store %arg9[%swap3A_17, %swap3A_18], %swap3A_21 {strides = array<i32>} : memref<16x64xf32, #tpu.memory_space<vmem>>, vector<1x16xf32>,
    %broadcast_in_dim3A_22 = arith.constant 0.000000e+00 : f32
    %broadcast_in_dim3A_23 = vector.broadcast %broadcast_in_dim3A_22 : f32 to vector<16xf32>
    %swap3A_24 = arith.constant 0 : i32
    %swap3A_25 = arith.index_cast %swap3A_24 : i32 to index
    %swap3A_26 = arith.constant 48 : index
    %swap3A_27 = tpu.vector_load %arg9[%swap3A_25, %swap3A_26] {strides = array<i32>} : memref<16x64xf32, #tpu.memory_space<vmem>>, vector<1x16xf32>,
    %swap3A_28 = vector.shape_cast %swap3A_27 : vector<1x16xf32> to vector<16xf32>
    %swap3A_29 = vector.shape_cast %broadcast_in_dim3A_23 : vector<16xf32> to vector<1x16xf32>
    tpu.vector_store %arg9[%swap3A_25, %swap3A_26], %swap3A_29 {strides = array<i32>} : memref<16x64xf32, #tpu.memory_space<vmem>>, vector<1x16xf32>,
    %broadcast_in_dim3A_30 = arith.constant 0.000000e+00 : f32
    %broadcast_in_dim3A_31 = vector.broadcast %broadcast_in_dim3A_30 : f32 to vector<16xf32>
    %swap3A_32 = arith.constant 1 : i32
    %swap3A_33 = arith.index_cast %swap3A_32 : i32 to index
    %swap3A_34 = arith.constant 0 : index
    %swap3A_35 = tpu.vector_load %arg9[%swap3A_33, %swap3A_34] {strides = array<i32>} : memref<16x64xf32, #tpu.memory_space<vmem>>, vector<1x16xf32>,
    %swap3A_36 = vector.shape_cast %swap3A_35 : vector<1x16xf32> to vector<16xf32>
    %swap3A_37 = vector.shape_cast %broadcast_in_dim3A_31 : vector<16xf32> to vector<1x16xf32>
    tpu.vector_store %arg9[%swap3A_33, %swap3A_34], %swap3A_37 {strides = array<i32>} : memref<16x64xf32, #tpu.memory_space<vmem>>, vector<1x16xf32>,
    %broadcast_in_dim3A_38 = arith.constant 0.000000e+00 : f32
    %broadcast_in_dim3A_39 = vector.broadcast %broadcast_in_dim3A_38 : f32 to vector<16xf32>
    %swap3A_40 = arith.constant 1 : i32
    %swap3A_41 = arith.index_cast %swap3A_40 : i32 to index
    %swap3A_42 = arith.constant 16 : index
    %swap3A_43 = tpu.vector_load %arg9[%swap3A_41, %swap3A_42] {strides = array<i32>} : memref<16x64xf32, #tpu.memory_space<vmem>>, vector<1x16xf32>,
    %swap3A_44 = vector.shape_cast %swap3A_43 : vector<1x16xf32> to vector<16xf32>
    %swap3A_45 = vector.shape_cast %broadcast_in_dim3A_39 : vector<16xf32> to vector<1x16xf32>
    tpu.vector_store %arg9[%swap3A_41, %swap3A_42], %swap3A_45 {strides = array<i32>} : memref<16x64xf32, #tpu.memory_space<vmem>>, vector<1x16xf32>,
    %broadcast_in_dim3A_46 = arith.constant 0.000000e+00 : f32
    %broadcast_in_dim3A_47 = vector.broadcast %broadcast_in_dim3A_46 : f32 to vector<16xf32>
    %swap3A_48 = arith.constant 1 : i32
    %swap3A_49 = arith.index_cast %swap3A_48 : i32 to index
    %swap3A_50 = arith.constant 32 : index
    %swap3A_51 = tpu.vector_load %arg9[%swap3A_49, %swap3A_50] {strides = array<i32>} : memref<16x64xf32, #tpu.memory_space<vmem>>, vector<1x16xf32>,
    %swap3A_52 = vector.shape_cast %swap3A_51 : vector<1x16xf32> to vector<16xf32>
    %swap3A_53 = vector.shape_cast %broadcast_in_dim3A_47 : vector<16xf32> to vector<1x16xf32>
    tpu.vector_store %arg9[%swap3A_49, %swap3A_50], %swap3A_53 {strides = array<i32>} : memref<16x64xf32, #tpu.memory_space<vmem>>, vector<1x16xf32>,
    %broadcast_in_dim3A_54 = arith.constant 0.000000e+00 : f32
    %broadcast_in_dim3A_55 = vector.broadcast %broadcast_in_dim3A_54 : f32 to vector<16xf32>
    %swap3A_56 = arith.constant 1 : i32
    %swap3A_57 = arith.index_cast %swap3A_56 : i32 to index
    %swap3A_58 = arith.constant 48 : index
    %swap3A_59 = tpu.vector_load %arg9[%swap3A_57, %swap3A_58] {strides = array<i32>} : memref<16x64xf32, #tpu.memory_space<vmem>>, vector<1x16xf32>,
    %swap3A_60 = vector.shape_cast %swap3A_59 : vector<1x16xf32> to vector<16xf32>
    %swap3A_61 = vector.shape_cast %broadcast_in_dim3A_55 : vector<16xf32> to vector<1x16xf32>
    tpu.vector_store %arg9[%swap3A_57, %swap3A_58], %swap3A_61 {strides = array<i32>} : memref<16x64xf32, #tpu.memory_space<vmem>>, vector<1x16xf32>,
    %broadcast_in_dim3A_62 = arith.constant 0.000000e+00 : f32
    %broadcast_in_dim3A_63 = vector.broadcast %broadcast_in_dim3A_62 : f32 to vector<16xf32>
    %swap3A_64 = arith.constant 2 : i32
    %swap3A_65 = arith.index_cast %swap3A_64 : i32 to index
    %swap3A_66 = arith.constant 0 : index
    %swap3A_67 = tpu.vector_load %arg9[%swap3A_65, %swap3A_66] {strides = array<i32>} : memref<16x64xf32, #tpu.memory_space<vmem>>, vector<1x16xf32>,
    %swap3A_68 = vector.shape_cast %swap3A_67 : vector<1x16xf32> to vector<16xf32>
    %swap3A_69 = vector.shape_cast %broadcast_in_dim3A_63 : vector<16xf32> to vector<1x16xf32>
    tpu.vector_store %arg9[%swap3A_65, %swap3A_66], %swap3A_69 {strides = array<i32>} : memref<16x64xf32, #tpu.memory_space<vmem>>, vector<1x16xf32>,
    %broadcast_in_dim3A_70 = arith.constant 0.000000e+00 : f32
    %broadcast_in_dim3A_71 = vector.broadcast %broadcast_in_dim3A_70 : f32 to vector<16xf32>
    %swap3A_72 = arith.constant 2 : i32
    %swap3A_73 = arith.index_cast %swap3A_72 : i32 to index
    %swap3A_74 = arith.constant 16 : index
    %swap3A_75 = tpu.vector_load %arg9[%swap3A_73, %swap3A_74] {strides = array<i32>} : memref<16x64xf32, #tpu.memory_space<vmem>>, vector<1x16xf32>,
    %swap3A_76 = vector.shape_cast %swap3A_75 : vector<1x16xf32> to vector<16xf32>
    %swap3A_77 = vector.shape_cast %broadcast_in_dim3A_71 : vector<16xf32> to vector<1x16xf32>
    tpu.vector_store %arg9[%swap3A_73, %swap3A_74], %swap3A_77 {strides = array<i32>} : memref<16x64xf32, #tpu.memory_space<vmem>>, vector<1x16xf32>,
    %broadcast_in_dim3A_78 = arith.constant 0.000000e+00 : f32
    %broadcast_in_dim3A_79 = vector.broadcast %broadcast_in_dim3A_78 : f32 to vector<16xf32>
    %swap3A_80 = arith.constant 2 : i32
    %swap3A_81 = arith.index_cast %swap3A_80 : i32 to index
    %swap3A_82 = arith.constant 32 : index
    %swap3A_83 = tpu.vector_load %arg9[%swap3A_81, %swap3A_82] {strides = array<i32>} : memref<16x64xf32, #tpu.memory_space<vmem>>, vector<1x16xf32>,
    %swap3A_84 = vector.shape_cast %swap3A_83 : vector<1x16xf32> to vector<16xf32>
    %swap3A_85 = vector.shape_cast %broadcast_in_dim3A_79 : vector<16xf32> to vector<1x16xf32>
    tpu.vector_store %arg9[%swap3A_81, %swap3A_82], %swap3A_85 {strides = array<i32>} : memref<16x64xf32, #tpu.memory_space<vmem>>, vector<1x16xf32>,
    %broadcast_in_dim3A_86 = arith.constant 0.000000e+00 : f32
    %broadcast_in_dim3A_87 = vector.broadcast %broadcast_in_dim3A_86 : f32 to vector<16xf32>
    %swap3A_88 = arith.constant 2 : i32
    %swap3A_89 = arith.index_cast %swap3A_88 : i32 to index
    %swap3A_90 = arith.constant 48 : index
    %swap3A_91 = tpu.vector_load %arg9[%swap3A_89, %swap3A_90] {strides = array<i32>} : memref<16x64xf32, #tpu.memory_space<vmem>>, vector<1x16xf32>,
    %swap3A_92 = vector.shape_cast %swap3A_91 : vector<1x16xf32> to vector<16xf32>
    %swap3A_93 = vector.shape_cast %broadcast_in_dim3A_87 : vector<16xf32> to vector<1x16xf32>
    tpu.vector_store %arg9[%swap3A_89, %swap3A_90], %swap3A_93 {strides = array<i32>} : memref<16x64xf32, #tpu.memory_space<vmem>>, vector<1x16xf32>,
    %broadcast_in_dim3A_94 = arith.constant 0.000000e+00 : f32
    %broadcast_in_dim3A_95 = vector.broadcast %broadcast_in_dim3A_94 : f32 to vector<16xf32>
    %swap3A_96 = arith.constant 3 : i32
    %swap3A_97 = arith.index_cast %swap3A_96 : i32 to index
    %swap3A_98 = arith.constant 0 : index
    %swap3A_99 = tpu.vector_load %arg9[%swap3A_97, %swap3A_98] {strides = array<i32>} : memref<16x64xf32, #tpu.memory_space<vmem>>, vector<1x16xf32>,
    %swap3A_100 = vector.shape_cast %swap3A_99 : vector<1x16xf32> to vector<16xf32>
    %swap3A_101 = vector.shape_cast %broadcast_in_dim3A_95 : vector<16xf32> to vector<1x16xf32>
    tpu.vector_store %arg9[%swap3A_97, %swap3A_98], %swap3A_101 {strides = array<i32>} : memref<16x64xf32, #tpu.memory_space<vmem>>, vector<1x16xf32>,
    %broadcast_in_dim3A_102 = arith.constant 0.000000e+00 : f32
    %broadcast_in_dim3A_103 = vector.broadcast %broadcast_in_dim3A_102 : f32 to vector<16xf32>
    %swap3A_104 = arith.constant 3 : i32
    %swap3A_105 = arith.index_cast %swap3A_104 : i32 to index
    %swap3A_106 = arith.constant 16 : index
    %swap3A_107 = tpu.vector_load %arg9[%swap3A_105, %swap3A_106] {strides = array<i32>} : memref<16x64xf32, #tpu.memory_space<vmem>>, vector<1x16xf32>,
    %swap3A_108 = vector.shape_cast %swap3A_107 : vector<1x16xf32> to vector<16xf32>
    %swap3A_109 = vector.shape_cast %broadcast_in_dim3A_103 : vector<16xf32> to vector<1x16xf32>
    tpu.vector_store %arg9[%swap3A_105, %swap3A_106], %swap3A_109 {strides = array<i32>} : memref<16x64xf32, #tpu.memory_space<vmem>>, vector<1x16xf32>,
    %broadcast_in_dim3A_110 = arith.constant 0.000000e+00 : f32
    %broadcast_in_dim3A_111 = vector.broadcast %broadcast_in_dim3A_110 : f32 to vector<16xf32>
    %swap3A_112 = arith.constant 3 : i32
    %swap3A_113 = arith.index_cast %swap3A_112 : i32 to index
    %swap3A_114 = arith.constant 32 : index
    %swap3A_115 = tpu.vector_load %arg9[%swap3A_113, %swap3A_114] {strides = array<i32>} : memref<16x64xf32, #tpu.memory_space<vmem>>, vector<1x16xf32>,
    %swap3A_116 = vector.shape_cast %swap3A_115 : vector<1x16xf32> to vector<16xf32>
    %swap3A_117 = vector.shape_cast %broadcast_in_dim3A_111 : vector<16xf32> to vector<1x16xf32>
    tpu.vector_store %arg9[%swap3A_113, %swap3A_114], %swap3A_117 {strides = array<i32>} : memref<16x64xf32, #tpu.memory_space<vmem>>, vector<1x16xf32>,
    %broadcast_in_dim3A_118 = arith.constant 0.000000e+00 : f32
    %broadcast_in_dim3A_119 = vector.broadcast %broadcast_in_dim3A_118 : f32 to vector<16xf32>
    %swap3A_120 = arith.constant 3 : i32
    %swap3A_121 = arith.index_cast %swap3A_120 : i32 to index
    %swap3A_122 = arith.constant 48 : index
    %swap3A_123 = tpu.vector_load %arg9[%swap3A_121, %swap3A_122] {strides = array<i32>} : memref<16x64xf32, #tpu.memory_space<vmem>>, vector<1x16xf32>,
    %swap3A_124 = vector.shape_cast %swap3A_123 : vector<1x16xf32> to vector<16xf32>
    %swap3A_125 = vector.shape_cast %broadcast_in_dim3A_119 : vector<16xf32> to vector<1x16xf32>
    tpu.vector_store %arg9[%swap3A_121, %swap3A_122], %swap3A_125 {strides = array<i32>} : memref<16x64xf32, #tpu.memory_space<vmem>>, vector<1x16xf32>,
    %broadcast_in_dim3A_126 = arith.constant 0.000000e+00 : f32
    %broadcast_in_dim3A_127 = vector.broadcast %broadcast_in_dim3A_126 : f32 to vector<16xf32>
    %swap3A_128 = arith.constant 4 : i32
    %swap3A_129 = arith.index_cast %swap3A_128 : i32 to index
    %swap3A_130 = arith.constant 0 : index
    %swap3A_131 = tpu.vector_load %arg9[%swap3A_129, %swap3A_130] {strides = array<i32>} : memref<16x64xf32, #tpu.memory_space<vmem>>, vector<1x16xf32>,
    %swap3A_132 = vector.shape_cast %swap3A_131 : vector<1x16xf32> to vector<16xf32>
    %swap3A_133 = vector.shape_cast %broadcast_in_dim3A_127 : vector<16xf32> to vector<1x16xf32>
    tpu.vector_store %arg9[%swap3A_129, %swap3A_130], %swap3A_133 {strides = array<i32>} : memref<16x64xf32, #tpu.memory_space<vmem>>, vector<1x16xf32>,
    %broadcast_in_dim3A_134 = arith.constant 0.000000e+00 : f32
    %broadcast_in_dim3A_135 = vector.broadcast %broadcast_in_dim3A_134 : f32 to vector<16xf32>
    %swap3A_136 = arith.constant 4 : i32
    %swap3A_137 = arith.index_cast %swap3A_136 : i32 to index
    %swap3A_138 = arith.constant 16 : index
    %swap3A_139 = tpu.vector_load %arg9[%swap3A_137, %swap3A_138] {strides = array<i32>} : memref<16x64xf32, #tpu.memory_space<vmem>>, vector<1x16xf32>,
    %swap3A_140 = vector.shape_cast %swap3A_139 : vector<1x16xf32> to vector<16xf32>
    %swap3A_141 = vector.shape_cast %broadcast_in_dim3A_135 : vector<16xf32> to vector<1x16xf32>
    tpu.vector_store %arg9[%swap3A_137, %swap3A_138], %swap3A_141 {strides = array<i32>} : memref<16x64xf32, #tpu.memory_space<vmem>>, vector<1x16xf32>,
    %broadcast_in_dim3A_142 = arith.constant 0.000000e+00 : f32
    %broadcast_in_dim3A_143 = vector.broadcast %broadcast_in_dim3A_142 : f32 to vector<16xf32>
    %swap3A_144 = arith.constant 4 : i32
    %swap3A_145 = arith.index_cast %swap3A_144 : i32 to index
    %swap3A_146 = arith.constant 32 : index
    %swap3A_147 = tpu.vector_load %arg9[%swap3A_145, %swap3A_146] {strides = array<i32>} : memref<16x64xf32, #tpu.memory_space<vmem>>, vector<1x16xf32>,
    %swap3A_148 = vector.shape_cast %swap3A_147 : vector<1x16xf32> to vector<16xf32>
    %swap3A_149 = vector.shape_cast %broadcast_in_dim3A_143 : vector<16xf32> to vector<1x16xf32>
    tpu.vector_store %arg9[%swap3A_145, %swap3A_146], %swap3A_149 {strides = array<i32>} : memref<16x64xf32, #tpu.memory_space<vmem>>, vector<1x16xf32>,
    %broadcast_in_dim3A_150 = arith.constant 0.000000e+00 : f32
    %broadcast_in_dim3A_151 = vector.broadcast %broadcast_in_dim3A_150 : f32 to vector<16xf32>
    %swap3A_152 = arith.constant 4 : i32
    %swap3A_153 = arith.index_cast %swap3A_152 : i32 to index
    %swap3A_154 = arith.constant 48 : index
    %swap3A_155 = tpu.vector_load %arg9[%swap3A_153, %swap3A_154] {strides = array<i32>} : memref<16x64xf32, #tpu.memory_space<vmem>>, vector<1x16xf32>,
    %swap3A_156 = vector.shape_cast %swap3A_155 : vector<1x16xf32> to vector<16xf32>
    %swap3A_157 = vector.shape_cast %broadcast_in_dim3A_151 : vector<16xf32> to vector<1x16xf32>
    tpu.vector_store %arg9[%swap3A_153, %swap3A_154], %swap3A_157 {strides = array<i32>} : memref<16x64xf32, #tpu.memory_space<vmem>>, vector<1x16xf32>,
    %broadcast_in_dim3A_158 = arith.constant 0.000000e+00 : f32
    %broadcast_in_dim3A_159 = vector.broadcast %broadcast_in_dim3A_158 : f32 to vector<16xf32>
    %swap3A_160 = arith.constant 5 : i32
    %swap3A_161 = arith.index_cast %swap3A_160 : i32 to index
    %swap3A_162 = arith.constant 0 : index
    %swap3A_163 = tpu.vector_load %arg9[%swap3A_161, %swap3A_162] {strides = array<i32>} : memref<16x64xf32, #tpu.memory_space<vmem>>, vector<1x16xf32>,
    %swap3A_164 = vector.shape_cast %swap3A_163 : vector<1x16xf32> to vector<16xf32>
    %swap3A_165 = vector.shape_cast %broadcast_in_dim3A_159 : vector<16xf32> to vector<1x16xf32>
    tpu.vector_store %arg9[%swap3A_161, %swap3A_162], %swap3A_165 {strides = array<i32>} : memref<16x64xf32, #tpu.memory_space<vmem>>, vector<1x16xf32>,
    %broadcast_in_dim3A_166 = arith.constant 0.000000e+00 : f32
    %broadcast_in_dim3A_167 = vector.broadcast %broadcast_in_dim3A_166 : f32 to vector<16xf32>
    %swap3A_168 = arith.constant 5 : i32
    %swap3A_169 = arith.index_cast %swap3A_168 : i32 to index
    %swap3A_170 = arith.constant 16 : index
    %swap3A_171 = tpu.vector_load %arg9[%swap3A_169, %swap3A_170] {strides = array<i32>} : memref<16x64xf32, #tpu.memory_space<vmem>>, vector<1x16xf32>,
    %swap3A_172 = vector.shape_cast %swap3A_171 : vector<1x16xf32> to vector<16xf32>
    %swap3A_173 = vector.shape_cast %broadcast_in_dim3A_167 : vector<16xf32> to vector<1x16xf32>
    tpu.vector_store %arg9[%swap3A_169, %swap3A_170], %swap3A_173 {strides = array<i32>} : memref<16x64xf32, #tpu.memory_space<vmem>>, vector<1x16xf32>,
    %broadcast_in_dim3A_174 = arith.constant 0.000000e+00 : f32
    %broadcast_in_dim3A_175 = vector.broadcast %broadcast_in_dim3A_174 : f32 to vector<16xf32>
    %swap3A_176 = arith.constant 5 : i32
    %swap3A_177 = arith.index_cast %swap3A_176 : i32 to index
    %swap3A_178 = arith.constant 32 : index
    %swap3A_179 = tpu.vector_load %arg9[%swap3A_177, %swap3A_178] {strides = array<i32>} : memref<16x64xf32, #tpu.memory_space<vmem>>, vector<1x16xf32>,
    %swap3A_180 = vector.shape_cast %swap3A_179 : vector<1x16xf32> to vector<16xf32>
    %swap3A_181 = vector.shape_cast %broadcast_in_dim3A_175 : vector<16xf32> to vector<1x16xf32>
    tpu.vector_store %arg9[%swap3A_177, %swap3A_178], %swap3A_181 {strides = array<i32>} : memref<16x64xf32, #tpu.memory_space<vmem>>, vector<1x16xf32>,
    %broadcast_in_dim3A_182 = arith.constant 0.000000e+00 : f32
    %broadcast_in_dim3A_183 = vector.broadcast %broadcast_in_dim3A_182 : f32 to vector<16xf32>
    %swap3A_184 = arith.constant 5 : i32
    %swap3A_185 = arith.index_cast %swap3A_184 : i32 to index
    %swap3A_186 = arith.constant 48 : index
    %swap3A_187 = tpu.vector_load %arg9[%swap3A_185, %swap3A_186] {strides = array<i32>} : memref<16x64xf32, #tpu.memory_space<vmem>>, vector<1x16xf32>,
    %swap3A_188 = vector.shape_cast %swap3A_187 : vector<1x16xf32> to vector<16xf32>
    %swap3A_189 = vector.shape_cast %broadcast_in_dim3A_183 : vector<16xf32> to vector<1x16xf32>
    tpu.vector_store %arg9[%swap3A_185, %swap3A_186], %swap3A_189 {strides = array<i32>} : memref<16x64xf32, #tpu.memory_space<vmem>>, vector<1x16xf32>,
    %broadcast_in_dim3A_190 = arith.constant 0.000000e+00 : f32
    %broadcast_in_dim3A_191 = vector.broadcast %broadcast_in_dim3A_190 : f32 to vector<16xf32>
    %swap3A_192 = arith.constant 6 : i32
    %swap3A_193 = arith.index_cast %swap3A_192 : i32 to index
    %swap3A_194 = arith.constant 0 : index
    %swap3A_195 = tpu.vector_load %arg9[%swap3A_193, %swap3A_194] {strides = array<i32>} : memref<16x64xf32, #tpu.memory_space<vmem>>, vector<1x16xf32>,
    %swap3A_196 = vector.shape_cast %swap3A_195 : vector<1x16xf32> to vector<16xf32>
    %swap3A_197 = vector.shape_cast %broadcast_in_dim3A_191 : vector<16xf32> to vector<1x16xf32>
    tpu.vector_store %arg9[%swap3A_193, %swap3A_194], %swap3A_197 {strides = array<i32>} : memref<16x64xf32, #tpu.memory_space<vmem>>, vector<1x16xf32>,
    %broadcast_in_dim3A_198 = arith.constant 0.000000e+00 : f32
    %broadcast_in_dim3A_199 = vector.broadcast %broadcast_in_dim3A_198 : f32 to vector<16xf32>
    %swap3A_200 = arith.constant 6 : i32
    %swap3A_201 = arith.index_cast %swap3A_200 : i32 to index
    %swap3A_202 = arith.constant 16 : index
    %swap3A_203 = tpu.vector_load %arg9[%swap3A_201, %swap3A_202] {strides = array<i32>} : memref<16x64xf32, #tpu.memory_space<vmem>>, vector<1x16xf32>,
    %swap3A_204 = vector.shape_cast %swap3A_203 : vector<1x16xf32> to vector<16xf32>
    %swap3A_205 = vector.shape_cast %broadcast_in_dim3A_199 : vector<16xf32> to vector<1x16xf32>
    tpu.vector_store %arg9[%swap3A_201, %swap3A_202], %swap3A_205 {strides = array<i32>} : memref<16x64xf32, #tpu.memory_space<vmem>>, vector<1x16xf32>,
    %broadcast_in_dim3A_206 = arith.constant 0.000000e+00 : f32
    %broadcast_in_dim3A_207 = vector.broadcast %broadcast_in_dim3A_206 : f32 to vector<16xf32>
    %swap3A_208 = arith.constant 6 : i32
    %swap3A_209 = arith.index_cast %swap3A_208 : i32 to index
    %swap3A_210 = arith.constant 32 : index
    %swap3A_211 = tpu.vector_load %arg9[%swap3A_209, %swap3A_210] {strides = array<i32>} : memref<16x64xf32, #tpu.memory_space<vmem>>, vector<1x16xf32>,
    %swap3A_212 = vector.shape_cast %swap3A_211 : vector<1x16xf32> to vector<16xf32>
    %swap3A_213 = vector.shape_cast %broadcast_in_dim3A_207 : vector<16xf32> to vector<1x16xf32>
    tpu.vector_store %arg9[%swap3A_209, %swap3A_210], %swap3A_213 {strides = array<i32>} : memref<16x64xf32, #tpu.memory_space<vmem>>, vector<1x16xf32>,
    %broadcast_in_dim3A_214 = arith.constant 0.000000e+00 : f32
    %broadcast_in_dim3A_215 = vector.broadcast %broadcast_in_dim3A_214 : f32 to vector<16xf32>
    %swap3A_216 = arith.constant 6 : i32
    %swap3A_217 = arith.index_cast %swap3A_216 : i32 to index
    %swap3A_218 = arith.constant 48 : index
    %swap3A_219 = tpu.vector_load %arg9[%swap3A_217, %swap3A_218] {strides = array<i32>} : memref<16x64xf32, #tpu.memory_space<vmem>>, vector<1x16xf32>,
    %swap3A_220 = vector.shape_cast %swap3A_219 : vector<1x16xf32> to vector<16xf32>
    %swap3A_221 = vector.shape_cast %broadcast_in_dim3A_215 : vector<16xf32> to vector<1x16xf32>
    tpu.vector_store %arg9[%swap3A_217, %swap3A_218], %swap3A_221 {strides = array<i32>} : memref<16x64xf32, #tpu.memory_space<vmem>>, vector<1x16xf32>,
    %broadcast_in_dim3A_222 = arith.constant 0.000000e+00 : f32
    %broadcast_in_dim3A_223 = vector.broadcast %broadcast_in_dim3A_222 : f32 to vector<16xf32>
    %swap3A_224 = arith.constant 7 : i32
    %swap3A_225 = arith.index_cast %swap3A_224 : i32 to index
    %swap3A_226 = arith.constant 0 : index
    %swap3A_227 = tpu.vector_load %arg9[%swap3A_225, %swap3A_226] {strides = array<i32>} : memref<16x64xf32, #tpu.memory_space<vmem>>, vector<1x16xf32>,
    %swap3A_228 = vector.shape_cast %swap3A_227 : vector<1x16xf32> to vector<16xf32>
    %swap3A_229 = vector.shape_cast %broadcast_in_dim3A_223 : vector<16xf32> to vector<1x16xf32>
    tpu.vector_store %arg9[%swap3A_225, %swap3A_226], %swap3A_229 {strides = array<i32>} : memref<16x64xf32, #tpu.memory_space<vmem>>, vector<1x16xf32>,
    %broadcast_in_dim3A_230 = arith.constant 0.000000e+00 : f32
    %broadcast_in_dim3A_231 = vector.broadcast %broadcast_in_dim3A_230 : f32 to vector<16xf32>
    %swap3A_232 = arith.constant 7 : i32
    %swap3A_233 = arith.index_cast %swap3A_232 : i32 to index
    %swap3A_234 = arith.constant 16 : index
    %swap3A_235 = tpu.vector_load %arg9[%swap3A_233, %swap3A_234] {strides = array<i32>} : memref<16x64xf32, #tpu.memory_space<vmem>>, vector<1x16xf32>,
    %swap3A_236 = vector.shape_cast %swap3A_235 : vector<1x16xf32> to vector<16xf32>
    %swap3A_237 = vector.shape_cast %broadcast_in_dim3A_231 : vector<16xf32> to vector<1x16xf32>
    tpu.vector_store %arg9[%swap3A_233, %swap3A_234], %swap3A_237 {strides = array<i32>} : memref<16x64xf32, #tpu.memory_space<vmem>>, vector<1x16xf32>,
    %broadcast_in_dim3A_238 = arith.constant 0.000000e+00 : f32
    %broadcast_in_dim3A_239 = vector.broadcast %broadcast_in_dim3A_238 : f32 to vector<16xf32>
    %swap3A_240 = arith.constant 7 : i32
    %swap3A_241 = arith.index_cast %swap3A_240 : i32 to index
    %swap3A_242 = arith.constant 32 : index
    %swap3A_243 = tpu.vector_load %arg9[%swap3A_241, %swap3A_242] {strides = array<i32>} : memref<16x64xf32, #tpu.memory_space<vmem>>, vector<1x16xf32>,
    %swap3A_244 = vector.shape_cast %swap3A_243 : vector<1x16xf32> to vector<16xf32>
    %swap3A_245 = vector.shape_cast %broadcast_in_dim3A_239 : vector<16xf32> to vector<1x16xf32>
    tpu.vector_store %arg9[%swap3A_241, %swap3A_242], %swap3A_245 {strides = array<i32>} : memref<16x64xf32, #tpu.memory_space<vmem>>, vector<1x16xf32>,
    %broadcast_in_dim3A_246 = arith.constant 0.000000e+00 : f32
    %broadcast_in_dim3A_247 = vector.broadcast %broadcast_in_dim3A_246 : f32 to vector<16xf32>
    %swap3A_248 = arith.constant 7 : i32
    %swap3A_249 = arith.index_cast %swap3A_248 : i32 to index
    %swap3A_250 = arith.constant 48 : index
    %swap3A_251 = tpu.vector_load %arg9[%swap3A_249, %swap3A_250] {strides = array<i32>} : memref<16x64xf32, #tpu.memory_space<vmem>>, vector<1x16xf32>,
    %swap3A_252 = vector.shape_cast %swap3A_251 : vector<1x16xf32> to vector<16xf32>
    %swap3A_253 = vector.shape_cast %broadcast_in_dim3A_247 : vector<16xf32> to vector<1x16xf32>
    tpu.vector_store %arg9[%swap3A_249, %swap3A_250], %swap3A_253 {strides = array<i32>} : memref<16x64xf32, #tpu.memory_space<vmem>>, vector<1x16xf32>,
    %broadcast_in_dim3A_254 = arith.constant 0.000000e+00 : f32
    %broadcast_in_dim3A_255 = vector.broadcast %broadcast_in_dim3A_254 : f32 to vector<16xf32>
    %swap3A_256 = arith.constant 8 : i32
    %swap3A_257 = arith.index_cast %swap3A_256 : i32 to index
    %swap3A_258 = arith.constant 0 : index
    %swap3A_259 = tpu.vector_load %arg9[%swap3A_257, %swap3A_258] {strides = array<i32>} : memref<16x64xf32, #tpu.memory_space<vmem>>, vector<1x16xf32>,
    %swap3A_260 = vector.shape_cast %swap3A_259 : vector<1x16xf32> to vector<16xf32>
    %swap3A_261 = vector.shape_cast %broadcast_in_dim3A_255 : vector<16xf32> to vector<1x16xf32>
    tpu.vector_store %arg9[%swap3A_257, %swap3A_258], %swap3A_261 {strides = array<i32>} : memref<16x64xf32, #tpu.memory_space<vmem>>, vector<1x16xf32>,
    %broadcast_in_dim3A_262 = arith.constant 0.000000e+00 : f32
    %broadcast_in_dim3A_263 = vector.broadcast %broadcast_in_dim3A_262 : f32 to vector<16xf32>
    %swap3A_264 = arith.constant 8 : i32
    %swap3A_265 = arith.index_cast %swap3A_264 : i32 to index
    %swap3A_266 = arith.constant 16 : index
    %swap3A_267 = tpu.vector_load %arg9[%swap3A_265, %swap3A_266] {strides = array<i32>} : memref<16x64xf32, #tpu.memory_space<vmem>>, vector<1x16xf32>,
    %swap3A_268 = vector.shape_cast %swap3A_267 : vector<1x16xf32> to vector<16xf32>
    %swap3A_269 = vector.shape_cast %broadcast_in_dim3A_263 : vector<16xf32> to vector<1x16xf32>
    tpu.vector_store %arg9[%swap3A_265, %swap3A_266], %swap3A_269 {strides = array<i32>} : memref<16x64xf32, #tpu.memory_space<vmem>>, vector<1x16xf32>,
    %broadcast_in_dim3A_270 = arith.constant 0.000000e+00 : f32
    %broadcast_in_dim3A_271 = vector.broadcast %broadcast_in_dim3A_270 : f32 to vector<16xf32>
    %swap3A_272 = arith.constant 8 : i32
    %swap3A_273 = arith.index_cast %swap3A_272 : i32 to index
    %swap3A_274 = arith.constant 32 : index
    %swap3A_275 = tpu.vector_load %arg9[%swap3A_273, %swap3A_274] {strides = array<i32>} : memref<16x64xf32, #tpu.memory_space<vmem>>, vector<1x16xf32>,
    %swap3A_276 = vector.shape_cast %swap3A_275 : vector<1x16xf32> to vector<16xf32>
    %swap3A_277 = vector.shape_cast %broadcast_in_dim3A_271 : vector<16xf32> to vector<1x16xf32>
    tpu.vector_store %arg9[%swap3A_273, %swap3A_274], %swap3A_277 {strides = array<i32>} : memref<16x64xf32, #tpu.memory_space<vmem>>, vector<1x16xf32>,
    %broadcast_in_dim3A_278 = arith.constant 0.000000e+00 : f32
    %broadcast_in_dim3A_279 = vector.broadcast %broadcast_in_dim3A_278 : f32 to vector<16xf32>
    %swap3A_280 = arith.constant 8 : i32
    %swap3A_281 = arith.index_cast %swap3A_280 : i32 to index
    %swap3A_282 = arith.constant 48 : index
    %swap3A_283 = tpu.vector_load %arg9[%swap3A_281, %swap3A_282] {strides = array<i32>} : memref<16x64xf32, #tpu.memory_space<vmem>>, vector<1x16xf32>,
    %swap3A_284 = vector.shape_cast %swap3A_283 : vector<1x16xf32> to vector<16xf32>
    %swap3A_285 = vector.shape_cast %broadcast_in_dim3A_279 : vector<16xf32> to vector<1x16xf32>
    tpu.vector_store %arg9[%swap3A_281, %swap3A_282], %swap3A_285 {strides = array<i32>} : memref<16x64xf32, #tpu.memory_space<vmem>>, vector<1x16xf32>,
    %broadcast_in_dim3A_286 = arith.constant 0.000000e+00 : f32
    %broadcast_in_dim3A_287 = vector.broadcast %broadcast_in_dim3A_286 : f32 to vector<16xf32>
    %swap3A_288 = arith.constant 9 : i32
    %swap3A_289 = arith.index_cast %swap3A_288 : i32 to index
    %swap3A_290 = arith.constant 0 : index
    %swap3A_291 = tpu.vector_load %arg9[%swap3A_289, %swap3A_290] {strides = array<i32>} : memref<16x64xf32, #tpu.memory_space<vmem>>, vector<1x16xf32>,
    %swap3A_292 = vector.shape_cast %swap3A_291 : vector<1x16xf32> to vector<16xf32>
    %swap3A_293 = vector.shape_cast %broadcast_in_dim3A_287 : vector<16xf32> to vector<1x16xf32>
    tpu.vector_store %arg9[%swap3A_289, %swap3A_290], %swap3A_293 {strides = array<i32>} : memref<16x64xf32, #tpu.memory_space<vmem>>, vector<1x16xf32>,
    %broadcast_in_dim3A_294 = arith.constant 0.000000e+00 : f32
    %broadcast_in_dim3A_295 = vector.broadcast %broadcast_in_dim3A_294 : f32 to vector<16xf32>
    %swap3A_296 = arith.constant 9 : i32
    %swap3A_297 = arith.index_cast %swap3A_296 : i32 to index
    %swap3A_298 = arith.constant 16 : index
    %swap3A_299 = tpu.vector_load %arg9[%swap3A_297, %swap3A_298] {strides = array<i32>} : memref<16x64xf32, #tpu.memory_space<vmem>>, vector<1x16xf32>,
    %swap3A_300 = vector.shape_cast %swap3A_299 : vector<1x16xf32> to vector<16xf32>
    %swap3A_301 = vector.shape_cast %broadcast_in_dim3A_295 : vector<16xf32> to vector<1x16xf32>
    tpu.vector_store %arg9[%swap3A_297, %swap3A_298], %swap3A_301 {strides = array<i32>} : memref<16x64xf32, #tpu.memory_space<vmem>>, vector<1x16xf32>,
    %broadcast_in_dim3A_302 = arith.constant 0.000000e+00 : f32
    %broadcast_in_dim3A_303 = vector.broadcast %broadcast_in_dim3A_302 : f32 to vector<16xf32>
    %swap3A_304 = arith.constant 9 : i32
    %swap3A_305 = arith.index_cast %swap3A_304 : i32 to index
    %swap3A_306 = arith.constant 32 : index
    %swap3A_307 = tpu.vector_load %arg9[%swap3A_305, %swap3A_306] {strides = array<i32>} : memref<16x64xf32, #tpu.memory_space<vmem>>, vector<1x16xf32>,
    %swap3A_308 = vector.shape_cast %swap3A_307 : vector<1x16xf32> to vector<16xf32>
    %swap3A_309 = vector.shape_cast %broadcast_in_dim3A_303 : vector<16xf32> to vector<1x16xf32>
    tpu.vector_store %arg9[%swap3A_305, %swap3A_306], %swap3A_309 {strides = array<i32>} : memref<16x64xf32, #tpu.memory_space<vmem>>, vector<1x16xf32>,
    %broadcast_in_dim3A_310 = arith.constant 0.000000e+00 : f32
    %broadcast_in_dim3A_311 = vector.broadcast %broadcast_in_dim3A_310 : f32 to vector<16xf32>
    %swap3A_312 = arith.constant 9 : i32
    %swap3A_313 = arith.index_cast %swap3A_312 : i32 to index
    %swap3A_314 = arith.constant 48 : index
    %swap3A_315 = tpu.vector_load %arg9[%swap3A_313, %swap3A_314] {strides = array<i32>} : memref<16x64xf32, #tpu.memory_space<vmem>>, vector<1x16xf32>,
    %swap3A_316 = vector.shape_cast %swap3A_315 : vector<1x16xf32> to vector<16xf32>
    %swap3A_317 = vector.shape_cast %broadcast_in_dim3A_311 : vector<16xf32> to vector<1x16xf32>
    tpu.vector_store %arg9[%swap3A_313, %swap3A_314], %swap3A_317 {strides = array<i32>} : memref<16x64xf32, #tpu.memory_space<vmem>>, vector<1x16xf32>,
    %broadcast_in_dim3A_318 = arith.constant 0.000000e+00 : f32
    %broadcast_in_dim3A_319 = vector.broadcast %broadcast_in_dim3A_318 : f32 to vector<16xf32>
    %swap3A_320 = arith.constant 10 : i32
    %swap3A_321 = arith.index_cast %swap3A_320 : i32 to index
    %swap3A_322 = arith.constant 0 : index
    %swap3A_323 = tpu.vector_load %arg9[%swap3A_321, %swap3A_322] {strides = array<i32>} : memref<16x64xf32, #tpu.memory_space<vmem>>, vector<1x16xf32>,
    %swap3A_324 = vector.shape_cast %swap3A_323 : vector<1x16xf32> to vector<16xf32>
    %swap3A_325 = vector.shape_cast %broadcast_in_dim3A_319 : vector<16xf32> to vector<1x16xf32>
    tpu.vector_store %arg9[%swap3A_321, %swap3A_322], %swap3A_325 {strides = array<i32>} : memref<16x64xf32, #tpu.memory_space<vmem>>, vector<1x16xf32>,
    %broadcast_in_dim3A_326 = arith.constant 0.000000e+00 : f32
    %broadcast_in_dim3A_327 = vector.broadcast %broadcast_in_dim3A_326 : f32 to vector<16xf32>
    %swap3A_328 = arith.constant 10 : i32
    %swap3A_329 = arith.index_cast %swap3A_328 : i32 to index
    %swap3A_330 = arith.constant 16 : index
    %swap3A_331 = tpu.vector_load %arg9[%swap3A_329, %swap3A_330] {strides = array<i32>} : memref<16x64xf32, #tpu.memory_space<vmem>>, vector<1x16xf32>,
    %swap3A_332 = vector.shape_cast %swap3A_331 : vector<1x16xf32> to vector<16xf32>
    %swap3A_333 = vector.shape_cast %broadcast_in_dim3A_327 : vector<16xf32> to vector<1x16xf32>
    tpu.vector_store %arg9[%swap3A_329, %swap3A_330], %swap3A_333 {strides = array<i32>} : memref<16x64xf32, #tpu.memory_space<vmem>>, vector<1x16xf32>,
    %broadcast_in_dim3A_334 = arith.constant 0.000000e+00 : f32
    %broadcast_in_dim3A_335 = vector.broadcast %broadcast_in_dim3A_334 : f32 to vector<16xf32>
    %swap3A_336 = arith.constant 10 : i32
    %swap3A_337 = arith.index_cast %swap3A_336 : i32 to index
    %swap3A_338 = arith.constant 32 : index
    %swap3A_339 = tpu.vector_load %arg9[%swap3A_337, %swap3A_338] {strides = array<i32>} : memref<16x64xf32, #tpu.memory_space<vmem>>, vector<1x16xf32>,
    %swap3A_340 = vector.shape_cast %swap3A_339 : vector<1x16xf32> to vector<16xf32>
    %swap3A_341 = vector.shape_cast %broadcast_in_dim3A_335 : vector<16xf32> to vector<1x16xf32>
    tpu.vector_store %arg9[%swap3A_337, %swap3A_338], %swap3A_341 {strides = array<i32>} : memref<16x64xf32, #tpu.memory_space<vmem>>, vector<1x16xf32>,
    %broadcast_in_dim3A_342 = arith.constant 0.000000e+00 : f32
    %broadcast_in_dim3A_343 = vector.broadcast %broadcast_in_dim3A_342 : f32 to vector<16xf32>
    %swap3A_344 = arith.constant 10 : i32
    %swap3A_345 = arith.index_cast %swap3A_344 : i32 to index
    %swap3A_346 = arith.constant 48 : index
    %swap3A_347 = tpu.vector_load %arg9[%swap3A_345, %swap3A_346] {strides = array<i32>} : memref<16x64xf32, #tpu.memory_space<vmem>>, vector<1x16xf32>,
    %swap3A_348 = vector.shape_cast %swap3A_347 : vector<1x16xf32> to vector<16xf32>
    %swap3A_349 = vector.shape_cast %broadcast_in_dim3A_343 : vector<16xf32> to vector<1x16xf32>
    tpu.vector_store %arg9[%swap3A_345, %swap3A_346], %swap3A_349 {strides = array<i32>} : memref<16x64xf32, #tpu.memory_space<vmem>>, vector<1x16xf32>,
    %broadcast_in_dim3A_350 = arith.constant 0.000000e+00 : f32
    %broadcast_in_dim3A_351 = vector.broadcast %broadcast_in_dim3A_350 : f32 to vector<16xf32>
    %swap3A_352 = arith.constant 11 : i32
    %swap3A_353 = arith.index_cast %swap3A_352 : i32 to index
    %swap3A_354 = arith.constant 0 : index
    %swap3A_355 = tpu.vector_load %arg9[%swap3A_353, %swap3A_354] {strides = array<i32>} : memref<16x64xf32, #tpu.memory_space<vmem>>, vector<1x16xf32>,
    %swap3A_356 = vector.shape_cast %swap3A_355 : vector<1x16xf32> to vector<16xf32>
    %swap3A_357 = vector.shape_cast %broadcast_in_dim3A_351 : vector<16xf32> to vector<1x16xf32>
    tpu.vector_store %arg9[%swap3A_353, %swap3A_354], %swap3A_357 {strides = array<i32>} : memref<16x64xf32, #tpu.memory_space<vmem>>, vector<1x16xf32>,
    %broadcast_in_dim3A_358 = arith.constant 0.000000e+00 : f32
    %broadcast_in_dim3A_359 = vector.broadcast %broadcast_in_dim3A_358 : f32 to vector<16xf32>
    %swap3A_360 = arith.constant 11 : i32
    %swap3A_361 = arith.index_cast %swap3A_360 : i32 to index
    %swap3A_362 = arith.constant 16 : index
    %swap3A_363 = tpu.vector_load %arg9[%swap3A_361, %swap3A_362] {strides = array<i32>} : memref<16x64xf32, #tpu.memory_space<vmem>>, vector<1x16xf32>,
    %swap3A_364 = vector.shape_cast %swap3A_363 : vector<1x16xf32> to vector<16xf32>
    %swap3A_365 = vector.shape_cast %broadcast_in_dim3A_359 : vector<16xf32> to vector<1x16xf32>
    tpu.vector_store %arg9[%swap3A_361, %swap3A_362], %swap3A_365 {strides = array<i32>} : memref<16x64xf32, #tpu.memory_space<vmem>>, vector<1x16xf32>,
    %broadcast_in_dim3A_366 = arith.constant 0.000000e+00 : f32
    %broadcast_in_dim3A_367 = vector.broadcast %broadcast_in_dim3A_366 : f32 to vector<16xf32>
    %swap3A_368 = arith.constant 11 : i32
    %swap3A_369 = arith.index_cast %swap3A_368 : i32 to index
    %swap3A_370 = arith.constant 32 : index
    %swap3A_371 = tpu.vector_load %arg9[%swap3A_369, %swap3A_370] {strides = array<i32>} : memref<16x64xf32, #tpu.memory_space<vmem>>, vector<1x16xf32>,
    %swap3A_372 = vector.shape_cast %swap3A_371 : vector<1x16xf32> to vector<16xf32>
    %swap3A_373 = vector.shape_cast %broadcast_in_dim3A_367 : vector<16xf32> to vector<1x16xf32>
    tpu.vector_store %arg9[%swap3A_369, %swap3A_370], %swap3A_373 {strides = array<i32>} : memref<16x64xf32, #tpu.memory_space<vmem>>, vector<1x16xf32>,
    %broadcast_in_dim3A_374 = arith.constant 0.000000e+00 : f32
    %broadcast_in_dim3A_375 = vector.broadcast %broadcast_in_dim3A_374 : f32 to vector<16xf32>
    %swap3A_376 = arith.constant 11 : i32
    %swap3A_377 = arith.index_cast %swap3A_376 : i32 to index
    %swap3A_378 = arith.constant 48 : index
    %swap3A_379 = tpu.vector_load %arg9[%swap3A_377, %swap3A_378] {strides = array<i32>} : memref<16x64xf32, #tpu.memory_space<vmem>>, vector<1x16xf32>,
    %swap3A_380 = vector.shape_cast %swap3A_379 : vector<1x16xf32> to vector<16xf32>
    %swap3A_381 = vector.shape_cast %broadcast_in_dim3A_375 : vector<16xf32> to vector<1x16xf32>
    tpu.vector_store %arg9[%swap3A_377, %swap3A_378], %swap3A_381 {strides = array<i32>} : memref<16x64xf32, #tpu.memory_space<vmem>>, vector<1x16xf32>,
    %broadcast_in_dim3A_382 = arith.constant 0.000000e+00 : f32
    %broadcast_in_dim3A_383 = vector.broadcast %broadcast_in_dim3A_382 : f32 to vector<16xf32>
    %swap3A_384 = arith.constant 12 : i32
    %swap3A_385 = arith.index_cast %swap3A_384 : i32 to index
    %swap3A_386 = arith.constant 0 : index
    %swap3A_387 = tpu.vector_load %arg9[%swap3A_385, %swap3A_386] {strides = array<i32>} : memref<16x64xf32, #tpu.memory_space<vmem>>, vector<1x16xf32>,
    %swap3A_388 = vector.shape_cast %swap3A_387 : vector<1x16xf32> to vector<16xf32>
    %swap3A_389 = vector.shape_cast %broadcast_in_dim3A_383 : vector<16xf32> to vector<1x16xf32>
    tpu.vector_store %arg9[%swap3A_385, %swap3A_386], %swap3A_389 {strides = array<i32>} : memref<16x64xf32, #tpu.memory_space<vmem>>, vector<1x16xf32>,
    %broadcast_in_dim3A_390 = arith.constant 0.000000e+00 : f32
    %broadcast_in_dim3A_391 = vector.broadcast %broadcast_in_dim3A_390 : f32 to vector<16xf32>
    %swap3A_392 = arith.constant 12 : i32
    %swap3A_393 = arith.index_cast %swap3A_392 : i32 to index
    %swap3A_394 = arith.constant 16 : index
    %swap3A_395 = tpu.vector_load %arg9[%swap3A_393, %swap3A_394] {strides = array<i32>} : memref<16x64xf32, #tpu.memory_space<vmem>>, vector<1x16xf32>,
    %swap3A_396 = vector.shape_cast %swap3A_395 : vector<1x16xf32> to vector<16xf32>
    %swap3A_397 = vector.shape_cast %broadcast_in_dim3A_391 : vector<16xf32> to vector<1x16xf32>
    tpu.vector_store %arg9[%swap3A_393, %swap3A_394], %swap3A_397 {strides = array<i32>} : memref<16x64xf32, #tpu.memory_space<vmem>>, vector<1x16xf32>,
    %broadcast_in_dim3A_398 = arith.constant 0.000000e+00 : f32
    %broadcast_in_dim3A_399 = vector.broadcast %broadcast_in_dim3A_398 : f32 to vector<16xf32>
    %swap3A_400 = arith.constant 12 : i32
    %swap3A_401 = arith.index_cast %swap3A_400 : i32 to index
    %swap3A_402 = arith.constant 32 : index
    %swap3A_403 = tpu.vector_load %arg9[%swap3A_401, %swap3A_402] {strides = array<i32>} : memref<16x64xf32, #tpu.memory_space<vmem>>, vector<1x16xf32>,
    %swap3A_404 = vector.shape_cast %swap3A_403 : vector<1x16xf32> to vector<16xf32>
    %swap3A_405 = vector.shape_cast %broadcast_in_dim3A_399 : vector<16xf32> to vector<1x16xf32>
    tpu.vector_store %arg9[%swap3A_401, %swap3A_402], %swap3A_405 {strides = array<i32>} : memref<16x64xf32, #tpu.memory_space<vmem>>, vector<1x16xf32>,
    %broadcast_in_dim3A_406 = arith.constant 0.000000e+00 : f32
    %broadcast_in_dim3A_407 = vector.broadcast %broadcast_in_dim3A_406 : f32 to vector<16xf32>
    %swap3A_408 = arith.constant 12 : i32
    %swap3A_409 = arith.index_cast %swap3A_408 : i32 to index
    %swap3A_410 = arith.constant 48 : index
    %swap3A_411 = tpu.vector_load %arg9[%swap3A_409, %swap3A_410] {strides = array<i32>} : memref<16x64xf32, #tpu.memory_space<vmem>>, vector<1x16xf32>,
    %swap3A_412 = vector.shape_cast %swap3A_411 : vector<1x16xf32> to vector<16xf32>
    %swap3A_413 = vector.shape_cast %broadcast_in_dim3A_407 : vector<16xf32> to vector<1x16xf32>
    tpu.vector_store %arg9[%swap3A_409, %swap3A_410], %swap3A_413 {strides = array<i32>} : memref<16x64xf32, #tpu.memory_space<vmem>>, vector<1x16xf32>,
    %broadcast_in_dim3A_414 = arith.constant 0.000000e+00 : f32
    %broadcast_in_dim3A_415 = vector.broadcast %broadcast_in_dim3A_414 : f32 to vector<16xf32>
    %swap3A_416 = arith.constant 13 : i32
    %swap3A_417 = arith.index_cast %swap3A_416 : i32 to index
    %swap3A_418 = arith.constant 0 : index
    %swap3A_419 = tpu.vector_load %arg9[%swap3A_417, %swap3A_418] {strides = array<i32>} : memref<16x64xf32, #tpu.memory_space<vmem>>, vector<1x16xf32>,
    %swap3A_420 = vector.shape_cast %swap3A_419 : vector<1x16xf32> to vector<16xf32>
    %swap3A_421 = vector.shape_cast %broadcast_in_dim3A_415 : vector<16xf32> to vector<1x16xf32>
    tpu.vector_store %arg9[%swap3A_417, %swap3A_418], %swap3A_421 {strides = array<i32>} : memref<16x64xf32, #tpu.memory_space<vmem>>, vector<1x16xf32>,
    %broadcast_in_dim3A_422 = arith.constant 0.000000e+00 : f32
    %broadcast_in_dim3A_423 = vector.broadcast %broadcast_in_dim3A_422 : f32 to vector<16xf32>
    %swap3A_424 = arith.constant 13 : i32
    %swap3A_425 = arith.index_cast %swap3A_424 : i32 to index
    %swap3A_426 = arith.constant 16 : index
    %swap3A_427 = tpu.vector_load %arg9[%swap3A_425, %swap3A_426] {strides = array<i32>} : memref<16x64xf32, #tpu.memory_space<vmem>>, vector<1x16xf32>,
    %swap3A_428 = vector.shape_cast %swap3A_427 : vector<1x16xf32> to vector<16xf32>
    %swap3A_429 = vector.shape_cast %broadcast_in_dim3A_423 : vector<16xf32> to vector<1x16xf32>
    tpu.vector_store %arg9[%swap3A_425, %swap3A_426], %swap3A_429 {strides = array<i32>} : memref<16x64xf32, #tpu.memory_space<vmem>>, vector<1x16xf32>,
    %broadcast_in_dim3A_430 = arith.constant 0.000000e+00 : f32
    %broadcast_in_dim3A_431 = vector.broadcast %broadcast_in_dim3A_430 : f32 to vector<16xf32>
    %swap3A_432 = arith.constant 13 : i32
    %swap3A_433 = arith.index_cast %swap3A_432 : i32 to index
    %swap3A_434 = arith.constant 32 : index
    %swap3A_435 = tpu.vector_load %arg9[%swap3A_433, %swap3A_434] {strides = array<i32>} : memref<16x64xf32, #tpu.memory_space<vmem>>, vector<1x16xf32>,
    %swap3A_436 = vector.shape_cast %swap3A_435 : vector<1x16xf32> to vector<16xf32>
    %swap3A_437 = vector.shape_cast %broadcast_in_dim3A_431 : vector<16xf32> to vector<1x16xf32>
    tpu.vector_store %arg9[%swap3A_433, %swap3A_434], %swap3A_437 {strides = array<i32>} : memref<16x64xf32, #tpu.memory_space<vmem>>, vector<1x16xf32>,
    %broadcast_in_dim3A_438 = arith.constant 0.000000e+00 : f32
    %broadcast_in_dim3A_439 = vector.broadcast %broadcast_in_dim3A_438 : f32 to vector<16xf32>
    %swap3A_440 = arith.constant 13 : i32
    %swap3A_441 = arith.index_cast %swap3A_440 : i32 to index
    %swap3A_442 = arith.constant 48 : index
    %swap3A_443 = tpu.vector_load %arg9[%swap3A_441, %swap3A_442] {strides = array<i32>} : memref<16x64xf32, #tpu.memory_space<vmem>>, vector<1x16xf32>,
    %swap3A_444 = vector.shape_cast %swap3A_443 : vector<1x16xf32> to vector<16xf32>
    %swap3A_445 = vector.shape_cast %broadcast_in_dim3A_439 : vector<16xf32> to vector<1x16xf32>
    tpu.vector_store %arg9[%swap3A_441, %swap3A_442], %swap3A_445 {strides = array<i32>} : memref<16x64xf32, #tpu.memory_space<vmem>>, vector<1x16xf32>,
    %broadcast_in_dim3A_446 = arith.constant 0.000000e+00 : f32
    %broadcast_in_dim3A_447 = vector.broadcast %broadcast_in_dim3A_446 : f32 to vector<16xf32>
    %swap3A_448 = arith.constant 14 : i32
    %swap3A_449 = arith.index_cast %swap3A_448 : i32 to index
    %swap3A_450 = arith.constant 0 : index
    %swap3A_451 = tpu.vector_load %arg9[%swap3A_449, %swap3A_450] {strides = array<i32>} : memref<16x64xf32, #tpu.memory_space<vmem>>, vector<1x16xf32>,
    %swap3A_452 = vector.shape_cast %swap3A_451 : vector<1x16xf32> to vector<16xf32>
    %swap3A_453 = vector.shape_cast %broadcast_in_dim3A_447 : vector<16xf32> to vector<1x16xf32>
    tpu.vector_store %arg9[%swap3A_449, %swap3A_450], %swap3A_453 {strides = array<i32>} : memref<16x64xf32, #tpu.memory_space<vmem>>, vector<1x16xf32>,
    %broadcast_in_dim3A_454 = arith.constant 0.000000e+00 : f32
    %broadcast_in_dim3A_455 = vector.broadcast %broadcast_in_dim3A_454 : f32 to vector<16xf32>
    %swap3A_456 = arith.constant 14 : i32
    %swap3A_457 = arith.index_cast %swap3A_456 : i32 to index
    %swap3A_458 = arith.constant 16 : index
    %swap3A_459 = tpu.vector_load %arg9[%swap3A_457, %swap3A_458] {strides = array<i32>} : memref<16x64xf32, #tpu.memory_space<vmem>>, vector<1x16xf32>,
    %swap3A_460 = vector.shape_cast %swap3A_459 : vector<1x16xf32> to vector<16xf32>
    %swap3A_461 = vector.shape_cast %broadcast_in_dim3A_455 : vector<16xf32> to vector<1x16xf32>
    tpu.vector_store %arg9[%swap3A_457, %swap3A_458], %swap3A_461 {strides = array<i32>} : memref<16x64xf32, #tpu.memory_space<vmem>>, vector<1x16xf32>,
    %broadcast_in_dim3A_462 = arith.constant 0.000000e+00 : f32
    %broadcast_in_dim3A_463 = vector.broadcast %broadcast_in_dim3A_462 : f32 to vector<16xf32>
    %swap3A_464 = arith.constant 14 : i32
    %swap3A_465 = arith.index_cast %swap3A_464 : i32 to index
    %swap3A_466 = arith.constant 32 : index
    %swap3A_467 = tpu.vector_load %arg9[%swap3A_465, %swap3A_466] {strides = array<i32>} : memref<16x64xf32, #tpu.memory_space<vmem>>, vector<1x16xf32>,
    %swap3A_468 = vector.shape_cast %swap3A_467 : vector<1x16xf32> to vector<16xf32>
    %swap3A_469 = vector.shape_cast %broadcast_in_dim3A_463 : vector<16xf32> to vector<1x16xf32>
    tpu.vector_store %arg9[%swap3A_465, %swap3A_466], %swap3A_469 {strides = array<i32>} : memref<16x64xf32, #tpu.memory_space<vmem>>, vector<1x16xf32>,
    %broadcast_in_dim3A_470 = arith.constant 0.000000e+00 : f32
    %broadcast_in_dim3A_471 = vector.broadcast %broadcast_in_dim3A_470 : f32 to vector<16xf32>
    %swap3A_472 = arith.constant 14 : i32
    %swap3A_473 = arith.index_cast %swap3A_472 : i32 to index
    %swap3A_474 = arith.constant 48 : index
    %swap3A_475 = tpu.vector_load %arg9[%swap3A_473, %swap3A_474] {strides = array<i32>} : memref<16x64xf32, #tpu.memory_space<vmem>>, vector<1x16xf32>,
    %swap3A_476 = vector.shape_cast %swap3A_475 : vector<1x16xf32> to vector<16xf32>
    %swap3A_477 = vector.shape_cast %broadcast_in_dim3A_471 : vector<16xf32> to vector<1x16xf32>
    tpu.vector_store %arg9[%swap3A_473, %swap3A_474], %swap3A_477 {strides = array<i32>} : memref<16x64xf32, #tpu.memory_space<vmem>>, vector<1x16xf32>,
    %broadcast_in_dim3A_478 = arith.constant 0.000000e+00 : f32
    %broadcast_in_dim3A_479 = vector.broadcast %broadcast_in_dim3A_478 : f32 to vector<16xf32>
    %swap3A_480 = arith.constant 15 : i32
    %swap3A_481 = arith.index_cast %swap3A_480 : i32 to index
    %swap3A_482 = arith.constant 0 : index
    %swap3A_483 = tpu.vector_load %arg9[%swap3A_481, %swap3A_482] {strides = array<i32>} : memref<16x64xf32, #tpu.memory_space<vmem>>, vector<1x16xf32>,
    %swap3A_484 = vector.shape_cast %swap3A_483 : vector<1x16xf32> to vector<16xf32>
    %swap3A_485 = vector.shape_cast %broadcast_in_dim3A_479 : vector<16xf32> to vector<1x16xf32>
    tpu.vector_store %arg9[%swap3A_481, %swap3A_482], %swap3A_485 {strides = array<i32>} : memref<16x64xf32, #tpu.memory_space<vmem>>, vector<1x16xf32>,
    %broadcast_in_dim3A_486 = arith.constant 0.000000e+00 : f32
    %broadcast_in_dim3A_487 = vector.broadcast %broadcast_in_dim3A_486 : f32 to vector<16xf32>
    %swap3A_488 = arith.constant 15 : i32
    %swap3A_489 = arith.index_cast %swap3A_488 : i32 to index
    %swap3A_490 = arith.constant 16 : index
    %swap3A_491 = tpu.vector_load %arg9[%swap3A_489, %swap3A_490] {strides = array<i32>} : memref<16x64xf32, #tpu.memory_space<vmem>>, vector<1x16xf32>,
    %swap3A_492 = vector.shape_cast %swap3A_491 : vector<1x16xf32> to vector<16xf32>
    %swap3A_493 = vector.shape_cast %broadcast_in_dim3A_487 : vector<16xf32> to vector<1x16xf32>
    tpu.vector_store %arg9[%swap3A_489, %swap3A_490], %swap3A_493 {strides = array<i32>} : memref<16x64xf32, #tpu.memory_space<vmem>>, vector<1x16xf32>,
    %broadcast_in_dim3A_494 = arith.constant 0.000000e+00 : f32
    %broadcast_in_dim3A_495 = vector.broadcast %broadcast_in_dim3A_494 : f32 to vector<16xf32>
    %swap3A_496 = arith.constant 15 : i32
    %swap3A_497 = arith.index_cast %swap3A_496 : i32 to index
    %swap3A_498 = arith.constant 32 : index
    %swap3A_499 = tpu.vector_load %arg9[%swap3A_497, %swap3A_498] {strides = array<i32>} : memref<16x64xf32, #tpu.memory_space<vmem>>, vector<1x16xf32>,
    %swap3A_500 = vector.shape_cast %swap3A_499 : vector<1x16xf32> to vector<16xf32>
    %swap3A_501 = vector.shape_cast %broadcast_in_dim3A_495 : vector<16xf32> to vector<1x16xf32>
    tpu.vector_store %arg9[%swap3A_497, %swap3A_498], %swap3A_501 {strides = array<i32>} : memref<16x64xf32, #tpu.memory_space<vmem>>, vector<1x16xf32>,
    %broadcast_in_dim3A_502 = arith.constant 0.000000e+00 : f32
    %broadcast_in_dim3A_503 = vector.broadcast %broadcast_in_dim3A_502 : f32 to vector<16xf32>
    %swap3A_504 = arith.constant 15 : i32
    %swap3A_505 = arith.index_cast %swap3A_504 : i32 to index
    %swap3A_506 = arith.constant 48 : index
    %swap3A_507 = tpu.vector_load %arg9[%swap3A_505, %swap3A_506] {strides = array<i32>} : memref<16x64xf32, #tpu.memory_space<vmem>>, vector<1x16xf32>,
    %swap3A_508 = vector.shape_cast %swap3A_507 : vector<1x16xf32> to vector<16xf32>
    %swap3A_509 = vector.shape_cast %broadcast_in_dim3A_503 : vector<16xf32> to vector<1x16xf32>
    tpu.vector_store %arg9[%swap3A_505, %swap3A_506], %swap3A_509 {strides = array<i32>} : memref<16x64xf32, #tpu.memory_space<vmem>>, vector<1x16xf32>,
    %scan3A = arith.constant 0 : i32
    %scan3A_510 = arith.constant 0 : i32
    %scan3A_511 = arith.constant 5 : i32
    %scan3A_512 = arith.addi %scan3A_510, %scan3A_511 : i32
    %scan3A_513 = arith.constant 1 : i32
    scf.for %scan3A_779 = %scan3A_510 to %scan3A_512 step %scan3A_513  : i32 {
      %mul3A_780 = arith.constant 640 : i32
      %mul3A_781 = arith.muli %arg1, %mul3A_780 : i32
      %mul3A_782 = arith.constant 8 : i32
      %mul3A_783 = arith.muli %scan3A_779, %mul3A_782 : i32
      %add3A_784 = arith.constant 0 : i32
      %add3A_785 = arith.addi %mul3A_783, %add3A_784 : i32
      %mul3A_786 = arith.constant 16 : i32
      %mul3A_787 = arith.muli %add3A_785, %mul3A_786 : i32
      %add3A_788 = arith.addi %mul3A_781, %mul3A_787 : i32
      %dma_start3A_789 = arith.constant 0 : i32
      %dma_start3A_790 = tpu.memref_slice %arg10[%add3A_788, %dma_start3A_789] : memref<10240x64xf32, #tpu.memory_space<vmem_shared>> -> memref<16x64xf32, #tpu.memory_space<vmem_shared>>
      %dma_start3A_791 = arith.constant 0 : i32
      %dma_start3A_792 = tpu.memref_slice %arg10[%add3A_788, %dma_start3A_791] : memref<10240x64xf32, #tpu.memory_space<vmem_shared>> -> memref<16x64xf32, #tpu.memory_space<vmem_shared>>
      tpu.enqueue_dma source(%arg9 : memref<16x64xf32, #tpu.memory_space<vmem>>) target(%dma_start3A_792 : memref<16x64xf32, #tpu.memory_space<vmem_shared>>) target_semaphore(%arg15 : memref<!tpu.dma_semaphore, #tpu.memory_space<semaphore_mem>>)
      %mul3A_793 = arith.constant 640 : i32
      %mul3A_794 = arith.muli %arg1, %mul3A_793 : i32
      %mul3A_795 = arith.constant 8 : i32
      %mul3A_796 = arith.muli %scan3A_779, %mul3A_795 : i32
      %add3A_797 = arith.constant 1 : i32
      %add3A_798 = arith.addi %mul3A_796, %add3A_797 : i32
      %mul3A_799 = arith.constant 16 : i32
      %mul3A_800 = arith.muli %add3A_798, %mul3A_799 : i32
      %add3A_801 = arith.addi %mul3A_794, %mul3A_800 : i32
      %dma_start3A_802 = arith.constant 0 : i32
      %dma_start3A_803 = tpu.memref_slice %arg10[%add3A_801, %dma_start3A_802] : memref<10240x64xf32, #tpu.memory_space<vmem_shared>> -> memref<16x64xf32, #tpu.memory_space<vmem_shared>>
      %dma_start3A_804 = arith.constant 0 : i32
      %dma_start3A_805 = tpu.memref_slice %arg10[%add3A_801, %dma_start3A_804] : memref<10240x64xf32, #tpu.memory_space<vmem_shared>> -> memref<16x64xf32, #tpu.memory_space<vmem_shared>>
      tpu.enqueue_dma source(%arg9 : memref<16x64xf32, #tpu.memory_space<vmem>>) target(%dma_start3A_805 : memref<16x64xf32, #tpu.memory_space<vmem_shared>>) target_semaphore(%arg15 : memref<!tpu.dma_semaphore, #tpu.memory_space<semaphore_mem>>)
      %mul3A_806 = arith.constant 640 : i32
      %mul3A_807 = arith.muli %arg1, %mul3A_806 : i32
      %mul3A_808 = arith.constant 8 : i32
      %mul3A_809 = arith.muli %scan3A_779, %mul3A_808 : i32
      %add3A_810 = arith.constant 2 : i32
      %add3A_811 = arith.addi %mul3A_809, %add3A_810 : i32
      %mul3A_812 = arith.constant 16 : i32
      %mul3A_813 = arith.muli %add3A_811, %mul3A_812 : i32
      %add3A_814 = arith.addi %mul3A_807, %mul3A_813 : i32
      %dma_start3A_815 = arith.constant 0 : i32
      %dma_start3A_816 = tpu.memref_slice %arg10[%add3A_814, %dma_start3A_815] : memref<10240x64xf32, #tpu.memory_space<vmem_shared>> -> memref<16x64xf32, #tpu.memory_space<vmem_shared>>
      %dma_start3A_817 = arith.constant 0 : i32
      %dma_start3A_818 = tpu.memref_slice %arg10[%add3A_814, %dma_start3A_817] : memref<10240x64xf32, #tpu.memory_space<vmem_shared>> -> memref<16x64xf32, #tpu.memory_space<vmem_shared>>
      tpu.enqueue_dma source(%arg9 : memref<16x64xf32, #tpu.memory_space<vmem>>) target(%dma_start3A_818 : memref<16x64xf32, #tpu.memory_space<vmem_shared>>) target_semaphore(%arg15 : memref<!tpu.dma_semaphore, #tpu.memory_space<semaphore_mem>>)
      %mul3A_819 = arith.constant 640 : i32
      %mul3A_820 = arith.muli %arg1, %mul3A_819 : i32
      %mul3A_821 = arith.constant 8 : i32
      %mul3A_822 = arith.muli %scan3A_779, %mul3A_821 : i32
      %add3A_823 = arith.constant 3 : i32
      %add3A_824 = arith.addi %mul3A_822, %add3A_823 : i32
      %mul3A_825 = arith.constant 16 : i32
      %mul3A_826 = arith.muli %add3A_824, %mul3A_825 : i32
      %add3A_827 = arith.addi %mul3A_820, %mul3A_826 : i32
      %dma_start3A_828 = arith.constant 0 : i32
      %dma_start3A_829 = tpu.memref_slice %arg10[%add3A_827, %dma_start3A_828] : memref<10240x64xf32, #tpu.memory_space<vmem_shared>> -> memref<16x64xf32, #tpu.memory_space<vmem_shared>>
      %dma_start3A_830 = arith.constant 0 : i32
      %dma_start3A_831 = tpu.memref_slice %arg10[%add3A_827, %dma_start3A_830] : memref<10240x64xf32, #tpu.memory_space<vmem_shared>> -> memref<16x64xf32, #tpu.memory_space<vmem_shared>>
      tpu.enqueue_dma source(%arg9 : memref<16x64xf32, #tpu.memory_space<vmem>>) target(%dma_start3A_831 : memref<16x64xf32, #tpu.memory_space<vmem_shared>>) target_semaphore(%arg15 : memref<!tpu.dma_semaphore, #tpu.memory_space<semaphore_mem>>)
      %mul3A_832 = arith.constant 640 : i32
      %mul3A_833 = arith.muli %arg1, %mul3A_832 : i32
      %mul3A_834 = arith.constant 8 : i32
      %mul3A_835 = arith.muli %scan3A_779, %mul3A_834 : i32
      %add3A_836 = arith.constant 4 : i32
      %add3A_837 = arith.addi %mul3A_835, %add3A_836 : i32
      %mul3A_838 = arith.constant 16 : i32
      %mul3A_839 = arith.muli %add3A_837, %mul3A_838 : i32
      %add3A_840 = arith.addi %mul3A_833, %mul3A_839 : i32
      %dma_start3A_841 = arith.constant 0 : i32
      %dma_start3A_842 = tpu.memref_slice %arg10[%add3A_840, %dma_start3A_841] : memref<10240x64xf32, #tpu.memory_space<vmem_shared>> -> memref<16x64xf32, #tpu.memory_space<vmem_shared>>
      %dma_start3A_843 = arith.constant 0 : i32
      %dma_start3A_844 = tpu.memref_slice %arg10[%add3A_840, %dma_start3A_843] : memref<10240x64xf32, #tpu.memory_space<vmem_shared>> -> memref<16x64xf32, #tpu.memory_space<vmem_shared>>
      tpu.enqueue_dma source(%arg9 : memref<16x64xf32, #tpu.memory_space<vmem>>) target(%dma_start3A_844 : memref<16x64xf32, #tpu.memory_space<vmem_shared>>) target_semaphore(%arg15 : memref<!tpu.dma_semaphore, #tpu.memory_space<semaphore_mem>>)
      %mul3A_845 = arith.constant 640 : i32
      %mul3A_846 = arith.muli %arg1, %mul3A_845 : i32
      %mul3A_847 = arith.constant 8 : i32
      %mul3A_848 = arith.muli %scan3A_779, %mul3A_847 : i32
      %add3A_849 = arith.constant 5 : i32
      %add3A_850 = arith.addi %mul3A_848, %add3A_849 : i32
      %mul3A_851 = arith.constant 16 : i32
      %mul3A_852 = arith.muli %add3A_850, %mul3A_851 : i32
      %add3A_853 = arith.addi %mul3A_846, %mul3A_852 : i32
      %dma_start3A_854 = arith.constant 0 : i32
      %dma_start3A_855 = tpu.memref_slice %arg10[%add3A_853, %dma_start3A_854] : memref<10240x64xf32, #tpu.memory_space<vmem_shared>> -> memref<16x64xf32, #tpu.memory_space<vmem_shared>>
      %dma_start3A_856 = arith.constant 0 : i32
      %dma_start3A_857 = tpu.memref_slice %arg10[%add3A_853, %dma_start3A_856] : memref<10240x64xf32, #tpu.memory_space<vmem_shared>> -> memref<16x64xf32, #tpu.memory_space<vmem_shared>>
      tpu.enqueue_dma source(%arg9 : memref<16x64xf32, #tpu.memory_space<vmem>>) target(%dma_start3A_857 : memref<16x64xf32, #tpu.memory_space<vmem_shared>>) target_semaphore(%arg15 : memref<!tpu.dma_semaphore, #tpu.memory_space<semaphore_mem>>)
      %mul3A_858 = arith.constant 640 : i32
      %mul3A_859 = arith.muli %arg1, %mul3A_858 : i32
      %mul3A_860 = arith.constant 8 : i32
      %mul3A_861 = arith.muli %scan3A_779, %mul3A_860 : i32
      %add3A_862 = arith.constant 6 : i32
      %add3A_863 = arith.addi %mul3A_861, %add3A_862 : i32
      %mul3A_864 = arith.constant 16 : i32
      %mul3A_865 = arith.muli %add3A_863, %mul3A_864 : i32
      %add3A_866 = arith.addi %mul3A_859, %mul3A_865 : i32
      %dma_start3A_867 = arith.constant 0 : i32
      %dma_start3A_868 = tpu.memref_slice %arg10[%add3A_866, %dma_start3A_867] : memref<10240x64xf32, #tpu.memory_space<vmem_shared>> -> memref<16x64xf32, #tpu.memory_space<vmem_shared>>
      %dma_start3A_869 = arith.constant 0 : i32
      %dma_start3A_870 = tpu.memref_slice %arg10[%add3A_866, %dma_start3A_869] : memref<10240x64xf32, #tpu.memory_space<vmem_shared>> -> memref<16x64xf32, #tpu.memory_space<vmem_shared>>
      tpu.enqueue_dma source(%arg9 : memref<16x64xf32, #tpu.memory_space<vmem>>) target(%dma_start3A_870 : memref<16x64xf32, #tpu.memory_space<vmem_shared>>) target_semaphore(%arg15 : memref<!tpu.dma_semaphore, #tpu.memory_space<semaphore_mem>>)
      %mul3A_871 = arith.constant 640 : i32
      %mul3A_872 = arith.muli %arg1, %mul3A_871 : i32
      %mul3A_873 = arith.constant 8 : i32
      %mul3A_874 = arith.muli %scan3A_779, %mul3A_873 : i32
      %add3A_875 = arith.constant 7 : i32
      %add3A_876 = arith.addi %mul3A_874, %add3A_875 : i32
      %mul3A_877 = arith.constant 16 : i32
      %mul3A_878 = arith.muli %add3A_876, %mul3A_877 : i32
      %add3A_879 = arith.addi %mul3A_872, %mul3A_878 : i32
      %dma_start3A_880 = arith.constant 0 : i32
      %dma_start3A_881 = tpu.memref_slice %arg10[%add3A_879, %dma_start3A_880] : memref<10240x64xf32, #tpu.memory_space<vmem_shared>> -> memref<16x64xf32, #tpu.memory_space<vmem_shared>>
      %dma_start3A_882 = arith.constant 0 : i32
      %dma_start3A_883 = tpu.memref_slice %arg10[%add3A_879, %dma_start3A_882] : memref<10240x64xf32, #tpu.memory_space<vmem_shared>> -> memref<16x64xf32, #tpu.memory_space<vmem_shared>>
      tpu.enqueue_dma source(%arg9 : memref<16x64xf32, #tpu.memory_space<vmem>>) target(%dma_start3A_883 : memref<16x64xf32, #tpu.memory_space<vmem_shared>>) target_semaphore(%arg15 : memref<!tpu.dma_semaphore, #tpu.memory_space<semaphore_mem>>)
      %dma_wait3A_884 = arith.constant 0 : i32
      %dma_wait3A_885 = arith.constant 0 : i32
      %dma_wait3A_886 = tpu.memref_slice %arg10[%dma_wait3A_884, %dma_wait3A_885] : memref<10240x64xf32, #tpu.memory_space<vmem_shared>> -> memref<16x64xf32, #tpu.memory_space<vmem_shared>>
      %dma_wait3A_887 = arith.constant 0 : i32
      %dma_wait3A_888 = arith.constant 0 : i32
      %dma_wait3A_889 = tpu.memref_slice %arg10[%dma_wait3A_887, %dma_wait3A_888] : memref<10240x64xf32, #tpu.memory_space<vmem_shared>> -> memref<16x64xf32, #tpu.memory_space<vmem_shared>>
      tpu.wait_dma2 semaphore(%arg15 : memref<!tpu.dma_semaphore, #tpu.memory_space<semaphore_mem>>) src(%arg9 : memref<16x64xf32, #tpu.memory_space<vmem>>) dst(%dma_wait3A_889 : memref<16x64xf32, #tpu.memory_space<vmem_shared>>)
      %dma_wait3A_890 = arith.constant 0 : i32
      %dma_wait3A_891 = arith.constant 0 : i32
      %dma_wait3A_892 = tpu.memref_slice %arg10[%dma_wait3A_890, %dma_wait3A_891] : memref<10240x64xf32, #tpu.memory_space<vmem_shared>> -> memref<16x64xf32, #tpu.memory_space<vmem_shared>>
      %dma_wait3A_893 = arith.constant 0 : i32
      %dma_wait3A_894 = arith.constant 0 : i32
      %dma_wait3A_895 = tpu.memref_slice %arg10[%dma_wait3A_893, %dma_wait3A_894] : memref<10240x64xf32, #tpu.memory_space<vmem_shared>> -> memref<16x64xf32, #tpu.memory_space<vmem_shared>>
      tpu.wait_dma2 semaphore(%arg15 : memref<!tpu.dma_semaphore, #tpu.memory_space<semaphore_mem>>) src(%arg9 : memref<16x64xf32, #tpu.memory_space<vmem>>) dst(%dma_wait3A_895 : memref<16x64xf32, #tpu.memory_space<vmem_shared>>)
      %dma_wait3A_896 = arith.constant 0 : i32
      %dma_wait3A_897 = arith.constant 0 : i32
      %dma_wait3A_898 = tpu.memref_slice %arg10[%dma_wait3A_896, %dma_wait3A_897] : memref<10240x64xf32, #tpu.memory_space<vmem_shared>> -> memref<16x64xf32, #tpu.memory_space<vmem_shared>>
      %dma_wait3A_899 = arith.constant 0 : i32
      %dma_wait3A_900 = arith.constant 0 : i32
      %dma_wait3A_901 = tpu.memref_slice %arg10[%dma_wait3A_899, %dma_wait3A_900] : memref<10240x64xf32, #tpu.memory_space<vmem_shared>> -> memref<16x64xf32, #tpu.memory_space<vmem_shared>>
      tpu.wait_dma2 semaphore(%arg15 : memref<!tpu.dma_semaphore, #tpu.memory_space<semaphore_mem>>) src(%arg9 : memref<16x64xf32, #tpu.memory_space<vmem>>) dst(%dma_wait3A_901 : memref<16x64xf32, #tpu.memory_space<vmem_shared>>)
      %dma_wait3A_902 = arith.constant 0 : i32
      %dma_wait3A_903 = arith.constant 0 : i32
      %dma_wait3A_904 = tpu.memref_slice %arg10[%dma_wait3A_902, %dma_wait3A_903] : memref<10240x64xf32, #tpu.memory_space<vmem_shared>> -> memref<16x64xf32, #tpu.memory_space<vmem_shared>>
      %dma_wait3A_905 = arith.constant 0 : i32
      %dma_wait3A_906 = arith.constant 0 : i32
      %dma_wait3A_907 = tpu.memref_slice %arg10[%dma_wait3A_905, %dma_wait3A_906] : memref<10240x64xf32, #tpu.memory_space<vmem_shared>> -> memref<16x64xf32, #tpu.memory_space<vmem_shared>>
      tpu.wait_dma2 semaphore(%arg15 : memref<!tpu.dma_semaphore, #tpu.memory_space<semaphore_mem>>) src(%arg9 : memref<16x64xf32, #tpu.memory_space<vmem>>) dst(%dma_wait3A_907 : memref<16x64xf32, #tpu.memory_space<vmem_shared>>)
      %dma_wait3A_908 = arith.constant 0 : i32
      %dma_wait3A_909 = arith.constant 0 : i32
      %dma_wait3A_910 = tpu.memref_slice %arg10[%dma_wait3A_908, %dma_wait3A_909] : memref<10240x64xf32, #tpu.memory_space<vmem_shared>> -> memref<16x64xf32, #tpu.memory_space<vmem_shared>>
      %dma_wait3A_911 = arith.constant 0 : i32
      %dma_wait3A_912 = arith.constant 0 : i32
      %dma_wait3A_913 = tpu.memref_slice %arg10[%dma_wait3A_911, %dma_wait3A_912] : memref<10240x64xf32, #tpu.memory_space<vmem_shared>> -> memref<16x64xf32, #tpu.memory_space<vmem_shared>>
      tpu.wait_dma2 semaphore(%arg15 : memref<!tpu.dma_semaphore, #tpu.memory_space<semaphore_mem>>) src(%arg9 : memref<16x64xf32, #tpu.memory_space<vmem>>) dst(%dma_wait3A_913 : memref<16x64xf32, #tpu.memory_space<vmem_shared>>)
      %dma_wait3A_914 = arith.constant 0 : i32
      %dma_wait3A_915 = arith.constant 0 : i32
      %dma_wait3A_916 = tpu.memref_slice %arg10[%dma_wait3A_914, %dma_wait3A_915] : memref<10240x64xf32, #tpu.memory_space<vmem_shared>> -> memref<16x64xf32, #tpu.memory_space<vmem_shared>>
      %dma_wait3A_917 = arith.constant 0 : i32
      %dma_wait3A_918 = arith.constant 0 : i32
      %dma_wait3A_919 = tpu.memref_slice %arg10[%dma_wait3A_917, %dma_wait3A_918] : memref<10240x64xf32, #tpu.memory_space<vmem_shared>> -> memref<16x64xf32, #tpu.memory_space<vmem_shared>>
      tpu.wait_dma2 semaphore(%arg15 : memref<!tpu.dma_semaphore, #tpu.memory_space<semaphore_mem>>) src(%arg9 : memref<16x64xf32, #tpu.memory_space<vmem>>) dst(%dma_wait3A_919 : memref<16x64xf32, #tpu.memory_space<vmem_shared>>)
      %dma_wait3A_920 = arith.constant 0 : i32
      %dma_wait3A_921 = arith.constant 0 : i32
      %dma_wait3A_922 = tpu.memref_slice %arg10[%dma_wait3A_920, %dma_wait3A_921] : memref<10240x64xf32, #tpu.memory_space<vmem_shared>> -> memref<16x64xf32, #tpu.memory_space<vmem_shared>>
      %dma_wait3A_923 = arith.constant 0 : i32
      %dma_wait3A_924 = arith.constant 0 : i32
      %dma_wait3A_925 = tpu.memref_slice %arg10[%dma_wait3A_923, %dma_wait3A_924] : memref<10240x64xf32, #tpu.memory_space<vmem_shared>> -> memref<16x64xf32, #tpu.memory_space<vmem_shared>>
      tpu.wait_dma2 semaphore(%arg15 : memref<!tpu.dma_semaphore, #tpu.memory_space<semaphore_mem>>) src(%arg9 : memref<16x64xf32, #tpu.memory_space<vmem>>) dst(%dma_wait3A_925 : memref<16x64xf32, #tpu.memory_space<vmem_shared>>)
      %dma_wait3A_926 = arith.constant 0 : i32
      %dma_wait3A_927 = arith.constant 0 : i32
      %dma_wait3A_928 = tpu.memref_slice %arg10[%dma_wait3A_926, %dma_wait3A_927] : memref<10240x64xf32, #tpu.memory_space<vmem_shared>> -> memref<16x64xf32, #tpu.memory_space<vmem_shared>>
      %dma_wait3A_929 = arith.constant 0 : i32
      %dma_wait3A_930 = arith.constant 0 : i32
      %dma_wait3A_931 = tpu.memref_slice %arg10[%dma_wait3A_929, %dma_wait3A_930] : memref<10240x64xf32, #tpu.memory_space<vmem_shared>> -> memref<16x64xf32, #tpu.memory_space<vmem_shared>>
      tpu.wait_dma2 semaphore(%arg15 : memref<!tpu.dma_semaphore, #tpu.memory_space<semaphore_mem>>) src(%arg9 : memref<16x64xf32, #tpu.memory_space<vmem>>) dst(%dma_wait3A_931 : memref<16x64xf32, #tpu.memory_space<vmem_shared>>)
    }
    %scan3A_514 = arith.constant 5 : i32
    %eq3A = arith.constant 0 : i32
    %eq3A_515 = arith.cmpi eq, %arg0, %eq3A : i32
    %convert_element_type3A = arith.extui %eq3A_515 : i1 to i32
    %cond3A = arith.constant 0 : i32
    %cond3A_516 = arith.cmpi ne, %convert_element_type3A, %cond3A : i32
    scf.if %cond3A_516 {
      %mul3A_779 = arith.constant 148 : i32
      %mul3A_780 = arith.muli %arg1, %mul3A_779 : i32
      "tpu.region"() ({
        %run_scoped3A = tpu.sem_alloc : memref<!tpu.dma_semaphore, #tpu.memory_space<semaphore_mem>>
        %dma_start3A_783 = arith.constant 0 : i32
        %dma_start3A_784 = tpu.memref_slice %arg3[%mul3A_780, %dma_start3A_783] : memref<2560x128xi32, #tpu.memory_space<hbm>> -> memref<148x128xi32, #tpu.memory_space<hbm>>
        %dma_start3A_785 = arith.constant 0 : i32
        %dma_start3A_786 = tpu.memref_slice %arg3[%mul3A_780, %dma_start3A_785] : memref<2560x128xi32, #tpu.memory_space<hbm>> -> memref<148x128xi32, #tpu.memory_space<hbm>>
        tpu.enqueue_dma source(%dma_start3A_786 : memref<148x128xi32, #tpu.memory_space<hbm>>) target(%arg6 : memref<148x128xi32, #tpu.memory_space<vmem>>) target_semaphore(%run_scoped3A : memref<!tpu.dma_semaphore, #tpu.memory_space<semaphore_mem>>)
        %dma_wait3A_787 = arith.constant 0 : i32
        %dma_wait3A_788 = tpu.memref_slice %arg3[%mul3A_780, %dma_wait3A_787] : memref<2560x128xi32, #tpu.memory_space<hbm>> -> memref<148x128xi32, #tpu.memory_space<hbm>>
        %dma_wait3A_789 = arith.constant 0 : i32
        %dma_wait3A_790 = tpu.memref_slice %arg3[%mul3A_780, %dma_wait3A_789] : memref<2560x128xi32, #tpu.memory_space<hbm>> -> memref<148x128xi32, #tpu.memory_space<hbm>>
        tpu.wait_dma2 semaphore(%run_scoped3A : memref<!tpu.dma_semaphore, #tpu.memory_space<semaphore_mem>>) src(%dma_wait3A_790 : memref<148x128xi32, #tpu.memory_space<hbm>>) dst(%arg6 : memref<148x128xi32, #tpu.memory_space<vmem>>)
        tpu.yield
      }) : () -> ()
      %mul3A_781 = arith.constant 148 : i32
      %mul3A_782 = arith.muli %arg1, %mul3A_781 : i32
      "tpu.region"() ({
        %run_scoped3A = tpu.sem_alloc : memref<!tpu.dma_semaphore, #tpu.memory_space<semaphore_mem>>
        %dma_start3A_783 = arith.constant 0 : i32
        %dma_start3A_784 = tpu.memref_slice %arg4[%mul3A_782, %dma_start3A_783] : memref<2560x128xi32, #tpu.memory_space<hbm>> -> memref<148x128xi32, #tpu.memory_space<hbm>>
        %dma_start3A_785 = arith.constant 0 : i32
        %dma_start3A_786 = tpu.memref_slice %arg4[%mul3A_782, %dma_start3A_785] : memref<2560x128xi32, #tpu.memory_space<hbm>> -> memref<148x128xi32, #tpu.memory_space<hbm>>
        tpu.enqueue_dma source(%dma_start3A_786 : memref<148x128xi32, #tpu.memory_space<hbm>>) target(%arg7 : memref<148x128xi32, #tpu.memory_space<vmem>>) target_semaphore(%run_scoped3A : memref<!tpu.dma_semaphore, #tpu.memory_space<semaphore_mem>>)
        %dma_wait3A_787 = arith.constant 0 : i32
        %dma_wait3A_788 = tpu.memref_slice %arg4[%mul3A_782, %dma_wait3A_787] : memref<2560x128xi32, #tpu.memory_space<hbm>> -> memref<148x128xi32, #tpu.memory_space<hbm>>
        %dma_wait3A_789 = arith.constant 0 : i32
        %dma_wait3A_790 = tpu.memref_slice %arg4[%mul3A_782, %dma_wait3A_789] : memref<2560x128xi32, #tpu.memory_space<hbm>> -> memref<148x128xi32, #tpu.memory_space<hbm>>
        tpu.wait_dma2 semaphore(%run_scoped3A : memref<!tpu.dma_semaphore, #tpu.memory_space<semaphore_mem>>) src(%dma_wait3A_790 : memref<148x128xi32, #tpu.memory_space<hbm>>) dst(%arg7 : memref<148x128xi32, #tpu.memory_space<vmem>>)
        tpu.yield
      }) : () -> ()
    } else {
    }
    %eq3A_517 = arith.constant 1 : i32
    %eq3A_518 = arith.cmpi eq, %arg0, %eq3A_517 : i32
    %convert_element_type3A_519 = arith.extui %eq3A_518 : i1 to i32
    %cond3A_520 = arith.constant 0 : i32
    %cond3A_521 = arith.cmpi ne, %convert_element_type3A_519, %cond3A_520 : i32
    scf.if %cond3A_521 {
      %mul3A_779 = arith.constant 12 : i32
      %mul3A_780 = arith.muli %arg1, %mul3A_779 : i32
      %add3A_781 = arith.constant 2368 : i32
      %add3A_782 = arith.addi %add3A_781, %mul3A_780 : i32
      "tpu.region"() ({
        %run_scoped3A = tpu.sem_alloc : memref<!tpu.dma_semaphore, #tpu.memory_space<semaphore_mem>>
        %dma_start3A_783 = arith.constant 0 : i32
        %dma_start3A_784 = arith.constant 0 : i32
        %dma_start3A_785 = tpu.memref_slice %arg6[%dma_start3A_783, %dma_start3A_784] : memref<148x128xi32, #tpu.memory_space<vmem>> -> memref<12x128xi32, #tpu.memory_space<vmem>>
        %dma_start3A_786 = arith.constant 0 : i32
        %dma_start3A_787 = tpu.memref_slice %arg3[%add3A_782, %dma_start3A_786] : memref<2560x128xi32, #tpu.memory_space<hbm>> -> memref<12x128xi32, #tpu.memory_space<hbm>>
        %dma_start3A_788 = arith.constant 0 : i32
        %dma_start3A_789 = arith.constant 0 : i32
        %dma_start3A_790 = tpu.memref_slice %arg6[%dma_start3A_788, %dma_start3A_789] : memref<148x128xi32, #tpu.memory_space<vmem>> -> memref<12x128xi32, #tpu.memory_space<vmem>>
        %dma_start3A_791 = arith.constant 0 : i32
        %dma_start3A_792 = tpu.memref_slice %arg3[%add3A_782, %dma_start3A_791] : memref<2560x128xi32, #tpu.memory_space<hbm>> -> memref<12x128xi32, #tpu.memory_space<hbm>>
        tpu.enqueue_dma source(%dma_start3A_792 : memref<12x128xi32, #tpu.memory_space<hbm>>) target(%dma_start3A_790 : memref<12x128xi32, #tpu.memory_space<vmem>>) target_semaphore(%run_scoped3A : memref<!tpu.dma_semaphore, #tpu.memory_space<semaphore_mem>>)
        %dma_wait3A_793 = arith.constant 0 : i32
        %dma_wait3A_794 = arith.constant 0 : i32
        %dma_wait3A_795 = tpu.memref_slice %arg6[%dma_wait3A_793, %dma_wait3A_794] : memref<148x128xi32, #tpu.memory_space<vmem>> -> memref<12x128xi32, #tpu.memory_space<vmem>>
        %dma_wait3A_796 = arith.constant 0 : i32
        %dma_wait3A_797 = tpu.memref_slice %arg3[%add3A_782, %dma_wait3A_796] : memref<2560x128xi32, #tpu.memory_space<hbm>> -> memref<12x128xi32, #tpu.memory_space<hbm>>
        %dma_wait3A_798 = arith.constant 0 : i32
        %dma_wait3A_799 = arith.constant 0 : i32
        %dma_wait3A_800 = tpu.memref_slice %arg6[%dma_wait3A_798, %dma_wait3A_799] : memref<148x128xi32, #tpu.memory_space<vmem>> -> memref<12x128xi32, #tpu.memory_space<vmem>>
        %dma_wait3A_801 = arith.constant 0 : i32
        %dma_wait3A_802 = tpu.memref_slice %arg3[%add3A_782, %dma_wait3A_801] : memref<2560x128xi32, #tpu.memory_space<hbm>> -> memref<12x128xi32, #tpu.memory_space<hbm>>
        tpu.wait_dma2 semaphore(%run_scoped3A : memref<!tpu.dma_semaphore, #tpu.memory_space<semaphore_mem>>) src(%dma_wait3A_802 : memref<12x128xi32, #tpu.memory_space<hbm>>) dst(%dma_wait3A_800 : memref<12x128xi32, #tpu.memory_space<vmem>>)
        tpu.yield
      }) : () -> ()
      "tpu.region"() ({
        %run_scoped3A = tpu.sem_alloc : memref<!tpu.dma_semaphore, #tpu.memory_space<semaphore_mem>>
        %dma_start3A_783 = arith.constant 0 : i32
        %dma_start3A_784 = arith.constant 0 : i32
        %dma_start3A_785 = tpu.memref_slice %arg7[%dma_start3A_783, %dma_start3A_784] : memref<148x128xi32, #tpu.memory_space<vmem>> -> memref<12x128xi32, #tpu.memory_space<vmem>>
        %dma_start3A_786 = arith.constant 0 : i32
        %dma_start3A_787 = tpu.memref_slice %arg4[%add3A_782, %dma_start3A_786] : memref<2560x128xi32, #tpu.memory_space<hbm>> -> memref<12x128xi32, #tpu.memory_space<hbm>>
        %dma_start3A_788 = arith.constant 0 : i32
        %dma_start3A_789 = arith.constant 0 : i32
        %dma_start3A_790 = tpu.memref_slice %arg7[%dma_start3A_788, %dma_start3A_789] : memref<148x128xi32, #tpu.memory_space<vmem>> -> memref<12x128xi32, #tpu.memory_space<vmem>>
        %dma_start3A_791 = arith.constant 0 : i32
        %dma_start3A_792 = tpu.memref_slice %arg4[%add3A_782, %dma_start3A_791] : memref<2560x128xi32, #tpu.memory_space<hbm>> -> memref<12x128xi32, #tpu.memory_space<hbm>>
        tpu.enqueue_dma source(%dma_start3A_792 : memref<12x128xi32, #tpu.memory_space<hbm>>) target(%dma_start3A_790 : memref<12x128xi32, #tpu.memory_space<vmem>>) target_semaphore(%run_scoped3A : memref<!tpu.dma_semaphore, #tpu.memory_space<semaphore_mem>>)
        %dma_wait3A_793 = arith.constant 0 : i32
        %dma_wait3A_794 = arith.constant 0 : i32
        %dma_wait3A_795 = tpu.memref_slice %arg7[%dma_wait3A_793, %dma_wait3A_794] : memref<148x128xi32, #tpu.memory_space<vmem>> -> memref<12x128xi32, #tpu.memory_space<vmem>>
        %dma_wait3A_796 = arith.constant 0 : i32
        %dma_wait3A_797 = tpu.memref_slice %arg4[%add3A_782, %dma_wait3A_796] : memref<2560x128xi32, #tpu.memory_space<hbm>> -> memref<12x128xi32, #tpu.memory_space<hbm>>
        %dma_wait3A_798 = arith.constant 0 : i32
        %dma_wait3A_799 = arith.constant 0 : i32
        %dma_wait3A_800 = tpu.memref_slice %arg7[%dma_wait3A_798, %dma_wait3A_799] : memref<148x128xi32, #tpu.memory_space<vmem>> -> memref<12x128xi32, #tpu.memory_space<vmem>>
        %dma_wait3A_801 = arith.constant 0 : i32
        %dma_wait3A_802 = tpu.memref_slice %arg4[%add3A_782, %dma_wait3A_801] : memref<2560x128xi32, #tpu.memory_space<hbm>> -> memref<12x128xi32, #tpu.memory_space<hbm>>
        tpu.wait_dma2 semaphore(%run_scoped3A : memref<!tpu.dma_semaphore, #tpu.memory_space<semaphore_mem>>) src(%dma_wait3A_802 : memref<12x128xi32, #tpu.memory_space<hbm>>) dst(%dma_wait3A_800 : memref<12x128xi32, #tpu.memory_space<vmem>>)
        tpu.yield
      }) : () -> ()
    } else {
    }
    %barrier3A = arith.constant 0 : index
    tpu.barrier barrier_id(%barrier3A)
    %dma_start3A = arith.constant 0 : i32
    %dma_start3A_522 = arith.constant 0 : i32
    %dma_start3A_523 = arith.constant 0 : i32
    %dma_start3A_524 = arith.constant 0 : i32
    %dma_start3A_525 = arith.constant 0 : i32
    %dma_start3A_526 = tpu.memref_slice %arg8[%dma_start3A_522, %dma_start3A_523, %dma_start3A_524, %dma_start3A_525] : memref<2x2x128x64xf32, #tpu.memory_space<vmem>> -> memref<1x1x128x64xf32, #tpu.memory_space<vmem>>
    %dma_start3A_527 = tpu.memref_squeeze %dma_start3A_526 : memref<1x1x128x64xf32, #tpu.memory_space<vmem>> -> memref<128x64xf32, #tpu.memory_space<vmem>>
    %dma_start3A_528 = arith.constant 0 : i32
    %dma_start3A_529 = tpu.memref_slice %arg6[%dma_start3A, %dma_start3A_528] : memref<148x128xi32, #tpu.memory_space<vmem>> -> memref<1x128xi32, #tpu.memory_space<vmem>>
    %dma_start3A_530 = tpu.memref_squeeze %dma_start3A_529 : memref<1x128xi32, #tpu.memory_space<vmem>> -> memref<128xi32, #tpu.memory_space<vmem>>
    %dma_start3A_531 = arith.constant 0 : i32
    %dma_start3A_532 = arith.constant 0 : i32
    %dma_start3A_533 = tpu.memref_slice %arg2[%dma_start3A_531, %dma_start3A_532] : memref<10240x64xf32, #tpu.memory_space<hbm>> -> memref<10240x64xf32, #tpu.memory_space<hbm>>
    tpu.enqueue_indirect_dma source(%dma_start3A_533 : memref<10240x64xf32, #tpu.memory_space<hbm>>) target(%dma_start3A_527 : memref<128x64xf32, #tpu.memory_space<vmem>>) offsets(%dma_start3A_530 : memref<128xi32, #tpu.memory_space<vmem>>) semaphore(%arg11 : memref<!tpu.dma_semaphore, #tpu.memory_space<semaphore_mem>>)
    %dma_start3A_534 = arith.constant 1 : i32
    %dma_start3A_535 = arith.constant 0 : i32
    %dma_start3A_536 = arith.constant 1 : i32
    %dma_start3A_537 = arith.constant 0 : i32
    %dma_start3A_538 = arith.constant 0 : i32
    %dma_start3A_539 = tpu.memref_slice %arg8[%dma_start3A_535, %dma_start3A_536, %dma_start3A_537, %dma_start3A_538] : memref<2x2x128x64xf32, #tpu.memory_space<vmem>> -> memref<1x1x128x64xf32, #tpu.memory_space<vmem>>
    %dma_start3A_540 = tpu.memref_squeeze %dma_start3A_539 : memref<1x1x128x64xf32, #tpu.memory_space<vmem>> -> memref<128x64xf32, #tpu.memory_space<vmem>>
    %dma_start3A_541 = arith.constant 0 : i32
    %dma_start3A_542 = tpu.memref_slice %arg6[%dma_start3A_534, %dma_start3A_541] : memref<148x128xi32, #tpu.memory_space<vmem>> -> memref<1x128xi32, #tpu.memory_space<vmem>>
    %dma_start3A_543 = tpu.memref_squeeze %dma_start3A_542 : memref<1x128xi32, #tpu.memory_space<vmem>> -> memref<128xi32, #tpu.memory_space<vmem>>
    %dma_start3A_544 = arith.constant 0 : i32
    %dma_start3A_545 = arith.constant 0 : i32
    %dma_start3A_546 = tpu.memref_slice %arg2[%dma_start3A_544, %dma_start3A_545] : memref<10240x64xf32, #tpu.memory_space<hbm>> -> memref<10240x64xf32, #tpu.memory_space<hbm>>
    tpu.enqueue_indirect_dma source(%dma_start3A_546 : memref<10240x64xf32, #tpu.memory_space<hbm>>) target(%dma_start3A_540 : memref<128x64xf32, #tpu.memory_space<vmem>>) offsets(%dma_start3A_543 : memref<128xi32, #tpu.memory_space<vmem>>) semaphore(%arg11 : memref<!tpu.dma_semaphore, #tpu.memory_space<semaphore_mem>>)
    %dma_start3A_547 = arith.constant 2 : i32
    %dma_start3A_548 = arith.constant 1 : i32
    %dma_start3A_549 = arith.constant 0 : i32
    %dma_start3A_550 = arith.constant 0 : i32
    %dma_start3A_551 = arith.constant 0 : i32
    %dma_start3A_552 = tpu.memref_slice %arg8[%dma_start3A_548, %dma_start3A_549, %dma_start3A_550, %dma_start3A_551] : memref<2x2x128x64xf32, #tpu.memory_space<vmem>> -> memref<1x1x128x64xf32, #tpu.memory_space<vmem>>
    %dma_start3A_553 = tpu.memref_squeeze %dma_start3A_552 : memref<1x1x128x64xf32, #tpu.memory_space<vmem>> -> memref<128x64xf32, #tpu.memory_space<vmem>>
    %dma_start3A_554 = arith.constant 0 : i32
    %dma_start3A_555 = tpu.memref_slice %arg6[%dma_start3A_547, %dma_start3A_554] : memref<148x128xi32, #tpu.memory_space<vmem>> -> memref<1x128xi32, #tpu.memory_space<vmem>>
    %dma_start3A_556 = tpu.memref_squeeze %dma_start3A_555 : memref<1x128xi32, #tpu.memory_space<vmem>> -> memref<128xi32, #tpu.memory_space<vmem>>
    %dma_start3A_557 = arith.constant 0 : i32
    %dma_start3A_558 = arith.constant 0 : i32
    %dma_start3A_559 = tpu.memref_slice %arg2[%dma_start3A_557, %dma_start3A_558] : memref<10240x64xf32, #tpu.memory_space<hbm>> -> memref<10240x64xf32, #tpu.memory_space<hbm>>
    tpu.enqueue_indirect_dma source(%dma_start3A_559 : memref<10240x64xf32, #tpu.memory_space<hbm>>) target(%dma_start3A_553 : memref<128x64xf32, #tpu.memory_space<vmem>>) offsets(%dma_start3A_556 : memref<128xi32, #tpu.memory_space<vmem>>) semaphore(%arg12 : memref<!tpu.dma_semaphore, #tpu.memory_space<semaphore_mem>>)
    %dma_start3A_560 = arith.constant 3 : i32
    %dma_start3A_561 = arith.constant 1 : i32
    %dma_start3A_562 = arith.constant 1 : i32
    %dma_start3A_563 = arith.constant 0 : i32
    %dma_start3A_564 = arith.constant 0 : i32
    %dma_start3A_565 = tpu.memref_slice %arg8[%dma_start3A_561, %dma_start3A_562, %dma_start3A_563, %dma_start3A_564] : memref<2x2x128x64xf32, #tpu.memory_space<vmem>> -> memref<1x1x128x64xf32, #tpu.memory_space<vmem>>
    %dma_start3A_566 = tpu.memref_squeeze %dma_start3A_565 : memref<1x1x128x64xf32, #tpu.memory_space<vmem>> -> memref<128x64xf32, #tpu.memory_space<vmem>>
    %dma_start3A_567 = arith.constant 0 : i32
    %dma_start3A_568 = tpu.memref_slice %arg6[%dma_start3A_560, %dma_start3A_567] : memref<148x128xi32, #tpu.memory_space<vmem>> -> memref<1x128xi32, #tpu.memory_space<vmem>>
    %dma_start3A_569 = tpu.memref_squeeze %dma_start3A_568 : memref<1x128xi32, #tpu.memory_space<vmem>> -> memref<128xi32, #tpu.memory_space<vmem>>
    %dma_start3A_570 = arith.constant 0 : i32
    %dma_start3A_571 = arith.constant 0 : i32
    %dma_start3A_572 = tpu.memref_slice %arg2[%dma_start3A_570, %dma_start3A_571] : memref<10240x64xf32, #tpu.memory_space<hbm>> -> memref<10240x64xf32, #tpu.memory_space<hbm>>
    tpu.enqueue_indirect_dma source(%dma_start3A_572 : memref<10240x64xf32, #tpu.memory_space<hbm>>) target(%dma_start3A_566 : memref<128x64xf32, #tpu.memory_space<vmem>>) offsets(%dma_start3A_569 : memref<128xi32, #tpu.memory_space<vmem>>) semaphore(%arg12 : memref<!tpu.dma_semaphore, #tpu.memory_space<semaphore_mem>>)
    %eq3A_573 = arith.constant 0 : i32
    %eq3A_574 = arith.cmpi eq, %arg0, %eq3A_573 : i32
    %jit3A = arith.constant 74 : i32
    %jit3A_575 = arith.constant 6 : i32
    %select_n3A = arith.select %eq3A_574, %jit3A, %jit3A_575 : i32
    %jit3A_576 = arith.constant 2 : i32
    %div3A = arith.divsi %select_n3A, %jit3A_576 : i32
    %sign3A = arith.constant 0 : i32
    %sign3A_577 = arith.cmpi sgt, %select_n3A, %sign3A : i32
    %sign3A_578 = arith.extui %sign3A_577 : i1 to i32
    %sign3A_579 = arith.constant 0 : i32
    %sign3A_580 = arith.cmpi slt, %select_n3A, %sign3A_579 : i32
    %sign3A_581 = arith.extui %sign3A_580 : i1 to i32
    %sign3A_582 = arith.subi %sign3A_578, %sign3A_581 : i32
    %sign3A_583 = arith.constant 0 : i32
    %sign3A_584 = arith.cmpi sgt, %jit3A_576, %sign3A_583 : i32
    %sign3A_585 = arith.extui %sign3A_584 : i1 to i32
    %sign3A_586 = arith.constant 0 : i32
    %sign3A_587 = arith.cmpi slt, %jit3A_576, %sign3A_586 : i32
    %sign3A_588 = arith.extui %sign3A_587 : i1 to i32
    %sign3A_589 = arith.subi %sign3A_585, %sign3A_588 : i32
    %ne3A = arith.cmpi ne, %sign3A_582, %sign3A_589 : i32
    %rem3A = arith.remsi %select_n3A, %jit3A_576 : i32
    %ne3A_590 = arith.constant 0 : i32
    %ne3A_591 = arith.cmpi ne, %rem3A, %ne3A_590 : i32
    %and3A = arith.andi %ne3A, %ne3A_591 : i1
    %sub3A = arith.constant 1 : i32
    %sub3A_592 = arith.subi %div3A, %sub3A : i32
    %select_n3A_593 = arith.select %and3A, %sub3A_592, %div3A : i32
    %sub3A_594 = arith.constant 1 : i32
    %sub3A_595 = arith.subi %select_n3A_593, %sub3A_594 : i32
    %while3A = arith.constant 0 : i32
    %while3A_596 = arith.constant 0 : i32
    %while3A_597 = arith.subi %sub3A_595, %while3A_596 : i32
    %while3A_598 = arith.addi %while3A_596, %while3A_597 : i32
    %while3A_599 = arith.constant 1 : i32
    %while3A_600 = arith.divsi %while3A_597, %while3A_599 : i32
    %while3A_601 = arith.muli %while3A_600, %while3A_599 : i32
    %while3A_602 = arith.addi %while3A_596, %while3A_601 : i32
    %while3A_603 = arith.constant 1 : i32
    scf.for %while3A_779 = %while3A_596 to %while3A_602 step %while3A_603  : i32 {
      %mul3A_780 = arith.constant 2 : i32
      %mul3A_781 = arith.muli %mul3A_780, %while3A_779 : i32
      %dma_wait3A_782 = arith.constant 0 : i32
      %dma_wait3A_783 = arith.constant 0 : i32
      %dma_wait3A_784 = arith.constant 0 : i32
      %dma_wait3A_785 = arith.constant 0 : i32
      %dma_wait3A_786 = arith.constant 0 : i32
      %dma_wait3A_787 = tpu.memref_slice %arg8[%dma_wait3A_783, %dma_wait3A_784, %dma_wait3A_785, %dma_wait3A_786] : memref<2x2x128x64xf32, #tpu.memory_space<vmem>> -> memref<1x1x128x64xf32, #tpu.memory_space<vmem>>
      %dma_wait3A_788 = tpu.memref_squeeze %dma_wait3A_787 : memref<1x1x128x64xf32, #tpu.memory_space<vmem>> -> memref<128x64xf32, #tpu.memory_space<vmem>>
      %dma_wait3A_789 = arith.constant 0 : i32
      %dma_wait3A_790 = tpu.memref_slice %arg6[%dma_wait3A_782, %dma_wait3A_789] : memref<148x128xi32, #tpu.memory_space<vmem>> -> memref<1x128xi32, #tpu.memory_space<vmem>>
      %dma_wait3A_791 = tpu.memref_squeeze %dma_wait3A_790 : memref<1x128xi32, #tpu.memory_space<vmem>> -> memref<128xi32, #tpu.memory_space<vmem>>
      %dma_wait3A_792 = arith.constant 0 : i32
      %dma_wait3A_793 = arith.constant 0 : i32
      %dma_wait3A_794 = tpu.memref_slice %arg2[%dma_wait3A_792, %dma_wait3A_793] : memref<10240x64xf32, #tpu.memory_space<hbm>> -> memref<10240x64xf32, #tpu.memory_space<hbm>>
      tpu.wait_indirect_dma semaphore(%arg11 : memref<!tpu.dma_semaphore, #tpu.memory_space<semaphore_mem>>) src(%dma_wait3A_794 : memref<10240x64xf32, #tpu.memory_space<hbm>>) dst(%dma_wait3A_788 : memref<128x64xf32, #tpu.memory_space<vmem>>)
      %dma_wait3A_795 = arith.constant 0 : i32
      %dma_wait3A_796 = arith.constant 0 : i32
      %dma_wait3A_797 = arith.constant 1 : i32
      %dma_wait3A_798 = arith.constant 0 : i32
      %dma_wait3A_799 = arith.constant 0 : i32
      %dma_wait3A_800 = tpu.memref_slice %arg8[%dma_wait3A_796, %dma_wait3A_797, %dma_wait3A_798, %dma_wait3A_799] : memref<2x2x128x64xf32, #tpu.memory_space<vmem>> -> memref<1x1x128x64xf32, #tpu.memory_space<vmem>>
      %dma_wait3A_801 = tpu.memref_squeeze %dma_wait3A_800 : memref<1x1x128x64xf32, #tpu.memory_space<vmem>> -> memref<128x64xf32, #tpu.memory_space<vmem>>
      %dma_wait3A_802 = arith.constant 0 : i32
      %dma_wait3A_803 = tpu.memref_slice %arg6[%dma_wait3A_795, %dma_wait3A_802] : memref<148x128xi32, #tpu.memory_space<vmem>> -> memref<1x128xi32, #tpu.memory_space<vmem>>
      %dma_wait3A_804 = tpu.memref_squeeze %dma_wait3A_803 : memref<1x128xi32, #tpu.memory_space<vmem>> -> memref<128xi32, #tpu.memory_space<vmem>>
      %dma_wait3A_805 = arith.constant 0 : i32
      %dma_wait3A_806 = arith.constant 0 : i32
      %dma_wait3A_807 = tpu.memref_slice %arg2[%dma_wait3A_805, %dma_wait3A_806] : memref<10240x64xf32, #tpu.memory_space<hbm>> -> memref<10240x64xf32, #tpu.memory_space<hbm>>
      tpu.wait_indirect_dma semaphore(%arg11 : memref<!tpu.dma_semaphore, #tpu.memory_space<semaphore_mem>>) src(%dma_wait3A_807 : memref<10240x64xf32, #tpu.memory_space<hbm>>) dst(%dma_wait3A_801 : memref<128x64xf32, #tpu.memory_space<vmem>>)
      %mul3A_808 = arith.constant 2 : i32
      %mul3A_809 = arith.muli %mul3A_781, %mul3A_808 : i32
      %add3A_810 = arith.constant 0 : i32
      %add3A_811 = arith.addi %mul3A_809, %add3A_810 : i32
      %dma_start3A_812 = arith.constant 0 : i32
      %dma_start3A_813 = arith.constant 0 : i32
      %dma_start3A_814 = arith.constant 0 : i32
      %dma_start3A_815 = arith.constant 0 : i32
      %dma_start3A_816 = tpu.memref_slice %arg8[%dma_start3A_812, %dma_start3A_813, %dma_start3A_814, %dma_start3A_815] : memref<2x2x128x64xf32, #tpu.memory_space<vmem>> -> memref<1x1x128x64xf32, #tpu.memory_space<vmem>>
      %dma_start3A_817 = tpu.memref_squeeze %dma_start3A_816 : memref<1x1x128x64xf32, #tpu.memory_space<vmem>> -> memref<128x64xf32, #tpu.memory_space<vmem>>
      %dma_start3A_818 = arith.constant 0 : i32
      %dma_start3A_819 = tpu.memref_slice %arg7[%add3A_811, %dma_start3A_818] : memref<148x128xi32, #tpu.memory_space<vmem>> -> memref<1x128xi32, #tpu.memory_space<vmem>>
      %dma_start3A_820 = tpu.memref_squeeze %dma_start3A_819 : memref<1x128xi32, #tpu.memory_space<vmem>> -> memref<128xi32, #tpu.memory_space<vmem>>
      %dma_start3A_821 = arith.constant 0 : i32
      %dma_start3A_822 = arith.constant 0 : i32
      %dma_start3A_823 = tpu.memref_slice %arg10[%dma_start3A_821, %dma_start3A_822] : memref<10240x64xf32, #tpu.memory_space<vmem_shared>> -> memref<10240x64xf32, #tpu.memory_space<vmem_shared>>
      tpu.enqueue_indirect_dma source(%dma_start3A_817 : memref<128x64xf32, #tpu.memory_space<vmem>>) target(%dma_start3A_823 : memref<10240x64xf32, #tpu.memory_space<vmem_shared>>) offsets(%dma_start3A_820 : memref<128xi32, #tpu.memory_space<vmem>>) semaphore(%arg13 : memref<!tpu.dma_semaphore, #tpu.memory_space<semaphore_mem>>) {add = true}
      %mul3A_824 = arith.constant 2 : i32
      %mul3A_825 = arith.muli %mul3A_781, %mul3A_824 : i32
      %add3A_826 = arith.constant 1 : i32
      %add3A_827 = arith.addi %mul3A_825, %add3A_826 : i32
      %dma_start3A_828 = arith.constant 0 : i32
      %dma_start3A_829 = arith.constant 1 : i32
      %dma_start3A_830 = arith.constant 0 : i32
      %dma_start3A_831 = arith.constant 0 : i32
      %dma_start3A_832 = tpu.memref_slice %arg8[%dma_start3A_828, %dma_start3A_829, %dma_start3A_830, %dma_start3A_831] : memref<2x2x128x64xf32, #tpu.memory_space<vmem>> -> memref<1x1x128x64xf32, #tpu.memory_space<vmem>>
      %dma_start3A_833 = tpu.memref_squeeze %dma_start3A_832 : memref<1x1x128x64xf32, #tpu.memory_space<vmem>> -> memref<128x64xf32, #tpu.memory_space<vmem>>
      %dma_start3A_834 = arith.constant 0 : i32
      %dma_start3A_835 = tpu.memref_slice %arg7[%add3A_827, %dma_start3A_834] : memref<148x128xi32, #tpu.memory_space<vmem>> -> memref<1x128xi32, #tpu.memory_space<vmem>>
      %dma_start3A_836 = tpu.memref_squeeze %dma_start3A_835 : memref<1x128xi32, #tpu.memory_space<vmem>> -> memref<128xi32, #tpu.memory_space<vmem>>
      %dma_start3A_837 = arith.constant 0 : i32
      %dma_start3A_838 = arith.constant 0 : i32
      %dma_start3A_839 = tpu.memref_slice %arg10[%dma_start3A_837, %dma_start3A_838] : memref<10240x64xf32, #tpu.memory_space<vmem_shared>> -> memref<10240x64xf32, #tpu.memory_space<vmem_shared>>
      tpu.enqueue_indirect_dma source(%dma_start3A_833 : memref<128x64xf32, #tpu.memory_space<vmem>>) target(%dma_start3A_839 : memref<10240x64xf32, #tpu.memory_space<vmem_shared>>) offsets(%dma_start3A_836 : memref<128xi32, #tpu.memory_space<vmem>>) semaphore(%arg13 : memref<!tpu.dma_semaphore, #tpu.memory_space<semaphore_mem>>) {add = true}
      %dma_wait3A_840 = arith.constant 0 : i32
      %dma_wait3A_841 = arith.constant 0 : i32
      %dma_wait3A_842 = arith.constant 0 : i32
      %dma_wait3A_843 = arith.constant 0 : i32
      %dma_wait3A_844 = arith.constant 0 : i32
      %dma_wait3A_845 = tpu.memref_slice %arg8[%dma_wait3A_840, %dma_wait3A_841, %dma_wait3A_843, %dma_wait3A_844] : memref<2x2x128x64xf32, #tpu.memory_space<vmem>> -> memref<1x1x128x64xf32, #tpu.memory_space<vmem>>
      %dma_wait3A_846 = tpu.memref_squeeze %dma_wait3A_845 : memref<1x1x128x64xf32, #tpu.memory_space<vmem>> -> memref<128x64xf32, #tpu.memory_space<vmem>>
      %dma_wait3A_847 = arith.constant 0 : i32
      %dma_wait3A_848 = tpu.memref_slice %arg7[%dma_wait3A_842, %dma_wait3A_847] : memref<148x128xi32, #tpu.memory_space<vmem>> -> memref<1x128xi32, #tpu.memory_space<vmem>>
      %dma_wait3A_849 = tpu.memref_squeeze %dma_wait3A_848 : memref<1x128xi32, #tpu.memory_space<vmem>> -> memref<128xi32, #tpu.memory_space<vmem>>
      %dma_wait3A_850 = arith.constant 0 : i32
      %dma_wait3A_851 = arith.constant 0 : i32
      %dma_wait3A_852 = tpu.memref_slice %arg10[%dma_wait3A_850, %dma_wait3A_851] : memref<10240x64xf32, #tpu.memory_space<vmem_shared>> -> memref<10240x64xf32, #tpu.memory_space<vmem_shared>>
      tpu.wait_indirect_dma semaphore(%arg13 : memref<!tpu.dma_semaphore, #tpu.memory_space<semaphore_mem>>) src(%dma_wait3A_846 : memref<128x64xf32, #tpu.memory_space<vmem>>) dst(%dma_wait3A_852 : memref<10240x64xf32, #tpu.memory_space<vmem_shared>>)
      %dma_wait3A_853 = arith.constant 0 : i32
      %dma_wait3A_854 = arith.constant 1 : i32
      %dma_wait3A_855 = arith.constant 0 : i32
      %dma_wait3A_856 = arith.constant 0 : i32
      %dma_wait3A_857 = arith.constant 0 : i32
      %dma_wait3A_858 = tpu.memref_slice %arg8[%dma_wait3A_853, %dma_wait3A_854, %dma_wait3A_856, %dma_wait3A_857] : memref<2x2x128x64xf32, #tpu.memory_space<vmem>> -> memref<1x1x128x64xf32, #tpu.memory_space<vmem>>
      %dma_wait3A_859 = tpu.memref_squeeze %dma_wait3A_858 : memref<1x1x128x64xf32, #tpu.memory_space<vmem>> -> memref<128x64xf32, #tpu.memory_space<vmem>>
      %dma_wait3A_860 = arith.constant 0 : i32
      %dma_wait3A_861 = tpu.memref_slice %arg7[%dma_wait3A_855, %dma_wait3A_860] : memref<148x128xi32, #tpu.memory_space<vmem>> -> memref<1x128xi32, #tpu.memory_space<vmem>>
      %dma_wait3A_862 = tpu.memref_squeeze %dma_wait3A_861 : memref<1x128xi32, #tpu.memory_space<vmem>> -> memref<128xi32, #tpu.memory_space<vmem>>
      %dma_wait3A_863 = arith.constant 0 : i32
      %dma_wait3A_864 = arith.constant 0 : i32
      %dma_wait3A_865 = tpu.memref_slice %arg10[%dma_wait3A_863, %dma_wait3A_864] : memref<10240x64xf32, #tpu.memory_space<vmem_shared>> -> memref<10240x64xf32, #tpu.memory_space<vmem_shared>>
      tpu.wait_indirect_dma semaphore(%arg13 : memref<!tpu.dma_semaphore, #tpu.memory_space<semaphore_mem>>) src(%dma_wait3A_859 : memref<128x64xf32, #tpu.memory_space<vmem>>) dst(%dma_wait3A_865 : memref<10240x64xf32, #tpu.memory_space<vmem_shared>>)
      %add3A_866 = arith.constant 2 : i32
      %add3A_867 = arith.addi %mul3A_781, %add3A_866 : i32
      %mul3A_868 = arith.constant 2 : i32
      %mul3A_869 = arith.muli %add3A_867, %mul3A_868 : i32
      %add3A_870 = arith.constant 0 : i32
      %add3A_871 = arith.addi %mul3A_869, %add3A_870 : i32
      %dma_start3A_872 = arith.constant 0 : i32
      %dma_start3A_873 = arith.constant 0 : i32
      %dma_start3A_874 = arith.constant 0 : i32
      %dma_start3A_875 = arith.constant 0 : i32
      %dma_start3A_876 = tpu.memref_slice %arg8[%dma_start3A_872, %dma_start3A_873, %dma_start3A_874, %dma_start3A_875] : memref<2x2x128x64xf32, #tpu.memory_space<vmem>> -> memref<1x1x128x64xf32, #tpu.memory_space<vmem>>
      %dma_start3A_877 = tpu.memref_squeeze %dma_start3A_876 : memref<1x1x128x64xf32, #tpu.memory_space<vmem>> -> memref<128x64xf32, #tpu.memory_space<vmem>>
      %dma_start3A_878 = arith.constant 0 : i32
      %dma_start3A_879 = tpu.memref_slice %arg6[%add3A_871, %dma_start3A_878] : memref<148x128xi32, #tpu.memory_space<vmem>> -> memref<1x128xi32, #tpu.memory_space<vmem>>
      %dma_start3A_880 = tpu.memref_squeeze %dma_start3A_879 : memref<1x128xi32, #tpu.memory_space<vmem>> -> memref<128xi32, #tpu.memory_space<vmem>>
      %dma_start3A_881 = arith.constant 0 : i32
      %dma_start3A_882 = arith.constant 0 : i32
      %dma_start3A_883 = tpu.memref_slice %arg2[%dma_start3A_881, %dma_start3A_882] : memref<10240x64xf32, #tpu.memory_space<hbm>> -> memref<10240x64xf32, #tpu.memory_space<hbm>>
      tpu.enqueue_indirect_dma source(%dma_start3A_883 : memref<10240x64xf32, #tpu.memory_space<hbm>>) target(%dma_start3A_877 : memref<128x64xf32, #tpu.memory_space<vmem>>) offsets(%dma_start3A_880 : memref<128xi32, #tpu.memory_space<vmem>>) semaphore(%arg11 : memref<!tpu.dma_semaphore, #tpu.memory_space<semaphore_mem>>)
      %mul3A_884 = arith.constant 2 : i32
      %mul3A_885 = arith.muli %add3A_867, %mul3A_884 : i32
      %add3A_886 = arith.constant 1 : i32
      %add3A_887 = arith.addi %mul3A_885, %add3A_886 : i32
      %dma_start3A_888 = arith.constant 0 : i32
      %dma_start3A_889 = arith.constant 1 : i32
      %dma_start3A_890 = arith.constant 0 : i32
      %dma_start3A_891 = arith.constant 0 : i32
      %dma_start3A_892 = tpu.memref_slice %arg8[%dma_start3A_888, %dma_start3A_889, %dma_start3A_890, %dma_start3A_891] : memref<2x2x128x64xf32, #tpu.memory_space<vmem>> -> memref<1x1x128x64xf32, #tpu.memory_space<vmem>>
      %dma_start3A_893 = tpu.memref_squeeze %dma_start3A_892 : memref<1x1x128x64xf32, #tpu.memory_space<vmem>> -> memref<128x64xf32, #tpu.memory_space<vmem>>
      %dma_start3A_894 = arith.constant 0 : i32
      %dma_start3A_895 = tpu.memref_slice %arg6[%add3A_887, %dma_start3A_894] : memref<148x128xi32, #tpu.memory_space<vmem>> -> memref<1x128xi32, #tpu.memory_space<vmem>>
      %dma_start3A_896 = tpu.memref_squeeze %dma_start3A_895 : memref<1x128xi32, #tpu.memory_space<vmem>> -> memref<128xi32, #tpu.memory_space<vmem>>
      %dma_start3A_897 = arith.constant 0 : i32
      %dma_start3A_898 = arith.constant 0 : i32
      %dma_start3A_899 = tpu.memref_slice %arg2[%dma_start3A_897, %dma_start3A_898] : memref<10240x64xf32, #tpu.memory_space<hbm>> -> memref<10240x64xf32, #tpu.memory_space<hbm>>
      tpu.enqueue_indirect_dma source(%dma_start3A_899 : memref<10240x64xf32, #tpu.memory_space<hbm>>) target(%dma_start3A_893 : memref<128x64xf32, #tpu.memory_space<vmem>>) offsets(%dma_start3A_896 : memref<128xi32, #tpu.memory_space<vmem>>) semaphore(%arg11 : memref<!tpu.dma_semaphore, #tpu.memory_space<semaphore_mem>>)
      %mul3A_900 = arith.constant 2 : i32
      %mul3A_901 = arith.muli %mul3A_900, %while3A_779 : i32
      %add3A_902 = arith.constant 1 : i32
      %add3A_903 = arith.addi %mul3A_901, %add3A_902 : i32
      %dma_wait3A_904 = arith.constant 0 : i32
      %dma_wait3A_905 = arith.constant 1 : i32
      %dma_wait3A_906 = arith.constant 0 : i32
      %dma_wait3A_907 = arith.constant 0 : i32
      %dma_wait3A_908 = arith.constant 0 : i32
      %dma_wait3A_909 = tpu.memref_slice %arg8[%dma_wait3A_905, %dma_wait3A_906, %dma_wait3A_907, %dma_wait3A_908] : memref<2x2x128x64xf32, #tpu.memory_space<vmem>> -> memref<1x1x128x64xf32, #tpu.memory_space<vmem>>
      %dma_wait3A_910 = tpu.memref_squeeze %dma_wait3A_909 : memref<1x1x128x64xf32, #tpu.memory_space<vmem>> -> memref<128x64xf32, #tpu.memory_space<vmem>>
      %dma_wait3A_911 = arith.constant 0 : i32
      %dma_wait3A_912 = tpu.memref_slice %arg6[%dma_wait3A_904, %dma_wait3A_911] : memref<148x128xi32, #tpu.memory_space<vmem>> -> memref<1x128xi32, #tpu.memory_space<vmem>>
      %dma_wait3A_913 = tpu.memref_squeeze %dma_wait3A_912 : memref<1x128xi32, #tpu.memory_space<vmem>> -> memref<128xi32, #tpu.memory_space<vmem>>
      %dma_wait3A_914 = arith.constant 0 : i32
      %dma_wait3A_915 = arith.constant 0 : i32
      %dma_wait3A_916 = tpu.memref_slice %arg2[%dma_wait3A_914, %dma_wait3A_915] : memref<10240x64xf32, #tpu.memory_space<hbm>> -> memref<10240x64xf32, #tpu.memory_space<hbm>>
      tpu.wait_indirect_dma semaphore(%arg12 : memref<!tpu.dma_semaphore, #tpu.memory_space<semaphore_mem>>) src(%dma_wait3A_916 : memref<10240x64xf32, #tpu.memory_space<hbm>>) dst(%dma_wait3A_910 : memref<128x64xf32, #tpu.memory_space<vmem>>)
      %dma_wait3A_917 = arith.constant 0 : i32
      %dma_wait3A_918 = arith.constant 1 : i32
      %dma_wait3A_919 = arith.constant 1 : i32
      %dma_wait3A_920 = arith.constant 0 : i32
      %dma_wait3A_921 = arith.constant 0 : i32
      %dma_wait3A_922 = tpu.memref_slice %arg8[%dma_wait3A_918, %dma_wait3A_919, %dma_wait3A_920, %dma_wait3A_921] : memref<2x2x128x64xf32, #tpu.memory_space<vmem>> -> memref<1x1x128x64xf32, #tpu.memory_space<vmem>>
      %dma_wait3A_923 = tpu.memref_squeeze %dma_wait3A_922 : memref<1x1x128x64xf32, #tpu.memory_space<vmem>> -> memref<128x64xf32, #tpu.memory_space<vmem>>
      %dma_wait3A_924 = arith.constant 0 : i32
      %dma_wait3A_925 = tpu.memref_slice %arg6[%dma_wait3A_917, %dma_wait3A_924] : memref<148x128xi32, #tpu.memory_space<vmem>> -> memref<1x128xi32, #tpu.memory_space<vmem>>
      %dma_wait3A_926 = tpu.memref_squeeze %dma_wait3A_925 : memref<1x128xi32, #tpu.memory_space<vmem>> -> memref<128xi32, #tpu.memory_space<vmem>>
      %dma_wait3A_927 = arith.constant 0 : i32
      %dma_wait3A_928 = arith.constant 0 : i32
      %dma_wait3A_929 = tpu.memref_slice %arg2[%dma_wait3A_927, %dma_wait3A_928] : memref<10240x64xf32, #tpu.memory_space<hbm>> -> memref<10240x64xf32, #tpu.memory_space<hbm>>
      tpu.wait_indirect_dma semaphore(%arg12 : memref<!tpu.dma_semaphore, #tpu.memory_space<semaphore_mem>>) src(%dma_wait3A_929 : memref<10240x64xf32, #tpu.memory_space<hbm>>) dst(%dma_wait3A_923 : memref<128x64xf32, #tpu.memory_space<vmem>>)
      %mul3A_930 = arith.constant 2 : i32
      %mul3A_931 = arith.muli %add3A_903, %mul3A_930 : i32
      %add3A_932 = arith.constant 0 : i32
      %add3A_933 = arith.addi %mul3A_931, %add3A_932 : i32
      %dma_start3A_934 = arith.constant 1 : i32
      %dma_start3A_935 = arith.constant 0 : i32
      %dma_start3A_936 = arith.constant 0 : i32
      %dma_start3A_937 = arith.constant 0 : i32
      %dma_start3A_938 = tpu.memref_slice %arg8[%dma_start3A_934, %dma_start3A_935, %dma_start3A_936, %dma_start3A_937] : memref<2x2x128x64xf32, #tpu.memory_space<vmem>> -> memref<1x1x128x64xf32, #tpu.memory_space<vmem>>
      %dma_start3A_939 = tpu.memref_squeeze %dma_start3A_938 : memref<1x1x128x64xf32, #tpu.memory_space<vmem>> -> memref<128x64xf32, #tpu.memory_space<vmem>>
      %dma_start3A_940 = arith.constant 0 : i32
      %dma_start3A_941 = tpu.memref_slice %arg7[%add3A_933, %dma_start3A_940] : memref<148x128xi32, #tpu.memory_space<vmem>> -> memref<1x128xi32, #tpu.memory_space<vmem>>
      %dma_start3A_942 = tpu.memref_squeeze %dma_start3A_941 : memref<1x128xi32, #tpu.memory_space<vmem>> -> memref<128xi32, #tpu.memory_space<vmem>>
      %dma_start3A_943 = arith.constant 0 : i32
      %dma_start3A_944 = arith.constant 0 : i32
      %dma_start3A_945 = tpu.memref_slice %arg10[%dma_start3A_943, %dma_start3A_944] : memref<10240x64xf32, #tpu.memory_space<vmem_shared>> -> memref<10240x64xf32, #tpu.memory_space<vmem_shared>>
      tpu.enqueue_indirect_dma source(%dma_start3A_939 : memref<128x64xf32, #tpu.memory_space<vmem>>) target(%dma_start3A_945 : memref<10240x64xf32, #tpu.memory_space<vmem_shared>>) offsets(%dma_start3A_942 : memref<128xi32, #tpu.memory_space<vmem>>) semaphore(%arg14 : memref<!tpu.dma_semaphore, #tpu.memory_space<semaphore_mem>>) {add = true}
      %mul3A_946 = arith.constant 2 : i32
      %mul3A_947 = arith.muli %add3A_903, %mul3A_946 : i32
      %add3A_948 = arith.constant 1 : i32
      %add3A_949 = arith.addi %mul3A_947, %add3A_948 : i32
      %dma_start3A_950 = arith.constant 1 : i32
      %dma_start3A_951 = arith.constant 1 : i32
      %dma_start3A_952 = arith.constant 0 : i32
      %dma_start3A_953 = arith.constant 0 : i32
      %dma_start3A_954 = tpu.memref_slice %arg8[%dma_start3A_950, %dma_start3A_951, %dma_start3A_952, %dma_start3A_953] : memref<2x2x128x64xf32, #tpu.memory_space<vmem>> -> memref<1x1x128x64xf32, #tpu.memory_space<vmem>>
      %dma_start3A_955 = tpu.memref_squeeze %dma_start3A_954 : memref<1x1x128x64xf32, #tpu.memory_space<vmem>> -> memref<128x64xf32, #tpu.memory_space<vmem>>
      %dma_start3A_956 = arith.constant 0 : i32
      %dma_start3A_957 = tpu.memref_slice %arg7[%add3A_949, %dma_start3A_956] : memref<148x128xi32, #tpu.memory_space<vmem>> -> memref<1x128xi32, #tpu.memory_space<vmem>>
      %dma_start3A_958 = tpu.memref_squeeze %dma_start3A_957 : memref<1x128xi32, #tpu.memory_space<vmem>> -> memref<128xi32, #tpu.memory_space<vmem>>
      %dma_start3A_959 = arith.constant 0 : i32
      %dma_start3A_960 = arith.constant 0 : i32
      %dma_start3A_961 = tpu.memref_slice %arg10[%dma_start3A_959, %dma_start3A_960] : memref<10240x64xf32, #tpu.memory_space<vmem_shared>> -> memref<10240x64xf32, #tpu.memory_space<vmem_shared>>
      tpu.enqueue_indirect_dma source(%dma_start3A_955 : memref<128x64xf32, #tpu.memory_space<vmem>>) target(%dma_start3A_961 : memref<10240x64xf32, #tpu.memory_space<vmem_shared>>) offsets(%dma_start3A_958 : memref<128xi32, #tpu.memory_space<vmem>>) semaphore(%arg14 : memref<!tpu.dma_semaphore, #tpu.memory_space<semaphore_mem>>) {add = true}
      %dma_wait3A_962 = arith.constant 1 : i32
      %dma_wait3A_963 = arith.constant 0 : i32
      %dma_wait3A_964 = arith.constant 0 : i32
      %dma_wait3A_965 = arith.constant 0 : i32
      %dma_wait3A_966 = arith.constant 0 : i32
      %dma_wait3A_967 = tpu.memref_slice %arg8[%dma_wait3A_962, %dma_wait3A_963, %dma_wait3A_965, %dma_wait3A_966] : memref<2x2x128x64xf32, #tpu.memory_space<vmem>> -> memref<1x1x128x64xf32, #tpu.memory_space<vmem>>
      %dma_wait3A_968 = tpu.memref_squeeze %dma_wait3A_967 : memref<1x1x128x64xf32, #tpu.memory_space<vmem>> -> memref<128x64xf32, #tpu.memory_space<vmem>>
      %dma_wait3A_969 = arith.constant 0 : i32
      %dma_wait3A_970 = tpu.memref_slice %arg7[%dma_wait3A_964, %dma_wait3A_969] : memref<148x128xi32, #tpu.memory_space<vmem>> -> memref<1x128xi32, #tpu.memory_space<vmem>>
      %dma_wait3A_971 = tpu.memref_squeeze %dma_wait3A_970 : memref<1x128xi32, #tpu.memory_space<vmem>> -> memref<128xi32, #tpu.memory_space<vmem>>
      %dma_wait3A_972 = arith.constant 0 : i32
      %dma_wait3A_973 = arith.constant 0 : i32
      %dma_wait3A_974 = tpu.memref_slice %arg10[%dma_wait3A_972, %dma_wait3A_973] : memref<10240x64xf32, #tpu.memory_space<vmem_shared>> -> memref<10240x64xf32, #tpu.memory_space<vmem_shared>>
      tpu.wait_indirect_dma semaphore(%arg14 : memref<!tpu.dma_semaphore, #tpu.memory_space<semaphore_mem>>) src(%dma_wait3A_968 : memref<128x64xf32, #tpu.memory_space<vmem>>) dst(%dma_wait3A_974 : memref<10240x64xf32, #tpu.memory_space<vmem_shared>>)
      %dma_wait3A_975 = arith.constant 1 : i32
      %dma_wait3A_976 = arith.constant 1 : i32
      %dma_wait3A_977 = arith.constant 0 : i32
      %dma_wait3A_978 = arith.constant 0 : i32
      %dma_wait3A_979 = arith.constant 0 : i32
      %dma_wait3A_980 = tpu.memref_slice %arg8[%dma_wait3A_975, %dma_wait3A_976, %dma_wait3A_978, %dma_wait3A_979] : memref<2x2x128x64xf32, #tpu.memory_space<vmem>> -> memref<1x1x128x64xf32, #tpu.memory_space<vmem>>
      %dma_wait3A_981 = tpu.memref_squeeze %dma_wait3A_980 : memref<1x1x128x64xf32, #tpu.memory_space<vmem>> -> memref<128x64xf32, #tpu.memory_space<vmem>>
      %dma_wait3A_982 = arith.constant 0 : i32
      %dma_wait3A_983 = tpu.memref_slice %arg7[%dma_wait3A_977, %dma_wait3A_982] : memref<148x128xi32, #tpu.memory_space<vmem>> -> memref<1x128xi32, #tpu.memory_space<vmem>>
      %dma_wait3A_984 = tpu.memref_squeeze %dma_wait3A_983 : memref<1x128xi32, #tpu.memory_space<vmem>> -> memref<128xi32, #tpu.memory_space<vmem>>
      %dma_wait3A_985 = arith.constant 0 : i32
      %dma_wait3A_986 = arith.constant 0 : i32
      %dma_wait3A_987 = tpu.memref_slice %arg10[%dma_wait3A_985, %dma_wait3A_986] : memref<10240x64xf32, #tpu.memory_space<vmem_shared>> -> memref<10240x64xf32, #tpu.memory_space<vmem_shared>>
      tpu.wait_indirect_dma semaphore(%arg14 : memref<!tpu.dma_semaphore, #tpu.memory_space<semaphore_mem>>) src(%dma_wait3A_981 : memref<128x64xf32, #tpu.memory_space<vmem>>) dst(%dma_wait3A_987 : memref<10240x64xf32, #tpu.memory_space<vmem_shared>>)
      %add3A_988 = arith.constant 2 : i32
      %add3A_989 = arith.addi %add3A_903, %add3A_988 : i32
      %mul3A_990 = arith.constant 2 : i32
      %mul3A_991 = arith.muli %add3A_989, %mul3A_990 : i32
      %add3A_992 = arith.constant 0 : i32
      %add3A_993 = arith.addi %mul3A_991, %add3A_992 : i32
      %dma_start3A_994 = arith.constant 1 : i32
      %dma_start3A_995 = arith.constant 0 : i32
      %dma_start3A_996 = arith.constant 0 : i32
      %dma_start3A_997 = arith.constant 0 : i32
      %dma_start3A_998 = tpu.memref_slice %arg8[%dma_start3A_994, %dma_start3A_995, %dma_start3A_996, %dma_start3A_997] : memref<2x2x128x64xf32, #tpu.memory_space<vmem>> -> memref<1x1x128x64xf32, #tpu.memory_space<vmem>>
      %dma_start3A_999 = tpu.memref_squeeze %dma_start3A_998 : memref<1x1x128x64xf32, #tpu.memory_space<vmem>> -> memref<128x64xf32, #tpu.memory_space<vmem>>
      %dma_start3A_1000 = arith.constant 0 : i32
      %dma_start3A_1001 = tpu.memref_slice %arg6[%add3A_993, %dma_start3A_1000] : memref<148x128xi32, #tpu.memory_space<vmem>> -> memref<1x128xi32, #tpu.memory_space<vmem>>
      %dma_start3A_1002 = tpu.memref_squeeze %dma_start3A_1001 : memref<1x128xi32, #tpu.memory_space<vmem>> -> memref<128xi32, #tpu.memory_space<vmem>>
      %dma_start3A_1003 = arith.constant 0 : i32
      %dma_start3A_1004 = arith.constant 0 : i32
      %dma_start3A_1005 = tpu.memref_slice %arg2[%dma_start3A_1003, %dma_start3A_1004] : memref<10240x64xf32, #tpu.memory_space<hbm>> -> memref<10240x64xf32, #tpu.memory_space<hbm>>
      tpu.enqueue_indirect_dma source(%dma_start3A_1005 : memref<10240x64xf32, #tpu.memory_space<hbm>>) target(%dma_start3A_999 : memref<128x64xf32, #tpu.memory_space<vmem>>) offsets(%dma_start3A_1002 : memref<128xi32, #tpu.memory_space<vmem>>) semaphore(%arg12 : memref<!tpu.dma_semaphore, #tpu.memory_space<semaphore_mem>>)
      %mul3A_1006 = arith.constant 2 : i32
      %mul3A_1007 = arith.muli %add3A_989, %mul3A_1006 : i32
      %add3A_1008 = arith.constant 1 : i32
      %add3A_1009 = arith.addi %mul3A_1007, %add3A_1008 : i32
      %dma_start3A_1010 = arith.constant 1 : i32
      %dma_start3A_1011 = arith.constant 1 : i32
      %dma_start3A_1012 = arith.constant 0 : i32
      %dma_start3A_1013 = arith.constant 0 : i32
      %dma_start3A_1014 = tpu.memref_slice %arg8[%dma_start3A_1010, %dma_start3A_1011, %dma_start3A_1012, %dma_start3A_1013] : memref<2x2x128x64xf32, #tpu.memory_space<vmem>> -> memref<1x1x128x64xf32, #tpu.memory_space<vmem>>
      %dma_start3A_1015 = tpu.memref_squeeze %dma_start3A_1014 : memref<1x1x128x64xf32, #tpu.memory_space<vmem>> -> memref<128x64xf32, #tpu.memory_space<vmem>>
      %dma_start3A_1016 = arith.constant 0 : i32
      %dma_start3A_1017 = tpu.memref_slice %arg6[%add3A_1009, %dma_start3A_1016] : memref<148x128xi32, #tpu.memory_space<vmem>> -> memref<1x128xi32, #tpu.memory_space<vmem>>
      %dma_start3A_1018 = tpu.memref_squeeze %dma_start3A_1017 : memref<1x128xi32, #tpu.memory_space<vmem>> -> memref<128xi32, #tpu.memory_space<vmem>>
      %dma_start3A_1019 = arith.constant 0 : i32
      %dma_start3A_1020 = arith.constant 0 : i32
      %dma_start3A_1021 = tpu.memref_slice %arg2[%dma_start3A_1019, %dma_start3A_1020] : memref<10240x64xf32, #tpu.memory_space<hbm>> -> memref<10240x64xf32, #tpu.memory_space<hbm>>
      tpu.enqueue_indirect_dma source(%dma_start3A_1021 : memref<10240x64xf32, #tpu.memory_space<hbm>>) target(%dma_start3A_1015 : memref<128x64xf32, #tpu.memory_space<vmem>>) offsets(%dma_start3A_1018 : memref<128xi32, #tpu.memory_space<vmem>>) semaphore(%arg12 : memref<!tpu.dma_semaphore, #tpu.memory_space<semaphore_mem>>)
    }
    %while3A_604 = arith.constant 1 : i32
    scf.for %while3A_779 = %while3A_602 to %while3A_598 step %while3A_604  : i32 {
      %mul3A_780 = arith.constant 2 : i32
      %mul3A_781 = arith.muli %mul3A_780, %while3A_779 : i32
      %dma_wait3A_782 = arith.constant 0 : i32
      %dma_wait3A_783 = arith.constant 0 : i32
      %dma_wait3A_784 = arith.constant 0 : i32
      %dma_wait3A_785 = arith.constant 0 : i32
      %dma_wait3A_786 = arith.constant 0 : i32
      %dma_wait3A_787 = tpu.memref_slice %arg8[%dma_wait3A_783, %dma_wait3A_784, %dma_wait3A_785, %dma_wait3A_786] : memref<2x2x128x64xf32, #tpu.memory_space<vmem>> -> memref<1x1x128x64xf32, #tpu.memory_space<vmem>>
      %dma_wait3A_788 = tpu.memref_squeeze %dma_wait3A_787 : memref<1x1x128x64xf32, #tpu.memory_space<vmem>> -> memref<128x64xf32, #tpu.memory_space<vmem>>
      %dma_wait3A_789 = arith.constant 0 : i32
      %dma_wait3A_790 = tpu.memref_slice %arg6[%dma_wait3A_782, %dma_wait3A_789] : memref<148x128xi32, #tpu.memory_space<vmem>> -> memref<1x128xi32, #tpu.memory_space<vmem>>
      %dma_wait3A_791 = tpu.memref_squeeze %dma_wait3A_790 : memref<1x128xi32, #tpu.memory_space<vmem>> -> memref<128xi32, #tpu.memory_space<vmem>>
      %dma_wait3A_792 = arith.constant 0 : i32
      %dma_wait3A_793 = arith.constant 0 : i32
      %dma_wait3A_794 = tpu.memref_slice %arg2[%dma_wait3A_792, %dma_wait3A_793] : memref<10240x64xf32, #tpu.memory_space<hbm>> -> memref<10240x64xf32, #tpu.memory_space<hbm>>
      tpu.wait_indirect_dma semaphore(%arg11 : memref<!tpu.dma_semaphore, #tpu.memory_space<semaphore_mem>>) src(%dma_wait3A_794 : memref<10240x64xf32, #tpu.memory_space<hbm>>) dst(%dma_wait3A_788 : memref<128x64xf32, #tpu.memory_space<vmem>>)
      %dma_wait3A_795 = arith.constant 0 : i32
      %dma_wait3A_796 = arith.constant 0 : i32
      %dma_wait3A_797 = arith.constant 1 : i32
      %dma_wait3A_798 = arith.constant 0 : i32
      %dma_wait3A_799 = arith.constant 0 : i32
      %dma_wait3A_800 = tpu.memref_slice %arg8[%dma_wait3A_796, %dma_wait3A_797, %dma_wait3A_798, %dma_wait3A_799] : memref<2x2x128x64xf32, #tpu.memory_space<vmem>> -> memref<1x1x128x64xf32, #tpu.memory_space<vmem>>
      %dma_wait3A_801 = tpu.memref_squeeze %dma_wait3A_800 : memref<1x1x128x64xf32, #tpu.memory_space<vmem>> -> memref<128x64xf32, #tpu.memory_space<vmem>>
      %dma_wait3A_802 = arith.constant 0 : i32
      %dma_wait3A_803 = tpu.memref_slice %arg6[%dma_wait3A_795, %dma_wait3A_802] : memref<148x128xi32, #tpu.memory_space<vmem>> -> memref<1x128xi32, #tpu.memory_space<vmem>>
      %dma_wait3A_804 = tpu.memref_squeeze %dma_wait3A_803 : memref<1x128xi32, #tpu.memory_space<vmem>> -> memref<128xi32, #tpu.memory_space<vmem>>
      %dma_wait3A_805 = arith.constant 0 : i32
      %dma_wait3A_806 = arith.constant 0 : i32
      %dma_wait3A_807 = tpu.memref_slice %arg2[%dma_wait3A_805, %dma_wait3A_806] : memref<10240x64xf32, #tpu.memory_space<hbm>> -> memref<10240x64xf32, #tpu.memory_space<hbm>>
      tpu.wait_indirect_dma semaphore(%arg11 : memref<!tpu.dma_semaphore, #tpu.memory_space<semaphore_mem>>) src(%dma_wait3A_807 : memref<10240x64xf32, #tpu.memory_space<hbm>>) dst(%dma_wait3A_801 : memref<128x64xf32, #tpu.memory_space<vmem>>)
      %mul3A_808 = arith.constant 2 : i32
      %mul3A_809 = arith.muli %mul3A_781, %mul3A_808 : i32
      %add3A_810 = arith.constant 0 : i32
      %add3A_811 = arith.addi %mul3A_809, %add3A_810 : i32
      %dma_start3A_812 = arith.constant 0 : i32
      %dma_start3A_813 = arith.constant 0 : i32
      %dma_start3A_814 = arith.constant 0 : i32
      %dma_start3A_815 = arith.constant 0 : i32
      %dma_start3A_816 = tpu.memref_slice %arg8[%dma_start3A_812, %dma_start3A_813, %dma_start3A_814, %dma_start3A_815] : memref<2x2x128x64xf32, #tpu.memory_space<vmem>> -> memref<1x1x128x64xf32, #tpu.memory_space<vmem>>
      %dma_start3A_817 = tpu.memref_squeeze %dma_start3A_816 : memref<1x1x128x64xf32, #tpu.memory_space<vmem>> -> memref<128x64xf32, #tpu.memory_space<vmem>>
      %dma_start3A_818 = arith.constant 0 : i32
      %dma_start3A_819 = tpu.memref_slice %arg7[%add3A_811, %dma_start3A_818] : memref<148x128xi32, #tpu.memory_space<vmem>> -> memref<1x128xi32, #tpu.memory_space<vmem>>
      %dma_start3A_820 = tpu.memref_squeeze %dma_start3A_819 : memref<1x128xi32, #tpu.memory_space<vmem>> -> memref<128xi32, #tpu.memory_space<vmem>>
      %dma_start3A_821 = arith.constant 0 : i32
      %dma_start3A_822 = arith.constant 0 : i32
      %dma_start3A_823 = tpu.memref_slice %arg10[%dma_start3A_821, %dma_start3A_822] : memref<10240x64xf32, #tpu.memory_space<vmem_shared>> -> memref<10240x64xf32, #tpu.memory_space<vmem_shared>>
      tpu.enqueue_indirect_dma source(%dma_start3A_817 : memref<128x64xf32, #tpu.memory_space<vmem>>) target(%dma_start3A_823 : memref<10240x64xf32, #tpu.memory_space<vmem_shared>>) offsets(%dma_start3A_820 : memref<128xi32, #tpu.memory_space<vmem>>) semaphore(%arg13 : memref<!tpu.dma_semaphore, #tpu.memory_space<semaphore_mem>>) {add = true}
      %mul3A_824 = arith.constant 2 : i32
      %mul3A_825 = arith.muli %mul3A_781, %mul3A_824 : i32
      %add3A_826 = arith.constant 1 : i32
      %add3A_827 = arith.addi %mul3A_825, %add3A_826 : i32
      %dma_start3A_828 = arith.constant 0 : i32
      %dma_start3A_829 = arith.constant 1 : i32
      %dma_start3A_830 = arith.constant 0 : i32
      %dma_start3A_831 = arith.constant 0 : i32
      %dma_start3A_832 = tpu.memref_slice %arg8[%dma_start3A_828, %dma_start3A_829, %dma_start3A_830, %dma_start3A_831] : memref<2x2x128x64xf32, #tpu.memory_space<vmem>> -> memref<1x1x128x64xf32, #tpu.memory_space<vmem>>
      %dma_start3A_833 = tpu.memref_squeeze %dma_start3A_832 : memref<1x1x128x64xf32, #tpu.memory_space<vmem>> -> memref<128x64xf32, #tpu.memory_space<vmem>>
      %dma_start3A_834 = arith.constant 0 : i32
      %dma_start3A_835 = tpu.memref_slice %arg7[%add3A_827, %dma_start3A_834] : memref<148x128xi32, #tpu.memory_space<vmem>> -> memref<1x128xi32, #tpu.memory_space<vmem>>
      %dma_start3A_836 = tpu.memref_squeeze %dma_start3A_835 : memref<1x128xi32, #tpu.memory_space<vmem>> -> memref<128xi32, #tpu.memory_space<vmem>>
      %dma_start3A_837 = arith.constant 0 : i32
      %dma_start3A_838 = arith.constant 0 : i32
      %dma_start3A_839 = tpu.memref_slice %arg10[%dma_start3A_837, %dma_start3A_838] : memref<10240x64xf32, #tpu.memory_space<vmem_shared>> -> memref<10240x64xf32, #tpu.memory_space<vmem_shared>>
      tpu.enqueue_indirect_dma source(%dma_start3A_833 : memref<128x64xf32, #tpu.memory_space<vmem>>) target(%dma_start3A_839 : memref<10240x64xf32, #tpu.memory_space<vmem_shared>>) offsets(%dma_start3A_836 : memref<128xi32, #tpu.memory_space<vmem>>) semaphore(%arg13 : memref<!tpu.dma_semaphore, #tpu.memory_space<semaphore_mem>>) {add = true}
      %dma_wait3A_840 = arith.constant 0 : i32
      %dma_wait3A_841 = arith.constant 0 : i32
      %dma_wait3A_842 = arith.constant 0 : i32
      %dma_wait3A_843 = arith.constant 0 : i32
      %dma_wait3A_844 = arith.constant 0 : i32
      %dma_wait3A_845 = tpu.memref_slice %arg8[%dma_wait3A_840, %dma_wait3A_841, %dma_wait3A_843, %dma_wait3A_844] : memref<2x2x128x64xf32, #tpu.memory_space<vmem>> -> memref<1x1x128x64xf32, #tpu.memory_space<vmem>>
      %dma_wait3A_846 = tpu.memref_squeeze %dma_wait3A_845 : memref<1x1x128x64xf32, #tpu.memory_space<vmem>> -> memref<128x64xf32, #tpu.memory_space<vmem>>
      %dma_wait3A_847 = arith.constant 0 : i32
      %dma_wait3A_848 = tpu.memref_slice %arg7[%dma_wait3A_842, %dma_wait3A_847] : memref<148x128xi32, #tpu.memory_space<vmem>> -> memref<1x128xi32, #tpu.memory_space<vmem>>
      %dma_wait3A_849 = tpu.memref_squeeze %dma_wait3A_848 : memref<1x128xi32, #tpu.memory_space<vmem>> -> memref<128xi32, #tpu.memory_space<vmem>>
      %dma_wait3A_850 = arith.constant 0 : i32
      %dma_wait3A_851 = arith.constant 0 : i32
      %dma_wait3A_852 = tpu.memref_slice %arg10[%dma_wait3A_850, %dma_wait3A_851] : memref<10240x64xf32, #tpu.memory_space<vmem_shared>> -> memref<10240x64xf32, #tpu.memory_space<vmem_shared>>
      tpu.wait_indirect_dma semaphore(%arg13 : memref<!tpu.dma_semaphore, #tpu.memory_space<semaphore_mem>>) src(%dma_wait3A_846 : memref<128x64xf32, #tpu.memory_space<vmem>>) dst(%dma_wait3A_852 : memref<10240x64xf32, #tpu.memory_space<vmem_shared>>)
      %dma_wait3A_853 = arith.constant 0 : i32
      %dma_wait3A_854 = arith.constant 1 : i32
      %dma_wait3A_855 = arith.constant 0 : i32
      %dma_wait3A_856 = arith.constant 0 : i32
      %dma_wait3A_857 = arith.constant 0 : i32
      %dma_wait3A_858 = tpu.memref_slice %arg8[%dma_wait3A_853, %dma_wait3A_854, %dma_wait3A_856, %dma_wait3A_857] : memref<2x2x128x64xf32, #tpu.memory_space<vmem>> -> memref<1x1x128x64xf32, #tpu.memory_space<vmem>>
      %dma_wait3A_859 = tpu.memref_squeeze %dma_wait3A_858 : memref<1x1x128x64xf32, #tpu.memory_space<vmem>> -> memref<128x64xf32, #tpu.memory_space<vmem>>
      %dma_wait3A_860 = arith.constant 0 : i32
      %dma_wait3A_861 = tpu.memref_slice %arg7[%dma_wait3A_855, %dma_wait3A_860] : memref<148x128xi32, #tpu.memory_space<vmem>> -> memref<1x128xi32, #tpu.memory_space<vmem>>
      %dma_wait3A_862 = tpu.memref_squeeze %dma_wait3A_861 : memref<1x128xi32, #tpu.memory_space<vmem>> -> memref<128xi32, #tpu.memory_space<vmem>>
      %dma_wait3A_863 = arith.constant 0 : i32
      %dma_wait3A_864 = arith.constant 0 : i32
      %dma_wait3A_865 = tpu.memref_slice %arg10[%dma_wait3A_863, %dma_wait3A_864] : memref<10240x64xf32, #tpu.memory_space<vmem_shared>> -> memref<10240x64xf32, #tpu.memory_space<vmem_shared>>
      tpu.wait_indirect_dma semaphore(%arg13 : memref<!tpu.dma_semaphore, #tpu.memory_space<semaphore_mem>>) src(%dma_wait3A_859 : memref<128x64xf32, #tpu.memory_space<vmem>>) dst(%dma_wait3A_865 : memref<10240x64xf32, #tpu.memory_space<vmem_shared>>)
      %add3A_866 = arith.constant 2 : i32
      %add3A_867 = arith.addi %mul3A_781, %add3A_866 : i32
      %mul3A_868 = arith.constant 2 : i32
      %mul3A_869 = arith.muli %add3A_867, %mul3A_868 : i32
      %add3A_870 = arith.constant 0 : i32
      %add3A_871 = arith.addi %mul3A_869, %add3A_870 : i32
      %dma_start3A_872 = arith.constant 0 : i32
      %dma_start3A_873 = arith.constant 0 : i32
      %dma_start3A_874 = arith.constant 0 : i32
      %dma_start3A_875 = arith.constant 0 : i32
      %dma_start3A_876 = tpu.memref_slice %arg8[%dma_start3A_872, %dma_start3A_873, %dma_start3A_874, %dma_start3A_875] : memref<2x2x128x64xf32, #tpu.memory_space<vmem>> -> memref<1x1x128x64xf32, #tpu.memory_space<vmem>>
      %dma_start3A_877 = tpu.memref_squeeze %dma_start3A_876 : memref<1x1x128x64xf32, #tpu.memory_space<vmem>> -> memref<128x64xf32, #tpu.memory_space<vmem>>
      %dma_start3A_878 = arith.constant 0 : i32
      %dma_start3A_879 = tpu.memref_slice %arg6[%add3A_871, %dma_start3A_878] : memref<148x128xi32, #tpu.memory_space<vmem>> -> memref<1x128xi32, #tpu.memory_space<vmem>>
      %dma_start3A_880 = tpu.memref_squeeze %dma_start3A_879 : memref<1x128xi32, #tpu.memory_space<vmem>> -> memref<128xi32, #tpu.memory_space<vmem>>
      %dma_start3A_881 = arith.constant 0 : i32
      %dma_start3A_882 = arith.constant 0 : i32
      %dma_start3A_883 = tpu.memref_slice %arg2[%dma_start3A_881, %dma_start3A_882] : memref<10240x64xf32, #tpu.memory_space<hbm>> -> memref<10240x64xf32, #tpu.memory_space<hbm>>
      tpu.enqueue_indirect_dma source(%dma_start3A_883 : memref<10240x64xf32, #tpu.memory_space<hbm>>) target(%dma_start3A_877 : memref<128x64xf32, #tpu.memory_space<vmem>>) offsets(%dma_start3A_880 : memref<128xi32, #tpu.memory_space<vmem>>) semaphore(%arg11 : memref<!tpu.dma_semaphore, #tpu.memory_space<semaphore_mem>>)
      %mul3A_884 = arith.constant 2 : i32
      %mul3A_885 = arith.muli %add3A_867, %mul3A_884 : i32
      %add3A_886 = arith.constant 1 : i32
      %add3A_887 = arith.addi %mul3A_885, %add3A_886 : i32
      %dma_start3A_888 = arith.constant 0 : i32
      %dma_start3A_889 = arith.constant 1 : i32
      %dma_start3A_890 = arith.constant 0 : i32
      %dma_start3A_891 = arith.constant 0 : i32
      %dma_start3A_892 = tpu.memref_slice %arg8[%dma_start3A_888, %dma_start3A_889, %dma_start3A_890, %dma_start3A_891] : memref<2x2x128x64xf32, #tpu.memory_space<vmem>> -> memref<1x1x128x64xf32, #tpu.memory_space<vmem>>
      %dma_start3A_893 = tpu.memref_squeeze %dma_start3A_892 : memref<1x1x128x64xf32, #tpu.memory_space<vmem>> -> memref<128x64xf32, #tpu.memory_space<vmem>>
      %dma_start3A_894 = arith.constant 0 : i32
      %dma_start3A_895 = tpu.memref_slice %arg6[%add3A_887, %dma_start3A_894] : memref<148x128xi32, #tpu.memory_space<vmem>> -> memref<1x128xi32, #tpu.memory_space<vmem>>
      %dma_start3A_896 = tpu.memref_squeeze %dma_start3A_895 : memref<1x128xi32, #tpu.memory_space<vmem>> -> memref<128xi32, #tpu.memory_space<vmem>>
      %dma_start3A_897 = arith.constant 0 : i32
      %dma_start3A_898 = arith.constant 0 : i32
      %dma_start3A_899 = tpu.memref_slice %arg2[%dma_start3A_897, %dma_start3A_898] : memref<10240x64xf32, #tpu.memory_space<hbm>> -> memref<10240x64xf32, #tpu.memory_space<hbm>>
      tpu.enqueue_indirect_dma source(%dma_start3A_899 : memref<10240x64xf32, #tpu.memory_space<hbm>>) target(%dma_start3A_893 : memref<128x64xf32, #tpu.memory_space<vmem>>) offsets(%dma_start3A_896 : memref<128xi32, #tpu.memory_space<vmem>>) semaphore(%arg11 : memref<!tpu.dma_semaphore, #tpu.memory_space<semaphore_mem>>)
      %mul3A_900 = arith.constant 2 : i32
      %mul3A_901 = arith.muli %mul3A_900, %while3A_779 : i32
      %add3A_902 = arith.constant 1 : i32
      %add3A_903 = arith.addi %mul3A_901, %add3A_902 : i32
      %dma_wait3A_904 = arith.constant 0 : i32
      %dma_wait3A_905 = arith.constant 1 : i32
      %dma_wait3A_906 = arith.constant 0 : i32
      %dma_wait3A_907 = arith.constant 0 : i32
      %dma_wait3A_908 = arith.constant 0 : i32
      %dma_wait3A_909 = tpu.memref_slice %arg8[%dma_wait3A_905, %dma_wait3A_906, %dma_wait3A_907, %dma_wait3A_908] : memref<2x2x128x64xf32, #tpu.memory_space<vmem>> -> memref<1x1x128x64xf32, #tpu.memory_space<vmem>>
      %dma_wait3A_910 = tpu.memref_squeeze %dma_wait3A_909 : memref<1x1x128x64xf32, #tpu.memory_space<vmem>> -> memref<128x64xf32, #tpu.memory_space<vmem>>
      %dma_wait3A_911 = arith.constant 0 : i32
      %dma_wait3A_912 = tpu.memref_slice %arg6[%dma_wait3A_904, %dma_wait3A_911] : memref<148x128xi32, #tpu.memory_space<vmem>> -> memref<1x128xi32, #tpu.memory_space<vmem>>
      %dma_wait3A_913 = tpu.memref_squeeze %dma_wait3A_912 : memref<1x128xi32, #tpu.memory_space<vmem>> -> memref<128xi32, #tpu.memory_space<vmem>>
      %dma_wait3A_914 = arith.constant 0 : i32
      %dma_wait3A_915 = arith.constant 0 : i32
      %dma_wait3A_916 = tpu.memref_slice %arg2[%dma_wait3A_914, %dma_wait3A_915] : memref<10240x64xf32, #tpu.memory_space<hbm>> -> memref<10240x64xf32, #tpu.memory_space<hbm>>
      tpu.wait_indirect_dma semaphore(%arg12 : memref<!tpu.dma_semaphore, #tpu.memory_space<semaphore_mem>>) src(%dma_wait3A_916 : memref<10240x64xf32, #tpu.memory_space<hbm>>) dst(%dma_wait3A_910 : memref<128x64xf32, #tpu.memory_space<vmem>>)
      %dma_wait3A_917 = arith.constant 0 : i32
      %dma_wait3A_918 = arith.constant 1 : i32
      %dma_wait3A_919 = arith.constant 1 : i32
      %dma_wait3A_920 = arith.constant 0 : i32
      %dma_wait3A_921 = arith.constant 0 : i32
      %dma_wait3A_922 = tpu.memref_slice %arg8[%dma_wait3A_918, %dma_wait3A_919, %dma_wait3A_920, %dma_wait3A_921] : memref<2x2x128x64xf32, #tpu.memory_space<vmem>> -> memref<1x1x128x64xf32, #tpu.memory_space<vmem>>
      %dma_wait3A_923 = tpu.memref_squeeze %dma_wait3A_922 : memref<1x1x128x64xf32, #tpu.memory_space<vmem>> -> memref<128x64xf32, #tpu.memory_space<vmem>>
      %dma_wait3A_924 = arith.constant 0 : i32
      %dma_wait3A_925 = tpu.memref_slice %arg6[%dma_wait3A_917, %dma_wait3A_924] : memref<148x128xi32, #tpu.memory_space<vmem>> -> memref<1x128xi32, #tpu.memory_space<vmem>>
      %dma_wait3A_926 = tpu.memref_squeeze %dma_wait3A_925 : memref<1x128xi32, #tpu.memory_space<vmem>> -> memref<128xi32, #tpu.memory_space<vmem>>
      %dma_wait3A_927 = arith.constant 0 : i32
      %dma_wait3A_928 = arith.constant 0 : i32
      %dma_wait3A_929 = tpu.memref_slice %arg2[%dma_wait3A_927, %dma_wait3A_928] : memref<10240x64xf32, #tpu.memory_space<hbm>> -> memref<10240x64xf32, #tpu.memory_space<hbm>>
      tpu.wait_indirect_dma semaphore(%arg12 : memref<!tpu.dma_semaphore, #tpu.memory_space<semaphore_mem>>) src(%dma_wait3A_929 : memref<10240x64xf32, #tpu.memory_space<hbm>>) dst(%dma_wait3A_923 : memref<128x64xf32, #tpu.memory_space<vmem>>)
      %mul3A_930 = arith.constant 2 : i32
      %mul3A_931 = arith.muli %add3A_903, %mul3A_930 : i32
      %add3A_932 = arith.constant 0 : i32
      %add3A_933 = arith.addi %mul3A_931, %add3A_932 : i32
      %dma_start3A_934 = arith.constant 1 : i32
      %dma_start3A_935 = arith.constant 0 : i32
      %dma_start3A_936 = arith.constant 0 : i32
      %dma_start3A_937 = arith.constant 0 : i32
      %dma_start3A_938 = tpu.memref_slice %arg8[%dma_start3A_934, %dma_start3A_935, %dma_start3A_936, %dma_start3A_937] : memref<2x2x128x64xf32, #tpu.memory_space<vmem>> -> memref<1x1x128x64xf32, #tpu.memory_space<vmem>>
      %dma_start3A_939 = tpu.memref_squeeze %dma_start3A_938 : memref<1x1x128x64xf32, #tpu.memory_space<vmem>> -> memref<128x64xf32, #tpu.memory_space<vmem>>
      %dma_start3A_940 = arith.constant 0 : i32
      %dma_start3A_941 = tpu.memref_slice %arg7[%add3A_933, %dma_start3A_940] : memref<148x128xi32, #tpu.memory_space<vmem>> -> memref<1x128xi32, #tpu.memory_space<vmem>>
      %dma_start3A_942 = tpu.memref_squeeze %dma_start3A_941 : memref<1x128xi32, #tpu.memory_space<vmem>> -> memref<128xi32, #tpu.memory_space<vmem>>
      %dma_start3A_943 = arith.constant 0 : i32
      %dma_start3A_944 = arith.constant 0 : i32
      %dma_start3A_945 = tpu.memref_slice %arg10[%dma_start3A_943, %dma_start3A_944] : memref<10240x64xf32, #tpu.memory_space<vmem_shared>> -> memref<10240x64xf32, #tpu.memory_space<vmem_shared>>
      tpu.enqueue_indirect_dma source(%dma_start3A_939 : memref<128x64xf32, #tpu.memory_space<vmem>>) target(%dma_start3A_945 : memref<10240x64xf32, #tpu.memory_space<vmem_shared>>) offsets(%dma_start3A_942 : memref<128xi32, #tpu.memory_space<vmem>>) semaphore(%arg14 : memref<!tpu.dma_semaphore, #tpu.memory_space<semaphore_mem>>) {add = true}
      %mul3A_946 = arith.constant 2 : i32
      %mul3A_947 = arith.muli %add3A_903, %mul3A_946 : i32
      %add3A_948 = arith.constant 1 : i32
      %add3A_949 = arith.addi %mul3A_947, %add3A_948 : i32
      %dma_start3A_950 = arith.constant 1 : i32
      %dma_start3A_951 = arith.constant 1 : i32
      %dma_start3A_952 = arith.constant 0 : i32
      %dma_start3A_953 = arith.constant 0 : i32
      %dma_start3A_954 = tpu.memref_slice %arg8[%dma_start3A_950, %dma_start3A_951, %dma_start3A_952, %dma_start3A_953] : memref<2x2x128x64xf32, #tpu.memory_space<vmem>> -> memref<1x1x128x64xf32, #tpu.memory_space<vmem>>
      %dma_start3A_955 = tpu.memref_squeeze %dma_start3A_954 : memref<1x1x128x64xf32, #tpu.memory_space<vmem>> -> memref<128x64xf32, #tpu.memory_space<vmem>>
      %dma_start3A_956 = arith.constant 0 : i32
      %dma_start3A_957 = tpu.memref_slice %arg7[%add3A_949, %dma_start3A_956] : memref<148x128xi32, #tpu.memory_space<vmem>> -> memref<1x128xi32, #tpu.memory_space<vmem>>
      %dma_start3A_958 = tpu.memref_squeeze %dma_start3A_957 : memref<1x128xi32, #tpu.memory_space<vmem>> -> memref<128xi32, #tpu.memory_space<vmem>>
      %dma_start3A_959 = arith.constant 0 : i32
      %dma_start3A_960 = arith.constant 0 : i32
      %dma_start3A_961 = tpu.memref_slice %arg10[%dma_start3A_959, %dma_start3A_960] : memref<10240x64xf32, #tpu.memory_space<vmem_shared>> -> memref<10240x64xf32, #tpu.memory_space<vmem_shared>>
      tpu.enqueue_indirect_dma source(%dma_start3A_955 : memref<128x64xf32, #tpu.memory_space<vmem>>) target(%dma_start3A_961 : memref<10240x64xf32, #tpu.memory_space<vmem_shared>>) offsets(%dma_start3A_958 : memref<128xi32, #tpu.memory_space<vmem>>) semaphore(%arg14 : memref<!tpu.dma_semaphore, #tpu.memory_space<semaphore_mem>>) {add = true}
      %dma_wait3A_962 = arith.constant 1 : i32
      %dma_wait3A_963 = arith.constant 0 : i32
      %dma_wait3A_964 = arith.constant 0 : i32
      %dma_wait3A_965 = arith.constant 0 : i32
      %dma_wait3A_966 = arith.constant 0 : i32
      %dma_wait3A_967 = tpu.memref_slice %arg8[%dma_wait3A_962, %dma_wait3A_963, %dma_wait3A_965, %dma_wait3A_966] : memref<2x2x128x64xf32, #tpu.memory_space<vmem>> -> memref<1x1x128x64xf32, #tpu.memory_space<vmem>>
      %dma_wait3A_968 = tpu.memref_squeeze %dma_wait3A_967 : memref<1x1x128x64xf32, #tpu.memory_space<vmem>> -> memref<128x64xf32, #tpu.memory_space<vmem>>
      %dma_wait3A_969 = arith.constant 0 : i32
      %dma_wait3A_970 = tpu.memref_slice %arg7[%dma_wait3A_964, %dma_wait3A_969] : memref<148x128xi32, #tpu.memory_space<vmem>> -> memref<1x128xi32, #tpu.memory_space<vmem>>
      %dma_wait3A_971 = tpu.memref_squeeze %dma_wait3A_970 : memref<1x128xi32, #tpu.memory_space<vmem>> -> memref<128xi32, #tpu.memory_space<vmem>>
      %dma_wait3A_972 = arith.constant 0 : i32
      %dma_wait3A_973 = arith.constant 0 : i32
      %dma_wait3A_974 = tpu.memref_slice %arg10[%dma_wait3A_972, %dma_wait3A_973] : memref<10240x64xf32, #tpu.memory_space<vmem_shared>> -> memref<10240x64xf32, #tpu.memory_space<vmem_shared>>
      tpu.wait_indirect_dma semaphore(%arg14 : memref<!tpu.dma_semaphore, #tpu.memory_space<semaphore_mem>>) src(%dma_wait3A_968 : memref<128x64xf32, #tpu.memory_space<vmem>>) dst(%dma_wait3A_974 : memref<10240x64xf32, #tpu.memory_space<vmem_shared>>)
      %dma_wait3A_975 = arith.constant 1 : i32
      %dma_wait3A_976 = arith.constant 1 : i32
      %dma_wait3A_977 = arith.constant 0 : i32
      %dma_wait3A_978 = arith.constant 0 : i32
      %dma_wait3A_979 = arith.constant 0 : i32
      %dma_wait3A_980 = tpu.memref_slice %arg8[%dma_wait3A_975, %dma_wait3A_976, %dma_wait3A_978, %dma_wait3A_979] : memref<2x2x128x64xf32, #tpu.memory_space<vmem>> -> memref<1x1x128x64xf32, #tpu.memory_space<vmem>>
      %dma_wait3A_981 = tpu.memref_squeeze %dma_wait3A_980 : memref<1x1x128x64xf32, #tpu.memory_space<vmem>> -> memref<128x64xf32, #tpu.memory_space<vmem>>
      %dma_wait3A_982 = arith.constant 0 : i32
      %dma_wait3A_983 = tpu.memref_slice %arg7[%dma_wait3A_977, %dma_wait3A_982] : memref<148x128xi32, #tpu.memory_space<vmem>> -> memref<1x128xi32, #tpu.memory_space<vmem>>
      %dma_wait3A_984 = tpu.memref_squeeze %dma_wait3A_983 : memref<1x128xi32, #tpu.memory_space<vmem>> -> memref<128xi32, #tpu.memory_space<vmem>>
      %dma_wait3A_985 = arith.constant 0 : i32
      %dma_wait3A_986 = arith.constant 0 : i32
      %dma_wait3A_987 = tpu.memref_slice %arg10[%dma_wait3A_985, %dma_wait3A_986] : memref<10240x64xf32, #tpu.memory_space<vmem_shared>> -> memref<10240x64xf32, #tpu.memory_space<vmem_shared>>
      tpu.wait_indirect_dma semaphore(%arg14 : memref<!tpu.dma_semaphore, #tpu.memory_space<semaphore_mem>>) src(%dma_wait3A_981 : memref<128x64xf32, #tpu.memory_space<vmem>>) dst(%dma_wait3A_987 : memref<10240x64xf32, #tpu.memory_space<vmem_shared>>)
      %add3A_988 = arith.constant 2 : i32
      %add3A_989 = arith.addi %add3A_903, %add3A_988 : i32
      %mul3A_990 = arith.constant 2 : i32
      %mul3A_991 = arith.muli %add3A_989, %mul3A_990 : i32
      %add3A_992 = arith.constant 0 : i32
      %add3A_993 = arith.addi %mul3A_991, %add3A_992 : i32
      %dma_start3A_994 = arith.constant 1 : i32
      %dma_start3A_995 = arith.constant 0 : i32
      %dma_start3A_996 = arith.constant 0 : i32
      %dma_start3A_997 = arith.constant 0 : i32
      %dma_start3A_998 = tpu.memref_slice %arg8[%dma_start3A_994, %dma_start3A_995, %dma_start3A_996, %dma_start3A_997] : memref<2x2x128x64xf32, #tpu.memory_space<vmem>> -> memref<1x1x128x64xf32, #tpu.memory_space<vmem>>
      %dma_start3A_999 = tpu.memref_squeeze %dma_start3A_998 : memref<1x1x128x64xf32, #tpu.memory_space<vmem>> -> memref<128x64xf32, #tpu.memory_space<vmem>>
      %dma_start3A_1000 = arith.constant 0 : i32
      %dma_start3A_1001 = tpu.memref_slice %arg6[%add3A_993, %dma_start3A_1000] : memref<148x128xi32, #tpu.memory_space<vmem>> -> memref<1x128xi32, #tpu.memory_space<vmem>>
      %dma_start3A_1002 = tpu.memref_squeeze %dma_start3A_1001 : memref<1x128xi32, #tpu.memory_space<vmem>> -> memref<128xi32, #tpu.memory_space<vmem>>
      %dma_start3A_1003 = arith.constant 0 : i32
      %dma_start3A_1004 = arith.constant 0 : i32
      %dma_start3A_1005 = tpu.memref_slice %arg2[%dma_start3A_1003, %dma_start3A_1004] : memref<10240x64xf32, #tpu.memory_space<hbm>> -> memref<10240x64xf32, #tpu.memory_space<hbm>>
      tpu.enqueue_indirect_dma source(%dma_start3A_1005 : memref<10240x64xf32, #tpu.memory_space<hbm>>) target(%dma_start3A_999 : memref<128x64xf32, #tpu.memory_space<vmem>>) offsets(%dma_start3A_1002 : memref<128xi32, #tpu.memory_space<vmem>>) semaphore(%arg12 : memref<!tpu.dma_semaphore, #tpu.memory_space<semaphore_mem>>)
      %mul3A_1006 = arith.constant 2 : i32
      %mul3A_1007 = arith.muli %add3A_989, %mul3A_1006 : i32
      %add3A_1008 = arith.constant 1 : i32
      %add3A_1009 = arith.addi %mul3A_1007, %add3A_1008 : i32
      %dma_start3A_1010 = arith.constant 1 : i32
      %dma_start3A_1011 = arith.constant 1 : i32
      %dma_start3A_1012 = arith.constant 0 : i32
      %dma_start3A_1013 = arith.constant 0 : i32
      %dma_start3A_1014 = tpu.memref_slice %arg8[%dma_start3A_1010, %dma_start3A_1011, %dma_start3A_1012, %dma_start3A_1013] : memref<2x2x128x64xf32, #tpu.memory_space<vmem>> -> memref<1x1x128x64xf32, #tpu.memory_space<vmem>>
      %dma_start3A_1015 = tpu.memref_squeeze %dma_start3A_1014 : memref<1x1x128x64xf32, #tpu.memory_space<vmem>> -> memref<128x64xf32, #tpu.memory_space<vmem>>
      %dma_start3A_1016 = arith.constant 0 : i32
      %dma_start3A_1017 = tpu.memref_slice %arg6[%add3A_1009, %dma_start3A_1016] : memref<148x128xi32, #tpu.memory_space<vmem>> -> memref<1x128xi32, #tpu.memory_space<vmem>>
      %dma_start3A_1018 = tpu.memref_squeeze %dma_start3A_1017 : memref<1x128xi32, #tpu.memory_space<vmem>> -> memref<128xi32, #tpu.memory_space<vmem>>
      %dma_start3A_1019 = arith.constant 0 : i32
      %dma_start3A_1020 = arith.constant 0 : i32
      %dma_start3A_1021 = tpu.memref_slice %arg2[%dma_start3A_1019, %dma_start3A_1020] : memref<10240x64xf32, #tpu.memory_space<hbm>> -> memref<10240x64xf32, #tpu.memory_space<hbm>>
      tpu.enqueue_indirect_dma source(%dma_start3A_1021 : memref<10240x64xf32, #tpu.memory_space<hbm>>) target(%dma_start3A_1015 : memref<128x64xf32, #tpu.memory_space<vmem>>) offsets(%dma_start3A_1018 : memref<128xi32, #tpu.memory_space<vmem>>) semaphore(%arg12 : memref<!tpu.dma_semaphore, #tpu.memory_space<semaphore_mem>>)
    }
    %sub3A_605 = arith.constant 2 : i32
    %sub3A_606 = arith.subi %select_n3A, %sub3A_605 : i32
    %dma_wait3A = arith.constant 0 : i32
    %dma_wait3A_607 = arith.constant 0 : i32
    %dma_wait3A_608 = arith.constant 0 : i32
    %dma_wait3A_609 = arith.constant 0 : i32
    %dma_wait3A_610 = arith.constant 0 : i32
    %dma_wait3A_611 = tpu.memref_slice %arg8[%dma_wait3A_607, %dma_wait3A_608, %dma_wait3A_609, %dma_wait3A_610] : memref<2x2x128x64xf32, #tpu.memory_space<vmem>> -> memref<1x1x128x64xf32, #tpu.memory_space<vmem>>
    %dma_wait3A_612 = tpu.memref_squeeze %dma_wait3A_611 : memref<1x1x128x64xf32, #tpu.memory_space<vmem>> -> memref<128x64xf32, #tpu.memory_space<vmem>>
    %dma_wait3A_613 = arith.constant 0 : i32
    %dma_wait3A_614 = tpu.memref_slice %arg6[%dma_wait3A, %dma_wait3A_613] : memref<148x128xi32, #tpu.memory_space<vmem>> -> memref<1x128xi32, #tpu.memory_space<vmem>>
    %dma_wait3A_615 = tpu.memref_squeeze %dma_wait3A_614 : memref<1x128xi32, #tpu.memory_space<vmem>> -> memref<128xi32, #tpu.memory_space<vmem>>
    %dma_wait3A_616 = arith.constant 0 : i32
    %dma_wait3A_617 = arith.constant 0 : i32
    %dma_wait3A_618 = tpu.memref_slice %arg2[%dma_wait3A_616, %dma_wait3A_617] : memref<10240x64xf32, #tpu.memory_space<hbm>> -> memref<10240x64xf32, #tpu.memory_space<hbm>>
    tpu.wait_indirect_dma semaphore(%arg11 : memref<!tpu.dma_semaphore, #tpu.memory_space<semaphore_mem>>) src(%dma_wait3A_618 : memref<10240x64xf32, #tpu.memory_space<hbm>>) dst(%dma_wait3A_612 : memref<128x64xf32, #tpu.memory_space<vmem>>)
    %dma_wait3A_619 = arith.constant 0 : i32
    %dma_wait3A_620 = arith.constant 0 : i32
    %dma_wait3A_621 = arith.constant 1 : i32
    %dma_wait3A_622 = arith.constant 0 : i32
    %dma_wait3A_623 = arith.constant 0 : i32
    %dma_wait3A_624 = tpu.memref_slice %arg8[%dma_wait3A_620, %dma_wait3A_621, %dma_wait3A_622, %dma_wait3A_623] : memref<2x2x128x64xf32, #tpu.memory_space<vmem>> -> memref<1x1x128x64xf32, #tpu.memory_space<vmem>>
    %dma_wait3A_625 = tpu.memref_squeeze %dma_wait3A_624 : memref<1x1x128x64xf32, #tpu.memory_space<vmem>> -> memref<128x64xf32, #tpu.memory_space<vmem>>
    %dma_wait3A_626 = arith.constant 0 : i32
    %dma_wait3A_627 = tpu.memref_slice %arg6[%dma_wait3A_619, %dma_wait3A_626] : memref<148x128xi32, #tpu.memory_space<vmem>> -> memref<1x128xi32, #tpu.memory_space<vmem>>
    %dma_wait3A_628 = tpu.memref_squeeze %dma_wait3A_627 : memref<1x128xi32, #tpu.memory_space<vmem>> -> memref<128xi32, #tpu.memory_space<vmem>>
    %dma_wait3A_629 = arith.constant 0 : i32
    %dma_wait3A_630 = arith.constant 0 : i32
    %dma_wait3A_631 = tpu.memref_slice %arg2[%dma_wait3A_629, %dma_wait3A_630] : memref<10240x64xf32, #tpu.memory_space<hbm>> -> memref<10240x64xf32, #tpu.memory_space<hbm>>
    tpu.wait_indirect_dma semaphore(%arg11 : memref<!tpu.dma_semaphore, #tpu.memory_space<semaphore_mem>>) src(%dma_wait3A_631 : memref<10240x64xf32, #tpu.memory_space<hbm>>) dst(%dma_wait3A_625 : memref<128x64xf32, #tpu.memory_space<vmem>>)
    %mul3A = arith.constant 2 : i32
    %mul3A_632 = arith.muli %sub3A_606, %mul3A : i32
    %add3A = arith.constant 0 : i32
    %add3A_633 = arith.addi %mul3A_632, %add3A : i32
    %dma_start3A_634 = arith.constant 0 : i32
    %dma_start3A_635 = arith.constant 0 : i32
    %dma_start3A_636 = arith.constant 0 : i32
    %dma_start3A_637 = arith.constant 0 : i32
    %dma_start3A_638 = tpu.memref_slice %arg8[%dma_start3A_634, %dma_start3A_635, %dma_start3A_636, %dma_start3A_637] : memref<2x2x128x64xf32, #tpu.memory_space<vmem>> -> memref<1x1x128x64xf32, #tpu.memory_space<vmem>>
    %dma_start3A_639 = tpu.memref_squeeze %dma_start3A_638 : memref<1x1x128x64xf32, #tpu.memory_space<vmem>> -> memref<128x64xf32, #tpu.memory_space<vmem>>
    %dma_start3A_640 = arith.constant 0 : i32
    %dma_start3A_641 = tpu.memref_slice %arg7[%add3A_633, %dma_start3A_640] : memref<148x128xi32, #tpu.memory_space<vmem>> -> memref<1x128xi32, #tpu.memory_space<vmem>>
    %dma_start3A_642 = tpu.memref_squeeze %dma_start3A_641 : memref<1x128xi32, #tpu.memory_space<vmem>> -> memref<128xi32, #tpu.memory_space<vmem>>
    %dma_start3A_643 = arith.constant 0 : i32
    %dma_start3A_644 = arith.constant 0 : i32
    %dma_start3A_645 = tpu.memref_slice %arg10[%dma_start3A_643, %dma_start3A_644] : memref<10240x64xf32, #tpu.memory_space<vmem_shared>> -> memref<10240x64xf32, #tpu.memory_space<vmem_shared>>
    tpu.enqueue_indirect_dma source(%dma_start3A_639 : memref<128x64xf32, #tpu.memory_space<vmem>>) target(%dma_start3A_645 : memref<10240x64xf32, #tpu.memory_space<vmem_shared>>) offsets(%dma_start3A_642 : memref<128xi32, #tpu.memory_space<vmem>>) semaphore(%arg13 : memref<!tpu.dma_semaphore, #tpu.memory_space<semaphore_mem>>) {add = true}
    %mul3A_646 = arith.constant 2 : i32
    %mul3A_647 = arith.muli %sub3A_606, %mul3A_646 : i32
    %add3A_648 = arith.constant 1 : i32
    %add3A_649 = arith.addi %mul3A_647, %add3A_648 : i32
    %dma_start3A_650 = arith.constant 0 : i32
    %dma_start3A_651 = arith.constant 1 : i32
    %dma_start3A_652 = arith.constant 0 : i32
    %dma_start3A_653 = arith.constant 0 : i32
    %dma_start3A_654 = tpu.memref_slice %arg8[%dma_start3A_650, %dma_start3A_651, %dma_start3A_652, %dma_start3A_653] : memref<2x2x128x64xf32, #tpu.memory_space<vmem>> -> memref<1x1x128x64xf32, #tpu.memory_space<vmem>>
    %dma_start3A_655 = tpu.memref_squeeze %dma_start3A_654 : memref<1x1x128x64xf32, #tpu.memory_space<vmem>> -> memref<128x64xf32, #tpu.memory_space<vmem>>
    %dma_start3A_656 = arith.constant 0 : i32
    %dma_start3A_657 = tpu.memref_slice %arg7[%add3A_649, %dma_start3A_656] : memref<148x128xi32, #tpu.memory_space<vmem>> -> memref<1x128xi32, #tpu.memory_space<vmem>>
    %dma_start3A_658 = tpu.memref_squeeze %dma_start3A_657 : memref<1x128xi32, #tpu.memory_space<vmem>> -> memref<128xi32, #tpu.memory_space<vmem>>
    %dma_start3A_659 = arith.constant 0 : i32
    %dma_start3A_660 = arith.constant 0 : i32
    %dma_start3A_661 = tpu.memref_slice %arg10[%dma_start3A_659, %dma_start3A_660] : memref<10240x64xf32, #tpu.memory_space<vmem_shared>> -> memref<10240x64xf32, #tpu.memory_space<vmem_shared>>
    tpu.enqueue_indirect_dma source(%dma_start3A_655 : memref<128x64xf32, #tpu.memory_space<vmem>>) target(%dma_start3A_661 : memref<10240x64xf32, #tpu.memory_space<vmem_shared>>) offsets(%dma_start3A_658 : memref<128xi32, #tpu.memory_space<vmem>>) semaphore(%arg13 : memref<!tpu.dma_semaphore, #tpu.memory_space<semaphore_mem>>) {add = true}
    %dma_wait3A_662 = arith.constant 0 : i32
    %dma_wait3A_663 = arith.constant 0 : i32
    %dma_wait3A_664 = arith.constant 0 : i32
    %dma_wait3A_665 = arith.constant 0 : i32
    %dma_wait3A_666 = arith.constant 0 : i32
    %dma_wait3A_667 = tpu.memref_slice %arg8[%dma_wait3A_662, %dma_wait3A_663, %dma_wait3A_665, %dma_wait3A_666] : memref<2x2x128x64xf32, #tpu.memory_space<vmem>> -> memref<1x1x128x64xf32, #tpu.memory_space<vmem>>
    %dma_wait3A_668 = tpu.memref_squeeze %dma_wait3A_667 : memref<1x1x128x64xf32, #tpu.memory_space<vmem>> -> memref<128x64xf32, #tpu.memory_space<vmem>>
    %dma_wait3A_669 = arith.constant 0 : i32
    %dma_wait3A_670 = tpu.memref_slice %arg7[%dma_wait3A_664, %dma_wait3A_669] : memref<148x128xi32, #tpu.memory_space<vmem>> -> memref<1x128xi32, #tpu.memory_space<vmem>>
    %dma_wait3A_671 = tpu.memref_squeeze %dma_wait3A_670 : memref<1x128xi32, #tpu.memory_space<vmem>> -> memref<128xi32, #tpu.memory_space<vmem>>
    %dma_wait3A_672 = arith.constant 0 : i32
    %dma_wait3A_673 = arith.constant 0 : i32
    %dma_wait3A_674 = tpu.memref_slice %arg10[%dma_wait3A_672, %dma_wait3A_673] : memref<10240x64xf32, #tpu.memory_space<vmem_shared>> -> memref<10240x64xf32, #tpu.memory_space<vmem_shared>>
    tpu.wait_indirect_dma semaphore(%arg13 : memref<!tpu.dma_semaphore, #tpu.memory_space<semaphore_mem>>) src(%dma_wait3A_668 : memref<128x64xf32, #tpu.memory_space<vmem>>) dst(%dma_wait3A_674 : memref<10240x64xf32, #tpu.memory_space<vmem_shared>>)
    %dma_wait3A_675 = arith.constant 0 : i32
    %dma_wait3A_676 = arith.constant 1 : i32
    %dma_wait3A_677 = arith.constant 0 : i32
    %dma_wait3A_678 = arith.constant 0 : i32
    %dma_wait3A_679 = arith.constant 0 : i32
    %dma_wait3A_680 = tpu.memref_slice %arg8[%dma_wait3A_675, %dma_wait3A_676, %dma_wait3A_678, %dma_wait3A_679] : memref<2x2x128x64xf32, #tpu.memory_space<vmem>> -> memref<1x1x128x64xf32, #tpu.memory_space<vmem>>
    %dma_wait3A_681 = tpu.memref_squeeze %dma_wait3A_680 : memref<1x1x128x64xf32, #tpu.memory_space<vmem>> -> memref<128x64xf32, #tpu.memory_space<vmem>>
    %dma_wait3A_682 = arith.constant 0 : i32
    %dma_wait3A_683 = tpu.memref_slice %arg7[%dma_wait3A_677, %dma_wait3A_682] : memref<148x128xi32, #tpu.memory_space<vmem>> -> memref<1x128xi32, #tpu.memory_space<vmem>>
    %dma_wait3A_684 = tpu.memref_squeeze %dma_wait3A_683 : memref<1x128xi32, #tpu.memory_space<vmem>> -> memref<128xi32, #tpu.memory_space<vmem>>
    %dma_wait3A_685 = arith.constant 0 : i32
    %dma_wait3A_686 = arith.constant 0 : i32
    %dma_wait3A_687 = tpu.memref_slice %arg10[%dma_wait3A_685, %dma_wait3A_686] : memref<10240x64xf32, #tpu.memory_space<vmem_shared>> -> memref<10240x64xf32, #tpu.memory_space<vmem_shared>>
    tpu.wait_indirect_dma semaphore(%arg13 : memref<!tpu.dma_semaphore, #tpu.memory_space<semaphore_mem>>) src(%dma_wait3A_681 : memref<128x64xf32, #tpu.memory_space<vmem>>) dst(%dma_wait3A_687 : memref<10240x64xf32, #tpu.memory_space<vmem_shared>>)
    %sub3A_688 = arith.constant 1 : i32
    %sub3A_689 = arith.subi %select_n3A, %sub3A_688 : i32
    %dma_wait3A_690 = arith.constant 0 : i32
    %dma_wait3A_691 = arith.constant 1 : i32
    %dma_wait3A_692 = arith.constant 0 : i32
    %dma_wait3A_693 = arith.constant 0 : i32
    %dma_wait3A_694 = arith.constant 0 : i32
    %dma_wait3A_695 = tpu.memref_slice %arg8[%dma_wait3A_691, %dma_wait3A_692, %dma_wait3A_693, %dma_wait3A_694] : memref<2x2x128x64xf32, #tpu.memory_space<vmem>> -> memref<1x1x128x64xf32, #tpu.memory_space<vmem>>
    %dma_wait3A_696 = tpu.memref_squeeze %dma_wait3A_695 : memref<1x1x128x64xf32, #tpu.memory_space<vmem>> -> memref<128x64xf32, #tpu.memory_space<vmem>>
    %dma_wait3A_697 = arith.constant 0 : i32
    %dma_wait3A_698 = tpu.memref_slice %arg6[%dma_wait3A_690, %dma_wait3A_697] : memref<148x128xi32, #tpu.memory_space<vmem>> -> memref<1x128xi32, #tpu.memory_space<vmem>>
    %dma_wait3A_699 = tpu.memref_squeeze %dma_wait3A_698 : memref<1x128xi32, #tpu.memory_space<vmem>> -> memref<128xi32, #tpu.memory_space<vmem>>
    %dma_wait3A_700 = arith.constant 0 : i32
    %dma_wait3A_701 = arith.constant 0 : i32
    %dma_wait3A_702 = tpu.memref_slice %arg2[%dma_wait3A_700, %dma_wait3A_701] : memref<10240x64xf32, #tpu.memory_space<hbm>> -> memref<10240x64xf32, #tpu.memory_space<hbm>>
    tpu.wait_indirect_dma semaphore(%arg12 : memref<!tpu.dma_semaphore, #tpu.memory_space<semaphore_mem>>) src(%dma_wait3A_702 : memref<10240x64xf32, #tpu.memory_space<hbm>>) dst(%dma_wait3A_696 : memref<128x64xf32, #tpu.memory_space<vmem>>)
    %dma_wait3A_703 = arith.constant 0 : i32
    %dma_wait3A_704 = arith.constant 1 : i32
    %dma_wait3A_705 = arith.constant 1 : i32
    %dma_wait3A_706 = arith.constant 0 : i32
    %dma_wait3A_707 = arith.constant 0 : i32
    %dma_wait3A_708 = tpu.memref_slice %arg8[%dma_wait3A_704, %dma_wait3A_705, %dma_wait3A_706, %dma_wait3A_707] : memref<2x2x128x64xf32, #tpu.memory_space<vmem>> -> memref<1x1x128x64xf32, #tpu.memory_space<vmem>>
    %dma_wait3A_709 = tpu.memref_squeeze %dma_wait3A_708 : memref<1x1x128x64xf32, #tpu.memory_space<vmem>> -> memref<128x64xf32, #tpu.memory_space<vmem>>
    %dma_wait3A_710 = arith.constant 0 : i32
    %dma_wait3A_711 = tpu.memref_slice %arg6[%dma_wait3A_703, %dma_wait3A_710] : memref<148x128xi32, #tpu.memory_space<vmem>> -> memref<1x128xi32, #tpu.memory_space<vmem>>
    %dma_wait3A_712 = tpu.memref_squeeze %dma_wait3A_711 : memref<1x128xi32, #tpu.memory_space<vmem>> -> memref<128xi32, #tpu.memory_space<vmem>>
    %dma_wait3A_713 = arith.constant 0 : i32
    %dma_wait3A_714 = arith.constant 0 : i32
    %dma_wait3A_715 = tpu.memref_slice %arg2[%dma_wait3A_713, %dma_wait3A_714] : memref<10240x64xf32, #tpu.memory_space<hbm>> -> memref<10240x64xf32, #tpu.memory_space<hbm>>
    tpu.wait_indirect_dma semaphore(%arg12 : memref<!tpu.dma_semaphore, #tpu.memory_space<semaphore_mem>>) src(%dma_wait3A_715 : memref<10240x64xf32, #tpu.memory_space<hbm>>) dst(%dma_wait3A_709 : memref<128x64xf32, #tpu.memory_space<vmem>>)
    %mul3A_716 = arith.constant 2 : i32
    %mul3A_717 = arith.muli %sub3A_689, %mul3A_716 : i32
    %add3A_718 = arith.constant 0 : i32
    %add3A_719 = arith.addi %mul3A_717, %add3A_718 : i32
    %dma_start3A_720 = arith.constant 1 : i32
    %dma_start3A_721 = arith.constant 0 : i32
    %dma_start3A_722 = arith.constant 0 : i32
    %dma_start3A_723 = arith.constant 0 : i32
    %dma_start3A_724 = tpu.memref_slice %arg8[%dma_start3A_720, %dma_start3A_721, %dma_start3A_722, %dma_start3A_723] : memref<2x2x128x64xf32, #tpu.memory_space<vmem>> -> memref<1x1x128x64xf32, #tpu.memory_space<vmem>>
    %dma_start3A_725 = tpu.memref_squeeze %dma_start3A_724 : memref<1x1x128x64xf32, #tpu.memory_space<vmem>> -> memref<128x64xf32, #tpu.memory_space<vmem>>
    %dma_start3A_726 = arith.constant 0 : i32
    %dma_start3A_727 = tpu.memref_slice %arg7[%add3A_719, %dma_start3A_726] : memref<148x128xi32, #tpu.memory_space<vmem>> -> memref<1x128xi32, #tpu.memory_space<vmem>>
    %dma_start3A_728 = tpu.memref_squeeze %dma_start3A_727 : memref<1x128xi32, #tpu.memory_space<vmem>> -> memref<128xi32, #tpu.memory_space<vmem>>
    %dma_start3A_729 = arith.constant 0 : i32
    %dma_start3A_730 = arith.constant 0 : i32
    %dma_start3A_731 = tpu.memref_slice %arg10[%dma_start3A_729, %dma_start3A_730] : memref<10240x64xf32, #tpu.memory_space<vmem_shared>> -> memref<10240x64xf32, #tpu.memory_space<vmem_shared>>
    tpu.enqueue_indirect_dma source(%dma_start3A_725 : memref<128x64xf32, #tpu.memory_space<vmem>>) target(%dma_start3A_731 : memref<10240x64xf32, #tpu.memory_space<vmem_shared>>) offsets(%dma_start3A_728 : memref<128xi32, #tpu.memory_space<vmem>>) semaphore(%arg14 : memref<!tpu.dma_semaphore, #tpu.memory_space<semaphore_mem>>) {add = true}
    %mul3A_732 = arith.constant 2 : i32
    %mul3A_733 = arith.muli %sub3A_689, %mul3A_732 : i32
    %add3A_734 = arith.constant 1 : i32
    %add3A_735 = arith.addi %mul3A_733, %add3A_734 : i32
    %dma_start3A_736 = arith.constant 1 : i32
    %dma_start3A_737 = arith.constant 1 : i32
    %dma_start3A_738 = arith.constant 0 : i32
    %dma_start3A_739 = arith.constant 0 : i32
    %dma_start3A_740 = tpu.memref_slice %arg8[%dma_start3A_736, %dma_start3A_737, %dma_start3A_738, %dma_start3A_739] : memref<2x2x128x64xf32, #tpu.memory_space<vmem>> -> memref<1x1x128x64xf32, #tpu.memory_space<vmem>>
    %dma_start3A_741 = tpu.memref_squeeze %dma_start3A_740 : memref<1x1x128x64xf32, #tpu.memory_space<vmem>> -> memref<128x64xf32, #tpu.memory_space<vmem>>
    %dma_start3A_742 = arith.constant 0 : i32
    %dma_start3A_743 = tpu.memref_slice %arg7[%add3A_735, %dma_start3A_742] : memref<148x128xi32, #tpu.memory_space<vmem>> -> memref<1x128xi32, #tpu.memory_space<vmem>>
    %dma_start3A_744 = tpu.memref_squeeze %dma_start3A_743 : memref<1x128xi32, #tpu.memory_space<vmem>> -> memref<128xi32, #tpu.memory_space<vmem>>
    %dma_start3A_745 = arith.constant 0 : i32
    %dma_start3A_746 = arith.constant 0 : i32
    %dma_start3A_747 = tpu.memref_slice %arg10[%dma_start3A_745, %dma_start3A_746] : memref<10240x64xf32, #tpu.memory_space<vmem_shared>> -> memref<10240x64xf32, #tpu.memory_space<vmem_shared>>
    tpu.enqueue_indirect_dma source(%dma_start3A_741 : memref<128x64xf32, #tpu.memory_space<vmem>>) target(%dma_start3A_747 : memref<10240x64xf32, #tpu.memory_space<vmem_shared>>) offsets(%dma_start3A_744 : memref<128xi32, #tpu.memory_space<vmem>>) semaphore(%arg14 : memref<!tpu.dma_semaphore, #tpu.memory_space<semaphore_mem>>) {add = true}
    %dma_wait3A_748 = arith.constant 1 : i32
    %dma_wait3A_749 = arith.constant 0 : i32
    %dma_wait3A_750 = arith.constant 0 : i32
    %dma_wait3A_751 = arith.constant 0 : i32
    %dma_wait3A_752 = arith.constant 0 : i32
    %dma_wait3A_753 = tpu.memref_slice %arg8[%dma_wait3A_748, %dma_wait3A_749, %dma_wait3A_751, %dma_wait3A_752] : memref<2x2x128x64xf32, #tpu.memory_space<vmem>> -> memref<1x1x128x64xf32, #tpu.memory_space<vmem>>
    %dma_wait3A_754 = tpu.memref_squeeze %dma_wait3A_753 : memref<1x1x128x64xf32, #tpu.memory_space<vmem>> -> memref<128x64xf32, #tpu.memory_space<vmem>>
    %dma_wait3A_755 = arith.constant 0 : i32
    %dma_wait3A_756 = tpu.memref_slice %arg7[%dma_wait3A_750, %dma_wait3A_755] : memref<148x128xi32, #tpu.memory_space<vmem>> -> memref<1x128xi32, #tpu.memory_space<vmem>>
    %dma_wait3A_757 = tpu.memref_squeeze %dma_wait3A_756 : memref<1x128xi32, #tpu.memory_space<vmem>> -> memref<128xi32, #tpu.memory_space<vmem>>
    %dma_wait3A_758 = arith.constant 0 : i32
    %dma_wait3A_759 = arith.constant 0 : i32
    %dma_wait3A_760 = tpu.memref_slice %arg10[%dma_wait3A_758, %dma_wait3A_759] : memref<10240x64xf32, #tpu.memory_space<vmem_shared>> -> memref<10240x64xf32, #tpu.memory_space<vmem_shared>>
    tpu.wait_indirect_dma semaphore(%arg14 : memref<!tpu.dma_semaphore, #tpu.memory_space<semaphore_mem>>) src(%dma_wait3A_754 : memref<128x64xf32, #tpu.memory_space<vmem>>) dst(%dma_wait3A_760 : memref<10240x64xf32, #tpu.memory_space<vmem_shared>>)
    %dma_wait3A_761 = arith.constant 1 : i32
    %dma_wait3A_762 = arith.constant 1 : i32
    %dma_wait3A_763 = arith.constant 0 : i32
    %dma_wait3A_764 = arith.constant 0 : i32
    %dma_wait3A_765 = arith.constant 0 : i32
    %dma_wait3A_766 = tpu.memref_slice %arg8[%dma_wait3A_761, %dma_wait3A_762, %dma_wait3A_764, %dma_wait3A_765] : memref<2x2x128x64xf32, #tpu.memory_space<vmem>> -> memref<1x1x128x64xf32, #tpu.memory_space<vmem>>
    %dma_wait3A_767 = tpu.memref_squeeze %dma_wait3A_766 : memref<1x1x128x64xf32, #tpu.memory_space<vmem>> -> memref<128x64xf32, #tpu.memory_space<vmem>>
    %dma_wait3A_768 = arith.constant 0 : i32
    %dma_wait3A_769 = tpu.memref_slice %arg7[%dma_wait3A_763, %dma_wait3A_768] : memref<148x128xi32, #tpu.memory_space<vmem>> -> memref<1x128xi32, #tpu.memory_space<vmem>>
    %dma_wait3A_770 = tpu.memref_squeeze %dma_wait3A_769 : memref<1x128xi32, #tpu.memory_space<vmem>> -> memref<128xi32, #tpu.memory_space<vmem>>
    %dma_wait3A_771 = arith.constant 0 : i32
    %dma_wait3A_772 = arith.constant 0 : i32
    %dma_wait3A_773 = tpu.memref_slice %arg10[%dma_wait3A_771, %dma_wait3A_772] : memref<10240x64xf32, #tpu.memory_space<vmem_shared>> -> memref<10240x64xf32, #tpu.memory_space<vmem_shared>>
    tpu.wait_indirect_dma semaphore(%arg14 : memref<!tpu.dma_semaphore, #tpu.memory_space<semaphore_mem>>) src(%dma_wait3A_767 : memref<128x64xf32, #tpu.memory_space<vmem>>) dst(%dma_wait3A_773 : memref<10240x64xf32, #tpu.memory_space<vmem_shared>>)
    %barrier3A_774 = arith.constant 0 : index
    tpu.barrier barrier_id(%barrier3A_774)
    %mul3A_775 = arith.constant 640 : i32
    %mul3A_776 = arith.muli %arg1, %mul3A_775 : i32
    %mul3A_777 = arith.constant 640 : i32
    %mul3A_778 = arith.muli %arg1, %mul3A_777 : i32
    "tpu.region"() ({
      %run_scoped3A = tpu.sem_alloc : memref<!tpu.dma_semaphore, #tpu.memory_space<semaphore_mem>>
      %dma_start3A_779 = arith.constant 0 : i32
      %dma_start3A_780 = tpu.memref_slice %arg5[%arg0, %mul3A_778, %dma_start3A_779] : memref<2x10240x64xf32, #tpu.memory_space<hbm>> -> memref<1x640x64xf32, #tpu.memory_space<hbm>>
      %dma_start3A_781 = tpu.memref_squeeze %dma_start3A_780 : memref<1x640x64xf32, #tpu.memory_space<hbm>> -> memref<640x64xf32, #tpu.memory_space<hbm>>
      %dma_start3A_782 = arith.constant 0 : i32
      %dma_start3A_783 = tpu.memref_slice %arg10[%mul3A_776, %dma_start3A_782] : memref<10240x64xf32, #tpu.memory_space<vmem_shared>> -> memref<640x64xf32, #tpu.memory_space<vmem_shared>>
      tpu.enqueue_dma source(%dma_start3A_783 : memref<640x64xf32, #tpu.memory_space<vmem_shared>>) target(%dma_start3A_781 : memref<640x64xf32, #tpu.memory_space<hbm>>) target_semaphore(%run_scoped3A : memref<!tpu.dma_semaphore, #tpu.memory_space<semaphore_mem>>)
      %dma_wait3A_784 = arith.constant 0 : i32
      %dma_wait3A_785 = tpu.memref_slice %arg5[%arg0, %mul3A_778, %dma_wait3A_784] : memref<2x10240x64xf32, #tpu.memory_space<hbm>> -> memref<1x640x64xf32, #tpu.memory_space<hbm>>
      %dma_wait3A_786 = tpu.memref_squeeze %dma_wait3A_785 : memref<1x640x64xf32, #tpu.memory_space<hbm>> -> memref<640x64xf32, #tpu.memory_space<hbm>>
      %dma_wait3A_787 = arith.constant 0 : i32
      %dma_wait3A_788 = tpu.memref_slice %arg10[%mul3A_776, %dma_wait3A_787] : memref<10240x64xf32, #tpu.memory_space<vmem_shared>> -> memref<640x64xf32, #tpu.memory_space<vmem_shared>>
      tpu.wait_dma2 semaphore(%run_scoped3A : memref<!tpu.dma_semaphore, #tpu.memory_space<semaphore_mem>>) src(%dma_wait3A_788 : memref<640x64xf32, #tpu.memory_space<vmem_shared>>) dst(%dma_wait3A_786 : memref<640x64xf32, #tpu.memory_space<hbm>>)
      tpu.yield
    }) : () -> ()
    return
  }
}

module attributes {stable_mosaic.version = 14 : i64} {
  func.func @_mm1_body(%arg0: i32, %arg1: memref<1024x128xf32, #tpu.memory_space<vmem>>, %arg2: memref<128x64xf32, #tpu.memory_space<vmem>>, %arg3: memref<1024x2xf32, #tpu.memory_space<vmem>>, %arg4: memref<1024x64xf32, #tpu.memory_space<vmem>>, %arg5: memref<1024x1xf32, #tpu.memory_space<vmem>>) attributes {dimension_semantics = [#tpu.dimension_semantics<arbitrary>], iteration_bounds = array<i64: 10>, scalar_prefetch = 0 : i64, scratch_operands = 0 : i64, tpu.core_type = #tpu.core_type<tc>, window_params = [{transform_indices = @transform_0, window_bounds = array<i64: 1024, 128>}, {pipeline_mode = #tpu.pipeline_mode<synchronous>, transform_indices = @transform_1, window_bounds = array<i64: 128, 64>}, {transform_indices = @transform_2, window_bounds = array<i64: 1024, 2>}, {transform_indices = @transform_3, window_bounds = array<i64: 1024, 64>}, {transform_indices = @transform_4, window_bounds = array<i64: 1024, 1>}]} {
    %get3A = arith.constant 0 : index
    %get3A_0 = arith.constant 0 : index
    %get3A_1 = vector.load %arg3[%get3A, %get3A_0] : memref<1024x2xf32, #tpu.memory_space<vmem>>, vector<1024x1xf32>
    %get3A_2 = arith.constant 0 : index
    %get3A_3 = arith.constant 1 : index
    %get3A_4 = vector.load %arg3[%get3A_2, %get3A_3] : memref<1024x2xf32, #tpu.memory_space<vmem>>, vector<1024x1xf32>
    %add3A = arith.addf %get3A_1, %get3A_4 : vector<1024x1xf32>
    %add3A_5 = arith.constant 1.000000e+00 : f32
    %add3A_6 = vector.broadcast %add3A_5 : f32 to vector<1024x1xf32>
    %add3A_7 = arith.addf %add3A, %add3A_6 : vector<1024x1xf32>
    %rsqrt3A = math.rsqrt %add3A_7 : vector<1024x1xf32>
    %get3A_8 = arith.constant 0 : index
    %get3A_9 = arith.constant 0 : index
    %get3A_10 = vector.load %arg1[%get3A_8, %get3A_9] : memref<1024x128xf32, #tpu.memory_space<vmem>>, vector<1024x128xf32>
    %get3A_11 = arith.constant 0 : index
    %get3A_12 = arith.constant 0 : index
    %get3A_13 = vector.load %arg2[%get3A_11, %get3A_12] : memref<128x64xf32, #tpu.memory_space<vmem>>, vector<128x64xf32>
    %dot_general3A = arith.constant dense<0.000000e+00> : vector<1024x64xf32>
    %dot_general3A_14 = tpu.matmul %get3A_10, %get3A_13, %dot_general3A {dimension_numbers = #tpu.dot_dimension_numbers<[1], [0], [0], [1], [0, 0, 1, 1], [], []>, transpose_lhs_hint = false} : vector<1024x128xf32>, vector<128x64xf32>, vector<1024x64xf32> -> vector<1024x64xf32>
    %mul3A = vector.broadcast %rsqrt3A : vector<1024x1xf32> to vector<1024x64xf32>
    %mul3A_15 = arith.mulf %mul3A, %dot_general3A_14 : vector<1024x64xf32>
    %swap3A = arith.constant 0 : index
    %swap3A_16 = arith.constant 0 : index
    %swap3A_17 = vector.load %arg4[%swap3A, %swap3A_16] : memref<1024x64xf32, #tpu.memory_space<vmem>>, vector<1024x64xf32>
    tpu.vector_store %arg4[%swap3A, %swap3A_16], %mul3A_15 {strides = array<i32>} : memref<1024x64xf32, #tpu.memory_space<vmem>>, vector<1024x64xf32>,
    %swap3A_18 = arith.constant 0 : index
    %swap3A_19 = arith.constant 0 : index
    %swap3A_20 = vector.load %arg5[%swap3A_18, %swap3A_19] : memref<1024x1xf32, #tpu.memory_space<vmem>>, vector<1024x1xf32>
    tpu.vector_store %arg5[%swap3A_18, %swap3A_19], %rsqrt3A {strides = array<i32>} : memref<1024x1xf32, #tpu.memory_space<vmem>>, vector<1024x1xf32>,
    return
  }
  func.func @transform_0(%arg0: i32) -> (i32, i32) {
    %c0_i32 = arith.constant 0 : i32
    %c0_i32_0 = arith.constant 0 : i32
    return %arg0, %c0_i32 : i32, i32
  }
  func.func @transform_1(%arg0: i32) -> (i32, i32) {
    %c0_i32 = arith.constant 0 : i32
    %c0_i32_0 = arith.constant 0 : i32
    %c0_i32_1 = arith.constant 0 : i32
    return %c0_i32, %c0_i32_0 : i32, i32
  }
  func.func @transform_2(%arg0: i32) -> (i32, i32) {
    %c0_i32 = arith.constant 0 : i32
    %c0_i32_0 = arith.constant 0 : i32
    return %arg0, %c0_i32 : i32, i32
  }
  func.func @transform_3(%arg0: i32) -> (i32, i32) {
    %c0_i32 = arith.constant 0 : i32
    %c0_i32_0 = arith.constant 0 : i32
    return %arg0, %c0_i32 : i32, i32
  }
  func.func @transform_4(%arg0: i32) -> (i32, i32) {
    %c0_i32 = arith.constant 0 : i32
    %c0_i32_0 = arith.constant 0 : i32
    return %arg0, %c0_i32 : i32, i32
  }
}

module attributes {stable_mosaic.version = 14 : i64} {
  func.func @_mm2_body(%arg0: i32, %arg1: memref<2x1024x64xf32, #tpu.memory_space<vmem>>, %arg2: memref<1024x64xf32, #tpu.memory_space<vmem>>, %arg3: memref<1024x1xf32, #tpu.memory_space<vmem>>, %arg4: memref<1x64xf32, #tpu.memory_space<vmem>>, %arg5: memref<64x64xf32, #tpu.memory_space<vmem>>, %arg6: memref<1024x64xf32, #tpu.memory_space<vmem>>) attributes {dimension_semantics = [#tpu.dimension_semantics<arbitrary>], iteration_bounds = array<i64: 10>, scalar_prefetch = 0 : i64, scratch_operands = 0 : i64, tpu.core_type = #tpu.core_type<tc>, window_params = [{transform_indices = @transform_0, window_bounds = array<i64: 2, 1024, 64>}, {transform_indices = @transform_1, window_bounds = array<i64: 1024, 64>}, {transform_indices = @transform_2, window_bounds = array<i64: 1024, 1>}, {pipeline_mode = #tpu.pipeline_mode<synchronous>, transform_indices = @transform_3, window_bounds = array<i64: 1, 64>}, {pipeline_mode = #tpu.pipeline_mode<synchronous>, transform_indices = @transform_4, window_bounds = array<i64: 64, 64>}, {transform_indices = @transform_5, window_bounds = array<i64: 1024, 64>}]} {
    %get3A = arith.constant 0 : index
    %get3A_0 = arith.constant 0 : index
    %get3A_1 = vector.load %arg3[%get3A, %get3A_0] : memref<1024x1xf32, #tpu.memory_space<vmem>>, vector<1024x1xf32>
    %get3A_2 = arith.constant 0 : index
    %get3A_3 = arith.constant 0 : index
    %get3A_4 = arith.constant 0 : index
    %get3A_5 = vector.load %arg1[%get3A_2, %get3A_3, %get3A_4] : memref<2x1024x64xf32, #tpu.memory_space<vmem>>, vector<1x1024x64xf32>
    %get3A_6 = vector.shape_cast %get3A_5 : vector<1x1024x64xf32> to vector<1024x64xf32>
    %get3A_7 = arith.constant 1 : index
    %get3A_8 = arith.constant 0 : index
    %get3A_9 = arith.constant 0 : index
    %get3A_10 = vector.load %arg1[%get3A_7, %get3A_8, %get3A_9] : memref<2x1024x64xf32, #tpu.memory_space<vmem>>, vector<1x1024x64xf32>
    %get3A_11 = vector.shape_cast %get3A_10 : vector<1x1024x64xf32> to vector<1024x64xf32>
    %add3A = arith.addf %get3A_6, %get3A_11 : vector<1024x64xf32>
    %get3A_12 = arith.constant 0 : index
    %get3A_13 = arith.constant 0 : index
    %get3A_14 = vector.load %arg2[%get3A_12, %get3A_13] : memref<1024x64xf32, #tpu.memory_space<vmem>>, vector<1024x64xf32>
    %add3A_15 = arith.addf %add3A, %get3A_14 : vector<1024x64xf32>
    %mul3A = vector.broadcast %get3A_1 : vector<1024x1xf32> to vector<1024x64xf32>
    %mul3A_16 = arith.mulf %mul3A, %add3A_15 : vector<1024x64xf32>
    %get3A_17 = arith.constant 0 : index
    %get3A_18 = arith.constant 0 : index
    %get3A_19 = vector.load %arg4[%get3A_17, %get3A_18] : memref<1x64xf32, #tpu.memory_space<vmem>>, vector<1x64xf32>
    %add3A_20 = vector.broadcast %get3A_19 : vector<1x64xf32> to vector<1024x64xf32>
    %add3A_21 = arith.addf %mul3A_16, %add3A_20 : vector<1024x64xf32>
    %max3A = arith.constant 0.000000e+00 : f32
    %max3A_22 = vector.broadcast %max3A : f32 to vector<1024x64xf32>
    %max3A_23 = arith.maximumf %add3A_21, %max3A_22 : vector<1024x64xf32>
    %get3A_24 = arith.constant 0 : index
    %get3A_25 = arith.constant 0 : index
    %get3A_26 = vector.load %arg5[%get3A_24, %get3A_25] : memref<64x64xf32, #tpu.memory_space<vmem>>, vector<64x64xf32>
    %dot_general3A = arith.constant dense<0.000000e+00> : vector<1024x64xf32>
    %dot_general3A_27 = tpu.matmul %max3A_23, %get3A_26, %dot_general3A {dimension_numbers = #tpu.dot_dimension_numbers<[1], [0], [0], [1], [0, 0, 1, 1], [], []>, transpose_lhs_hint = false} : vector<1024x64xf32>, vector<64x64xf32>, vector<1024x64xf32> -> vector<1024x64xf32>
    %mul3A_28 = vector.broadcast %get3A_1 : vector<1024x1xf32> to vector<1024x64xf32>
    %mul3A_29 = arith.mulf %mul3A_28, %dot_general3A_27 : vector<1024x64xf32>
    %swap3A = arith.constant 0 : index
    %swap3A_30 = arith.constant 0 : index
    %swap3A_31 = vector.load %arg6[%swap3A, %swap3A_30] : memref<1024x64xf32, #tpu.memory_space<vmem>>, vector<1024x64xf32>
    tpu.vector_store %arg6[%swap3A, %swap3A_30], %mul3A_29 {strides = array<i32>} : memref<1024x64xf32, #tpu.memory_space<vmem>>, vector<1024x64xf32>,
    return
  }
  func.func @transform_0(%arg0: i32) -> (i32, i32, i32) {
    %c0_i32 = arith.constant 0 : i32
    %c0_i32_0 = arith.constant 0 : i32
    %c0_i32_1 = arith.constant 0 : i32
    return %c0_i32, %arg0, %c0_i32_0 : i32, i32, i32
  }
  func.func @transform_1(%arg0: i32) -> (i32, i32) {
    %c0_i32 = arith.constant 0 : i32
    %c0_i32_0 = arith.constant 0 : i32
    return %arg0, %c0_i32 : i32, i32
  }
  func.func @transform_2(%arg0: i32) -> (i32, i32) {
    %c0_i32 = arith.constant 0 : i32
    %c0_i32_0 = arith.constant 0 : i32
    return %arg0, %c0_i32 : i32, i32
  }
  func.func @transform_3(%arg0: i32) -> (i32, i32) {
    %c0_i32 = arith.constant 0 : i32
    %c0_i32_0 = arith.constant 0 : i32
    %c0_i32_1 = arith.constant 0 : i32
    return %c0_i32, %c0_i32_0 : i32, i32
  }
  func.func @transform_4(%arg0: i32) -> (i32, i32) {
    %c0_i32 = arith.constant 0 : i32
    %c0_i32_0 = arith.constant 0 : i32
    %c0_i32_1 = arith.constant 0 : i32
    return %c0_i32, %c0_i32_0 : i32, i32
  }
  func.func @transform_5(%arg0: i32) -> (i32, i32) {
    %c0_i32 = arith.constant 0 : i32
    %c0_i32_0 = arith.constant 0 : i32
    return %arg0, %c0_i32 : i32, i32
  }
}

module attributes {stable_mosaic.version = 14 : i64} {
  func.func @_pool_body(%arg0: i32, %arg1: memref<2x1024x64xf32, #tpu.memory_space<vmem>>, %arg2: memref<1024x64xf32, #tpu.memory_space<vmem>>, %arg3: memref<1024x1xf32, #tpu.memory_space<vmem>>, %arg4: memref<1x64xf32, #tpu.memory_space<vmem>>, %arg5: memref<1024x1xi32, #tpu.memory_space<vmem>>, %arg6: memref<64x64xf32, #tpu.memory_space<vmem>>, %arg7: memref<64x1xf32, #tpu.memory_space<vmem>>) attributes {dimension_semantics = [#tpu.dimension_semantics<arbitrary>], iteration_bounds = array<i64: 10>, scalar_prefetch = 0 : i64, scratch_operands = 0 : i64, tpu.core_type = #tpu.core_type<tc>, window_params = [{transform_indices = @transform_0, window_bounds = array<i64: 2, 1024, 64>}, {transform_indices = @transform_1, window_bounds = array<i64: 1024, 64>}, {transform_indices = @transform_2, window_bounds = array<i64: 1024, 1>}, {pipeline_mode = #tpu.pipeline_mode<synchronous>, transform_indices = @transform_3, window_bounds = array<i64: 1, 64>}, {transform_indices = @transform_4, window_bounds = array<i64: 1024, 1>}, {pipeline_mode = #tpu.pipeline_mode<synchronous>, transform_indices = @transform_5, window_bounds = array<i64: 64, 64>}, {pipeline_mode = #tpu.pipeline_mode<synchronous>, transform_indices = @transform_6, window_bounds = array<i64: 64, 1>}]} {
    %get3A = arith.constant 0 : index
    %get3A_0 = arith.constant 0 : index
    %get3A_1 = vector.load %arg3[%get3A, %get3A_0] : memref<1024x1xf32, #tpu.memory_space<vmem>>, vector<1024x1xf32>
    %get3A_2 = arith.constant 0 : index
    %get3A_3 = arith.constant 0 : index
    %get3A_4 = arith.constant 0 : index
    %get3A_5 = vector.load %arg1[%get3A_2, %get3A_3, %get3A_4] : memref<2x1024x64xf32, #tpu.memory_space<vmem>>, vector<1x1024x64xf32>
    %get3A_6 = vector.shape_cast %get3A_5 : vector<1x1024x64xf32> to vector<1024x64xf32>
    %get3A_7 = arith.constant 1 : index
    %get3A_8 = arith.constant 0 : index
    %get3A_9 = arith.constant 0 : index
    %get3A_10 = vector.load %arg1[%get3A_7, %get3A_8, %get3A_9] : memref<2x1024x64xf32, #tpu.memory_space<vmem>>, vector<1x1024x64xf32>
    %get3A_11 = vector.shape_cast %get3A_10 : vector<1x1024x64xf32> to vector<1024x64xf32>
    %add3A = arith.addf %get3A_6, %get3A_11 : vector<1024x64xf32>
    %get3A_12 = arith.constant 0 : index
    %get3A_13 = arith.constant 0 : index
    %get3A_14 = vector.load %arg2[%get3A_12, %get3A_13] : memref<1024x64xf32, #tpu.memory_space<vmem>>, vector<1024x64xf32>
    %add3A_15 = arith.addf %add3A, %get3A_14 : vector<1024x64xf32>
    %mul3A = vector.broadcast %get3A_1 : vector<1024x1xf32> to vector<1024x64xf32>
    %mul3A_16 = arith.mulf %mul3A, %add3A_15 : vector<1024x64xf32>
    %get3A_17 = arith.constant 0 : index
    %get3A_18 = arith.constant 0 : index
    %get3A_19 = vector.load %arg4[%get3A_17, %get3A_18] : memref<1x64xf32, #tpu.memory_space<vmem>>, vector<1x64xf32>
    %add3A_20 = vector.broadcast %get3A_19 : vector<1x64xf32> to vector<1024x64xf32>
    %add3A_21 = arith.addf %mul3A_16, %add3A_20 : vector<1024x64xf32>
    %max3A = arith.constant 0.000000e+00 : f32
    %max3A_22 = vector.broadcast %max3A : f32 to vector<1024x64xf32>
    %max3A_23 = arith.maximumf %add3A_21, %max3A_22 : vector<1024x64xf32>
    %iota3A = tpu.iota {dimensions = array<i32: 1>} : vector<1x64xi32>
    %get3A_24 = arith.constant 0 : index
    %get3A_25 = arith.constant 0 : index
    %get3A_26 = vector.load %arg5[%get3A_24, %get3A_25] : memref<1024x1xi32, #tpu.memory_space<vmem>>, vector<1024x1xi32>
    %eq3A = vector.broadcast %get3A_26 : vector<1024x1xi32> to vector<1024x64xi32>
    %eq3A_27 = vector.broadcast %iota3A : vector<1x64xi32> to vector<1024x64xi32>
    %eq3A_28 = arith.cmpi eq, %eq3A, %eq3A_27 : vector<1024x64xi32>
    %convert_element_type3A = arith.extui %eq3A_28 : vector<1024x64xi1> to vector<1024x64xi32>
    %convert_element_type3A_29 = arith.sitofp %convert_element_type3A : vector<1024x64xi32> to vector<1024x64xf32>
    %dot_general3A = arith.constant dense<0.000000e+00> : vector<64x64xf32>
    %dot_general3A_30 = tpu.matmul %convert_element_type3A_29, %max3A_23, %dot_general3A {dimension_numbers = #tpu.dot_dimension_numbers<[0], [0], [1], [1], [0, 1, 1, 1], [], []>, transpose_lhs_hint = false} : vector<1024x64xf32>, vector<1024x64xf32>, vector<64x64xf32> -> vector<64x64xf32>
    %broadcast_in_dim3A = arith.constant 1.000000e+00 : f32
    %broadcast_in_dim3A_31 = vector.broadcast %broadcast_in_dim3A : f32 to vector<1024x1xf32>
    %dot_general3A_32 = arith.constant dense<0.000000e+00> : vector<64x1xf32>
    %dot_general3A_33 = tpu.matmul %convert_element_type3A_29, %broadcast_in_dim3A_31, %dot_general3A_32 {dimension_numbers = #tpu.dot_dimension_numbers<[0], [0], [1], [1], [0, 1, 1, 1], [], []>, transpose_lhs_hint = false} : vector<1024x64xf32>, vector<1024x1xf32>, vector<64x1xf32> -> vector<64x1xf32>
    %eq3A_34 = arith.constant 0 : i32
    %eq3A_35 = arith.cmpi eq, %arg0, %eq3A_34 : i32
    %convert_element_type3A_36 = arith.extui %eq3A_35 : i1 to i32
    %cond3A = arith.constant 0 : i32
    %cond3A_37 = arith.cmpi ne, %convert_element_type3A_36, %cond3A : i32
    scf.if %cond3A_37 {
      %broadcast_in_dim3A_51 = arith.constant 0.000000e+00 : f32
      %broadcast_in_dim3A_52 = vector.broadcast %broadcast_in_dim3A_51 : f32 to vector<64x64xf32>
      %swap3A_53 = arith.constant 0 : index
      %swap3A_54 = arith.constant 0 : index
      %swap3A_55 = vector.load %arg6[%swap3A_53, %swap3A_54] : memref<64x64xf32, #tpu.memory_space<vmem>>, vector<64x64xf32>
      tpu.vector_store %arg6[%swap3A_53, %swap3A_54], %broadcast_in_dim3A_52 {strides = array<i32>} : memref<64x64xf32, #tpu.memory_space<vmem>>, vector<64x64xf32>,
      %broadcast_in_dim3A_56 = arith.constant 0.000000e+00 : f32
      %broadcast_in_dim3A_57 = vector.broadcast %broadcast_in_dim3A_56 : f32 to vector<64x1xf32>
      %swap3A_58 = arith.constant 0 : index
      %swap3A_59 = arith.constant 0 : index
      %swap3A_60 = vector.load %arg7[%swap3A_58, %swap3A_59] : memref<64x1xf32, #tpu.memory_space<vmem>>, vector<64x1xf32>
      tpu.vector_store %arg7[%swap3A_58, %swap3A_59], %broadcast_in_dim3A_57 {strides = array<i32>} : memref<64x1xf32, #tpu.memory_space<vmem>>, vector<64x1xf32>,
    } else {
    }
    %get3A_38 = arith.constant 0 : index
    %get3A_39 = arith.constant 0 : index
    %get3A_40 = vector.load %arg6[%get3A_38, %get3A_39] : memref<64x64xf32, #tpu.memory_space<vmem>>, vector<64x64xf32>
    %add3A_41 = arith.addf %get3A_40, %dot_general3A_30 : vector<64x64xf32>
    %swap3A = arith.constant 0 : index
    %swap3A_42 = arith.constant 0 : index
    %swap3A_43 = vector.load %arg6[%swap3A, %swap3A_42] : memref<64x64xf32, #tpu.memory_space<vmem>>, vector<64x64xf32>
    tpu.vector_store %arg6[%swap3A, %swap3A_42], %add3A_41 {strides = array<i32>} : memref<64x64xf32, #tpu.memory_space<vmem>>, vector<64x64xf32>,
    %get3A_44 = arith.constant 0 : index
    %get3A_45 = arith.constant 0 : index
    %get3A_46 = vector.load %arg7[%get3A_44, %get3A_45] : memref<64x1xf32, #tpu.memory_space<vmem>>, vector<64x1xf32>
    %add3A_47 = arith.addf %get3A_46, %dot_general3A_33 : vector<64x1xf32>
    %swap3A_48 = arith.constant 0 : index
    %swap3A_49 = arith.constant 0 : index
    %swap3A_50 = vector.load %arg7[%swap3A_48, %swap3A_49] : memref<64x1xf32, #tpu.memory_space<vmem>>, vector<64x1xf32>
    tpu.vector_store %arg7[%swap3A_48, %swap3A_49], %add3A_47 {strides = array<i32>} : memref<64x1xf32, #tpu.memory_space<vmem>>, vector<64x1xf32>,
    return
  }
  func.func @transform_0(%arg0: i32) -> (i32, i32, i32) {
    %c0_i32 = arith.constant 0 : i32
    %c0_i32_0 = arith.constant 0 : i32
    %c0_i32_1 = arith.constant 0 : i32
    return %c0_i32, %arg0, %c0_i32_0 : i32, i32, i32
  }
  func.func @transform_1(%arg0: i32) -> (i32, i32) {
    %c0_i32 = arith.constant 0 : i32
    %c0_i32_0 = arith.constant 0 : i32
    return %arg0, %c0_i32 : i32, i32
  }
  func.func @transform_2(%arg0: i32) -> (i32, i32) {
    %c0_i32 = arith.constant 0 : i32
    %c0_i32_0 = arith.constant 0 : i32
    return %arg0, %c0_i32 : i32, i32
  }
  func.func @transform_3(%arg0: i32) -> (i32, i32) {
    %c0_i32 = arith.constant 0 : i32
    %c0_i32_0 = arith.constant 0 : i32
    %c0_i32_1 = arith.constant 0 : i32
    return %c0_i32, %c0_i32_0 : i32, i32
  }
  func.func @transform_4(%arg0: i32) -> (i32, i32) {
    %c0_i32 = arith.constant 0 : i32
    %c0_i32_0 = arith.constant 0 : i32
    return %arg0, %c0_i32 : i32, i32
  }
  func.func @transform_5(%arg0: i32) -> (i32, i32) {
    %c0_i32 = arith.constant 0 : i32
    %c0_i32_0 = arith.constant 0 : i32
    %c0_i32_1 = arith.constant 0 : i32
    return %c0_i32, %c0_i32_0 : i32, i32
  }
  func.func @transform_6(%arg0: i32) -> (i32, i32) {
    %c0_i32 = arith.constant 0 : i32
    %c0_i32_0 = arith.constant 0 : i32
    %c0_i32_1 = arith.constant 0 : i32
    return %c0_i32, %c0_i32_0 : i32, i32
  }
}

module attributes {stable_mosaic.version = 14 : i64} {
  func.func @_head_body(%arg0: memref<64x64xf32, #tpu.memory_space<vmem>>, %arg1: memref<64x1xf32, #tpu.memory_space<vmem>>, %arg2: memref<64x32xf32, #tpu.memory_space<vmem>>, %arg3: memref<1x32xf32, #tpu.memory_space<vmem>>, %arg4: memref<32x2xf32, #tpu.memory_space<vmem>>, %arg5: memref<1x2xf32, #tpu.memory_space<vmem>>, %arg6: memref<64x2xf32, #tpu.memory_space<vmem>>) attributes {dimension_semantics = [], scalar_prefetch = 0 : i64, scratch_operands = 0 : i64, tpu.core_type = #tpu.core_type<tc>} {
    %get3A = arith.constant 0 : index
    %get3A_0 = arith.constant 0 : index
    %get3A_1 = vector.load %arg0[%get3A, %get3A_0] : memref<64x64xf32, #tpu.memory_space<vmem>>, vector<64x64xf32>
    %get3A_2 = arith.constant 0 : index
    %get3A_3 = arith.constant 0 : index
    %get3A_4 = vector.load %arg1[%get3A_2, %get3A_3] : memref<64x1xf32, #tpu.memory_space<vmem>>, vector<64x1xf32>
    %max3A = arith.constant 1.000000e+00 : f32
    %max3A_5 = vector.broadcast %max3A : f32 to vector<64x1xf32>
    %max3A_6 = arith.maximumf %get3A_4, %max3A_5 : vector<64x1xf32>
    %div3A = vector.broadcast %max3A_6 : vector<64x1xf32> to vector<64x64xf32>
    %div3A_7 = arith.divf %get3A_1, %div3A : vector<64x64xf32>
    %get3A_8 = arith.constant 0 : index
    %get3A_9 = arith.constant 0 : index
    %get3A_10 = vector.load %arg2[%get3A_8, %get3A_9] : memref<64x32xf32, #tpu.memory_space<vmem>>, vector<64x32xf32>
    %dot_general3A = arith.constant dense<0.000000e+00> : vector<64x32xf32>
    %dot_general3A_11 = tpu.matmul %div3A_7, %get3A_10, %dot_general3A {dimension_numbers = #tpu.dot_dimension_numbers<[1], [0], [0], [1], [0, 0, 1, 1], [], []>, transpose_lhs_hint = false} : vector<64x64xf32>, vector<64x32xf32>, vector<64x32xf32> -> vector<64x32xf32>
    %get3A_12 = arith.constant 0 : index
    %get3A_13 = arith.constant 0 : index
    %get3A_14 = vector.load %arg3[%get3A_12, %get3A_13] : memref<1x32xf32, #tpu.memory_space<vmem>>, vector<1x32xf32>
    %add3A = vector.broadcast %get3A_14 : vector<1x32xf32> to vector<64x32xf32>
    %add3A_15 = arith.addf %dot_general3A_11, %add3A : vector<64x32xf32>
    %max3A_16 = arith.constant 0.000000e+00 : f32
    %max3A_17 = vector.broadcast %max3A_16 : f32 to vector<64x32xf32>
    %max3A_18 = arith.maximumf %add3A_15, %max3A_17 : vector<64x32xf32>
    %get3A_19 = arith.constant 0 : index
    %get3A_20 = arith.constant 0 : index
    %get3A_21 = vector.load %arg4[%get3A_19, %get3A_20] : memref<32x2xf32, #tpu.memory_space<vmem>>, vector<32x2xf32>
    %dot_general3A_22 = arith.constant dense<0.000000e+00> : vector<64x2xf32>
    %dot_general3A_23 = tpu.matmul %max3A_18, %get3A_21, %dot_general3A_22 {dimension_numbers = #tpu.dot_dimension_numbers<[1], [0], [0], [1], [0, 0, 1, 1], [], []>, transpose_lhs_hint = false} : vector<64x32xf32>, vector<32x2xf32>, vector<64x2xf32> -> vector<64x2xf32>
    %get3A_24 = arith.constant 0 : index
    %get3A_25 = arith.constant 0 : index
    %get3A_26 = vector.load %arg5[%get3A_24, %get3A_25] : memref<1x2xf32, #tpu.memory_space<vmem>>, vector<1x2xf32>
    %add3A_27 = vector.broadcast %get3A_26 : vector<1x2xf32> to vector<64x2xf32>
    %add3A_28 = arith.addf %dot_general3A_23, %add3A_27 : vector<64x2xf32>
    %swap3A = arith.constant 0 : index
    %swap3A_29 = arith.constant 0 : index
    %swap3A_30 = vector.load %arg6[%swap3A, %swap3A_29] : memref<64x2xf32, #tpu.memory_space<vmem>>, vector<64x2xf32>
    tpu.vector_store %arg6[%swap3A, %swap3A_29], %add3A_28 {strides = array<i32>} : memref<64x2xf32, #tpu.memory_space<vmem>>, vector<64x2xf32>,
    return
  }
}

</mosaic_0001>

<sc_bundles>
// kernel: sc_aggregate.4.cloned.1.call-start
scs
__scs_entry_jumppad:
0x0: {  	(pc) =	sbr.rel $0x88, $3  }
0x1: {  	(tag) =	ssettag $0x0;
	lr =	simm.s32 $0x1  }
0x2: {  	[smem:$0x3F96] =	sst lr;
	_ =	strace $0xD0000000  }
0x3: {  	_ = 	snop  }
0x4: {  	_ = 	snop  }
0x5: {  	_ = 	snop  }
0x6: {  	_ = 	snop  }
0x7: {  	_ = 	snop  }
__scs_overlays_trampoline_lowered:
0x8: {  	[smem:$0x3FA5] =	sst s0  }
0x9: {  	[smem:$0x3FA6] =	sst s1  }
0xa: {  	[smem:$0x3FA7] =	sst s2  }
0xb: {  	[smem:$0x3FA8] =	sst s3  }
0xc: {  	[smem:$0x3FA9] =	sst s4  }
0xd: {  	[smem:$0x3FAA] =	sst s5  }
0xe: {  	[smem:$0x3FAB] =	sst s6  }
0xf: {  	[smem:$0x3FAC] =	sst s7  }
0x10: {  	[smem:$0x3FAD] =	sst s8  }
0x11: {  	[smem:$0x3FAE] =	sst s9;
	s0 =	simm.s32 @!p0 $0x0  }
0x12: {  	s1 =	sld [smem:$0x3F94];
	s0 =	simm.s32 @p0 $0x1  }
0x13: {  	[smem:$0x3FAF] =	sst s0;
	s0 =	simm.s32 @!p1 $0x0  }
0x14: {  	s2 =	sld [smem:$0x3F93];
	s0 =	simm.s32 @p1 $0x1  }
0x15: {  	[smem:$0x3FB0] =	sst s0;
	s0 =	simm.s32 @!p2 $0x0  }
0x16: {  	s3 =	sld [smem:$0x3FDB];
	s0 =	simm.s32 @p2 $0x1  }
0x17: {  	s4 =	simm.s32 $0x1BF5;
	[smem:$0x3FB2] =	sst s0  }
0x18: {  	s0 =	sld [smem:$0x3F95];
	_ =	swait.ge [sflag:s4], $0x0  }
0x19: {  	s7 =	sld [smem:$0x3F96]  }
0x1a: {  	s8 =	sadd.s32 $0xFFFFE003, lr  }
0x1b: {  	s9 =	sadd.s32 $0xFFFFFEF7, lr;
	s5 =	simm.s32 $0xFFFFFFFF;
	p2 =	slt.u32 s8, $0xFFFFF086  }
0x1c: {  	p1 =	slt.u32 s9, $0xF7A;
	s5 =	simm.s32 @!p2 $0x0  }
0x1d: {  	s5 =	simm.s32 @p1 $0x1;
	p0 =	seq.s32 s7, s2  }
0x1e: {  	s7 =	smul.u32 @!p0 $0xF7A, s2;
	p2 =	seq.s32 @!p0 s5, $0x0  }
0x1f: {  	s9 =	smul.u32 $0xF7A, s1;
	s8 =	simm.s32 @!p0 $0x1BF5;
	p2 =	por !p2, p0  }
0x20: {  	[sflag:s8] =	ssyncset.s32 @!p0 $0xFFFFF086;
	s6 =	sadd.s32 @!p0 s3, s7;
	s7 =	simm.s32 @!p0 $0x108  }
0x21: {  	s3 =	sadd.s32 s3, s9;
	s6 =	sadd.s32 @!p0 $0x88, s6;
	s7 =	simm.s32 @p2 $0x1082  }
0x22: {  	[simem:s7], [sflag:s8] =	dma.local @!p0 [hbm:s6], $0xF7A  }
0x23: {  	s9 =	sor.u32 $0xD0000000, s2;
	s6 =	simm.s32 $0x108;
	_ =	swait.ge @!p0 [sflag:s8], $0x0  }
0x24: {  	s3 =	sadd.s32 $0x88, s3;
	s6 =	simm.s32 @!p1 $0x1082;
	[sflag:s4] =	ssyncset.s32 $0xFFFFF086  }
0x25: {  	[simem:s6], [sflag:s4] =	dma.local [hbm:s3], $0xF7A  }
0x26: {  	[smem:$0x3F96] =	sst s1;
	(tag) =	ssettag s2;
	_ =	strace s9  }
0x27: {  	s1 =	sld [smem:$0x3FA6]  }
0x28: {  	s2 =	sld [smem:$0x3FA7]  }
0x29: {  	s4 =	sld [smem:$0x3FA9]  }
0x2a: {  	p0 =	seq.s32 s5, $0x0;
	s5 =	sld [smem:$0x3FAA]  }
0x2b: {  	s6 =	sld [smem:$0x3FAB]  }
0x2c: {  	s7 =	sld [smem:$0x3FAC]  }
0x2d: {  	s3 =	simm.s32 $0x108;
	s8 =	sld [smem:$0x3FAD]  }
0x2e: {  	s3 =	simm.s32 @!p0 $0x1082;
	s9 =	sld [smem:$0x3FAE]  }
0x2f: {  	lr =	sadd.s32 s0, s3;
	s0 =	sld [smem:$0x3FA5]  }
0x30: {  	s3 =	sld [smem:$0x3FA8]  }
0x31: {  	[smem:$0x3FB1] =	sst s10  }
0x32: {  	s10 =	sld [smem:$0x3FAF];
	_ =	sdelay $0x3  }
0x33: {  	p0 =	seq.s32 s10, $0x1;
	s10 =	sld [smem:$0x3FB1];
	_ =	sdelay $0x3  }
0x34: {  	[smem:$0x3FB1] =	sst s10  }
0x35: {  	s10 =	sld [smem:$0x3FB0];
	_ =	sdelay $0x3  }
0x36: {  	p1 =	seq.s32 s10, $0x1;
	s10 =	sld [smem:$0x3FB1];
	_ =	sdelay $0x3  }
0x37: {  	[smem:$0x3FB1] =	sst s10  }
0x38: {  	s10 =	sld [smem:$0x3FB2]  }
0x39: {  	_ = 	snop;
	(pc) =	sbr.ind lr, $3  }
0x3a: {  	_ = 	snop  }
0x3b: {  	_ = 	snop  }
0x3c: {  	p2 =	seq.s32 s10, $0x1;
	s10 =	sld [smem:$0x3FB1]  }
0x3d: {  	_ =	shalt  }
0x3e: {  	_ =	shalt  }
0x3f: {  	_ =	shalt  }
0x40: {  	_ =	shalt  }
0x41: {  	_ =	shalt  }
0x42: {  	_ =	shalt  }
0x43: {  	_ =	shalt  }
0x44: {  	_ =	shalt  }
0x45: {  	_ =	shalt  }
0x46: {  	_ =	shalt  }
0x47: {  	_ =	shalt  }
0x48: {  	_ =	shalt  }
0x49: {  	_ =	shalt  }
0x4a: {  	_ =	shalt  }
0x4b: {  	_ =	shalt  }
0x4c: {  	_ =	shalt  }
0x4d: {  	_ =	shalt  }
0x4e: {  	_ =	shalt  }
0x4f: {  	_ =	shalt  }
0x50: {  	_ =	shalt  }
0x51: {  	_ =	shalt  }
0x52: {  	_ =	shalt  }
0x53: {  	_ =	shalt  }
0x54: {  	_ =	shalt  }
0x55: {  	_ =	shalt  }
0x56: {  	_ =	shalt  }
0x57: {  	_ =	shalt  }
0x58: {  	_ =	shalt  }
0x59: {  	_ =	shalt  }
0x5a: {  	_ =	shalt  }
0x5b: {  	_ =	shalt  }
0x5c: {  	_ =	shalt  }
0x5d: {  	_ =	shalt  }
0x5e: {  	_ =	shalt  }
0x5f: {  	_ =	shalt  }
0x60: {  	_ =	shalt  }
0x61: {  	_ =	shalt  }
0x62: {  	_ =	shalt  }
0x63: {  	_ =	shalt  }
0x64: {  	_ =	shalt  }
0x65: {  	_ =	shalt  }
0x66: {  	_ =	shalt  }
0x67: {  	_ =	shalt  }
0x68: {  	_ =	shalt  }
0x69: {  	_ =	shalt  }
0x6a: {  	_ =	shalt  }
0x6b: {  	_ =	shalt  }
0x6c: {  	_ =	shalt  }
0x6d: {  	_ =	shalt  }
0x6e: {  	_ =	shalt  }
0x6f: {  	_ =	shalt  }
0x70: {  	_ =	shalt  }
0x71: {  	_ =	shalt  }
0x72: {  	_ =	shalt  }
0x73: {  	_ =	shalt  }
0x74: {  	_ =	shalt  }
0x75: {  	_ =	shalt  }
0x76: {  	_ =	shalt  }
0x77: {  	_ =	shalt  }
0x78: {  	_ =	shalt  }
0x79: {  	_ =	shalt  }
0x7a: {  	_ =	shalt  }
0x7b: {  	_ =	shalt  }
0x7c: {  	_ =	shalt  }
0x7d: {  	_ =	shalt  }
0x7e: {  	_ =	shalt  }
0x7f: {  	_ =	shalt  }
0x80: {  	_ =	shalt  }
0x81: {  	_ =	shalt  }
0x82: {  	_ =	shalt  }
0x83: {  	_ =	shalt  }
0x84: {  	_ =	shalt  }
0x85: {  	_ =	shalt  }
0x86: {  	_ =	shalt  }
0x87: {  	_ =	shalt  }
.Lfunc_end0:
.L_simem_size_0:
called_computation.1_lowered:
.L_overlay_start_0:
0x88: {  	s2 =	sld [smem:$0x3FD9]  }
0x89: {  	s3 =	sld [smem:$0x3FFE];
	_ =	sdelay $0x1  }
0x8a: {  	s1 =	srdreg.scid  }
0x8b: {  	s0 =	sand.u32 $0x1, s1  }
0x8c: {  	s16 =	sshll.u32 s0, $0xA;
	s2 =	sadd.s32 s3, s2  }
0x8d: {  	s2 =	sadd.s32 s2, s16  }
0x8e: {  	[smem:$0x3FBD] =	sst s2  }
0x8f: {  	_ = 	snop  }
0x90: {  	(tm) =	ssettm $0x1  }
0x91: {  	s17 =	sld [smem:$0x3FFB];
	_ =	sdelay $0x3  }
0x92: {  	_ =	strace s17  }
0x93: {  	s2 =	sld [smem:$0x3FFC];
	_ =	sdelay $0x3  }
0x94: {  	_ =	strace s2  }
0x95: {  	s2 =	sld [smem:$0x3FFD];
	_ =	sdelay $0x3  }
0x96: {  	_ =	strace s2  }
0x97: {  	_ =	strace $0x8FFFFFFF  }
0x98: {  	s18 =	sld [smem:$0x3FDB];
	_ =	sdelay $0x1  }
0x99: {  	s19 =	simm.s32 $_scs_section_size  }
0x9a: {  	s4 =	simm.s32 $_size__tile_overlayer_lowered;
	s5 =	simm.s32 $_tile_overlayer_lowered  }
0x9b: {  	s22 =	simm.s32 $0x1BFF;
	s21 =	sshll.u32 s5, $0x1;
	s2 =	sadd.s32 s19, s18  }
0x9c: {  	s6 =	simm.s32 $0x0;
	s20 =	sshll.u32 s4, $0x1;
	s4 =	sadd.s32 s21, s2  }
0x9d: {  	[timem:s6], [sflag:s22] =	dma.local [hbm:s4], s20  }
0x9e: {  	_ =	swait.ge [sflag:s22], s20  }
0x9f: {  	s3 =	ssub.s32 $0x0, s20;
	[sflag:s22] =	ssyncset.done $0x0  }
0xa0: {  	[sflag:s22] =	ssyncadd.s32 s3;
	_ =	sdelay $0x1  }
0xa1: {  	s23 =	simm.s32 $0x1B8B  }
0xa2: {  	_ =	swait.ge [sflag:s23], $0x1  }
0xa3: {  	[sflag:s23] =	ssyncset.done $0x0  }
0xa4: {  	s25 =	simm.s32 $0x1B8E;
	s24 =	sld [smem:$0x3FFE];
	[sflag:s23] =	ssyncadd.s32 $0xFFFFFFFF  }
0xa5: {  	s26 =	simm.s32 $execute0_lowered;
	[smem:$0x3FD2] =	sst s25  }
0xa6: {  	s4 =	sshll.u32 s26, $0x1;
	_ =	strace $0x80000049;
	[dreg:$0x1] =	wrdreg $0xFFFFFFFF  }
0xa7: {  	s28 =	simm.s32 $_size_execute0_lowered;
	s2 =	sadd.s32 s2, s4;
	[dreg:$0x0] =	wrdreg $0x0  }
0xa8: {  	s4 =	sshll.u32 s28, $0x1;
	[dreg:$0x2] =	wrdreg s2  }
0xa9: {  	[dreg:$0x3] =	wrdreg s4  }
0xaa: {  	[dreg:$0x4] =	wrdreg $0xC0  }
0xab: {  	_ =	task [dreg:s6], $0x5FFFF  }
0xac: {  	[dreg:$0x1] =	wrdreg $0xFFFFFFFF  }
0xad: {  	[dreg:$0x0] =	wrdreg $0x60  }
0xae: {  	[dreg:$0x2] =	wrdreg s24  }
0xaf: {  	[dreg:$0x3] =	wrdreg $0x118000  }
0xb0: {  	[dreg:$0x4] =	wrdreg $0x9  }
0xb1: {  	_ =	task.clear_ibuf [dreg:s6], $0x5FFFF;
	_ =	strace $0x90000049  }
0xb2: {  	s29 =	simm.s32 $0x9;
	_ =	strace $0x8000004B  }
0xb3: {  	_ =	swait.ge [sflag:s29], $0x1  }
0xb4: {  	[sflag:s29] =	ssyncadd.s32 $0xFFFFFFFF  }
0xb5: {  	_ =	strace $0x9000004B  }
0xb6: {  	_ =	sfence  }
0xb7: {  	s30 =	sld [smem:$0x0];
	_ =	sdelay $0x2  }
0xb8: {  	s31 =	sshll.u32 s1, $0xD;
	s1 =	sshrl.u32 s1, $0x2  }
0xb9: {  	s3 =	sand.u32 $0x4000, s31;
	s1 =	sadd.s32 s1, s30  }
0xba: {  	s0 =	sor.u32 s3, s0;
	s1 =	sshll.u32 s1, $0x11  }
0xbb: {  	s0 =	sor.u32 s1, s0  }
0xbc: {  	s0 =	sadd.s32 $0x8F2B, s0  }
0xbd: {  	[sflag:s0] =	ssyncadd.remote.s32 $0x1  }
0xbe: {  	_ =	sfence.sel $0xFFFF  }
0xbf: {  	[dreg:$0x0] =	wrdreg $0xFFFFFFFF;
	(pc) =	sbr.abs _section_cstart, $3  }
0xc0: {  	[dreg:$0x1] =	wrdreg $0xFFFFFFFF  }
0xc1: {  	_ =	task.clear_ibuf [dreg:s6], $0x2FFFF;
	_ =	strace $0x9FFFFFFF  }
0xc2: {  	(tm) =	ssettm $0x7FFFFFFF  }
0xc3: {  	_ =	shalt  }
tec
execute0_lowered:
.L_overlay_start_1:
0x0: {  	(tag) =	ssettag $0x1  }
0x1: {  	s5 =	rddreg [dreg:$0x0]  }
0x2: {  	s1 =	rddreg [dreg:$0x1];
	s3 =	simm.s32 $0x0;
	s2 =	srdreg.scid  }
0x3: {  	s16 =	simm.s32 $0xB400;
	s17 =	simm.s32 $0x100;
	s18 =	simm.s32 $0xD400  }
0x4: {  	s19 =	simm.s32 $0x180;
	s20 =	simm.s32 $0xF400;
	s21 =	simm.s32 $0x1  }
0x5: {  	s22 =	simm.s32 $0x3;
	s23 =	simm.s32 $0x2;
	s14 =	sand.u32 $0x1, s2  }
0x6: {  	s24 =	simm.s32 $0x4;
	s2 =	stileid.u32;
	s6 =	smul.u32 $0xA0000, s14  }
0x7: {  	s26 =	simm.s32 $0x6;
	[smem:$0x7FF] =	sst s3;
	s11 =	smul.u32 $0xA000, s2  }
0x8: {  	s4 =	sadd.s32 $0x16600, s5;
	s8 =	sadd.s32 $0xC600, s5;
	s10 =	smul.u32 $0x600, s2  }
0x9: {  	s9 =	sadd.s32 $0x1C00, s5;
	_ =	strace $0x8000004A;
	s13 =	smul.u32 $0x28000, s2  }
0xa: {  	s7 =	ssub.s32 $0x2, s14;
	s31 =	smul.u32 $0x940, s2;
	p0 =	sne.s32 s14, $0x0  }
0xb: {  	s14 =	simm.s32 $0x80;
	s12 =	sshrl.u32 s7, $0x1;
	s6 =	sadd.s32 s11, s6  }
0xc: {  	s12 =	ssub.s32 s7, s12;
	s28 =	sshrl.u32 s10, $0x3;
	s29 =	sshrl.u32 s13, $0x2  }
0xd: {  	s25 =	sadd.s32 s11, s1;
	s13 =	simm.s32 $0x5;
	s6 =	sshrl.u32 s6, $0x3  }
0xe: {  	s30 =	sadd.s32 $0x9400, s28;
	s11 =	smax.u32 s12, $0x1;
	s12 =	simm.s32 $0x11400  }
0xf: {  	s25 =	sshrl.u32 s25, $0x3;
	s15 =	sadd.s32 s6, s5;
	s5 =	sadd.s32 s29, s1  }
0x10: {  	s6 =	sadd.s32 s8, s30;
	s7 =	sadd.s32 s9, s30;
	s8 =	sadd.s32 s8, s31  }
0x11: {  	v0 =	vimm.f32 $0.0e+00;
	s9 =	sadd.s32 s9, s31;
	s10 =	sadd.s32 $0x2A600, s15;
	s15 =	simm.s32 $0x9400  }
.LBB2_1:
0x12: {  	[tilespmem:$0x11400] =	vst v0  }
0x13: {  	[tilespmem:$0x11410] =	vst v0  }
0x14: {  	[tilespmem:$0x11420] =	vst v0  }
0x15: {  	[tilespmem:$0x11430] =	vst v0  }
0x16: {  	[tilespmem:$0x11440] =	vst v0  }
0x17: {  	[tilespmem:$0x11450] =	vst v0  }
0x18: {  	[tilespmem:$0x11460] =	vst v0  }
0x19: {  	[tilespmem:$0x11470] =	vst v0  }
0x1a: {  	[tilespmem:$0x11480] =	vst v0  }
0x1b: {  	[tilespmem:$0x11490] =	vst v0  }
0x1c: {  	[tilespmem:$0x114A0] =	vst v0  }
0x1d: {  	[tilespmem:$0x114B0] =	vst v0  }
0x1e: {  	[tilespmem:$0x114C0] =	vst v0  }
0x1f: {  	[tilespmem:$0x114D0] =	vst v0  }
0x20: {  	[tilespmem:$0x114E0] =	vst v0  }
0x21: {  	[tilespmem:$0x114F0] =	vst v0  }
0x22: {  	[tilespmem:$0x11500] =	vst v0  }
0x23: {  	[tilespmem:$0x11510] =	vst v0  }
0x24: {  	[tilespmem:$0x11520] =	vst v0  }
0x25: {  	[tilespmem:$0x11530] =	vst v0  }
0x26: {  	[tilespmem:$0x11540] =	vst v0  }
0x27: {  	[tilespmem:$0x11550] =	vst v0  }
0x28: {  	[tilespmem:$0x11560] =	vst v0  }
0x29: {  	[tilespmem:$0x11570] =	vst v0  }
0x2a: {  	[tilespmem:$0x11580] =	vst v0  }
0x2b: {  	[tilespmem:$0x11590] =	vst v0  }
0x2c: {  	[tilespmem:$0x115A0] =	vst v0  }
0x2d: {  	[tilespmem:$0x115B0] =	vst v0  }
0x2e: {  	[tilespmem:$0x115C0] =	vst v0  }
0x2f: {  	[tilespmem:$0x115D0] =	vst v0  }
0x30: {  	[tilespmem:$0x115E0] =	vst v0  }
0x31: {  	[tilespmem:$0x115F0] =	vst v0  }
0x32: {  	[tilespmem:$0x11600] =	vst v0  }
0x33: {  	[tilespmem:$0x11610] =	vst v0  }
0x34: {  	[tilespmem:$0x11620] =	vst v0  }
0x35: {  	[tilespmem:$0x11630] =	vst v0  }
0x36: {  	[tilespmem:$0x11640] =	vst v0  }
0x37: {  	[tilespmem:$0x11650] =	vst v0  }
0x38: {  	[tilespmem:$0x11660] =	vst v0  }
0x39: {  	[tilespmem:$0x11670] =	vst v0  }
0x3a: {  	[tilespmem:$0x11680] =	vst v0  }
0x3b: {  	[tilespmem:$0x11690] =	vst v0  }
0x3c: {  	[tilespmem:$0x116A0] =	vst v0  }
0x3d: {  	[tilespmem:$0x116B0] =	vst v0  }
0x3e: {  	[tilespmem:$0x116C0] =	vst v0  }
0x3f: {  	[tilespmem:$0x116D0] =	vst v0  }
0x40: {  	[tilespmem:$0x116E0] =	vst v0  }
0x41: {  	[tilespmem:$0x116F0] =	vst v0  }
0x42: {  	[tilespmem:$0x11700] =	vst v0  }
0x43: {  	[tilespmem:$0x11710] =	vst v0  }
0x44: {  	[tilespmem:$0x11720] =	vst v0  }
0x45: {  	[tilespmem:$0x11730] =	vst v0  }
0x46: {  	[tilespmem:$0x11740] =	vst v0  }
0x47: {  	[tilespmem:$0x11750] =	vst v0  }
0x48: {  	[tilespmem:$0x11760] =	vst v0  }
0x49: {  	[tilespmem:$0x11770] =	vst v0  }
0x4a: {  	[tilespmem:$0x11780] =	vst v0  }
0x4b: {  	[tilespmem:$0x11790] =	vst v0  }
0x4c: {  	[tilespmem:$0x117A0] =	vst v0  }
0x4d: {  	[tilespmem:$0x117B0] =	vst v0  }
0x4e: {  	[tilespmem:$0x117C0] =	vst v0  }
0x4f: {  	[tilespmem:$0x117D0] =	vst v0  }
0x50: {  	[tilespmem:$0x117E0] =	vst v0  }
0x51: {  	[tilespmem:$0x117F0] =	vst v0;
	s28 =	sadd.s32 $0x0, s5  }
0x52: {  	[spmem:s28] =	stream.linear.scatter [tilespmem:s12], [sflag:$0x5], $0x400, $0x38;
	[tilespmem:$0x1B800] =	vst v63  }
0x53: {  	s29 =	sadd.s32 $0x400, s28  }
0x54: {  	[spmem:s29] =	stream.linear.scatter [tilespmem:s12], [sflag:$0x5], $0x400, $0x38;
	[tilespmem:$0x1B800] =	vst v63  }
0x55: {  	s29 =	sadd.s32 $0x800, s28  }
0x56: {  	[spmem:s29] =	stream.linear.scatter [tilespmem:s12], [sflag:$0x5], $0x400, $0x38;
	[tilespmem:$0x1B800] =	vst v63  }
0x57: {  	s29 =	sadd.s32 $0xC00, s28  }
0x58: {  	[spmem:s29] =	stream.linear.scatter [tilespmem:s12], [sflag:$0x5], $0x400, $0x38;
	[tilespmem:$0x1B800] =	vst v63  }
0x59: {  	s29 =	sadd.s32 $0x1000, s28  }
0x5a: {  	[spmem:s29] =	stream.linear.scatter [tilespmem:s12], [sflag:$0x5], $0x400, $0x38;
	[tilespmem:$0x1B800] =	vst v63  }
0x5b: {  	s29 =	sadd.s32 $0x1400, s28  }
0x5c: {  	[spmem:s29] =	stream.linear.scatter [tilespmem:s12], [sflag:$0x5], $0x400, $0x38;
	[tilespmem:$0x1B800] =	vst v63  }
0x5d: {  	s29 =	sadd.s32 $0x1800, s28  }
0x5e: {  	[spmem:s29] =	stream.linear.scatter [tilespmem:s12], [sflag:$0x5], $0x400, $0x38;
	[tilespmem:$0x1B800] =	vst v63  }
0x5f: {  	s28 =	sadd.s32 $0x1C00, s28  }
0x60: {  	[spmem:s28] =	stream.linear.scatter [tilespmem:s12], [sflag:$0x5], $0x400, $0x38;
	[tilespmem:$0x1B800] =	vst v63  }
0x61: {  	_ =	swait.ge [sflag:s13], $0x400  }
0x62: {  	[sflag:s13] =	ssyncset.done $0x0  }
0x63: {  	[sflag:s13] =	ssyncadd.s32 $0xFFFFFC00  }
0x64: {  	_ =	swait.ge [sflag:s13], $0x400  }
0x65: {  	[sflag:s13] =	ssyncset.done $0x0  }
0x66: {  	[sflag:s13] =	ssyncadd.s32 $0xFFFFFC00  }
0x67: {  	_ =	swait.ge [sflag:s13], $0x400  }
0x68: {  	[sflag:s13] =	ssyncset.done $0x0  }
0x69: {  	[sflag:s13] =	ssyncadd.s32 $0xFFFFFC00  }
0x6a: {  	_ =	swait.ge [sflag:s13], $0x400  }
0x6b: {  	[sflag:s13] =	ssyncset.done $0x0  }
0x6c: {  	[sflag:s13] =	ssyncadd.s32 $0xFFFFFC00  }
0x6d: {  	_ =	swait.ge [sflag:s13], $0x400  }
0x6e: {  	[sflag:s13] =	ssyncset.done $0x0  }
0x6f: {  	[sflag:s13] =	ssyncadd.s32 $0xFFFFFC00  }
0x70: {  	_ =	swait.ge [sflag:s13], $0x400  }
0x71: {  	[sflag:s13] =	ssyncset.done $0x0  }
0x72: {  	[sflag:s13] =	ssyncadd.s32 $0xFFFFFC00  }
0x73: {  	_ =	swait.ge [sflag:s13], $0x400  }
0x74: {  	[sflag:s13] =	ssyncset.done $0x0  }
0x75: {  	[sflag:s13] =	ssyncadd.s32 $0xFFFFFC00  }
0x76: {  	_ =	swait.ge [sflag:s13], $0x400  }
0x77: {  	s30 =	simm.s32 $0x10000;
	s29 =	simm.s32 $0x2000;
	[sflag:s13] =	ssyncset.done $0x0  }
.LBB2_2:
0x78: {  	s31 =	sadd.s32 s29, s5  }
0x79: {  	[sflag:s13] =	ssyncadd.s32 $0xFFFFFC00;
	s29 =	smov.u32 s30;
	s28 =	sadd.s32 $0x8000, s30  }
0x7a: {  	[spmem:s31] =	stream.linear.scatter [tilespmem:s12], [sflag:$0x5], $0x400, $0x38;
	[tilespmem:$0x1B800] =	vst v63  }
0x7b: {  	p1 =	sne.s32 s30, $0x20000;
	s30 =	sadd.s32 $0x400, s31  }
0x7c: {  	[spmem:s30] =	stream.linear.scatter [tilespmem:s12], [sflag:$0x5], $0x400, $0x38;
	[tilespmem:$0x1B800] =	vst v63  }
0x7d: {  	s30 =	sadd.s32 $0x800, s31  }
0x7e: {  	[spmem:s30] =	stream.linear.scatter [tilespmem:s12], [sflag:$0x5], $0x400, $0x38;
	[tilespmem:$0x1B800] =	vst v63  }
0x7f: {  	s30 =	sadd.s32 $0xC00, s31  }
0x80: {  	[spmem:s30] =	stream.linear.scatter [tilespmem:s12], [sflag:$0x5], $0x400, $0x38;
	[tilespmem:$0x1B800] =	vst v63  }
0x81: {  	s30 =	sadd.s32 $0x1000, s31  }
0x82: {  	[spmem:s30] =	stream.linear.scatter [tilespmem:s12], [sflag:$0x5], $0x400, $0x38;
	[tilespmem:$0x1B800] =	vst v63  }
0x83: {  	s30 =	sadd.s32 $0x1400, s31  }
0x84: {  	[spmem:s30] =	stream.linear.scatter [tilespmem:s12], [sflag:$0x5], $0x400, $0x38;
	[tilespmem:$0x1B800] =	vst v63  }
0x85: {  	s30 =	sadd.s32 $0x1800, s31  }
0x86: {  	[spmem:s30] =	stream.linear.scatter [tilespmem:s12], [sflag:$0x5], $0x400, $0x38;
	[tilespmem:$0x1B800] =	vst v63  }
0x87: {  	s30 =	sadd.s32 $0x1C00, s31  }
0x88: {  	[spmem:s30] =	stream.linear.scatter [tilespmem:s12], [sflag:$0x5], $0x400, $0x38;
	[tilespmem:$0x1B800] =	vst v63  }
0x89: {  	_ =	swait.ge [sflag:s13], $0x400  }
0x8a: {  	[sflag:s13] =	ssyncset.done $0x0  }
0x8b: {  	[sflag:s13] =	ssyncadd.s32 $0xFFFFFC00  }
0x8c: {  	_ =	swait.ge [sflag:s13], $0x400  }
0x8d: {  	[sflag:s13] =	ssyncset.done $0x0  }
0x8e: {  	[sflag:s13] =	ssyncadd.s32 $0xFFFFFC00  }
0x8f: {  	_ =	swait.ge [sflag:s13], $0x400  }
0x90: {  	[sflag:s13] =	ssyncset.done $0x0  }
0x91: {  	[sflag:s13] =	ssyncadd.s32 $0xFFFFFC00  }
0x92: {  	_ =	swait.ge [sflag:s13], $0x400  }
0x93: {  	[sflag:s13] =	ssyncset.done $0x0  }
0x94: {  	[sflag:s13] =	ssyncadd.s32 $0xFFFFFC00  }
0x95: {  	_ =	swait.ge [sflag:s13], $0x400  }
0x96: {  	[sflag:s13] =	ssyncset.done $0x0  }
0x97: {  	[sflag:s13] =	ssyncadd.s32 $0xFFFFFC00  }
0x98: {  	_ =	swait.ge [sflag:s13], $0x400  }
0x99: {  	[sflag:s13] =	ssyncset.done $0x0  }
0x9a: {  	[sflag:s13] =	ssyncadd.s32 $0xFFFFFC00  }
.Ltmp0:
0x9b: {  	_ =	swait.ge [sflag:s13], $0x400;
	(pc) =	sbr.rel @p1 .LBB2_2-.Ltmp0, $4  }
0x9c: {  	[sflag:s13] =	ssyncset.done $0x0  }
0x9d: {  	[sflag:s13] =	ssyncadd.s32 $0xFFFFFC00  }
0x9e: {  	_ =	swait.ge [sflag:s13], $0x400  }
0x9f: {  	s29 =	sshra.s32 s29, $0x2;
	s30 =	smov.u32 s28;
	[sflag:s13] =	ssyncset.done $0x0  }
0xa0: {  	s28 =	sadd.s32 s29, s5;
	[sflag:s13] =	ssyncadd.s32 $0xFFFFFC00  }
0xa1: {  	[spmem:s28] =	stream.linear.scatter [tilespmem:s12], [sflag:$0x5], $0x400, $0x38;
	[tilespmem:$0x1B800] =	vst v63  }
0xa2: {  	s29 =	sadd.s32 $0x400, s28  }
0xa3: {  	[spmem:s29] =	stream.linear.scatter [tilespmem:s12], [sflag:$0x5], $0x400, $0x38;
	[tilespmem:$0x1B800] =	vst v63  }
0xa4: {  	s29 =	sadd.s32 $0x800, s28  }
0xa5: {  	[spmem:s29] =	stream.linear.scatter [tilespmem:s12], [sflag:$0x5], $0x400, $0x38;
	[tilespmem:$0x1B800] =	vst v63  }
0xa6: {  	s29 =	sadd.s32 $0xC00, s28  }
0xa7: {  	[spmem:s29] =	stream.linear.scatter [tilespmem:s12], [sflag:$0x5], $0x400, $0x38;
	[tilespmem:$0x1B800] =	vst v63  }
0xa8: {  	s29 =	sadd.s32 $0x1000, s28  }
0xa9: {  	[spmem:s29] =	stream.linear.scatter [tilespmem:s12], [sflag:$0x5], $0x400, $0x38;
	[tilespmem:$0x1B800] =	vst v63  }
0xaa: {  	s29 =	sadd.s32 $0x1400, s28  }
0xab: {  	[spmem:s29] =	stream.linear.scatter [tilespmem:s12], [sflag:$0x5], $0x400, $0x38;
	[tilespmem:$0x1B800] =	vst v63  }
0xac: {  	s29 =	sadd.s32 $0x1800, s28  }
0xad: {  	[spmem:s29] =	stream.linear.scatter [tilespmem:s12], [sflag:$0x5], $0x400, $0x38;
	[tilespmem:$0x1B800] =	vst v63  }
0xae: {  	s28 =	sadd.s32 $0x1C00, s28  }
0xaf: {  	[spmem:s28] =	stream.linear.scatter [tilespmem:s12], [sflag:$0x5], $0x400, $0x38;
	[tilespmem:$0x1B800] =	vst v63  }
0xb0: {  	_ =	swait.ge [sflag:s13], $0x400  }
0xb1: {  	[sflag:s13] =	ssyncset.done $0x0  }
0xb2: {  	[sflag:s13] =	ssyncadd.s32 $0xFFFFFC00  }
0xb3: {  	_ =	swait.ge [sflag:s13], $0x400  }
0xb4: {  	[sflag:s13] =	ssyncset.done $0x0  }
0xb5: {  	[sflag:s13] =	ssyncadd.s32 $0xFFFFFC00  }
0xb6: {  	_ =	swait.ge [sflag:s13], $0x400  }
0xb7: {  	[sflag:s13] =	ssyncset.done $0x0  }
0xb8: {  	[sflag:s13] =	ssyncadd.s32 $0xFFFFFC00  }
0xb9: {  	_ =	swait.ge [sflag:s13], $0x400  }
0xba: {  	[sflag:s13] =	ssyncset.done $0x0  }
0xbb: {  	[sflag:s13] =	ssyncadd.s32 $0xFFFFFC00  }
0xbc: {  	_ =	swait.ge [sflag:s13], $0x400  }
0xbd: {  	[sflag:s13] =	ssyncset.done $0x0  }
0xbe: {  	[sflag:s13] =	ssyncadd.s32 $0xFFFFFC00  }
0xbf: {  	_ =	swait.ge [sflag:s13], $0x400  }
0xc0: {  	[sflag:s13] =	ssyncset.done $0x0  }
0xc1: {  	[sflag:s13] =	ssyncadd.s32 $0xFFFFFC00  }
0xc2: {  	_ =	swait.ge [sflag:s13], $0x400  }
0xc3: {  	[sflag:s13] =	ssyncset.done $0x0  }
0xc4: {  	[sflag:s13] =	ssyncadd.s32 $0xFFFFFC00  }
0xc5: {  	_ =	swait.ge [sflag:s13], $0x400  }
0xc6: {  	[sflag:s13] =	ssyncset.done $0x0  }
0xc7: {  	s29 =	simm.s32 @p0 $0x6;
	s28 =	simm.s32 @p0 $0x0;
	[sflag:s13] =	ssyncadd.s32 $0xFFFFFC00  }
0xc8: {  	[tilespmem:s28], [sflag:$0x6] =	stream.linear.gather @p0 [hbm4b:s6+s28], $0x600, $0x38;
	[tilespmem:$0x1B800] =	vst v63  }
0xc9: {  	_ =	swait.ge @p0 [sflag:s29], $0x600  }
0xca: {  	[sflag:s29] =	ssyncset.done @p0 $0x0  }
0xcb: {  	s30 =	simm.s32 @p0 $0x4A00;
	[sflag:s29] =	ssyncadd.s32 @p0 $0xFFFFFA00  }
0xcc: {  	[tilespmem:s30], [sflag:$0x6] =	stream.linear.gather @p0 [hbm4b:s7+s28], $0x600, $0x38;
	[tilespmem:$0x1B800] =	vst v63  }
0xcd: {  	_ =	swait.ge @p0 [sflag:s29], $0x600  }
0xce: {  	[sflag:s29] =	ssyncset.done @p0 $0x0  }
0xcf: {  	s28 =	simm.s32 @!p0 $0x0;
	[sflag:s29] =	ssyncadd.s32 @p0 $0xFFFFFA00;
	s29 =	simm.s32 @!p0 $0x6  }
0xd0: {  	[tilespmem:s28], [sflag:$0x6] =	stream.linear.gather @!p0 [hbm4b:s8+s28], $0x4A00, $0x38;
	[tilespmem:$0x1B800] =	vst v63  }
0xd1: {  	_ =	swait.ge @!p0 [sflag:s29], $0x4A00  }
0xd2: {  	[sflag:s29] =	ssyncset.done @!p0 $0x0  }
0xd3: {  	s30 =	simm.s32 @!p0 $0x4A00;
	[sflag:s29] =	ssyncadd.s32 @!p0 $0xFFFFB600  }
0xd4: {  	[tilespmem:s30], [sflag:$0x6] =	stream.linear.gather @!p0 [hbm4b:s9+s28], $0x4A00, $0x38;
	[tilespmem:$0x1B800] =	vst v63  }
0xd5: {  	_ =	swait.ge @!p0 [sflag:s29], $0x4A00  }
0xd6: {  	[sflag:s29] =	ssyncset.done @!p0 $0x0  }
0xd7: {  	[sflag:s29] =	ssyncadd.s32 @!p0 $0xFFFFB600  }
0xd8: {  	s28 =	simm.s32 $0x0;
	[bflag:$0x0] =	sbarrier.arrive $0xFFFF  }
0xd9: {  	[tilespmem:s15], [sflag:$0x1] =	stream.indirect.gather [hbm4b:s4+s14], $0x40, s28, s14, $0xb8;
	[tilespmem:$0x1B800] =	vst v63  }
0xda: {  	_ = 	snop  }
0xdb: {  	[tilespmem:s16], [sflag:$0x1] =	stream.indirect.gather [hbm4b:s4+s14], $0x40, s14, s14, $0xb8;
	[tilespmem:$0x1B800] =	vst v63  }
0xdc: {  	_ = 	snop  }
0xdd: {  	[tilespmem:s18], [sflag:$0x2] =	stream.indirect.gather [hbm4b:s4+s14], $0x40, s17, s14, $0xb8;
	[tilespmem:$0x1B800] =	vst v63  }
0xde: {  	_ = 	snop  }
0xdf: {  	[tilespmem:s20], [sflag:$0x2] =	stream.indirect.gather [hbm4b:s4+s14], $0x40, s19, s14, $0xb8;
	[tilespmem:$0x1B800] =	vst v63  }
0xe0: {  	_ =	swait.ge [sflag:s21], $0x2000  }
0xe1: {  	[sflag:s21] =	ssyncset.done $0x0  }
0xe2: {  	[sflag:s21] =	ssyncadd.s32 $0xFFFFE000  }
0xe3: {  	_ =	swait.ge [sflag:s21], $0x2000  }
0xe4: {  	[sflag:s21] =	ssyncset.done $0x0  }
0xe5: {  	s28 =	simm.s32 $0x4A00;
	[sflag:s21] =	ssyncadd.s32 $0xFFFFE000  }
0xe6: {  	[spmem:s1] =	stream.indirect.scatter.add.f32 [tilespmem:s15], [sflag:$0x3], $0x40, s28, s14, $0xb8;
	[tilespmem:$0x1B800] =	vst v63  }
0xe7: {  	s28 =	simm.s32 $0x4A80  }
0xe8: {  	[spmem:s1] =	stream.indirect.scatter.add.f32 [tilespmem:s16], [sflag:$0x3], $0x40, s28, s14, $0xb8;
	[tilespmem:$0x1B800] =	vst v63  }
0xe9: {  	_ =	swait.ge [sflag:s22], $0x2000  }
0xea: {  	[sflag:s22] =	ssyncset.done $0x0  }
0xeb: {  	[sflag:s22] =	ssyncadd.s32 $0xFFFFE000  }
0xec: {  	_ =	swait.ge [sflag:s22], $0x2000  }
0xed: {  	[sflag:s22] =	ssyncset.done $0x0  }
0xee: {  	s28 =	simm.s32 $0x200;
	[sflag:s22] =	ssyncadd.s32 $0xFFFFE000  }
0xef: {  	[tilespmem:s15], [sflag:$0x1] =	stream.indirect.gather [hbm4b:s4+s14], $0x40, s28, s14, $0xb8;
	[tilespmem:$0x1B800] =	vst v63  }
0xf0: {  	s28 =	simm.s32 $0x280  }
0xf1: {  	[tilespmem:s16], [sflag:$0x1] =	stream.indirect.gather [hbm4b:s4+s14], $0x40, s28, s14, $0xb8;
	[tilespmem:$0x1B800] =	vst v63  }
0xf2: {  	_ =	swait.ge [sflag:s23], $0x2000  }
0xf3: {  	[sflag:s23] =	ssyncset.done $0x0  }
0xf4: {  	[sflag:s23] =	ssyncadd.s32 $0xFFFFE000  }
0xf5: {  	_ =	swait.ge [sflag:s23], $0x2000  }
0xf6: {  	[sflag:s23] =	ssyncset.done $0x0  }
0xf7: {  	s28 =	simm.s32 $0x4B00;
	[sflag:s23] =	ssyncadd.s32 $0xFFFFE000  }
0xf8: {  	[spmem:s1] =	stream.indirect.scatter.add.f32 [tilespmem:s18], [sflag:$0x4], $0x40, s28, s14, $0xb8;
	[tilespmem:$0x1B800] =	vst v63  }
0xf9: {  	s28 =	simm.s32 $0x4B80  }
0xfa: {  	[spmem:s1] =	stream.indirect.scatter.add.f32 [tilespmem:s20], [sflag:$0x4], $0x40, s28, s14, $0xb8;
	[tilespmem:$0x1B800] =	vst v63  }
0xfb: {  	s28 =	simm.s32 @!p0 $0x4A  }
0xfc: {  	s28 =	simm.s32 @p0 $0x6  }
0xfd: {  	s29 =	sshll.u32 s28, $0xA  }
0xfe: {  	_ =	swait.ge [sflag:s24], $0x2000;
	s29 =	sand.u32 $0x1F800, s29  }
0xff: {  	[sflag:s24] =	ssyncset.done $0x0;
	s29 =	sadd.s32 $0xFFFFF800, s29  }
0x100: {  	[sflag:s24] =	ssyncadd.s32 $0xFFFFE000;
	p1 =	sne.s32 s29, $0x800  }
.Ltmp1:
0x101: {  	_ =	swait.ge [sflag:s24], $0x2000;
	(pc) =	sbr.rel @!p1 .LBB2_5-.Ltmp1, $4  }
0x102: {  	[sflag:s24] =	ssyncset.done $0x0  }
0x103: {  	s30 =	simm.s32 $0x300;
	[sflag:s24] =	ssyncadd.s32 $0xFFFFE000  }
0x104: {  	[tilespmem:s18], [sflag:$0x2] =	stream.indirect.gather [hbm4b:s4+s14], $0x40, s30, s14, $0xb8;
	[tilespmem:$0x1B800] =	vst v63  }
0x105: {  	s31 =	simm.s32 $0x380;
	s30 =	simm.s32 $0x800  }
.LBB2_4:
0x106: {  	[tilespmem:s20], [sflag:$0x2] =	stream.indirect.gather [hbm4b:s4+s14], $0x40, s31, s14, $0xb8;
	[tilespmem:$0x1B800] =	vst v63  }
0x107: {  	s31 =	smov.u32 s30;
	s30 =	sadd.s32 $0x800, s30;
	_ =	swait.ge [sflag:s21], $0x2000  }
0x108: {  	p1 =	sne.s32 s29, s30;
	[sflag:s21] =	ssyncset.done $0x0  }
0x109: {  	[sflag:s21] =	ssyncadd.s32 $0xFFFFE000  }
0x10a: {  	_ =	swait.ge [sflag:s21], $0x2000  }
0x10b: {  	s31 =	sshra.s32 s31, $0x2;
	[sflag:s21] =	ssyncset.done $0x0  }
0x10c: {  	s0 =	sadd.s32 $0x4A00, s31;
	[sflag:s21] =	ssyncadd.s32 $0xFFFFE000  }
0x10d: {  	[spmem:s1] =	stream.indirect.scatter.add.f32 [tilespmem:s15], [sflag:$0x3], $0x40, s0, s14, $0xb8;
	[tilespmem:$0x1B800] =	vst v63  }
0x10e: {  	s0 =	sadd.s32 $0x4A80, s31  }
0x10f: {  	[spmem:s1] =	stream.indirect.scatter.add.f32 [tilespmem:s16], [sflag:$0x3], $0x40, s0, s14, $0xb8;
	[tilespmem:$0x1B800] =	vst v63  }
0x110: {  	_ =	swait.ge [sflag:s22], $0x2000  }
0x111: {  	[sflag:s22] =	ssyncset.done $0x0  }
0x112: {  	[sflag:s22] =	ssyncadd.s32 $0xFFFFE000  }
0x113: {  	_ =	swait.ge [sflag:s22], $0x2000  }
0x114: {  	[sflag:s22] =	ssyncset.done $0x0  }
0x115: {  	s0 =	sadd.s32 $0x200, s31;
	[sflag:s22] =	ssyncadd.s32 $0xFFFFE000  }
0x116: {  	[tilespmem:s15], [sflag:$0x1] =	stream.indirect.gather [hbm4b:s4+s14], $0x40, s0, s14, $0xb8;
	[tilespmem:$0x1B800] =	vst v63  }
0x117: {  	s0 =	sadd.s32 $0x280, s31  }
0x118: {  	[tilespmem:s16], [sflag:$0x1] =	stream.indirect.gather [hbm4b:s4+s14], $0x40, s0, s14, $0xb8;
	[tilespmem:$0x1B800] =	vst v63  }
0x119: {  	_ =	swait.ge [sflag:s23], $0x2000  }
0x11a: {  	[sflag:s23] =	ssyncset.done $0x0  }
0x11b: {  	[sflag:s23] =	ssyncadd.s32 $0xFFFFE000  }
0x11c: {  	_ =	swait.ge [sflag:s23], $0x2000  }
0x11d: {  	[sflag:s23] =	ssyncset.done $0x0  }
0x11e: {  	s0 =	sadd.s32 $0x4B00, s31;
	[sflag:s23] =	ssyncadd.s32 $0xFFFFE000  }
0x11f: {  	[spmem:s1] =	stream.indirect.scatter.add.f32 [tilespmem:s18], [sflag:$0x4], $0x40, s0, s14, $0xb8;
	[tilespmem:$0x1B800] =	vst v63  }
0x120: {  	s0 =	sadd.s32 $0x4B80, s31  }
0x121: {  	[spmem:s1] =	stream.indirect.scatter.add.f32 [tilespmem:s20], [sflag:$0x4], $0x40, s0, s14, $0xb8;
	[tilespmem:$0x1B800] =	vst v63  }
0x122: {  	_ =	swait.ge [sflag:s24], $0x2000  }
0x123: {  	[sflag:s24] =	ssyncset.done $0x0  }
0x124: {  	[sflag:s24] =	ssyncadd.s32 $0xFFFFE000  }
.Ltmp2:
0x125: {  	_ =	swait.ge [sflag:s24], $0x2000;
	(pc) =	sbr.rel @p1 .LBB2_4-.Ltmp2, $4  }
0x126: {  	[sflag:s24] =	ssyncset.done $0x0  }
0x127: {  	s0 =	sadd.s32 $0x300, s31;
	[sflag:s24] =	ssyncadd.s32 $0xFFFFE000  }
0x128: {  	[tilespmem:s18], [sflag:$0x2] =	stream.indirect.gather [hbm4b:s4+s14], $0x40, s0, s14, $0xb8;
	[tilespmem:$0x1B800] =	vst v63  }
0x129: {  	s31 =	sadd.s32 $0x380, s31  }
.LBB2_5:
0x12a: {  	[tilespmem:s20], [sflag:$0x2] =	stream.indirect.gather [hbm4b:s4+s14], $0x40, s31, s14, $0xb8;
	[tilespmem:$0x1B800] =	vst v63  }
0x12b: {  	_ =	swait.ge [sflag:s21], $0x2000  }
0x12c: {  	[sflag:s21] =	ssyncset.done $0x0  }
0x12d: {  	[sflag:s21] =	ssyncadd.s32 $0xFFFFE000  }
0x12e: {  	_ =	swait.ge [sflag:s21], $0x2000  }
0x12f: {  	s0 =	sshll.u32 s28, $0x8;
	[sflag:s21] =	ssyncset.done $0x0  }
0x130: {  	s28 =	sadd.s32 $0x4800, s0;
	[sflag:s21] =	ssyncadd.s32 $0xFFFFE000  }
0x131: {  	[spmem:s1] =	stream.indirect.scatter.add.f32 [tilespmem:s15], [sflag:$0x3], $0x40, s28, s14, $0xb8;
	[tilespmem:$0x1B800] =	vst v63  }
0x132: {  	s29 =	sadd.s32 $0x4880, s0  }
0x133: {  	[spmem:s1] =	stream.indirect.scatter.add.f32 [tilespmem:s16], [sflag:$0x3], $0x40, s29, s14, $0xb8;
	[tilespmem:$0x1B800] =	vst v63  }
0x134: {  	_ =	swait.ge [sflag:s22], $0x2000  }
0x135: {  	[sflag:s22] =	ssyncset.done $0x0  }
0x136: {  	[sflag:s22] =	ssyncadd.s32 $0xFFFFE000  }
0x137: {  	_ =	swait.ge [sflag:s22], $0x2000  }
0x138: {  	[sflag:s22] =	ssyncset.done $0x0  }
0x139: {  	[sflag:s22] =	ssyncadd.s32 $0xFFFFE000  }
0x13a: {  	_ =	swait.ge [sflag:s23], $0x2000  }
0x13b: {  	[sflag:s23] =	ssyncset.done $0x0  }
0x13c: {  	[sflag:s23] =	ssyncadd.s32 $0xFFFFE000  }
0x13d: {  	_ =	swait.ge [sflag:s23], $0x2000  }
0x13e: {  	[sflag:s23] =	ssyncset.done $0x0  }
0x13f: {  	s30 =	sadd.s32 $0x4900, s0;
	[sflag:s23] =	ssyncadd.s32 $0xFFFFE000  }
0x140: {  	[spmem:s1] =	stream.indirect.scatter.add.f32 [tilespmem:s18], [sflag:$0x4], $0x40, s30, s14, $0xb8;
	[tilespmem:$0x1B800] =	vst v63  }
0x141: {  	s0 =	sadd.s32 $0x4980, s0  }
0x142: {  	[spmem:s1] =	stream.indirect.scatter.add.f32 [tilespmem:s20], [sflag:$0x4], $0x40, s0, s14, $0xb8;
	[tilespmem:$0x1B800] =	vst v63  }
0x143: {  	_ =	swait.ge [sflag:s24], $0x2000  }
0x144: {  	[sflag:s24] =	ssyncset.done $0x0  }
0x145: {  	[sflag:s24] =	ssyncadd.s32 $0xFFFFE000  }
0x146: {  	_ =	swait.ge [sflag:s24], $0x2000  }
0x147: {  	s3 =	sadd.s32 $0x1, s3;
	[sflag:s24] =	ssyncset.done $0x0  }
0x148: {  	s31 =	sshll.u32 s2, $0x6;
	p1 =	sne.s32 s3, s11;
	[sflag:s24] =	ssyncadd.s32 $0xFFFFE000  }
.Ltmp3:
0x149: {  	s0 =	sor.u32 $0x1C06, s31;
	[bflag:$0x0] =	sbarrier.arrive $0xFFFF;
	(pc) =	sbr.rel @p1 .LBB2_1-.Ltmp3, $4  }
0x14a: {  	[hbm:s10], [sflag:s0] =	dma.local [spmem:s25], $0x1400  }
0x14b: {  	_ =	swait.ge [sflag:s26], $0x1400  }
0x14c: {  	[sflag:s26] =	ssyncset.done $0x0  }
0x14d: {  	[sflag:s26] =	ssyncadd.s32 $0xFFFFEC00  }
0x14e: {  	_ =	sfence.sel $0x180000  }
0x14f: {  	[bflag:$0x0] =	sbarrier.arrive $0xFFFF  }
0x150: {  	_ =	strace $0x9000004A  }
0x151: {  	[bflag:$0x2] =	sbarrier.arrive $0xFFFF  }
0x152: {  	p0 =	sne.s32 s2, $0x0;
	s0 =	rddreg [dreg:$0x2]  }
0x153: {  	s0 =	sadd.s32 @!p0 $0x100000, s0  }
0x154: {  	[sflag:s0] =	ssyncadd.tile.s32 @!p0 $0x1;
	_ =	shalt  }
.Lfunc_end2:
_tile_overlayer_lowered:
.L_overlay_start_2:
0x155: {  	(tag) =	ssettag $0x2  }
0x156: {  	s0 =	rddreg [dreg:$0x0];
	s2 =	stileid.u32  }
0x157: {  	s1 =	rddreg [dreg:$0x1];
	p0 =	sne.s32 s2, $0x0  }
0x158: {  	s3 =	rddreg [dreg:$0x2];
	[bflag:$0x3] =	sbarrier.arrive $0xFFFF;
	s2 =	simm.s32 @!p0 $0x1C06  }
0x159: {  	[timem:s3], [sflag:s2] =	dma.local @!p0 [hbm:s0], s1  }
0x15a: {  	s0 =	simm.s32 @!p0 $0x6  }
0x15b: {  	_ =	swait.ge @!p0 [sflag:s0], s1  }
0x15c: {  	s1 =	ssub.s32 @!p0 $0x0, s1;
	[sflag:s0] =	ssyncset.done @!p0 $0x0  }
0x15d: {  	[sflag:s0] =	ssyncadd.s32 @!p0 s1  }
0x15e: {  	[bflag:$0x3] =	sbarrier.arrive $0xFFFF  }
0x15f: {  	_ =	shalt  }

// kernel: sc_aggregate.7.cloned.1.call-start
scs
__scs_entry_jumppad:
0x0: {  	(pc) =	sbr.rel $0x88, $3  }
0x1: {  	(tag) =	ssettag $0x0;
	lr =	simm.s32 $0x1  }
0x2: {  	[smem:$0x3F96] =	sst lr;
	_ =	strace $0xD0000000  }
0x3: {  	_ = 	snop  }
0x4: {  	_ = 	snop  }
0x5: {  	_ = 	snop  }
0x6: {  	_ = 	snop  }
0x7: {  	_ = 	snop  }
__scs_overlays_trampoline_lowered:
0x8: {  	[smem:$0x3FA5] =	sst s0  }
0x9: {  	[smem:$0x3FA6] =	sst s1  }
0xa: {  	[smem:$0x3FA7] =	sst s2  }
0xb: {  	[smem:$0x3FA8] =	sst s3  }
0xc: {  	[smem:$0x3FA9] =	sst s4  }
0xd: {  	[smem:$0x3FAA] =	sst s5  }
0xe: {  	[smem:$0x3FAB] =	sst s6  }
0xf: {  	[smem:$0x3FAC] =	sst s7  }
0x10: {  	[smem:$0x3FAD] =	sst s8  }
0x11: {  	[smem:$0x3FAE] =	sst s9;
	s0 =	simm.s32 @!p0 $0x0  }
0x12: {  	s1 =	sld [smem:$0x3F94];
	s0 =	simm.s32 @p0 $0x1  }
0x13: {  	[smem:$0x3FAF] =	sst s0;
	s0 =	simm.s32 @!p1 $0x0  }
0x14: {  	s2 =	sld [smem:$0x3F93];
	s0 =	simm.s32 @p1 $0x1  }
0x15: {  	[smem:$0x3FB0] =	sst s0;
	s0 =	simm.s32 @!p2 $0x0  }
0x16: {  	s3 =	sld [smem:$0x3FDB];
	s0 =	simm.s32 @p2 $0x1  }
0x17: {  	s4 =	simm.s32 $0x1BF5;
	[smem:$0x3FB2] =	sst s0  }
0x18: {  	s0 =	sld [smem:$0x3F95];
	_ =	swait.ge [sflag:s4], $0x0  }
0x19: {  	s7 =	sld [smem:$0x3F96]  }
0x1a: {  	s8 =	sadd.s32 $0xFFFFE003, lr  }
0x1b: {  	s9 =	sadd.s32 $0xFFFFFEF7, lr;
	s5 =	simm.s32 $0xFFFFFFFF;
	p2 =	slt.u32 s8, $0xFFFFF086  }
0x1c: {  	p1 =	slt.u32 s9, $0xF7A;
	s5 =	simm.s32 @!p2 $0x0  }
0x1d: {  	s5 =	simm.s32 @p1 $0x1;
	p0 =	seq.s32 s7, s2  }
0x1e: {  	s7 =	smul.u32 @!p0 $0xF7A, s2;
	p2 =	seq.s32 @!p0 s5, $0x0  }
0x1f: {  	s9 =	smul.u32 $0xF7A, s1;
	s8 =	simm.s32 @!p0 $0x1BF5;
	p2 =	por !p2, p0  }
0x20: {  	[sflag:s8] =	ssyncset.s32 @!p0 $0xFFFFF086;
	s6 =	sadd.s32 @!p0 s3, s7;
	s7 =	simm.s32 @!p0 $0x108  }
0x21: {  	s3 =	sadd.s32 s3, s9;
	s6 =	sadd.s32 @!p0 $0x88, s6;
	s7 =	simm.s32 @p2 $0x1082  }
0x22: {  	[simem:s7], [sflag:s8] =	dma.local @!p0 [hbm:s6], $0xF7A  }
0x23: {  	s9 =	sor.u32 $0xD0000000, s2;
	s6 =	simm.s32 $0x108;
	_ =	swait.ge @!p0 [sflag:s8], $0x0  }
0x24: {  	s3 =	sadd.s32 $0x88, s3;
	s6 =	simm.s32 @!p1 $0x1082;
	[sflag:s4] =	ssyncset.s32 $0xFFFFF086  }
0x25: {  	[simem:s6], [sflag:s4] =	dma.local [hbm:s3], $0xF7A  }
0x26: {  	[smem:$0x3F96] =	sst s1;
	(tag) =	ssettag s2;
	_ =	strace s9  }
0x27: {  	s1 =	sld [smem:$0x3FA6]  }
0x28: {  	s2 =	sld [smem:$0x3FA7]  }
0x29: {  	s4 =	sld [smem:$0x3FA9]  }
0x2a: {  	p0 =	seq.s32 s5, $0x0;
	s5 =	sld [smem:$0x3FAA]  }
0x2b: {  	s6 =	sld [smem:$0x3FAB]  }
0x2c: {  	s7 =	sld [smem:$0x3FAC]  }
0x2d: {  	s3 =	simm.s32 $0x108;
	s8 =	sld [smem:$0x3FAD]  }
0x2e: {  	s3 =	simm.s32 @!p0 $0x1082;
	s9 =	sld [smem:$0x3FAE]  }
0x2f: {  	lr =	sadd.s32 s0, s3;
	s0 =	sld [smem:$0x3FA5]  }
0x30: {  	s3 =	sld [smem:$0x3FA8]  }
0x31: {  	[smem:$0x3FB1] =	sst s10  }
0x32: {  	s10 =	sld [smem:$0x3FAF];
	_ =	sdelay $0x3  }
0x33: {  	p0 =	seq.s32 s10, $0x1;
	s10 =	sld [smem:$0x3FB1];
	_ =	sdelay $0x3  }
0x34: {  	[smem:$0x3FB1] =	sst s10  }
0x35: {  	s10 =	sld [smem:$0x3FB0];
	_ =	sdelay $0x3  }
0x36: {  	p1 =	seq.s32 s10, $0x1;
	s10 =	sld [smem:$0x3FB1];
	_ =	sdelay $0x3  }
0x37: {  	[smem:$0x3FB1] =	sst s10  }
0x38: {  	s10 =	sld [smem:$0x3FB2]  }
0x39: {  	_ = 	snop;
	(pc) =	sbr.ind lr, $3  }
0x3a: {  	_ = 	snop  }
0x3b: {  	_ = 	snop  }
0x3c: {  	p2 =	seq.s32 s10, $0x1;
	s10 =	sld [smem:$0x3FB1]  }
0x3d: {  	_ =	shalt  }
0x3e: {  	_ =	shalt  }
0x3f: {  	_ =	shalt  }
0x40: {  	_ =	shalt  }
0x41: {  	_ =	shalt  }
0x42: {  	_ =	shalt  }
0x43: {  	_ =	shalt  }
0x44: {  	_ =	shalt  }
0x45: {  	_ =	shalt  }
0x46: {  	_ =	shalt  }
0x47: {  	_ =	shalt  }
0x48: {  	_ =	shalt  }
0x49: {  	_ =	shalt  }
0x4a: {  	_ =	shalt  }
0x4b: {  	_ =	shalt  }
0x4c: {  	_ =	shalt  }
0x4d: {  	_ =	shalt  }
0x4e: {  	_ =	shalt  }
0x4f: {  	_ =	shalt  }
0x50: {  	_ =	shalt  }
0x51: {  	_ =	shalt  }
0x52: {  	_ =	shalt  }
0x53: {  	_ =	shalt  }
0x54: {  	_ =	shalt  }
0x55: {  	_ =	shalt  }
0x56: {  	_ =	shalt  }
0x57: {  	_ =	shalt  }
0x58: {  	_ =	shalt  }
0x59: {  	_ =	shalt  }
0x5a: {  	_ =	shalt  }
0x5b: {  	_ =	shalt  }
0x5c: {  	_ =	shalt  }
0x5d: {  	_ =	shalt  }
0x5e: {  	_ =	shalt  }
0x5f: {  	_ =	shalt  }
0x60: {  	_ =	shalt  }
0x61: {  	_ =	shalt  }
0x62: {  	_ =	shalt  }
0x63: {  	_ =	shalt  }
0x64: {  	_ =	shalt  }
0x65: {  	_ =	shalt  }
0x66: {  	_ =	shalt  }
0x67: {  	_ =	shalt  }
0x68: {  	_ =	shalt  }
0x69: {  	_ =	shalt  }
0x6a: {  	_ =	shalt  }
0x6b: {  	_ =	shalt  }
0x6c: {  	_ =	shalt  }
0x6d: {  	_ =	shalt  }
0x6e: {  	_ =	shalt  }
0x6f: {  	_ =	shalt  }
0x70: {  	_ =	shalt  }
0x71: {  	_ =	shalt  }
0x72: {  	_ =	shalt  }
0x73: {  	_ =	shalt  }
0x74: {  	_ =	shalt  }
0x75: {  	_ =	shalt  }
0x76: {  	_ =	shalt  }
0x77: {  	_ =	shalt  }
0x78: {  	_ =	shalt  }
0x79: {  	_ =	shalt  }
0x7a: {  	_ =	shalt  }
0x7b: {  	_ =	shalt  }
0x7c: {  	_ =	shalt  }
0x7d: {  	_ =	shalt  }
0x7e: {  	_ =	shalt  }
0x7f: {  	_ =	shalt  }
0x80: {  	_ =	shalt  }
0x81: {  	_ =	shalt  }
0x82: {  	_ =	shalt  }
0x83: {  	_ =	shalt  }
0x84: {  	_ =	shalt  }
0x85: {  	_ =	shalt  }
0x86: {  	_ =	shalt  }
0x87: {  	_ =	shalt  }
.Lfunc_end0:
.L_simem_size_0:
called_computation.2_lowered:
.L_overlay_start_0:
0x88: {  	s2 =	sld [smem:$0x3FD9]  }
0x89: {  	s3 =	sld [smem:$0x3FFE];
	_ =	sdelay $0x1  }
0x8a: {  	s1 =	srdreg.scid  }
0x8b: {  	s0 =	sand.u32 $0x1, s1  }
0x8c: {  	s16 =	sshll.u32 s0, $0xA;
	s2 =	sadd.s32 s3, s2  }
0x8d: {  	s2 =	sadd.s32 s2, s16  }
0x8e: {  	[smem:$0x3FBD] =	sst s2  }
0x8f: {  	_ = 	snop  }
0x90: {  	(tm) =	ssettm $0x1  }
0x91: {  	s17 =	sld [smem:$0x3FFB];
	_ =	sdelay $0x3  }
0x92: {  	_ =	strace s17  }
0x93: {  	s2 =	sld [smem:$0x3FFC];
	_ =	sdelay $0x3  }
0x94: {  	_ =	strace s2  }
0x95: {  	s2 =	sld [smem:$0x3FFD];
	_ =	sdelay $0x3  }
0x96: {  	_ =	strace s2  }
0x97: {  	_ =	strace $0x8FFFFFFF  }
0x98: {  	s18 =	sld [smem:$0x3FDB];
	_ =	sdelay $0x1  }
0x99: {  	s19 =	simm.s32 $_scs_section_size  }
0x9a: {  	s4 =	simm.s32 $_size__tile_overlayer_lowered;
	s5 =	simm.s32 $_tile_overlayer_lowered  }
0x9b: {  	s22 =	simm.s32 $0x1BFF;
	s21 =	sshll.u32 s5, $0x1;
	s2 =	sadd.s32 s19, s18  }
0x9c: {  	s6 =	simm.s32 $0x0;
	s20 =	sshll.u32 s4, $0x1;
	s4 =	sadd.s32 s21, s2  }
0x9d: {  	[timem:s6], [sflag:s22] =	dma.local [hbm:s4], s20  }
0x9e: {  	_ =	swait.ge [sflag:s22], s20  }
0x9f: {  	s3 =	ssub.s32 $0x0, s20;
	[sflag:s22] =	ssyncset.done $0x0  }
0xa0: {  	[sflag:s22] =	ssyncadd.s32 s3;
	_ =	sdelay $0x1  }
0xa1: {  	s23 =	simm.s32 $0x1B8B  }
0xa2: {  	_ =	swait.ge [sflag:s23], $0x1  }
0xa3: {  	[sflag:s23] =	ssyncset.done $0x0  }
0xa4: {  	s25 =	simm.s32 $0x1B8E;
	s24 =	sld [smem:$0x3FFE];
	[sflag:s23] =	ssyncadd.s32 $0xFFFFFFFF  }
0xa5: {  	s26 =	simm.s32 $execute0_lowered;
	[smem:$0x3FD2] =	sst s25  }
0xa6: {  	s4 =	sshll.u32 s26, $0x1;
	_ =	strace $0x8000004C;
	[dreg:$0x1] =	wrdreg $0xFFFFFFFF  }
0xa7: {  	s28 =	simm.s32 $_size_execute0_lowered;
	s2 =	sadd.s32 s2, s4;
	[dreg:$0x0] =	wrdreg $0x0  }
0xa8: {  	s4 =	sshll.u32 s28, $0x1;
	[dreg:$0x2] =	wrdreg s2  }
0xa9: {  	[dreg:$0x3] =	wrdreg s4  }
0xaa: {  	[dreg:$0x4] =	wrdreg $0xC0  }
0xab: {  	_ =	task [dreg:s6], $0x5FFFF  }
0xac: {  	[dreg:$0x1] =	wrdreg $0xFFFFFFFF  }
0xad: {  	[dreg:$0x0] =	wrdreg $0x60  }
0xae: {  	[dreg:$0x2] =	wrdreg s24  }
0xaf: {  	[dreg:$0x3] =	wrdreg $0x118000  }
0xb0: {  	[dreg:$0x4] =	wrdreg $0x9  }
0xb1: {  	_ =	task.clear_ibuf [dreg:s6], $0x5FFFF;
	_ =	strace $0x9000004C  }
0xb2: {  	s29 =	simm.s32 $0x9;
	_ =	strace $0x8000004E  }
0xb3: {  	_ =	swait.ge [sflag:s29], $0x1  }
0xb4: {  	[sflag:s29] =	ssyncadd.s32 $0xFFFFFFFF  }
0xb5: {  	_ =	strace $0x9000004E  }
0xb6: {  	_ =	sfence  }
0xb7: {  	s30 =	sld [smem:$0x0];
	_ =	sdelay $0x2  }
0xb8: {  	s31 =	sshll.u32 s1, $0xD;
	s1 =	sshrl.u32 s1, $0x2  }
0xb9: {  	s3 =	sand.u32 $0x4000, s31;
	s1 =	sadd.s32 s1, s30  }
0xba: {  	s0 =	sor.u32 s3, s0;
	s1 =	sshll.u32 s1, $0x11  }
0xbb: {  	s0 =	sor.u32 s1, s0  }
0xbc: {  	s0 =	sadd.s32 $0x8F2B, s0  }
0xbd: {  	[sflag:s0] =	ssyncadd.remote.s32 $0x1  }
0xbe: {  	_ =	sfence.sel $0xFFFF  }
0xbf: {  	[dreg:$0x0] =	wrdreg $0xFFFFFFFF;
	(pc) =	sbr.abs _section_cstart, $3  }
0xc0: {  	[dreg:$0x1] =	wrdreg $0xFFFFFFFF  }
0xc1: {  	_ =	task.clear_ibuf [dreg:s6], $0x2FFFF;
	_ =	strace $0x9FFFFFFF  }
0xc2: {  	(tm) =	ssettm $0x7FFFFFFF  }
0xc3: {  	_ =	shalt  }
tec
execute0_lowered:
.L_overlay_start_1:
0x0: {  	(tag) =	ssettag $0x1  }
0x1: {  	s5 =	rddreg [dreg:$0x0]  }
0x2: {  	s1 =	rddreg [dreg:$0x1];
	s3 =	simm.s32 $0x0;
	s2 =	srdreg.scid  }
0x3: {  	s16 =	simm.s32 $0xB400;
	s17 =	simm.s32 $0x100;
	s18 =	simm.s32 $0xD400  }
0x4: {  	s19 =	simm.s32 $0x180;
	s20 =	simm.s32 $0xF400;
	s21 =	simm.s32 $0x1  }
0x5: {  	s22 =	simm.s32 $0x3;
	s23 =	simm.s32 $0x2;
	s14 =	sand.u32 $0x1, s2  }
0x6: {  	s24 =	simm.s32 $0x4;
	s2 =	stileid.u32;
	s6 =	smul.u32 $0xA0000, s14  }
0x7: {  	s26 =	simm.s32 $0x6;
	[smem:$0x7FF] =	sst s3;
	s11 =	smul.u32 $0xA000, s2  }
0x8: {  	s4 =	sadd.s32 $0x16600, s5;
	s8 =	sadd.s32 $0xC600, s5;
	s10 =	smul.u32 $0x600, s2  }
0x9: {  	s9 =	sadd.s32 $0x1C00, s5;
	_ =	strace $0x8000004D;
	s13 =	smul.u32 $0x28000, s2  }
0xa: {  	s7 =	ssub.s32 $0x2, s14;
	s31 =	smul.u32 $0x940, s2;
	p0 =	sne.s32 s14, $0x0  }
0xb: {  	s14 =	simm.s32 $0x80;
	s12 =	sshrl.u32 s7, $0x1;
	s6 =	sadd.s32 s11, s6  }
0xc: {  	s12 =	ssub.s32 s7, s12;
	s28 =	sshrl.u32 s10, $0x3;
	s29 =	sshrl.u32 s13, $0x2  }
0xd: {  	s25 =	sadd.s32 s11, s1;
	s13 =	simm.s32 $0x5;
	s6 =	sshrl.u32 s6, $0x3  }
0xe: {  	s30 =	sadd.s32 $0x9400, s28;
	s11 =	smax.u32 s12, $0x1;
	s12 =	simm.s32 $0x11400  }
0xf: {  	s25 =	sshrl.u32 s25, $0x3;
	s15 =	sadd.s32 s6, s5;
	s5 =	sadd.s32 s29, s1  }
0x10: {  	s6 =	sadd.s32 s8, s30;
	s7 =	sadd.s32 s9, s30;
	s8 =	sadd.s32 s8, s31  }
0x11: {  	v0 =	vimm.f32 $0.0e+00;
	s9 =	sadd.s32 s9, s31;
	s10 =	sadd.s32 $0x2A600, s15;
	s15 =	simm.s32 $0x9400  }
.LBB2_1:
0x12: {  	[tilespmem:$0x11400] =	vst v0  }
0x13: {  	[tilespmem:$0x11410] =	vst v0  }
0x14: {  	[tilespmem:$0x11420] =	vst v0  }
0x15: {  	[tilespmem:$0x11430] =	vst v0  }
0x16: {  	[tilespmem:$0x11440] =	vst v0  }
0x17: {  	[tilespmem:$0x11450] =	vst v0  }
0x18: {  	[tilespmem:$0x11460] =	vst v0  }
0x19: {  	[tilespmem:$0x11470] =	vst v0  }
0x1a: {  	[tilespmem:$0x11480] =	vst v0  }
0x1b: {  	[tilespmem:$0x11490] =	vst v0  }
0x1c: {  	[tilespmem:$0x114A0] =	vst v0  }
0x1d: {  	[tilespmem:$0x114B0] =	vst v0  }
0x1e: {  	[tilespmem:$0x114C0] =	vst v0  }
0x1f: {  	[tilespmem:$0x114D0] =	vst v0  }
0x20: {  	[tilespmem:$0x114E0] =	vst v0  }
0x21: {  	[tilespmem:$0x114F0] =	vst v0  }
0x22: {  	[tilespmem:$0x11500] =	vst v0  }
0x23: {  	[tilespmem:$0x11510] =	vst v0  }
0x24: {  	[tilespmem:$0x11520] =	vst v0  }
0x25: {  	[tilespmem:$0x11530] =	vst v0  }
0x26: {  	[tilespmem:$0x11540] =	vst v0  }
0x27: {  	[tilespmem:$0x11550] =	vst v0  }
0x28: {  	[tilespmem:$0x11560] =	vst v0  }
0x29: {  	[tilespmem:$0x11570] =	vst v0  }
0x2a: {  	[tilespmem:$0x11580] =	vst v0  }
0x2b: {  	[tilespmem:$0x11590] =	vst v0  }
0x2c: {  	[tilespmem:$0x115A0] =	vst v0  }
0x2d: {  	[tilespmem:$0x115B0] =	vst v0  }
0x2e: {  	[tilespmem:$0x115C0] =	vst v0  }
0x2f: {  	[tilespmem:$0x115D0] =	vst v0  }
0x30: {  	[tilespmem:$0x115E0] =	vst v0  }
0x31: {  	[tilespmem:$0x115F0] =	vst v0  }
0x32: {  	[tilespmem:$0x11600] =	vst v0  }
0x33: {  	[tilespmem:$0x11610] =	vst v0  }
0x34: {  	[tilespmem:$0x11620] =	vst v0  }
0x35: {  	[tilespmem:$0x11630] =	vst v0  }
0x36: {  	[tilespmem:$0x11640] =	vst v0  }
0x37: {  	[tilespmem:$0x11650] =	vst v0  }
0x38: {  	[tilespmem:$0x11660] =	vst v0  }
0x39: {  	[tilespmem:$0x11670] =	vst v0  }
0x3a: {  	[tilespmem:$0x11680] =	vst v0  }
0x3b: {  	[tilespmem:$0x11690] =	vst v0  }
0x3c: {  	[tilespmem:$0x116A0] =	vst v0  }
0x3d: {  	[tilespmem:$0x116B0] =	vst v0  }
0x3e: {  	[tilespmem:$0x116C0] =	vst v0  }
0x3f: {  	[tilespmem:$0x116D0] =	vst v0  }
0x40: {  	[tilespmem:$0x116E0] =	vst v0  }
0x41: {  	[tilespmem:$0x116F0] =	vst v0  }
0x42: {  	[tilespmem:$0x11700] =	vst v0  }
0x43: {  	[tilespmem:$0x11710] =	vst v0  }
0x44: {  	[tilespmem:$0x11720] =	vst v0  }
0x45: {  	[tilespmem:$0x11730] =	vst v0  }
0x46: {  	[tilespmem:$0x11740] =	vst v0  }
0x47: {  	[tilespmem:$0x11750] =	vst v0  }
0x48: {  	[tilespmem:$0x11760] =	vst v0  }
0x49: {  	[tilespmem:$0x11770] =	vst v0  }
0x4a: {  	[tilespmem:$0x11780] =	vst v0  }
0x4b: {  	[tilespmem:$0x11790] =	vst v0  }
0x4c: {  	[tilespmem:$0x117A0] =	vst v0  }
0x4d: {  	[tilespmem:$0x117B0] =	vst v0  }
0x4e: {  	[tilespmem:$0x117C0] =	vst v0  }
0x4f: {  	[tilespmem:$0x117D0] =	vst v0  }
0x50: {  	[tilespmem:$0x117E0] =	vst v0  }
0x51: {  	[tilespmem:$0x117F0] =	vst v0;
	s28 =	sadd.s32 $0x0, s5  }
0x52: {  	[spmem:s28] =	stream.linear.scatter [tilespmem:s12], [sflag:$0x5], $0x400, $0x38;
	[tilespmem:$0x1B800] =	vst v63  }
0x53: {  	s29 =	sadd.s32 $0x400, s28  }
0x54: {  	[spmem:s29] =	stream.linear.scatter [tilespmem:s12], [sflag:$0x5], $0x400, $0x38;
	[tilespmem:$0x1B800] =	vst v63  }
0x55: {  	s29 =	sadd.s32 $0x800, s28  }
0x56: {  	[spmem:s29] =	stream.linear.scatter [tilespmem:s12], [sflag:$0x5], $0x400, $0x38;
	[tilespmem:$0x1B800] =	vst v63  }
0x57: {  	s29 =	sadd.s32 $0xC00, s28  }
0x58: {  	[spmem:s29] =	stream.linear.scatter [tilespmem:s12], [sflag:$0x5], $0x400, $0x38;
	[tilespmem:$0x1B800] =	vst v63  }
0x59: {  	s29 =	sadd.s32 $0x1000, s28  }
0x5a: {  	[spmem:s29] =	stream.linear.scatter [tilespmem:s12], [sflag:$0x5], $0x400, $0x38;
	[tilespmem:$0x1B800] =	vst v63  }
0x5b: {  	s29 =	sadd.s32 $0x1400, s28  }
0x5c: {  	[spmem:s29] =	stream.linear.scatter [tilespmem:s12], [sflag:$0x5], $0x400, $0x38;
	[tilespmem:$0x1B800] =	vst v63  }
0x5d: {  	s29 =	sadd.s32 $0x1800, s28  }
0x5e: {  	[spmem:s29] =	stream.linear.scatter [tilespmem:s12], [sflag:$0x5], $0x400, $0x38;
	[tilespmem:$0x1B800] =	vst v63  }
0x5f: {  	s28 =	sadd.s32 $0x1C00, s28  }
0x60: {  	[spmem:s28] =	stream.linear.scatter [tilespmem:s12], [sflag:$0x5], $0x400, $0x38;
	[tilespmem:$0x1B800] =	vst v63  }
0x61: {  	_ =	swait.ge [sflag:s13], $0x400  }
0x62: {  	[sflag:s13] =	ssyncset.done $0x0  }
0x63: {  	[sflag:s13] =	ssyncadd.s32 $0xFFFFFC00  }
0x64: {  	_ =	swait.ge [sflag:s13], $0x400  }
0x65: {  	[sflag:s13] =	ssyncset.done $0x0  }
0x66: {  	[sflag:s13] =	ssyncadd.s32 $0xFFFFFC00  }
0x67: {  	_ =	swait.ge [sflag:s13], $0x400  }
0x68: {  	[sflag:s13] =	ssyncset.done $0x0  }
0x69: {  	[sflag:s13] =	ssyncadd.s32 $0xFFFFFC00  }
0x6a: {  	_ =	swait.ge [sflag:s13], $0x400  }
0x6b: {  	[sflag:s13] =	ssyncset.done $0x0  }
0x6c: {  	[sflag:s13] =	ssyncadd.s32 $0xFFFFFC00  }
0x6d: {  	_ =	swait.ge [sflag:s13], $0x400  }
0x6e: {  	[sflag:s13] =	ssyncset.done $0x0  }
0x6f: {  	[sflag:s13] =	ssyncadd.s32 $0xFFFFFC00  }
0x70: {  	_ =	swait.ge [sflag:s13], $0x400  }
0x71: {  	[sflag:s13] =	ssyncset.done $0x0  }
0x72: {  	[sflag:s13] =	ssyncadd.s32 $0xFFFFFC00  }
0x73: {  	_ =	swait.ge [sflag:s13], $0x400  }
0x74: {  	[sflag:s13] =	ssyncset.done $0x0  }
0x75: {  	[sflag:s13] =	ssyncadd.s32 $0xFFFFFC00  }
0x76: {  	_ =	swait.ge [sflag:s13], $0x400  }
0x77: {  	s30 =	simm.s32 $0x10000;
	s29 =	simm.s32 $0x2000;
	[sflag:s13] =	ssyncset.done $0x0  }
.LBB2_2:
0x78: {  	s31 =	sadd.s32 s29, s5  }
0x79: {  	[sflag:s13] =	ssyncadd.s32 $0xFFFFFC00;
	s29 =	smov.u32 s30;
	s28 =	sadd.s32 $0x8000, s30  }
0x7a: {  	[spmem:s31] =	stream.linear.scatter [tilespmem:s12], [sflag:$0x5], $0x400, $0x38;
	[tilespmem:$0x1B800] =	vst v63  }
0x7b: {  	p1 =	sne.s32 s30, $0x20000;
	s30 =	sadd.s32 $0x400, s31  }
0x7c: {  	[spmem:s30] =	stream.linear.scatter [tilespmem:s12], [sflag:$0x5], $0x400, $0x38;
	[tilespmem:$0x1B800] =	vst v63  }
0x7d: {  	s30 =	sadd.s32 $0x800, s31  }
0x7e: {  	[spmem:s30] =	stream.linear.scatter [tilespmem:s12], [sflag:$0x5], $0x400, $0x38;
	[tilespmem:$0x1B800] =	vst v63  }
0x7f: {  	s30 =	sadd.s32 $0xC00, s31  }
0x80: {  	[spmem:s30] =	stream.linear.scatter [tilespmem:s12], [sflag:$0x5], $0x400, $0x38;
	[tilespmem:$0x1B800] =	vst v63  }
0x81: {  	s30 =	sadd.s32 $0x1000, s31  }
0x82: {  	[spmem:s30] =	stream.linear.scatter [tilespmem:s12], [sflag:$0x5], $0x400, $0x38;
	[tilespmem:$0x1B800] =	vst v63  }
0x83: {  	s30 =	sadd.s32 $0x1400, s31  }
0x84: {  	[spmem:s30] =	stream.linear.scatter [tilespmem:s12], [sflag:$0x5], $0x400, $0x38;
	[tilespmem:$0x1B800] =	vst v63  }
0x85: {  	s30 =	sadd.s32 $0x1800, s31  }
0x86: {  	[spmem:s30] =	stream.linear.scatter [tilespmem:s12], [sflag:$0x5], $0x400, $0x38;
	[tilespmem:$0x1B800] =	vst v63  }
0x87: {  	s30 =	sadd.s32 $0x1C00, s31  }
0x88: {  	[spmem:s30] =	stream.linear.scatter [tilespmem:s12], [sflag:$0x5], $0x400, $0x38;
	[tilespmem:$0x1B800] =	vst v63  }
0x89: {  	_ =	swait.ge [sflag:s13], $0x400  }
0x8a: {  	[sflag:s13] =	ssyncset.done $0x0  }
0x8b: {  	[sflag:s13] =	ssyncadd.s32 $0xFFFFFC00  }
0x8c: {  	_ =	swait.ge [sflag:s13], $0x400  }
0x8d: {  	[sflag:s13] =	ssyncset.done $0x0  }
0x8e: {  	[sflag:s13] =	ssyncadd.s32 $0xFFFFFC00  }
0x8f: {  	_ =	swait.ge [sflag:s13], $0x400  }
0x90: {  	[sflag:s13] =	ssyncset.done $0x0  }
0x91: {  	[sflag:s13] =	ssyncadd.s32 $0xFFFFFC00  }
0x92: {  	_ =	swait.ge [sflag:s13], $0x400  }
0x93: {  	[sflag:s13] =	ssyncset.done $0x0  }
0x94: {  	[sflag:s13] =	ssyncadd.s32 $0xFFFFFC00  }
0x95: {  	_ =	swait.ge [sflag:s13], $0x400  }
0x96: {  	[sflag:s13] =	ssyncset.done $0x0  }
0x97: {  	[sflag:s13] =	ssyncadd.s32 $0xFFFFFC00  }
0x98: {  	_ =	swait.ge [sflag:s13], $0x400  }
0x99: {  	[sflag:s13] =	ssyncset.done $0x0  }
0x9a: {  	[sflag:s13] =	ssyncadd.s32 $0xFFFFFC00  }
.Ltmp0:
0x9b: {  	_ =	swait.ge [sflag:s13], $0x400;
	(pc) =	sbr.rel @p1 .LBB2_2-.Ltmp0, $4  }
0x9c: {  	[sflag:s13] =	ssyncset.done $0x0  }
0x9d: {  	[sflag:s13] =	ssyncadd.s32 $0xFFFFFC00  }
0x9e: {  	_ =	swait.ge [sflag:s13], $0x400  }
0x9f: {  	s29 =	sshra.s32 s29, $0x2;
	s30 =	smov.u32 s28;
	[sflag:s13] =	ssyncset.done $0x0  }
0xa0: {  	s28 =	sadd.s32 s29, s5;
	[sflag:s13] =	ssyncadd.s32 $0xFFFFFC00  }
0xa1: {  	[spmem:s28] =	stream.linear.scatter [tilespmem:s12], [sflag:$0x5], $0x400, $0x38;
	[tilespmem:$0x1B800] =	vst v63  }
0xa2: {  	s29 =	sadd.s32 $0x400, s28  }
0xa3: {  	[spmem:s29] =	stream.linear.scatter [tilespmem:s12], [sflag:$0x5], $0x400, $0x38;
	[tilespmem:$0x1B800] =	vst v63  }
0xa4: {  	s29 =	sadd.s32 $0x800, s28  }
0xa5: {  	[spmem:s29] =	stream.linear.scatter [tilespmem:s12], [sflag:$0x5], $0x400, $0x38;
	[tilespmem:$0x1B800] =	vst v63  }
0xa6: {  	s29 =	sadd.s32 $0xC00, s28  }
0xa7: {  	[spmem:s29] =	stream.linear.scatter [tilespmem:s12], [sflag:$0x5], $0x400, $0x38;
	[tilespmem:$0x1B800] =	vst v63  }
0xa8: {  	s29 =	sadd.s32 $0x1000, s28  }
0xa9: {  	[spmem:s29] =	stream.linear.scatter [tilespmem:s12], [sflag:$0x5], $0x400, $0x38;
	[tilespmem:$0x1B800] =	vst v63  }
0xaa: {  	s29 =	sadd.s32 $0x1400, s28  }
0xab: {  	[spmem:s29] =	stream.linear.scatter [tilespmem:s12], [sflag:$0x5], $0x400, $0x38;
	[tilespmem:$0x1B800] =	vst v63  }
0xac: {  	s29 =	sadd.s32 $0x1800, s28  }
0xad: {  	[spmem:s29] =	stream.linear.scatter [tilespmem:s12], [sflag:$0x5], $0x400, $0x38;
	[tilespmem:$0x1B800] =	vst v63  }
0xae: {  	s28 =	sadd.s32 $0x1C00, s28  }
0xaf: {  	[spmem:s28] =	stream.linear.scatter [tilespmem:s12], [sflag:$0x5], $0x400, $0x38;
	[tilespmem:$0x1B800] =	vst v63  }
0xb0: {  	_ =	swait.ge [sflag:s13], $0x400  }
0xb1: {  	[sflag:s13] =	ssyncset.done $0x0  }
0xb2: {  	[sflag:s13] =	ssyncadd.s32 $0xFFFFFC00  }
0xb3: {  	_ =	swait.ge [sflag:s13], $0x400  }
0xb4: {  	[sflag:s13] =	ssyncset.done $0x0  }
0xb5: {  	[sflag:s13] =	ssyncadd.s32 $0xFFFFFC00  }
0xb6: {  	_ =	swait.ge [sflag:s13], $0x400  }
0xb7: {  	[sflag:s13] =	ssyncset.done $0x0  }
0xb8: {  	[sflag:s13] =	ssyncadd.s32 $0xFFFFFC00  }
0xb9: {  	_ =	swait.ge [sflag:s13], $0x400  }
0xba: {  	[sflag:s13] =	ssyncset.done $0x0  }
0xbb: {  	[sflag:s13] =	ssyncadd.s32 $0xFFFFFC00  }
0xbc: {  	_ =	swait.ge [sflag:s13], $0x400  }
0xbd: {  	[sflag:s13] =	ssyncset.done $0x0  }
0xbe: {  	[sflag:s13] =	ssyncadd.s32 $0xFFFFFC00  }
0xbf: {  	_ =	swait.ge [sflag:s13], $0x400  }
0xc0: {  	[sflag:s13] =	ssyncset.done $0x0  }
0xc1: {  	[sflag:s13] =	ssyncadd.s32 $0xFFFFFC00  }
0xc2: {  	_ =	swait.ge [sflag:s13], $0x400  }
0xc3: {  	[sflag:s13] =	ssyncset.done $0x0  }
0xc4: {  	[sflag:s13] =	ssyncadd.s32 $0xFFFFFC00  }
0xc5: {  	_ =	swait.ge [sflag:s13], $0x400  }
0xc6: {  	[sflag:s13] =	ssyncset.done $0x0  }
0xc7: {  	s29 =	simm.s32 @p0 $0x6;
	s28 =	simm.s32 @p0 $0x0;
	[sflag:s13] =	ssyncadd.s32 $0xFFFFFC00  }
0xc8: {  	[tilespmem:s28], [sflag:$0x6] =	stream.linear.gather @p0 [hbm4b:s6+s28], $0x600, $0x38;
	[tilespmem:$0x1B800] =	vst v63  }
0xc9: {  	_ =	swait.ge @p0 [sflag:s29], $0x600  }
0xca: {  	[sflag:s29] =	ssyncset.done @p0 $0x0  }
0xcb: {  	s30 =	simm.s32 @p0 $0x4A00;
	[sflag:s29] =	ssyncadd.s32 @p0 $0xFFFFFA00  }
0xcc: {  	[tilespmem:s30], [sflag:$0x6] =	stream.linear.gather @p0 [hbm4b:s7+s28], $0x600, $0x38;
	[tilespmem:$0x1B800] =	vst v63  }
0xcd: {  	_ =	swait.ge @p0 [sflag:s29], $0x600  }
0xce: {  	[sflag:s29] =	ssyncset.done @p0 $0x0  }
0xcf: {  	s28 =	simm.s32 @!p0 $0x0;
	[sflag:s29] =	ssyncadd.s32 @p0 $0xFFFFFA00;
	s29 =	simm.s32 @!p0 $0x6  }
0xd0: {  	[tilespmem:s28], [sflag:$0x6] =	stream.linear.gather @!p0 [hbm4b:s8+s28], $0x4A00, $0x38;
	[tilespmem:$0x1B800] =	vst v63  }
0xd1: {  	_ =	swait.ge @!p0 [sflag:s29], $0x4A00  }
0xd2: {  	[sflag:s29] =	ssyncset.done @!p0 $0x0  }
0xd3: {  	s30 =	simm.s32 @!p0 $0x4A00;
	[sflag:s29] =	ssyncadd.s32 @!p0 $0xFFFFB600  }
0xd4: {  	[tilespmem:s30], [sflag:$0x6] =	stream.linear.gather @!p0 [hbm4b:s9+s28], $0x4A00, $0x38;
	[tilespmem:$0x1B800] =	vst v63  }
0xd5: {  	_ =	swait.ge @!p0 [sflag:s29], $0x4A00  }
0xd6: {  	[sflag:s29] =	ssyncset.done @!p0 $0x0  }
0xd7: {  	[sflag:s29] =	ssyncadd.s32 @!p0 $0xFFFFB600  }
0xd8: {  	s28 =	simm.s32 $0x0;
	[bflag:$0x0] =	sbarrier.arrive $0xFFFF  }
0xd9: {  	[tilespmem:s15], [sflag:$0x1] =	stream.indirect.gather [hbm4b:s4+s14], $0x40, s28, s14, $0xb8;
	[tilespmem:$0x1B800] =	vst v63  }
0xda: {  	_ = 	snop  }
0xdb: {  	[tilespmem:s16], [sflag:$0x1] =	stream.indirect.gather [hbm4b:s4+s14], $0x40, s14, s14, $0xb8;
	[tilespmem:$0x1B800] =	vst v63  }
0xdc: {  	_ = 	snop  }
0xdd: {  	[tilespmem:s18], [sflag:$0x2] =	stream.indirect.gather [hbm4b:s4+s14], $0x40, s17, s14, $0xb8;
	[tilespmem:$0x1B800] =	vst v63  }
0xde: {  	_ = 	snop  }
0xdf: {  	[tilespmem:s20], [sflag:$0x2] =	stream.indirect.gather [hbm4b:s4+s14], $0x40, s19, s14, $0xb8;
	[tilespmem:$0x1B800] =	vst v63  }
0xe0: {  	_ =	swait.ge [sflag:s21], $0x2000  }
0xe1: {  	[sflag:s21] =	ssyncset.done $0x0  }
0xe2: {  	[sflag:s21] =	ssyncadd.s32 $0xFFFFE000  }
0xe3: {  	_ =	swait.ge [sflag:s21], $0x2000  }
0xe4: {  	[sflag:s21] =	ssyncset.done $0x0  }
0xe5: {  	s28 =	simm.s32 $0x4A00;
	[sflag:s21] =	ssyncadd.s32 $0xFFFFE000  }
0xe6: {  	[spmem:s1] =	stream.indirect.scatter.add.f32 [tilespmem:s15], [sflag:$0x3], $0x40, s28, s14, $0xb8;
	[tilespmem:$0x1B800] =	vst v63  }
0xe7: {  	s28 =	simm.s32 $0x4A80  }
0xe8: {  	[spmem:s1] =	stream.indirect.scatter.add.f32 [tilespmem:s16], [sflag:$0x3], $0x40, s28, s14, $0xb8;
	[tilespmem:$0x1B800] =	vst v63  }
0xe9: {  	_ =	swait.ge [sflag:s22], $0x2000  }
0xea: {  	[sflag:s22] =	ssyncset.done $0x0  }
0xeb: {  	[sflag:s22] =	ssyncadd.s32 $0xFFFFE000  }
0xec: {  	_ =	swait.ge [sflag:s22], $0x2000  }
0xed: {  	[sflag:s22] =	ssyncset.done $0x0  }
0xee: {  	s28 =	simm.s32 $0x200;
	[sflag:s22] =	ssyncadd.s32 $0xFFFFE000  }
0xef: {  	[tilespmem:s15], [sflag:$0x1] =	stream.indirect.gather [hbm4b:s4+s14], $0x40, s28, s14, $0xb8;
	[tilespmem:$0x1B800] =	vst v63  }
0xf0: {  	s28 =	simm.s32 $0x280  }
0xf1: {  	[tilespmem:s16], [sflag:$0x1] =	stream.indirect.gather [hbm4b:s4+s14], $0x40, s28, s14, $0xb8;
	[tilespmem:$0x1B800] =	vst v63  }
0xf2: {  	_ =	swait.ge [sflag:s23], $0x2000  }
0xf3: {  	[sflag:s23] =	ssyncset.done $0x0  }
0xf4: {  	[sflag:s23] =	ssyncadd.s32 $0xFFFFE000  }
0xf5: {  	_ =	swait.ge [sflag:s23], $0x2000  }
0xf6: {  	[sflag:s23] =	ssyncset.done $0x0  }
0xf7: {  	s28 =	simm.s32 $0x4B00;
	[sflag:s23] =	ssyncadd.s32 $0xFFFFE000  }
0xf8: {  	[spmem:s1] =	stream.indirect.scatter.add.f32 [tilespmem:s18], [sflag:$0x4], $0x40, s28, s14, $0xb8;
	[tilespmem:$0x1B800] =	vst v63  }
0xf9: {  	s28 =	simm.s32 $0x4B80  }
0xfa: {  	[spmem:s1] =	stream.indirect.scatter.add.f32 [tilespmem:s20], [sflag:$0x4], $0x40, s28, s14, $0xb8;
	[tilespmem:$0x1B800] =	vst v63  }
0xfb: {  	s28 =	simm.s32 @!p0 $0x4A  }
0xfc: {  	s28 =	simm.s32 @p0 $0x6  }
0xfd: {  	s29 =	sshll.u32 s28, $0xA  }
0xfe: {  	_ =	swait.ge [sflag:s24], $0x2000;
	s29 =	sand.u32 $0x1F800, s29  }
0xff: {  	[sflag:s24] =	ssyncset.done $0x0;
	s29 =	sadd.s32 $0xFFFFF800, s29  }
0x100: {  	[sflag:s24] =	ssyncadd.s32 $0xFFFFE000;
	p1 =	sne.s32 s29, $0x800  }
.Ltmp1:
0x101: {  	_ =	swait.ge [sflag:s24], $0x2000;
	(pc) =	sbr.rel @!p1 .LBB2_5-.Ltmp1, $4  }
0x102: {  	[sflag:s24] =	ssyncset.done $0x0  }
0x103: {  	s30 =	simm.s32 $0x300;
	[sflag:s24] =	ssyncadd.s32 $0xFFFFE000  }
0x104: {  	[tilespmem:s18], [sflag:$0x2] =	stream.indirect.gather [hbm4b:s4+s14], $0x40, s30, s14, $0xb8;
	[tilespmem:$0x1B800] =	vst v63  }
0x105: {  	s31 =	simm.s32 $0x380;
	s30 =	simm.s32 $0x800  }
.LBB2_4:
0x106: {  	[tilespmem:s20], [sflag:$0x2] =	stream.indirect.gather [hbm4b:s4+s14], $0x40, s31, s14, $0xb8;
	[tilespmem:$0x1B800] =	vst v63  }
0x107: {  	s31 =	smov.u32 s30;
	s30 =	sadd.s32 $0x800, s30;
	_ =	swait.ge [sflag:s21], $0x2000  }
0x108: {  	p1 =	sne.s32 s29, s30;
	[sflag:s21] =	ssyncset.done $0x0  }
0x109: {  	[sflag:s21] =	ssyncadd.s32 $0xFFFFE000  }
0x10a: {  	_ =	swait.ge [sflag:s21], $0x2000  }
0x10b: {  	s31 =	sshra.s32 s31, $0x2;
	[sflag:s21] =	ssyncset.done $0x0  }
0x10c: {  	s0 =	sadd.s32 $0x4A00, s31;
	[sflag:s21] =	ssyncadd.s32 $0xFFFFE000  }
0x10d: {  	[spmem:s1] =	stream.indirect.scatter.add.f32 [tilespmem:s15], [sflag:$0x3], $0x40, s0, s14, $0xb8;
	[tilespmem:$0x1B800] =	vst v63  }
0x10e: {  	s0 =	sadd.s32 $0x4A80, s31  }
0x10f: {  	[spmem:s1] =	stream.indirect.scatter.add.f32 [tilespmem:s16], [sflag:$0x3], $0x40, s0, s14, $0xb8;
	[tilespmem:$0x1B800] =	vst v63  }
0x110: {  	_ =	swait.ge [sflag:s22], $0x2000  }
0x111: {  	[sflag:s22] =	ssyncset.done $0x0  }
0x112: {  	[sflag:s22] =	ssyncadd.s32 $0xFFFFE000  }
0x113: {  	_ =	swait.ge [sflag:s22], $0x2000  }
0x114: {  	[sflag:s22] =	ssyncset.done $0x0  }
0x115: {  	s0 =	sadd.s32 $0x200, s31;
	[sflag:s22] =	ssyncadd.s32 $0xFFFFE000  }
0x116: {  	[tilespmem:s15], [sflag:$0x1] =	stream.indirect.gather [hbm4b:s4+s14], $0x40, s0, s14, $0xb8;
	[tilespmem:$0x1B800] =	vst v63  }
0x117: {  	s0 =	sadd.s32 $0x280, s31  }
0x118: {  	[tilespmem:s16], [sflag:$0x1] =	stream.indirect.gather [hbm4b:s4+s14], $0x40, s0, s14, $0xb8;
	[tilespmem:$0x1B800] =	vst v63  }
0x119: {  	_ =	swait.ge [sflag:s23], $0x2000  }
0x11a: {  	[sflag:s23] =	ssyncset.done $0x0  }
0x11b: {  	[sflag:s23] =	ssyncadd.s32 $0xFFFFE000  }
0x11c: {  	_ =	swait.ge [sflag:s23], $0x2000  }
0x11d: {  	[sflag:s23] =	ssyncset.done $0x0  }
0x11e: {  	s0 =	sadd.s32 $0x4B00, s31;
	[sflag:s23] =	ssyncadd.s32 $0xFFFFE000  }
0x11f: {  	[spmem:s1] =	stream.indirect.scatter.add.f32 [tilespmem:s18], [sflag:$0x4], $0x40, s0, s14, $0xb8;
	[tilespmem:$0x1B800] =	vst v63  }
0x120: {  	s0 =	sadd.s32 $0x4B80, s31  }
0x121: {  	[spmem:s1] =	stream.indirect.scatter.add.f32 [tilespmem:s20], [sflag:$0x4], $0x40, s0, s14, $0xb8;
	[tilespmem:$0x1B800] =	vst v63  }
0x122: {  	_ =	swait.ge [sflag:s24], $0x2000  }
0x123: {  	[sflag:s24] =	ssyncset.done $0x0  }
0x124: {  	[sflag:s24] =	ssyncadd.s32 $0xFFFFE000  }
.Ltmp2:
0x125: {  	_ =	swait.ge [sflag:s24], $0x2000;
	(pc) =	sbr.rel @p1 .LBB2_4-.Ltmp2, $4  }
0x126: {  	[sflag:s24] =	ssyncset.done $0x0  }
0x127: {  	s0 =	sadd.s32 $0x300, s31;
	[sflag:s24] =	ssyncadd.s32 $0xFFFFE000  }
0x128: {  	[tilespmem:s18], [sflag:$0x2] =	stream.indirect.gather [hbm4b:s4+s14], $0x40, s0, s14, $0xb8;
	[tilespmem:$0x1B800] =	vst v63  }
0x129: {  	s31 =	sadd.s32 $0x380, s31  }
.LBB2_5:
0x12a: {  	[tilespmem:s20], [sflag:$0x2] =	stream.indirect.gather [hbm4b:s4+s14], $0x40, s31, s14, $0xb8;
	[tilespmem:$0x1B800] =	vst v63  }
0x12b: {  	_ =	swait.ge [sflag:s21], $0x2000  }
0x12c: {  	[sflag:s21] =	ssyncset.done $0x0  }
0x12d: {  	[sflag:s21] =	ssyncadd.s32 $0xFFFFE000  }
0x12e: {  	_ =	swait.ge [sflag:s21], $0x2000  }
0x12f: {  	s0 =	sshll.u32 s28, $0x8;
	[sflag:s21] =	ssyncset.done $0x0  }
0x130: {  	s28 =	sadd.s32 $0x4800, s0;
	[sflag:s21] =	ssyncadd.s32 $0xFFFFE000  }
0x131: {  	[spmem:s1] =	stream.indirect.scatter.add.f32 [tilespmem:s15], [sflag:$0x3], $0x40, s28, s14, $0xb8;
	[tilespmem:$0x1B800] =	vst v63  }
0x132: {  	s29 =	sadd.s32 $0x4880, s0  }
0x133: {  	[spmem:s1] =	stream.indirect.scatter.add.f32 [tilespmem:s16], [sflag:$0x3], $0x40, s29, s14, $0xb8;
	[tilespmem:$0x1B800] =	vst v63  }
0x134: {  	_ =	swait.ge [sflag:s22], $0x2000  }
0x135: {  	[sflag:s22] =	ssyncset.done $0x0  }
0x136: {  	[sflag:s22] =	ssyncadd.s32 $0xFFFFE000  }
0x137: {  	_ =	swait.ge [sflag:s22], $0x2000  }
0x138: {  	[sflag:s22] =	ssyncset.done $0x0  }
0x139: {  	[sflag:s22] =	ssyncadd.s32 $0xFFFFE000  }
0x13a: {  	_ =	swait.ge [sflag:s23], $0x2000  }
0x13b: {  	[sflag:s23] =	ssyncset.done $0x0  }
0x13c: {  	[sflag:s23] =	ssyncadd.s32 $0xFFFFE000  }
0x13d: {  	_ =	swait.ge [sflag:s23], $0x2000  }
0x13e: {  	[sflag:s23] =	ssyncset.done $0x0  }
0x13f: {  	s30 =	sadd.s32 $0x4900, s0;
	[sflag:s23] =	ssyncadd.s32 $0xFFFFE000  }
0x140: {  	[spmem:s1] =	stream.indirect.scatter.add.f32 [tilespmem:s18], [sflag:$0x4], $0x40, s30, s14, $0xb8;
	[tilespmem:$0x1B800] =	vst v63  }
0x141: {  	s0 =	sadd.s32 $0x4980, s0  }
0x142: {  	[spmem:s1] =	stream.indirect.scatter.add.f32 [tilespmem:s20], [sflag:$0x4], $0x40, s0, s14, $0xb8;
	[tilespmem:$0x1B800] =	vst v63  }
0x143: {  	_ =	swait.ge [sflag:s24], $0x2000  }
0x144: {  	[sflag:s24] =	ssyncset.done $0x0  }
0x145: {  	[sflag:s24] =	ssyncadd.s32 $0xFFFFE000  }
0x146: {  	_ =	swait.ge [sflag:s24], $0x2000  }
0x147: {  	s3 =	sadd.s32 $0x1, s3;
	[sflag:s24] =	ssyncset.done $0x0  }
0x148: {  	s31 =	sshll.u32 s2, $0x6;
	p1 =	sne.s32 s3, s11;
	[sflag:s24] =	ssyncadd.s32 $0xFFFFE000  }
.Ltmp3:
0x149: {  	s0 =	sor.u32 $0x1C06, s31;
	[bflag:$0x0] =	sbarrier.arrive $0xFFFF;
	(pc) =	sbr.rel @p1 .LBB2_1-.Ltmp3, $4  }
0x14a: {  	[hbm:s10], [sflag:s0] =	dma.local [spmem:s25], $0x1400  }
0x14b: {  	_ =	swait.ge [sflag:s26], $0x1400  }
0x14c: {  	[sflag:s26] =	ssyncset.done $0x0  }
0x14d: {  	[sflag:s26] =	ssyncadd.s32 $0xFFFFEC00  }
0x14e: {  	_ =	sfence.sel $0x180000  }
0x14f: {  	[bflag:$0x0] =	sbarrier.arrive $0xFFFF  }
0x150: {  	_ =	strace $0x9000004D  }
0x151: {  	[bflag:$0x2] =	sbarrier.arrive $0xFFFF  }
0x152: {  	p0 =	sne.s32 s2, $0x0;
	s0 =	rddreg [dreg:$0x2]  }
0x153: {  	s0 =	sadd.s32 @!p0 $0x100000, s0  }
0x154: {  	[sflag:s0] =	ssyncadd.tile.s32 @!p0 $0x1;
	_ =	shalt  }
.Lfunc_end2:
_tile_overlayer_lowered:
.L_overlay_start_2:
0x155: {  	(tag) =	ssettag $0x2  }
0x156: {  	s0 =	rddreg [dreg:$0x0];
	s2 =	stileid.u32  }
0x157: {  	s1 =	rddreg [dreg:$0x1];
	p0 =	sne.s32 s2, $0x0  }
0x158: {  	s3 =	rddreg [dreg:$0x2];
	[bflag:$0x3] =	sbarrier.arrive $0xFFFF;
	s2 =	simm.s32 @!p0 $0x1C06  }
0x159: {  	[timem:s3], [sflag:s2] =	dma.local @!p0 [hbm:s0], s1  }
0x15a: {  	s0 =	simm.s32 @!p0 $0x6  }
0x15b: {  	_ =	swait.ge @!p0 [sflag:s0], s1  }
0x15c: {  	s1 =	ssub.s32 @!p0 $0x0, s1;
	[sflag:s0] =	ssyncset.done @!p0 $0x0  }
0x15d: {  	[sflag:s0] =	ssyncadd.s32 @!p0 s1  }
0x15e: {  	[bflag:$0x3] =	sbarrier.arrive $0xFFFF  }
0x15f: {  	_ =	shalt  }

// kernel: sc_degree.3.cloned.1.call-start
scs
__scs_entry_jumppad:
0x0: {  	(pc) =	sbr.rel $0x88, $3  }
0x1: {  	(tag) =	ssettag $0x0;
	lr =	simm.s32 $0x1  }
0x2: {  	[smem:$0x3F96] =	sst lr;
	_ =	strace $0xD0000000  }
0x3: {  	_ = 	snop  }
0x4: {  	_ = 	snop  }
0x5: {  	_ = 	snop  }
0x6: {  	_ = 	snop  }
0x7: {  	_ = 	snop  }
__scs_overlays_trampoline_lowered:
0x8: {  	[smem:$0x3FA5] =	sst s0  }
0x9: {  	[smem:$0x3FA6] =	sst s1  }
0xa: {  	[smem:$0x3FA7] =	sst s2  }
0xb: {  	[smem:$0x3FA8] =	sst s3  }
0xc: {  	[smem:$0x3FA9] =	sst s4  }
0xd: {  	[smem:$0x3FAA] =	sst s5  }
0xe: {  	[smem:$0x3FAB] =	sst s6  }
0xf: {  	[smem:$0x3FAC] =	sst s7  }
0x10: {  	[smem:$0x3FAD] =	sst s8  }
0x11: {  	[smem:$0x3FAE] =	sst s9;
	s0 =	simm.s32 @!p0 $0x0  }
0x12: {  	s1 =	sld [smem:$0x3F94];
	s0 =	simm.s32 @p0 $0x1  }
0x13: {  	[smem:$0x3FAF] =	sst s0;
	s0 =	simm.s32 @!p1 $0x0  }
0x14: {  	s2 =	sld [smem:$0x3F93];
	s0 =	simm.s32 @p1 $0x1  }
0x15: {  	[smem:$0x3FB0] =	sst s0;
	s0 =	simm.s32 @!p2 $0x0  }
0x16: {  	s3 =	sld [smem:$0x3FDB];
	s0 =	simm.s32 @p2 $0x1  }
0x17: {  	s4 =	simm.s32 $0x1BF5;
	[smem:$0x3FB2] =	sst s0  }
0x18: {  	s0 =	sld [smem:$0x3F95];
	_ =	swait.ge [sflag:s4], $0x0  }
0x19: {  	s7 =	sld [smem:$0x3F96]  }
0x1a: {  	s8 =	sadd.s32 $0xFFFFE003, lr  }
0x1b: {  	s9 =	sadd.s32 $0xFFFFFEF7, lr;
	s5 =	simm.s32 $0xFFFFFFFF;
	p2 =	slt.u32 s8, $0xFFFFF086  }
0x1c: {  	p1 =	slt.u32 s9, $0xF7A;
	s5 =	simm.s32 @!p2 $0x0  }
0x1d: {  	s5 =	simm.s32 @p1 $0x1;
	p0 =	seq.s32 s7, s2  }
0x1e: {  	s7 =	smul.u32 @!p0 $0xF7A, s2;
	p2 =	seq.s32 @!p0 s5, $0x0  }
0x1f: {  	s9 =	smul.u32 $0xF7A, s1;
	s8 =	simm.s32 @!p0 $0x1BF5;
	p2 =	por !p2, p0  }
0x20: {  	[sflag:s8] =	ssyncset.s32 @!p0 $0xFFFFF086;
	s6 =	sadd.s32 @!p0 s3, s7;
	s7 =	simm.s32 @!p0 $0x108  }
0x21: {  	s3 =	sadd.s32 s3, s9;
	s6 =	sadd.s32 @!p0 $0x88, s6;
	s7 =	simm.s32 @p2 $0x1082  }
0x22: {  	[simem:s7], [sflag:s8] =	dma.local @!p0 [hbm:s6], $0xF7A  }
0x23: {  	s9 =	sor.u32 $0xD0000000, s2;
	s6 =	simm.s32 $0x108;
	_ =	swait.ge @!p0 [sflag:s8], $0x0  }
0x24: {  	s3 =	sadd.s32 $0x88, s3;
	s6 =	simm.s32 @!p1 $0x1082;
	[sflag:s4] =	ssyncset.s32 $0xFFFFF086  }
0x25: {  	[simem:s6], [sflag:s4] =	dma.local [hbm:s3], $0xF7A  }
0x26: {  	[smem:$0x3F96] =	sst s1;
	(tag) =	ssettag s2;
	_ =	strace s9  }
0x27: {  	s1 =	sld [smem:$0x3FA6]  }
0x28: {  	s2 =	sld [smem:$0x3FA7]  }
0x29: {  	s4 =	sld [smem:$0x3FA9]  }
0x2a: {  	p0 =	seq.s32 s5, $0x0;
	s5 =	sld [smem:$0x3FAA]  }
0x2b: {  	s6 =	sld [smem:$0x3FAB]  }
0x2c: {  	s7 =	sld [smem:$0x3FAC]  }
0x2d: {  	s3 =	simm.s32 $0x108;
	s8 =	sld [smem:$0x3FAD]  }
0x2e: {  	s3 =	simm.s32 @!p0 $0x1082;
	s9 =	sld [smem:$0x3FAE]  }
0x2f: {  	lr =	sadd.s32 s0, s3;
	s0 =	sld [smem:$0x3FA5]  }
0x30: {  	s3 =	sld [smem:$0x3FA8]  }
0x31: {  	[smem:$0x3FB1] =	sst s10  }
0x32: {  	s10 =	sld [smem:$0x3FAF];
	_ =	sdelay $0x3  }
0x33: {  	p0 =	seq.s32 s10, $0x1;
	s10 =	sld [smem:$0x3FB1];
	_ =	sdelay $0x3  }
0x34: {  	[smem:$0x3FB1] =	sst s10  }
0x35: {  	s10 =	sld [smem:$0x3FB0];
	_ =	sdelay $0x3  }
0x36: {  	p1 =	seq.s32 s10, $0x1;
	s10 =	sld [smem:$0x3FB1];
	_ =	sdelay $0x3  }
0x37: {  	[smem:$0x3FB1] =	sst s10  }
0x38: {  	s10 =	sld [smem:$0x3FB2]  }
0x39: {  	_ = 	snop;
	(pc) =	sbr.ind lr, $3  }
0x3a: {  	_ = 	snop  }
0x3b: {  	_ = 	snop  }
0x3c: {  	p2 =	seq.s32 s10, $0x1;
	s10 =	sld [smem:$0x3FB1]  }
0x3d: {  	_ =	shalt  }
0x3e: {  	_ =	shalt  }
0x3f: {  	_ =	shalt  }
0x40: {  	_ =	shalt  }
0x41: {  	_ =	shalt  }
0x42: {  	_ =	shalt  }
0x43: {  	_ =	shalt  }
0x44: {  	_ =	shalt  }
0x45: {  	_ =	shalt  }
0x46: {  	_ =	shalt  }
0x47: {  	_ =	shalt  }
0x48: {  	_ =	shalt  }
0x49: {  	_ =	shalt  }
0x4a: {  	_ =	shalt  }
0x4b: {  	_ =	shalt  }
0x4c: {  	_ =	shalt  }
0x4d: {  	_ =	shalt  }
0x4e: {  	_ =	shalt  }
0x4f: {  	_ =	shalt  }
0x50: {  	_ =	shalt  }
0x51: {  	_ =	shalt  }
0x52: {  	_ =	shalt  }
0x53: {  	_ =	shalt  }
0x54: {  	_ =	shalt  }
0x55: {  	_ =	shalt  }
0x56: {  	_ =	shalt  }
0x57: {  	_ =	shalt  }
0x58: {  	_ =	shalt  }
0x59: {  	_ =	shalt  }
0x5a: {  	_ =	shalt  }
0x5b: {  	_ =	shalt  }
0x5c: {  	_ =	shalt  }
0x5d: {  	_ =	shalt  }
0x5e: {  	_ =	shalt  }
0x5f: {  	_ =	shalt  }
0x60: {  	_ =	shalt  }
0x61: {  	_ =	shalt  }
0x62: {  	_ =	shalt  }
0x63: {  	_ =	shalt  }
0x64: {  	_ =	shalt  }
0x65: {  	_ =	shalt  }
0x66: {  	_ =	shalt  }
0x67: {  	_ =	shalt  }
0x68: {  	_ =	shalt  }
0x69: {  	_ =	shalt  }
0x6a: {  	_ =	shalt  }
0x6b: {  	_ =	shalt  }
0x6c: {  	_ =	shalt  }
0x6d: {  	_ =	shalt  }
0x6e: {  	_ =	shalt  }
0x6f: {  	_ =	shalt  }
0x70: {  	_ =	shalt  }
0x71: {  	_ =	shalt  }
0x72: {  	_ =	shalt  }
0x73: {  	_ =	shalt  }
0x74: {  	_ =	shalt  }
0x75: {  	_ =	shalt  }
0x76: {  	_ =	shalt  }
0x77: {  	_ =	shalt  }
0x78: {  	_ =	shalt  }
0x79: {  	_ =	shalt  }
0x7a: {  	_ =	shalt  }
0x7b: {  	_ =	shalt  }
0x7c: {  	_ =	shalt  }
0x7d: {  	_ =	shalt  }
0x7e: {  	_ =	shalt  }
0x7f: {  	_ =	shalt  }
0x80: {  	_ =	shalt  }
0x81: {  	_ =	shalt  }
0x82: {  	_ =	shalt  }
0x83: {  	_ =	shalt  }
0x84: {  	_ =	shalt  }
0x85: {  	_ =	shalt  }
0x86: {  	_ =	shalt  }
0x87: {  	_ =	shalt  }
.Lfunc_end0:
.L_simem_size_0:
called_computation_lowered:
.L_overlay_start_0:
0x88: {  	s2 =	sld [smem:$0x3FD9]  }
0x89: {  	s3 =	sld [smem:$0x3FFE];
	_ =	sdelay $0x1  }
0x8a: {  	s1 =	srdreg.scid  }
0x8b: {  	s0 =	sand.u32 $0x1, s1  }
0x8c: {  	s16 =	sshll.u32 s0, $0xA;
	s2 =	sadd.s32 s3, s2  }
0x8d: {  	s2 =	sadd.s32 s2, s16  }
0x8e: {  	[smem:$0x3FBD] =	sst s2  }
0x8f: {  	_ = 	snop  }
0x90: {  	(tm) =	ssettm $0x1  }
0x91: {  	s17 =	sld [smem:$0x3FFB];
	_ =	sdelay $0x3  }
0x92: {  	_ =	strace s17  }
0x93: {  	s2 =	sld [smem:$0x3FFC];
	_ =	sdelay $0x3  }
0x94: {  	_ =	strace s2  }
0x95: {  	s2 =	sld [smem:$0x3FFD];
	_ =	sdelay $0x3  }
0x96: {  	_ =	strace s2  }
0x97: {  	_ =	strace $0x8FFFFFFF  }
0x98: {  	s18 =	sld [smem:$0x3FDB];
	_ =	sdelay $0x1  }
0x99: {  	s19 =	simm.s32 $_scs_section_size  }
0x9a: {  	s4 =	simm.s32 $_size__tile_overlayer_lowered;
	s5 =	simm.s32 $_tile_overlayer_lowered  }
0x9b: {  	s22 =	simm.s32 $0x1BFF;
	s21 =	sshll.u32 s5, $0x1;
	s2 =	sadd.s32 s19, s18  }
0x9c: {  	s6 =	simm.s32 $0x0;
	s20 =	sshll.u32 s4, $0x1;
	s4 =	sadd.s32 s21, s2  }
0x9d: {  	[timem:s6], [sflag:s22] =	dma.local [hbm:s4], s20  }
0x9e: {  	_ =	swait.ge [sflag:s22], s20  }
0x9f: {  	s3 =	ssub.s32 $0x0, s20;
	[sflag:s22] =	ssyncset.done $0x0  }
0xa0: {  	[sflag:s22] =	ssyncadd.s32 s3;
	_ =	sdelay $0x1  }
0xa1: {  	s23 =	simm.s32 $0x1B8B  }
0xa2: {  	_ =	swait.ge [sflag:s23], $0x1  }
0xa3: {  	[sflag:s23] =	ssyncset.done $0x0  }
0xa4: {  	s25 =	simm.s32 $0x1B8E;
	s24 =	sld [smem:$0x3FFE];
	[sflag:s23] =	ssyncadd.s32 $0xFFFFFFFF  }
0xa5: {  	s26 =	simm.s32 $execute0_lowered;
	[smem:$0x3FD2] =	sst s25  }
0xa6: {  	s4 =	sshll.u32 s26, $0x1;
	_ =	strace $0x80000046;
	[dreg:$0x1] =	wrdreg $0xFFFFFFFF  }
0xa7: {  	s28 =	simm.s32 $_size_execute0_lowered;
	s2 =	sadd.s32 s2, s4;
	[dreg:$0x0] =	wrdreg $0x0  }
0xa8: {  	s4 =	sshll.u32 s28, $0x1;
	[dreg:$0x2] =	wrdreg s2  }
0xa9: {  	[dreg:$0x3] =	wrdreg s4  }
0xaa: {  	[dreg:$0x4] =	wrdreg $0xC0  }
0xab: {  	_ =	task [dreg:s6], $0x5FFFF  }
0xac: {  	[dreg:$0x1] =	wrdreg $0xFFFFFFFF  }
0xad: {  	[dreg:$0x0] =	wrdreg $0x60  }
0xae: {  	[dreg:$0x2] =	wrdreg s24  }
0xaf: {  	[dreg:$0x3] =	wrdreg $0x43000  }
0xb0: {  	[dreg:$0x4] =	wrdreg $0x9  }
0xb1: {  	_ =	task.clear_ibuf [dreg:s6], $0x5FFFF;
	_ =	strace $0x90000046  }
0xb2: {  	s29 =	simm.s32 $0x9;
	_ =	strace $0x80000048  }
0xb3: {  	_ =	swait.ge [sflag:s29], $0x1  }
0xb4: {  	[sflag:s29] =	ssyncadd.s32 $0xFFFFFFFF  }
0xb5: {  	_ =	strace $0x90000048  }
0xb6: {  	_ =	sfence  }
0xb7: {  	s30 =	sld [smem:$0x0];
	_ =	sdelay $0x2  }
0xb8: {  	s31 =	sshll.u32 s1, $0xD;
	s1 =	sshrl.u32 s1, $0x2  }
0xb9: {  	s3 =	sand.u32 $0x4000, s31;
	s1 =	sadd.s32 s1, s30  }
0xba: {  	s0 =	sor.u32 s3, s0;
	s1 =	sshll.u32 s1, $0x11  }
0xbb: {  	s0 =	sor.u32 s1, s0  }
0xbc: {  	s0 =	sadd.s32 $0x8F2B, s0  }
0xbd: {  	[sflag:s0] =	ssyncadd.remote.s32 $0x1  }
0xbe: {  	_ =	sfence.sel $0xFFFF  }
0xbf: {  	[dreg:$0x0] =	wrdreg $0xFFFFFFFF;
	(pc) =	sbr.abs _section_cstart, $3  }
0xc0: {  	[dreg:$0x1] =	wrdreg $0xFFFFFFFF  }
0xc1: {  	_ =	task.clear_ibuf [dreg:s6], $0x2FFFF;
	_ =	strace $0x9FFFFFFF  }
0xc2: {  	(tm) =	ssettm $0x7FFFFFFF  }
0xc3: {  	_ =	shalt  }
tec
execute0_lowered:
.L_overlay_start_1:
0x0: {  	(tag) =	ssettag $0x1  }
0x1: {  	s1 =	srdreg.scid;
	s4 =	rddreg [dreg:$0x0]  }
0x2: {  	s0 =	stileid.u32;
	s2 =	rddreg [dreg:$0x1];
	s3 =	simm.s32 $0x0  }
0x3: {  	s12 =	simm.s32 $0x80;
	s13 =	simm.s32 $0x4000;
	s14 =	simm.s32 $0x1  }
0x4: {  	s10 =	sand.u32 $0x1, s1;
	s5 =	smul.u32 $0x280, s0;
	s1 =	rddreg [dreg:$0x2]  }
0x5: {  	[smem:$0x7FF] =	sst s3;
	s8 =	sadd.s32 $0x1C00, s4;
	s6 =	smul.u32 $0x2800, s10  }
0x6: {  	s30 =	sshll.u32 s0, $0x9;
	s31 =	sshll.u32 s0, $0xB;
	s15 =	sshll.u32 s0, $0x6  }
0x7: {  	_ =	strace $0x80000047;
	s7 =	ssub.s32 $0x2, s10;
	s6 =	sadd.s32 s5, s6  }
0x8: {  	p0 =	seq.s32 s10, $0x0;
	s29 =	sshrl.u32 s7, $0x1;
	s6 =	sshrl.u32 s6, $0x3  }
0x9: {  	s15 =	sor.u32 $0x1C02, s15;
	s11 =	ssub.s32 s7, s29;
	s9 =	sadd.s32 s6, s4  }
0xa: {  	s4 =	sadd.s32 s5, s2;
	s5 =	simm.s32 $0x10;
	s6 =	sadd.s32 s30, s8  }
0xb: {  	s7 =	sadd.s32 s8, s31;
	s5 =	simm.s32 @!p0 $0x4;
	s6 =	sadd.s32 $0x8000, s6  }
0xc: {  	s8 =	sadd.s32 $0xBC00, s9;
	s9 =	smax.u32 s11, $0x1;
	p0 =	sne.s32 s10, $0x0  }
0xd: {  	v0 =	vimm.f32 $1.000000000e+00;
	v1 =	vimm.f32 $0.0e+00;
	s10 =	simm.s32 $0x4080;
	s11 =	simm.s32 $0x2;
	s16 =	sshrl.u32 s4, $0x3  }
.LBB2_1:
0xe: {  	[tilespmem:$0x4000] =	vst v0  }
0xf: {  	[tilespmem:$0x4010] =	vst v0  }
0x10: {  	[tilespmem:$0x4020] =	vst v0  }
0x11: {  	[tilespmem:$0x4030] =	vst v0  }
0x12: {  	[tilespmem:$0x4040] =	vst v0  }
0x13: {  	[tilespmem:$0x4050] =	vst v0  }
0x14: {  	[tilespmem:$0x4060] =	vst v0  }
0x15: {  	[tilespmem:$0x4070] =	vst v0  }
0x16: {  	[tilespmem:$0x4080] =	vst v1  }
0x17: {  	[tilespmem:$0x4090] =	vst v1  }
0x18: {  	[tilespmem:$0x40A0] =	vst v1  }
0x19: {  	[tilespmem:$0x40B0] =	vst v1  }
0x1a: {  	[tilespmem:$0x40C0] =	vst v1  }
0x1b: {  	[tilespmem:$0x40D0] =	vst v1  }
0x1c: {  	[tilespmem:$0x40E0] =	vst v1  }
0x1d: {  	[tilespmem:$0x40F0] =	vst v1  }
0x1e: {  	[tilespmem:$0x4100] =	vst v1  }
0x1f: {  	[tilespmem:$0x4110] =	vst v1  }
0x20: {  	[tilespmem:$0x4120] =	vst v1  }
0x21: {  	[tilespmem:$0x4130] =	vst v1  }
0x22: {  	[tilespmem:$0x4140] =	vst v1  }
0x23: {  	[tilespmem:$0x4150] =	vst v1  }
0x24: {  	[tilespmem:$0x4160] =	vst v1  }
0x25: {  	[tilespmem:$0x4170] =	vst v1  }
0x26: {  	[tilespmem:$0x4180] =	vst v1  }
0x27: {  	[tilespmem:$0x4190] =	vst v1  }
0x28: {  	[tilespmem:$0x41A0] =	vst v1  }
0x29: {  	[tilespmem:$0x41B0] =	vst v1  }
0x2a: {  	[tilespmem:$0x41C0] =	vst v1  }
0x2b: {  	[tilespmem:$0x41D0] =	vst v1  }
0x2c: {  	[tilespmem:$0x41E0] =	vst v1  }
0x2d: {  	[tilespmem:$0x41F0] =	vst v1  }
0x2e: {  	[tilespmem:$0x4200] =	vst v1  }
0x2f: {  	[tilespmem:$0x4210] =	vst v1  }
0x30: {  	[tilespmem:$0x4220] =	vst v1  }
0x31: {  	[tilespmem:$0x4230] =	vst v1  }
0x32: {  	[tilespmem:$0x4240] =	vst v1  }
0x33: {  	[tilespmem:$0x4250] =	vst v1  }
0x34: {  	[tilespmem:$0x4260] =	vst v1  }
0x35: {  	[tilespmem:$0x4270] =	vst v1  }
0x36: {  	[tilespmem:$0x4280] =	vst v1  }
0x37: {  	[tilespmem:$0x4290] =	vst v1  }
0x38: {  	[tilespmem:$0x42A0] =	vst v1  }
0x39: {  	[tilespmem:$0x42B0] =	vst v1  }
0x3a: {  	[tilespmem:$0x42C0] =	vst v1  }
0x3b: {  	[tilespmem:$0x42D0] =	vst v1  }
0x3c: {  	[tilespmem:$0x42E0] =	vst v1  }
0x3d: {  	[tilespmem:$0x42F0] =	vst v1  }
0x3e: {  	[spmem:s4] =	stream.linear.scatter [tilespmem:s10], [sflag:$0x2], $0x280, $0x38;
	[tilespmem:$0x4580] =	vst v63  }
0x3f: {  	_ =	swait.ge [sflag:s11], $0x280  }
0x40: {  	[sflag:s11] =	ssyncset.done $0x0  }
0x41: {  	s17 =	simm.s32 @p0 $0x0;
	[sflag:s11] =	ssyncadd.s32 $0xFFFFFD80  }
0x42: {  	[tilespmem:s17], [sflag:$0x2] =	stream.linear.gather @p0 [hbm4b:s6+s17], $0x1000, $0x38;
	[tilespmem:$0x4580] =	vst v63  }
0x43: {  	s17 =	simm.s32 @p0 $0x2  }
0x44: {  	_ =	swait.ge @p0 [sflag:s17], $0x1000  }
0x45: {  	[sflag:s17] =	ssyncset.done @p0 $0x0  }
0x46: {  	[sflag:s17] =	ssyncadd.s32 @p0 $0xFFFFF000;
	s17 =	simm.s32 @!p0 $0x0  }
0x47: {  	[tilespmem:s17], [sflag:$0x2] =	stream.linear.gather @!p0 [hbm4b:s7+s17], $0x4000, $0x38;
	[tilespmem:$0x4580] =	vst v63  }
0x48: {  	p2 =	sne.s32 s5, $0x1;
	s17 =	simm.s32 @!p0 $0x2  }
.Ltmp0:
0x49: {  	_ =	swait.ge @!p0 [sflag:s17], $0x4000;
	(pc) =	sbr.rel @!p2 .LBB2_4-.Ltmp0, $4  }
0x4a: {  	[sflag:s17] =	ssyncset.done @!p0 $0x0  }
0x4b: {  	[sflag:s17] =	ssyncadd.s32 @!p0 $0xFFFFC000  }
0x4c: {  	[bflag:$0x0] =	sbarrier.arrive $0xFFFF  }
0x4d: {  	s18 =	sadd.s32 $0xFFFFFFFF, s5;
	p1 =	por $0x0, $0x0;
	s17 =	simm.s32 $0x380  }
0x4e: {  	s19 =	simm.s32 $0x0  }
0x4f: {  	[spmem:s2] =	stream.indirect.scatter.add.f32 [tilespmem:s13], [sflag:$0x1], $0x1, s19, s12, $0xb8;
	[tilespmem:$0x4580] =	vst v63  }
0x50: {  	s25 =	simm.s32 $0x80  }
0x51: {  	[spmem:s2] =	stream.indirect.scatter.add.f32 [tilespmem:s13], [sflag:$0x1], $0x1, s25, s12, $0xb8;
	[tilespmem:$0x4580] =	vst v63  }
0x52: {  	s26 =	simm.s32 $0x100  }
0x53: {  	[spmem:s2] =	stream.indirect.scatter.add.f32 [tilespmem:s13], [sflag:$0x1], $0x1, s26, s12, $0xb8;
	[tilespmem:$0x4580] =	vst v63  }
0x54: {  	s28 =	simm.s32 $0x180  }
0x55: {  	[spmem:s2] =	stream.indirect.scatter.add.f32 [tilespmem:s13], [sflag:$0x1], $0x1, s28, s12, $0xb8;
	[tilespmem:$0x4580] =	vst v63  }
0x56: {  	s29 =	simm.s32 $0x200  }
0x57: {  	[spmem:s2] =	stream.indirect.scatter.add.f32 [tilespmem:s13], [sflag:$0x1], $0x1, s29, s12, $0xb8;
	[tilespmem:$0x4580] =	vst v63  }
0x58: {  	s30 =	simm.s32 $0x280  }
0x59: {  	[spmem:s2] =	stream.indirect.scatter.add.f32 [tilespmem:s13], [sflag:$0x1], $0x1, s30, s12, $0xb8;
	[tilespmem:$0x4580] =	vst v63  }
0x5a: {  	s31 =	simm.s32 $0x300  }
0x5b: {  	[spmem:s2] =	stream.indirect.scatter.add.f32 [tilespmem:s13], [sflag:$0x1], $0x1, s31, s12, $0xb8;
	[tilespmem:$0x4580] =	vst v63  }
0x5c: {  	_ = 	snop  }
0x5d: {  	[spmem:s2] =	stream.indirect.scatter.add.f32 [tilespmem:s13], [sflag:$0x1], $0x1, s17, s12, $0xb8;
	[tilespmem:$0x4580] =	vst v63  }
0x5e: {  	_ =	swait.ge [sflag:s14], $0x80  }
0x5f: {  	[sflag:s14] =	ssyncset.done $0x0  }
0x60: {  	[sflag:s14] =	ssyncadd.s32 $0xFFFFFF80  }
0x61: {  	_ =	swait.ge [sflag:s14], $0x80  }
0x62: {  	[sflag:s14] =	ssyncset.done $0x0  }
0x63: {  	[sflag:s14] =	ssyncadd.s32 $0xFFFFFF80  }
0x64: {  	_ =	swait.ge [sflag:s14], $0x80  }
0x65: {  	[sflag:s14] =	ssyncset.done $0x0  }
0x66: {  	[sflag:s14] =	ssyncadd.s32 $0xFFFFFF80  }
0x67: {  	_ =	swait.ge [sflag:s14], $0x80  }
0x68: {  	[sflag:s14] =	ssyncset.done $0x0  }
0x69: {  	[sflag:s14] =	ssyncadd.s32 $0xFFFFFF80  }
0x6a: {  	_ =	swait.ge [sflag:s14], $0x80  }
0x6b: {  	[sflag:s14] =	ssyncset.done $0x0  }
0x6c: {  	[sflag:s14] =	ssyncadd.s32 $0xFFFFFF80  }
0x6d: {  	_ =	swait.ge [sflag:s14], $0x80  }
0x6e: {  	[sflag:s14] =	ssyncset.done $0x0  }
0x6f: {  	p2 =	sne.s32 s18, $0x1;
	[sflag:s14] =	ssyncadd.s32 $0xFFFFFF80  }
.Ltmp1:
0x70: {  	_ =	swait.ge [sflag:s14], $0x80;
	(pc) =	sbr.rel @!p2 .LBB2_4-.Ltmp1, $4  }
0x71: {  	[sflag:s14] =	ssyncset.done $0x0  }
0x72: {  	[sflag:s14] =	ssyncadd.s32 $0xFFFFFF80  }
0x73: {  	s18 =	sadd.s32 $0xFFFFFFFF, s18;
	_ =	swait.ge [sflag:s14], $0x80  }
0x74: {  	p1 =	por $0x1, $0x1;
	s17 =	simm.s32 $0x780;
	[sflag:s14] =	ssyncset.done $0x0  }
.LBB2_3:
0x75: {  	p2 =	sne.s32 s18, $0x1;
	s19 =	sadd.s32 $0xFFFFFC80, s17;
	[sflag:s14] =	ssyncadd.s32 $0xFFFFFF80  }
0x76: {  	[spmem:s2] =	stream.indirect.scatter.add.f32 [tilespmem:s13], [sflag:$0x1], $0x1, s19, s12, $0xb8;
	[tilespmem:$0x4580] =	vst v63  }
0x77: {  	s18 =	sadd.s32 $0xFFFFFFFF, s18;
	s19 =	sadd.s32 $0xFFFFFD00, s17  }
0x78: {  	[spmem:s2] =	stream.indirect.scatter.add.f32 [tilespmem:s13], [sflag:$0x1], $0x1, s19, s12, $0xb8;
	[tilespmem:$0x4580] =	vst v63  }
0x79: {  	s19 =	sadd.s32 $0xFFFFFD80, s17  }
0x7a: {  	[spmem:s2] =	stream.indirect.scatter.add.f32 [tilespmem:s13], [sflag:$0x1], $0x1, s19, s12, $0xb8;
	[tilespmem:$0x4580] =	vst v63  }
0x7b: {  	s19 =	sadd.s32 $0xFFFFFE00, s17  }
0x7c: {  	[spmem:s2] =	stream.indirect.scatter.add.f32 [tilespmem:s13], [sflag:$0x1], $0x1, s19, s12, $0xb8;
	[tilespmem:$0x4580] =	vst v63  }
0x7d: {  	s19 =	sadd.s32 $0xFFFFFE80, s17  }
0x7e: {  	[spmem:s2] =	stream.indirect.scatter.add.f32 [tilespmem:s13], [sflag:$0x1], $0x1, s19, s12, $0xb8;
	[tilespmem:$0x4580] =	vst v63  }
0x7f: {  	s19 =	sadd.s32 $0xFFFFFF00, s17  }
0x80: {  	[spmem:s2] =	stream.indirect.scatter.add.f32 [tilespmem:s13], [sflag:$0x1], $0x1, s19, s12, $0xb8;
	[tilespmem:$0x4580] =	vst v63  }
0x81: {  	s19 =	sadd.s32 $0xFFFFFF80, s17  }
0x82: {  	[spmem:s2] =	stream.indirect.scatter.add.f32 [tilespmem:s13], [sflag:$0x1], $0x1, s19, s12, $0xb8;
	[tilespmem:$0x4580] =	vst v63  }
0x83: {  	_ = 	snop  }
0x84: {  	[spmem:s2] =	stream.indirect.scatter.add.f32 [tilespmem:s13], [sflag:$0x1], $0x1, s17, s12, $0xb8;
	[tilespmem:$0x4580] =	vst v63  }
0x85: {  	_ =	swait.ge [sflag:s14], $0x80  }
0x86: {  	[sflag:s14] =	ssyncset.done $0x0  }
0x87: {  	[sflag:s14] =	ssyncadd.s32 $0xFFFFFF80  }
0x88: {  	_ =	swait.ge [sflag:s14], $0x80  }
0x89: {  	[sflag:s14] =	ssyncset.done $0x0  }
0x8a: {  	[sflag:s14] =	ssyncadd.s32 $0xFFFFFF80  }
0x8b: {  	_ =	swait.ge [sflag:s14], $0x80  }
0x8c: {  	[sflag:s14] =	ssyncset.done $0x0  }
0x8d: {  	[sflag:s14] =	ssyncadd.s32 $0xFFFFFF80  }
0x8e: {  	_ =	swait.ge [sflag:s14], $0x80  }
0x8f: {  	[sflag:s14] =	ssyncset.done $0x0  }
0x90: {  	[sflag:s14] =	ssyncadd.s32 $0xFFFFFF80  }
0x91: {  	_ =	swait.ge [sflag:s14], $0x80  }
0x92: {  	[sflag:s14] =	ssyncset.done $0x0  }
0x93: {  	[sflag:s14] =	ssyncadd.s32 $0xFFFFFF80  }
0x94: {  	_ =	swait.ge [sflag:s14], $0x80  }
0x95: {  	[sflag:s14] =	ssyncset.done $0x0  }
0x96: {  	[sflag:s14] =	ssyncadd.s32 $0xFFFFFF80  }
.Ltmp2:
0x97: {  	_ =	swait.ge [sflag:s14], $0x80;
	(pc) =	sbr.rel @p2 .LBB2_3-.Ltmp2, $4  }
0x98: {  	[sflag:s14] =	ssyncset.done $0x0  }
0x99: {  	[sflag:s14] =	ssyncadd.s32 $0xFFFFFF80  }
0x9a: {  	_ =	swait.ge [sflag:s14], $0x80  }
0x9b: {  	s17 =	sadd.s32 $0x400, s17;
	[sflag:s14] =	ssyncset.done $0x0  }
.LBB2_4:
0x9c: {  	s18 =	sadd.s32 $0xFFFFFC80, s17;
	[sflag:s14] =	ssyncadd.s32 @p1 $0xFFFFFF80  }
0x9d: {  	[spmem:s2] =	stream.indirect.scatter.add.f32 [tilespmem:s13], [sflag:$0x1], $0x1, s18, s12, $0xb8;
	[tilespmem:$0x4580] =	vst v63  }
0x9e: {  	s25 =	sadd.s32 $0xFFFFFD00, s17  }
0x9f: {  	[spmem:s2] =	stream.indirect.scatter.add.f32 [tilespmem:s13], [sflag:$0x1], $0x1, s25, s12, $0xb8;
	[tilespmem:$0x4580] =	vst v63  }
0xa0: {  	s26 =	sadd.s32 $0xFFFFFD80, s17  }
0xa1: {  	[spmem:s2] =	stream.indirect.scatter.add.f32 [tilespmem:s13], [sflag:$0x1], $0x1, s26, s12, $0xb8;
	[tilespmem:$0x4580] =	vst v63  }
0xa2: {  	s28 =	sadd.s32 $0xFFFFFE00, s17  }
0xa3: {  	[spmem:s2] =	stream.indirect.scatter.add.f32 [tilespmem:s13], [sflag:$0x1], $0x1, s28, s12, $0xb8;
	[tilespmem:$0x4580] =	vst v63  }
0xa4: {  	s29 =	sadd.s32 $0xFFFFFE80, s17  }
0xa5: {  	[spmem:s2] =	stream.indirect.scatter.add.f32 [tilespmem:s13], [sflag:$0x1], $0x1, s29, s12, $0xb8;
	[tilespmem:$0x4580] =	vst v63  }
0xa6: {  	s30 =	sadd.s32 $0xFFFFFF00, s17  }
0xa7: {  	[spmem:s2] =	stream.indirect.scatter.add.f32 [tilespmem:s13], [sflag:$0x1], $0x1, s30, s12, $0xb8;
	[tilespmem:$0x4580] =	vst v63  }
0xa8: {  	s31 =	sadd.s32 $0xFFFFFF80, s17  }
0xa9: {  	[spmem:s2] =	stream.indirect.scatter.add.f32 [tilespmem:s13], [sflag:$0x1], $0x1, s31, s12, $0xb8;
	[tilespmem:$0x4580] =	vst v63  }
0xaa: {  	_ = 	snop  }
0xab: {  	[spmem:s2] =	stream.indirect.scatter.add.f32 [tilespmem:s13], [sflag:$0x1], $0x1, s17, s12, $0xb8;
	[tilespmem:$0x4580] =	vst v63  }
0xac: {  	_ =	swait.ge [sflag:s14], $0x80  }
0xad: {  	[sflag:s14] =	ssyncset.done $0x0  }
0xae: {  	[sflag:s14] =	ssyncadd.s32 $0xFFFFFF80  }
0xaf: {  	_ =	swait.ge [sflag:s14], $0x80  }
0xb0: {  	[sflag:s14] =	ssyncset.done $0x0  }
0xb1: {  	[sflag:s14] =	ssyncadd.s32 $0xFFFFFF80  }
0xb2: {  	_ =	swait.ge [sflag:s14], $0x80  }
0xb3: {  	[sflag:s14] =	ssyncset.done $0x0  }
0xb4: {  	[sflag:s14] =	ssyncadd.s32 $0xFFFFFF80  }
0xb5: {  	_ =	swait.ge [sflag:s14], $0x80  }
0xb6: {  	[sflag:s14] =	ssyncset.done $0x0  }
0xb7: {  	[sflag:s14] =	ssyncadd.s32 $0xFFFFFF80  }
0xb8: {  	_ =	swait.ge [sflag:s14], $0x80  }
0xb9: {  	[sflag:s14] =	ssyncset.done $0x0  }
0xba: {  	[sflag:s14] =	ssyncadd.s32 $0xFFFFFF80  }
0xbb: {  	_ =	swait.ge [sflag:s14], $0x80  }
0xbc: {  	[sflag:s14] =	ssyncset.done $0x0  }
0xbd: {  	[sflag:s14] =	ssyncadd.s32 $0xFFFFFF80  }
0xbe: {  	_ =	swait.ge [sflag:s14], $0x80  }
0xbf: {  	[sflag:s14] =	ssyncset.done $0x0  }
0xc0: {  	[sflag:s14] =	ssyncadd.s32 $0xFFFFFF80  }
0xc1: {  	_ =	swait.ge [sflag:s14], $0x80  }
0xc2: {  	s3 =	sadd.s32 $0x1, s3;
	[sflag:s14] =	ssyncset.done $0x0  }
0xc3: {  	p1 =	sne.s32 s3, s9;
	[sflag:s14] =	ssyncadd.s32 $0xFFFFFF80  }
.Ltmp3:
0xc4: {  	[bflag:$0x0] =	sbarrier.arrive $0xFFFF;
	(pc) =	sbr.rel @p1 .LBB2_1-.Ltmp3, $4  }
0xc5: {  	[hbm:s8], [sflag:s15] =	dma.local [spmem:s16], $0x50  }
0xc6: {  	_ =	swait.ge [sflag:s11], $0x50  }
0xc7: {  	[sflag:s11] =	ssyncset.done $0x0  }
0xc8: {  	[sflag:s11] =	ssyncadd.s32 $0xFFFFFFB0  }
0xc9: {  	_ =	sfence.sel $0x180000  }
0xca: {  	[bflag:$0x0] =	sbarrier.arrive $0xFFFF  }
0xcb: {  	p0 =	sne.s32 s0, $0x0;
	_ =	strace $0x90000047  }
0xcc: {  	s0 =	sadd.s32 @!p0 $0x100000, s1;
	[bflag:$0x2] =	sbarrier.arrive $0xFFFF  }
0xcd: {  	[sflag:s0] =	ssyncadd.tile.s32 @!p0 $0x1;
	_ =	shalt  }
.Lfunc_end2:
_tile_overlayer_lowered:
.L_overlay_start_2:
0xce: {  	(tag) =	ssettag $0x2  }
0xcf: {  	s0 =	rddreg [dreg:$0x0];
	s2 =	stileid.u32  }
0xd0: {  	s1 =	rddreg [dreg:$0x1];
	p0 =	sne.s32 s2, $0x0  }
0xd1: {  	s3 =	rddreg [dreg:$0x2];
	[bflag:$0x3] =	sbarrier.arrive $0xFFFF;
	s2 =	simm.s32 @!p0 $0x1C02  }
0xd2: {  	[timem:s3], [sflag:s2] =	dma.local @!p0 [hbm:s0], s1  }
0xd3: {  	s0 =	simm.s32 @!p0 $0x2  }
0xd4: {  	_ =	swait.ge @!p0 [sflag:s0], s1  }
0xd5: {  	s1 =	ssub.s32 @!p0 $0x0, s1;
	[sflag:s0] =	ssyncset.done @!p0 $0x0  }
0xd6: {  	[sflag:s0] =	ssyncadd.s32 @!p0 s1  }
0xd7: {  	[bflag:$0x3] =	sbarrier.arrive $0xFFFF  }
0xd8: {  	_ =	shalt  }

</sc_bundles>
